<compile_context>
chip_gen: v7x
topology: tpu7x:2x2x1
jax: 0.10.2.dev20260603
libtpu: 0.0.44.dev20260713+nightly
codegen_flags: <defaults>
</compile_context>

<pallas_src>
import functools

import jax
import jax.numpy as jnp
import numpy as np
from jax import lax
from jax.experimental import pallas as pl
from jax.experimental.pallas import tpu as pltpu
from jax.experimental.pallas import tpu_sc as plsc

N_NODES = 10000
N_PAD = 10240
N_EDGES = 320000
C = 128

NC = 2
NS = 16
NW = NC * NS
CHUNK = 96
NSTAGE = 4
NQ = 27
NCHUNK = NSTAGE * NQ
E_PAD = NW * NCHUNK * CHUNK
E_PER_W = E_PAD // NW
NBUF = 3
ROWS_PER_TILE = N_PAD // NS

_mesh = plsc.VectorSubcoreMesh(
    core_axis_name="c", subcore_axis_name="s", num_cores=NC, num_subcores=NS)
_sc_params = pltpu.CompilerParams(needs_layout_passes=False)


def _hist_body(dst_hbm, hist_out, didx, hist):
    c = lax.axis_index("c")
    s = lax.axis_index("s")
    w = s * NC + c

    def _zero(i, carry):
        hist[pl.ds(i * 16, 16)] = jnp.zeros((16,), jnp.float32)
        return carry
    lax.fori_loop(0, N_PAD // 16, _zero, 0)

    pltpu.sync_copy(dst_hbm.at[w], didx)

    ones = jnp.ones((16,), jnp.float32)

    def _acc(j, carry):
        iv = didx[pl.ds(j * 16, 16)]
        plsc.addupdate_scatter(hist, [iv], ones)
        return carry
    lax.fori_loop(0, E_PER_W // 16, _acc, 0)

    pltpu.sync_copy(hist, hist_out.at[w])


_hist_call = functools.partial(
    pl.kernel,
    out_type=jax.ShapeDtypeStruct((NW, N_PAD), jnp.float32),
    mesh=_mesh,
    scratch_types=[
        pltpu.VMEM((E_PER_W,), jnp.int32),
        pltpu.VMEM((N_PAD,), jnp.float32),
    ],
    compiler_params=_sc_params,
)(_hist_body)


def _mm_body(x_ref, hist_ref, w_ref, g_ref):
    deg = jnp.sum(hist_ref[...], axis=0) + 1.0
    s = lax.rsqrt(deg)
    xs = x_ref[...] * s[:, None]
    g_ref[...] = jnp.dot(xs, w_ref[...], preferred_element_type=jnp.float32)


_MM_R = 1024

def _mm_call(x_pad, hist, W):
    return pl.pallas_call(
        _mm_body,
        grid=(N_PAD // _MM_R,),
        in_specs=[
            pl.BlockSpec((_MM_R, C), lambda i: (i, 0)),
            pl.BlockSpec((NW, _MM_R), lambda i: (0, i)),
            pl.BlockSpec((C, C), lambda i: (0, 0)),
        ],
        out_specs=pl.BlockSpec((_MM_R, C), lambda i: (i, 0)),
        out_shape=jax.ShapeDtypeStruct((N_PAD, C), jnp.float32),
    )(x_pad, hist, W)


def _gs_body(g_hbm, src_hbm, dst_hbm, acc_out, sidx, didx, rows, acc_sh,
             sg0, sg1, sg2):
    sem_g = (sg0, sg1, sg2)
    c = lax.axis_index("c")
    s = lax.axis_index("s")
    w = s * NC + c
    t = s

    def _triple(p, carry):
        ds = [pltpu.async_copy(g_hbm.at[sidx.at[NBUF * p + u]], rows.at[u],
                               sem_g[u])
              for u in range(NBUF)]
        for u in range(NBUF):
            ds[u].wait()
            pltpu.sync_copy(rows.at[u], acc_sh.at[didx.at[NBUF * p + u]],
                            add=True)
        return carry

    pltpu.sync_copy(src_hbm.at[w, 0], sidx)
    pltpu.sync_copy(dst_hbm.at[w, 0], didx)
    pltpu.sync_copy(g_hbm.at[pl.ds(t * ROWS_PER_TILE, ROWS_PER_TILE)],
                    acc_sh.at[pl.ds(t * ROWS_PER_TILE, ROWS_PER_TILE)])
    plsc.subcore_barrier()
    lax.fori_loop(0, NQ // NBUF, _triple, 0)

    for q in range(1, NSTAGE):
        pltpu.sync_copy(src_hbm.at[w, q], sidx)
        pltpu.sync_copy(dst_hbm.at[w, q], didx)
        lax.fori_loop(0, NQ // NBUF, _triple, 0)

    plsc.subcore_barrier()
    pltpu.sync_copy(acc_sh.at[pl.ds(t * ROWS_PER_TILE, ROWS_PER_TILE)],
                    acc_out.at[c, pl.ds(t * ROWS_PER_TILE, ROWS_PER_TILE)])


_gs_call = functools.partial(
    pl.kernel,
    out_type=jax.ShapeDtypeStruct((NC, N_PAD, C), jnp.float32),
    mesh=_mesh,
    scratch_types=[
        pltpu.VMEM((NQ, CHUNK), jnp.int32),
        pltpu.VMEM((NQ, CHUNK), jnp.int32),
        pltpu.VMEM((NBUF, CHUNK, C), jnp.float32),
        pltpu.VMEM_SHARED((N_PAD, C), jnp.float32),
    ] + [pltpu.SemaphoreType.DMA] * NBUF,
    compiler_params=_sc_params,
)(_gs_body)


def _fin_body(acc_ref, g_ref, hist_ref, gb_ref, b2_ref, o_ref):
    deg = jnp.sum(hist_ref[...], axis=0) + 1.0
    s = lax.rsqrt(deg)
    tot = acc_ref[0] + acc_ref[1] - g_ref[...]
    o_ref[...] = jnp.maximum(tot * s[:, None] * gb_ref[...] + b2_ref[...], 0.0)


def _fin_call(acc, g, hist, gb, b2):
    return pl.pallas_call(
        _fin_body,
        grid=(N_PAD // _MM_R,),
        in_specs=[
            pl.BlockSpec((NC, _MM_R, C), lambda i: (0, i, 0)),
            pl.BlockSpec((_MM_R, C), lambda i: (i, 0)),
            pl.BlockSpec((NW, _MM_R), lambda i: (0, i)),
            pl.BlockSpec((1, C), lambda i: (0, 0)),
            pl.BlockSpec((1, C), lambda i: (0, 0)),
        ],
        out_specs=pl.BlockSpec((_MM_R, C), lambda i: (i, 0)),
        out_shape=jax.ShapeDtypeStruct((N_PAD, C), jnp.float32),
    )(acc, g, hist, gb, b2)


def kernel(x, edge_index, W, b, gamma, beta):
    src = edge_index[0].astype(jnp.int32)
    dst = edge_index[1].astype(jnp.int32)
    trash = N_NODES + (jnp.arange(E_PAD - N_EDGES, dtype=jnp.int32)
                       % (N_PAD - N_NODES))
    srcp = jnp.concatenate([src, trash])
    dstp = jnp.concatenate([dst, trash])
    src3 = srcp.reshape(NW, NSTAGE, NQ, CHUNK)
    dst3 = dstp.reshape(NW, NSTAGE, NQ, CHUNK)
    x_pad = jnp.pad(x, ((0, N_PAD - N_NODES), (0, 0)))

    hist = _hist_call(dstp.reshape(NW, E_PER_W))
    g = _mm_call(x_pad, hist, W)
    acc = _gs_call(g, src3, dst3)

    gb = (gamma / np.sqrt(1.0 + 1e-5)).reshape(1, C)
    b2 = (b * gb[0] + beta).reshape(1, C)
    out = _fin_call(acc, g, hist, gb, b2)
    return out[:N_NODES]

# --- scband reference (transcript-rebuilt; emitter-appended) ---
"""Pipeline reference for scband-gcnlayer-30124900614168 (READ-ONLY COPY).

The authoritative reference and input builder live on the scoring server;
editing this copy changes nothing except your own understanding.
"""

import jax, jax.numpy as jnp
import numpy as np

IN_CH = 128
OUT_CH = 128
N_NODES = 10000
N_EDGES = 320000

def setup_inputs(seed: int = 0) -> dict:
    key = jax.random.key(seed)
    k1, k2, k3, k4 = jax.random.split(key, 4)
    x = jax.random.normal(k1, (N_NODES, IN_CH), dtype=jnp.float32)
    edge_index = jax.random.randint(k2, (2, N_EDGES), 0, N_NODES, dtype=jnp.int64)
    # GCNConv parameters (glorot weight, zero bias as in PyG defaults)
    limit = np.sqrt(6.0 / (IN_CH + OUT_CH))
    W = jax.random.uniform(k3, (IN_CH, OUT_CH), minval=-limit, maxval=limit, dtype=jnp.float32)
    b = jnp.zeros((OUT_CH,), dtype=jnp.float32)
    # BatchNorm1d affine parameters (eval mode: running_mean=0, running_var=1)
    gamma = jnp.ones((OUT_CH,), dtype=jnp.float32)
    beta = jnp.zeros((OUT_CH,), dtype=jnp.float32)
    return {"x": x, "edge_index": edge_index, "W": W, "b": b, "gamma": gamma, "beta": beta}

def reference(x, edge_index, W, b, gamma, beta):
    N = x.shape[0]
    src = edge_index[0]
    dst = edge_index[1]
    # add self loops (fill value 1.0)
    loop = jnp.arange(N, dtype=edge_index.dtype)
    src2 = jnp.concatenate([src, loop])
    dst2 = jnp.concatenate([dst, loop])
    ew = jnp.ones(src2.shape[0], dtype=x.dtype)
    # symmetric normalization (gcn_norm)
    deg = jnp.zeros((N,), dtype=x.dtype).at[dst2].add(ew)
    deg_inv_sqrt = jnp.where(deg > 0, 1.0 / jnp.sqrt(deg), 0.0)
    norm = deg_inv_sqrt[src2] * ew * deg_inv_sqrt[dst2]
    # linear transform then propagate (source_to_target)
    h = x @ W
    msg = h[src2] * norm[:, None]
    out = jnp.zeros((N, h.shape[1]), dtype=x.dtype).at[dst2].add(msg)
    out = out + b
    # BatchNorm1d in eval mode: running_mean=0, running_var=1
    eps = 1e-5
    out = (out - 0.0) / jnp.sqrt(1.0 + eps) * gamma + beta
    # Dropout in eval mode = identity; ReLU
    out = jnp.maximum(out, 0.0)
    return out

if __name__ == "__main__":
    import jax
    _d = setup_inputs()
    print(jax.jit(kernel)(*tuple(_d.values())))

</pallas_src>

<mosaic_0001>
#map = affine_map<(d0, d1) -> (0, 0)>
module attributes {stable_mosaic.version = 14 : i64} {
  func.func @_hist_body(%arg0: i32, %arg1: i32, %arg2: memref<32x10368xi32, #tpu.memory_space<hbm>>, %arg3: memref<32x10240xf32, #tpu.memory_space<hbm>>, %arg4: memref<10368xi32, #tpu.memory_space<vmem>>, %arg5: memref<10240xf32, #tpu.memory_space<vmem>>) attributes {dimension_semantics = [#tpu.dimension_semantics<core_parallel>, #tpu.dimension_semantics<subcore_parallel>], iteration_bounds = array<i64: 2, 16>, scalar_prefetch = 0 : i64, scratch_operands = 2 : i64, tpu.core_type = #tpu.core_type<sc_vector_subcore>, window_params = [{transform_indices = #map}, {transform_indices = #map}]} {
    %mul3A = arith.constant 2 : i32
    %mul3A_0 = arith.muli %arg1, %mul3A : i32
    %add3A = arith.addi %mul3A_0, %arg0 : i32
    %scan3A = arith.constant 0 : i32
    %scan3A_1 = arith.constant 0 : i32
    %scan3A_2 = arith.constant 640 : i32
    %scan3A_3 = arith.addi %scan3A_1, %scan3A_2 : i32
    %scan3A_4 = arith.constant 1 : i32
    scf.for %scan3A_13 = %scan3A_1 to %scan3A_3 step %scan3A_4  : i32 {
      %broadcast_in_dim3A_14 = arith.constant 0.000000e+00 : f32
      %broadcast_in_dim3A_15 = vector.broadcast %broadcast_in_dim3A_14 : f32 to vector<16xf32>
      %mul3A_16 = arith.constant 16 : i32
      %mul3A_17 = arith.muli %scan3A_13, %mul3A_16 : i32
      %swap3A = arith.index_cast %mul3A_17 : i32 to index
      %swap3A_18 = tpu.vector_load %arg5[%swap3A] {strides = array<i32>} : memref<10240xf32, #tpu.memory_space<vmem>>, vector<16xf32>,
      tpu.vector_store %arg5[%swap3A], %broadcast_in_dim3A_15 {strides = array<i32>} : memref<10240xf32, #tpu.memory_space<vmem>>, vector<16xf32>,
    }
    %scan3A_5 = arith.constant 640 : i32
    "tpu.region"() ({
      %run_scoped3A = tpu.sem_alloc : memref<!tpu.dma_semaphore, #tpu.memory_space<semaphore_mem>>
      %dma_start3A = arith.constant 0 : i32
      %dma_start3A_13 = tpu.memref_slice %arg2[%add3A, %dma_start3A] : memref<32x10368xi32, #tpu.memory_space<hbm>> -> memref<1x10368xi32, #tpu.memory_space<hbm>>
      %dma_start3A_14 = tpu.memref_squeeze %dma_start3A_13 : memref<1x10368xi32, #tpu.memory_space<hbm>> -> memref<10368xi32, #tpu.memory_space<hbm>>
      %dma_start3A_15 = arith.constant 0 : i32
      %dma_start3A_16 = tpu.memref_slice %arg2[%add3A, %dma_start3A_15] : memref<32x10368xi32, #tpu.memory_space<hbm>> -> memref<1x10368xi32, #tpu.memory_space<hbm>>
      %dma_start3A_17 = tpu.memref_squeeze %dma_start3A_16 : memref<1x10368xi32, #tpu.memory_space<hbm>> -> memref<10368xi32, #tpu.memory_space<hbm>>
      tpu.enqueue_dma source(%dma_start3A_17 : memref<10368xi32, #tpu.memory_space<hbm>>) target(%arg4 : memref<10368xi32, #tpu.memory_space<vmem>>) target_semaphore(%run_scoped3A : memref<!tpu.dma_semaphore, #tpu.memory_space<semaphore_mem>>)
      %dma_wait3A = arith.constant 0 : i32
      %dma_wait3A_18 = tpu.memref_slice %arg2[%add3A, %dma_wait3A] : memref<32x10368xi32, #tpu.memory_space<hbm>> -> memref<1x10368xi32, #tpu.memory_space<hbm>>
      %dma_wait3A_19 = tpu.memref_squeeze %dma_wait3A_18 : memref<1x10368xi32, #tpu.memory_space<hbm>> -> memref<10368xi32, #tpu.memory_space<hbm>>
      %dma_wait3A_20 = arith.constant 0 : i32
      %dma_wait3A_21 = tpu.memref_slice %arg2[%add3A, %dma_wait3A_20] : memref<32x10368xi32, #tpu.memory_space<hbm>> -> memref<1x10368xi32, #tpu.memory_space<hbm>>
      %dma_wait3A_22 = tpu.memref_squeeze %dma_wait3A_21 : memref<1x10368xi32, #tpu.memory_space<hbm>> -> memref<10368xi32, #tpu.memory_space<hbm>>
      tpu.wait_dma2 semaphore(%run_scoped3A : memref<!tpu.dma_semaphore, #tpu.memory_space<semaphore_mem>>) src(%dma_wait3A_22 : memref<10368xi32, #tpu.memory_space<hbm>>) dst(%arg4 : memref<10368xi32, #tpu.memory_space<vmem>>)
      tpu.yield
    }) : () -> ()
    %broadcast_in_dim3A = arith.constant 1.000000e+00 : f32
    %broadcast_in_dim3A_6 = vector.broadcast %broadcast_in_dim3A : f32 to vector<16xf32>
    %scan3A_7 = arith.constant 0 : i32
    %scan3A_8 = arith.constant 0 : i32
    %scan3A_9 = arith.constant 648 : i32
    %scan3A_10 = arith.addi %scan3A_8, %scan3A_9 : i32
    %scan3A_11 = arith.constant 1 : i32
    scf.for %scan3A_13 = %scan3A_8 to %scan3A_10 step %scan3A_11  : i32 {
      %mul3A_14 = arith.constant 16 : i32
      %mul3A_15 = arith.muli %scan3A_13, %mul3A_14 : i32
      %get3A = arith.index_cast %mul3A_15 : i32 to index
      %get3A_16 = tpu.vector_load %arg4[%get3A] {strides = array<i32>} : memref<10368xi32, #tpu.memory_space<vmem>>, vector<16xi32>,
      tpu.vector_store_idx %arg5[%get3A_16], %broadcast_in_dim3A_6 {add = true} : memref<10240xf32, #tpu.memory_space<vmem>>[vector<16xi32>], vector<16xf32>,
    }
    %scan3A_12 = arith.constant 648 : i32
    "tpu.region"() ({
      %run_scoped3A = tpu.sem_alloc : memref<!tpu.dma_semaphore, #tpu.memory_space<semaphore_mem>>
      %dma_start3A = arith.constant 0 : i32
      %dma_start3A_13 = tpu.memref_slice %arg3[%add3A, %dma_start3A] : memref<32x10240xf32, #tpu.memory_space<hbm>> -> memref<1x10240xf32, #tpu.memory_space<hbm>>
      %dma_start3A_14 = tpu.memref_squeeze %dma_start3A_13 : memref<1x10240xf32, #tpu.memory_space<hbm>> -> memref<10240xf32, #tpu.memory_space<hbm>>
      %dma_start3A_15 = arith.constant 0 : i32
      %dma_start3A_16 = tpu.memref_slice %arg3[%add3A, %dma_start3A_15] : memref<32x10240xf32, #tpu.memory_space<hbm>> -> memref<1x10240xf32, #tpu.memory_space<hbm>>
      %dma_start3A_17 = tpu.memref_squeeze %dma_start3A_16 : memref<1x10240xf32, #tpu.memory_space<hbm>> -> memref<10240xf32, #tpu.memory_space<hbm>>
      tpu.enqueue_dma source(%arg5 : memref<10240xf32, #tpu.memory_space<vmem>>) target(%dma_start3A_17 : memref<10240xf32, #tpu.memory_space<hbm>>) target_semaphore(%run_scoped3A : memref<!tpu.dma_semaphore, #tpu.memory_space<semaphore_mem>>)
      %dma_wait3A = arith.constant 0 : i32
      %dma_wait3A_18 = tpu.memref_slice %arg3[%add3A, %dma_wait3A] : memref<32x10240xf32, #tpu.memory_space<hbm>> -> memref<1x10240xf32, #tpu.memory_space<hbm>>
      %dma_wait3A_19 = tpu.memref_squeeze %dma_wait3A_18 : memref<1x10240xf32, #tpu.memory_space<hbm>> -> memref<10240xf32, #tpu.memory_space<hbm>>
      %dma_wait3A_20 = arith.constant 0 : i32
      %dma_wait3A_21 = tpu.memref_slice %arg3[%add3A, %dma_wait3A_20] : memref<32x10240xf32, #tpu.memory_space<hbm>> -> memref<1x10240xf32, #tpu.memory_space<hbm>>
      %dma_wait3A_22 = tpu.memref_squeeze %dma_wait3A_21 : memref<1x10240xf32, #tpu.memory_space<hbm>> -> memref<10240xf32, #tpu.memory_space<hbm>>
      tpu.wait_dma2 semaphore(%run_scoped3A : memref<!tpu.dma_semaphore, #tpu.memory_space<semaphore_mem>>) src(%arg5 : memref<10240xf32, #tpu.memory_space<vmem>>) dst(%dma_wait3A_22 : memref<10240xf32, #tpu.memory_space<hbm>>)
      tpu.yield
    }) : () -> ()
    return
  }
}

#map = affine_map<(d0, d1) -> (0, 0)>
#map1 = affine_map<(d0, d1) -> (0, 0, 0, 0)>
#map2 = affine_map<(d0, d1) -> (0, 0, 0)>
module attributes {stable_mosaic.version = 14 : i64} {
  func.func @_gs_body(%arg0: i32, %arg1: i32, %arg2: memref<10240x128xf32, #tpu.memory_space<hbm>>, %arg3: memref<32x4x27x96xi32, #tpu.memory_space<hbm>>, %arg4: memref<32x4x27x96xi32, #tpu.memory_space<hbm>>, %arg5: memref<2x10240x128xf32, #tpu.memory_space<hbm>>, %arg6: memref<27x96xi32, #tpu.memory_space<vmem>>, %arg7: memref<27x96xi32, #tpu.memory_space<vmem>>, %arg8: memref<3x96x128xf32, #tpu.memory_space<vmem>>, %arg9: memref<10240x128xf32, #tpu.memory_space<vmem_shared>>, %arg10: memref<!tpu.dma_semaphore, #tpu.memory_space<semaphore_mem>>, %arg11: memref<!tpu.dma_semaphore, #tpu.memory_space<semaphore_mem>>, %arg12: memref<!tpu.dma_semaphore, #tpu.memory_space<semaphore_mem>>) attributes {dimension_semantics = [#tpu.dimension_semantics<core_parallel>, #tpu.dimension_semantics<subcore_parallel>], iteration_bounds = array<i64: 2, 16>, scalar_prefetch = 0 : i64, scratch_operands = 7 : i64, tpu.core_type = #tpu.core_type<sc_vector_subcore>, window_params = [{transform_indices = #map}, {transform_indices = #map1}, {transform_indices = #map1}, {transform_indices = #map2}]} {
    %mul3A = arith.constant 2 : i32
    %mul3A_0 = arith.muli %arg1, %mul3A : i32
    %add3A = arith.addi %mul3A_0, %arg0 : i32
    %run_scoped3A = arith.constant 0 : i32
    "tpu.region"() ({
      %run_scoped3A_40 = tpu.sem_alloc : memref<!tpu.dma_semaphore, #tpu.memory_space<semaphore_mem>>
      %dma_start3A = arith.constant 0 : i32
      %dma_start3A_41 = arith.constant 0 : i32
      %dma_start3A_42 = tpu.memref_slice %arg3[%add3A, %run_scoped3A, %dma_start3A, %dma_start3A_41] : memref<32x4x27x96xi32, #tpu.memory_space<hbm>> -> memref<1x1x27x96xi32, #tpu.memory_space<hbm>>
      %dma_start3A_43 = tpu.memref_squeeze %dma_start3A_42 : memref<1x1x27x96xi32, #tpu.memory_space<hbm>> -> memref<27x96xi32, #tpu.memory_space<hbm>>
      %dma_start3A_44 = arith.constant 0 : i32
      %dma_start3A_45 = arith.constant 0 : i32
      %dma_start3A_46 = tpu.memref_slice %arg3[%add3A, %run_scoped3A, %dma_start3A_44, %dma_start3A_45] : memref<32x4x27x96xi32, #tpu.memory_space<hbm>> -> memref<1x1x27x96xi32, #tpu.memory_space<hbm>>
      %dma_start3A_47 = tpu.memref_squeeze %dma_start3A_46 : memref<1x1x27x96xi32, #tpu.memory_space<hbm>> -> memref<27x96xi32, #tpu.memory_space<hbm>>
      tpu.enqueue_dma source(%dma_start3A_47 : memref<27x96xi32, #tpu.memory_space<hbm>>) target(%arg6 : memref<27x96xi32, #tpu.memory_space<vmem>>) target_semaphore(%run_scoped3A_40 : memref<!tpu.dma_semaphore, #tpu.memory_space<semaphore_mem>>)
      %dma_wait3A = arith.constant 0 : i32
      %dma_wait3A_48 = arith.constant 0 : i32
      %dma_wait3A_49 = tpu.memref_slice %arg3[%add3A, %run_scoped3A, %dma_wait3A, %dma_wait3A_48] : memref<32x4x27x96xi32, #tpu.memory_space<hbm>> -> memref<1x1x27x96xi32, #tpu.memory_space<hbm>>
      %dma_wait3A_50 = tpu.memref_squeeze %dma_wait3A_49 : memref<1x1x27x96xi32, #tpu.memory_space<hbm>> -> memref<27x96xi32, #tpu.memory_space<hbm>>
      %dma_wait3A_51 = arith.constant 0 : i32
      %dma_wait3A_52 = arith.constant 0 : i32
      %dma_wait3A_53 = tpu.memref_slice %arg3[%add3A, %run_scoped3A, %dma_wait3A_51, %dma_wait3A_52] : memref<32x4x27x96xi32, #tpu.memory_space<hbm>> -> memref<1x1x27x96xi32, #tpu.memory_space<hbm>>
      %dma_wait3A_54 = tpu.memref_squeeze %dma_wait3A_53 : memref<1x1x27x96xi32, #tpu.memory_space<hbm>> -> memref<27x96xi32, #tpu.memory_space<hbm>>
      tpu.wait_dma2 semaphore(%run_scoped3A_40 : memref<!tpu.dma_semaphore, #tpu.memory_space<semaphore_mem>>) src(%dma_wait3A_54 : memref<27x96xi32, #tpu.memory_space<hbm>>) dst(%arg6 : memref<27x96xi32, #tpu.memory_space<vmem>>)
      tpu.yield
    }) : () -> ()
    %run_scoped3A_1 = arith.constant 0 : i32
    "tpu.region"() ({
      %run_scoped3A_40 = tpu.sem_alloc : memref<!tpu.dma_semaphore, #tpu.memory_space<semaphore_mem>>
      %dma_start3A = arith.constant 0 : i32
      %dma_start3A_41 = arith.constant 0 : i32
      %dma_start3A_42 = tpu.memref_slice %arg4[%add3A, %run_scoped3A_1, %dma_start3A, %dma_start3A_41] : memref<32x4x27x96xi32, #tpu.memory_space<hbm>> -> memref<1x1x27x96xi32, #tpu.memory_space<hbm>>
      %dma_start3A_43 = tpu.memref_squeeze %dma_start3A_42 : memref<1x1x27x96xi32, #tpu.memory_space<hbm>> -> memref<27x96xi32, #tpu.memory_space<hbm>>
      %dma_start3A_44 = arith.constant 0 : i32
      %dma_start3A_45 = arith.constant 0 : i32
      %dma_start3A_46 = tpu.memref_slice %arg4[%add3A, %run_scoped3A_1, %dma_start3A_44, %dma_start3A_45] : memref<32x4x27x96xi32, #tpu.memory_space<hbm>> -> memref<1x1x27x96xi32, #tpu.memory_space<hbm>>
      %dma_start3A_47 = tpu.memref_squeeze %dma_start3A_46 : memref<1x1x27x96xi32, #tpu.memory_space<hbm>> -> memref<27x96xi32, #tpu.memory_space<hbm>>
      tpu.enqueue_dma source(%dma_start3A_47 : memref<27x96xi32, #tpu.memory_space<hbm>>) target(%arg7 : memref<27x96xi32, #tpu.memory_space<vmem>>) target_semaphore(%run_scoped3A_40 : memref<!tpu.dma_semaphore, #tpu.memory_space<semaphore_mem>>)
      %dma_wait3A = arith.constant 0 : i32
      %dma_wait3A_48 = arith.constant 0 : i32
      %dma_wait3A_49 = tpu.memref_slice %arg4[%add3A, %run_scoped3A_1, %dma_wait3A, %dma_wait3A_48] : memref<32x4x27x96xi32, #tpu.memory_space<hbm>> -> memref<1x1x27x96xi32, #tpu.memory_space<hbm>>
      %dma_wait3A_50 = tpu.memref_squeeze %dma_wait3A_49 : memref<1x1x27x96xi32, #tpu.memory_space<hbm>> -> memref<27x96xi32, #tpu.memory_space<hbm>>
      %dma_wait3A_51 = arith.constant 0 : i32
      %dma_wait3A_52 = arith.constant 0 : i32
      %dma_wait3A_53 = tpu.memref_slice %arg4[%add3A, %run_scoped3A_1, %dma_wait3A_51, %dma_wait3A_52] : memref<32x4x27x96xi32, #tpu.memory_space<hbm>> -> memref<1x1x27x96xi32, #tpu.memory_space<hbm>>
      %dma_wait3A_54 = tpu.memref_squeeze %dma_wait3A_53 : memref<1x1x27x96xi32, #tpu.memory_space<hbm>> -> memref<27x96xi32, #tpu.memory_space<hbm>>
      tpu.wait_dma2 semaphore(%run_scoped3A_40 : memref<!tpu.dma_semaphore, #tpu.memory_space<semaphore_mem>>) src(%dma_wait3A_54 : memref<27x96xi32, #tpu.memory_space<hbm>>) dst(%arg7 : memref<27x96xi32, #tpu.memory_space<vmem>>)
      tpu.yield
    }) : () -> ()
    %mul3A_2 = arith.constant 640 : i32
    %mul3A_3 = arith.muli %arg1, %mul3A_2 : i32
    %mul3A_4 = arith.constant 640 : i32
    %mul3A_5 = arith.muli %arg1, %mul3A_4 : i32
    "tpu.region"() ({
      %run_scoped3A_40 = tpu.sem_alloc : memref<!tpu.dma_semaphore, #tpu.memory_space<semaphore_mem>>
      %dma_start3A = arith.constant 0 : i32
      %dma_start3A_41 = tpu.memref_slice %arg9[%mul3A_5, %dma_start3A] : memref<10240x128xf32, #tpu.memory_space<vmem_shared>> -> memref<640x128xf32, #tpu.memory_space<vmem_shared>>
      %dma_start3A_42 = arith.constant 0 : i32
      %dma_start3A_43 = tpu.memref_slice %arg2[%mul3A_3, %dma_start3A_42] : memref<10240x128xf32, #tpu.memory_space<hbm>> -> memref<640x128xf32, #tpu.memory_space<hbm>>
      tpu.enqueue_dma source(%dma_start3A_43 : memref<640x128xf32, #tpu.memory_space<hbm>>) target(%dma_start3A_41 : memref<640x128xf32, #tpu.memory_space<vmem_shared>>) target_semaphore(%run_scoped3A_40 : memref<!tpu.dma_semaphore, #tpu.memory_space<semaphore_mem>>)
      %dma_wait3A = arith.constant 0 : i32
      %dma_wait3A_44 = tpu.memref_slice %arg9[%mul3A_5, %dma_wait3A] : memref<10240x128xf32, #tpu.memory_space<vmem_shared>> -> memref<640x128xf32, #tpu.memory_space<vmem_shared>>
      %dma_wait3A_45 = arith.constant 0 : i32
      %dma_wait3A_46 = tpu.memref_slice %arg2[%mul3A_3, %dma_wait3A_45] : memref<10240x128xf32, #tpu.memory_space<hbm>> -> memref<640x128xf32, #tpu.memory_space<hbm>>
      tpu.wait_dma2 semaphore(%run_scoped3A_40 : memref<!tpu.dma_semaphore, #tpu.memory_space<semaphore_mem>>) src(%dma_wait3A_46 : memref<640x128xf32, #tpu.memory_space<hbm>>) dst(%dma_wait3A_44 : memref<640x128xf32, #tpu.memory_space<vmem_shared>>)
      tpu.yield
    }) : () -> ()
    %barrier3A = arith.constant 0 : index
    tpu.barrier barrier_id(%barrier3A)
    %scan3A = arith.constant 0 : i32
    %scan3A_6 = arith.constant 0 : i32
    %scan3A_7 = arith.constant 9 : i32
    %scan3A_8 = arith.addi %scan3A_6, %scan3A_7 : i32
    %scan3A_9 = arith.constant 1 : i32
    scf.for %scan3A_40 = %scan3A_6 to %scan3A_8 step %scan3A_9  : i32 {
      %mul3A_41 = arith.constant 3 : i32
      %mul3A_42 = arith.muli %mul3A_41, %scan3A_40 : i32
      %add3A_43 = arith.constant 0 : i32
      %add3A_44 = arith.addi %mul3A_42, %add3A_43 : i32
      %dma_start3A = arith.constant 0 : i32
      %dma_start3A_45 = arith.constant 0 : i32
      %dma_start3A_46 = arith.constant 0 : i32
      %dma_start3A_47 = tpu.memref_slice %arg8[%dma_start3A, %dma_start3A_45, %dma_start3A_46] : memref<3x96x128xf32, #tpu.memory_space<vmem>> -> memref<1x96x128xf32, #tpu.memory_space<vmem>>
      %dma_start3A_48 = tpu.memref_squeeze %dma_start3A_47 : memref<1x96x128xf32, #tpu.memory_space<vmem>> -> memref<96x128xf32, #tpu.memory_space<vmem>>
      %dma_start3A_49 = arith.constant 0 : i32
      %dma_start3A_50 = tpu.memref_slice %arg6[%add3A_44, %dma_start3A_49] : memref<27x96xi32, #tpu.memory_space<vmem>> -> memref<1x96xi32, #tpu.memory_space<vmem>>
      %dma_start3A_51 = tpu.memref_squeeze %dma_start3A_50 : memref<1x96xi32, #tpu.memory_space<vmem>> -> memref<96xi32, #tpu.memory_space<vmem>>
      %dma_start3A_52 = arith.constant 0 : i32
      %dma_start3A_53 = arith.constant 0 : i32
      %dma_start3A_54 = tpu.memref_slice %arg2[%dma_start3A_52, %dma_start3A_53] : memref<10240x128xf32, #tpu.memory_space<hbm>> -> memref<10240x128xf32, #tpu.memory_space<hbm>>
      tpu.enqueue_indirect_dma source(%dma_start3A_54 : memref<10240x128xf32, #tpu.memory_space<hbm>>) target(%dma_start3A_48 : memref<96x128xf32, #tpu.memory_space<vmem>>) offsets(%dma_start3A_51 : memref<96xi32, #tpu.memory_space<vmem>>) semaphore(%arg10 : memref<!tpu.dma_semaphore, #tpu.memory_space<semaphore_mem>>)
      %mul3A_55 = arith.constant 3 : i32
      %mul3A_56 = arith.muli %mul3A_55, %scan3A_40 : i32
      %add3A_57 = arith.constant 1 : i32
      %add3A_58 = arith.addi %mul3A_56, %add3A_57 : i32
      %dma_start3A_59 = arith.constant 1 : i32
      %dma_start3A_60 = arith.constant 0 : i32
      %dma_start3A_61 = arith.constant 0 : i32
      %dma_start3A_62 = tpu.memref_slice %arg8[%dma_start3A_59, %dma_start3A_60, %dma_start3A_61] : memref<3x96x128xf32, #tpu.memory_space<vmem>> -> memref<1x96x128xf32, #tpu.memory_space<vmem>>
      %dma_start3A_63 = tpu.memref_squeeze %dma_start3A_62 : memref<1x96x128xf32, #tpu.memory_space<vmem>> -> memref<96x128xf32, #tpu.memory_space<vmem>>
      %dma_start3A_64 = arith.constant 0 : i32
      %dma_start3A_65 = tpu.memref_slice %arg6[%add3A_58, %dma_start3A_64] : memref<27x96xi32, #tpu.memory_space<vmem>> -> memref<1x96xi32, #tpu.memory_space<vmem>>
      %dma_start3A_66 = tpu.memref_squeeze %dma_start3A_65 : memref<1x96xi32, #tpu.memory_space<vmem>> -> memref<96xi32, #tpu.memory_space<vmem>>
      %dma_start3A_67 = arith.constant 0 : i32
      %dma_start3A_68 = arith.constant 0 : i32
      %dma_start3A_69 = tpu.memref_slice %arg2[%dma_start3A_67, %dma_start3A_68] : memref<10240x128xf32, #tpu.memory_space<hbm>> -> memref<10240x128xf32, #tpu.memory_space<hbm>>
      tpu.enqueue_indirect_dma source(%dma_start3A_69 : memref<10240x128xf32, #tpu.memory_space<hbm>>) target(%dma_start3A_63 : memref<96x128xf32, #tpu.memory_space<vmem>>) offsets(%dma_start3A_66 : memref<96xi32, #tpu.memory_space<vmem>>) semaphore(%arg11 : memref<!tpu.dma_semaphore, #tpu.memory_space<semaphore_mem>>)
      %mul3A_70 = arith.constant 3 : i32
      %mul3A_71 = arith.muli %mul3A_70, %scan3A_40 : i32
      %add3A_72 = arith.constant 2 : i32
      %add3A_73 = arith.addi %mul3A_71, %add3A_72 : i32
      %dma_start3A_74 = arith.constant 2 : i32
      %dma_start3A_75 = arith.constant 0 : i32
      %dma_start3A_76 = arith.constant 0 : i32
      %dma_start3A_77 = tpu.memref_slice %arg8[%dma_start3A_74, %dma_start3A_75, %dma_start3A_76] : memref<3x96x128xf32, #tpu.memory_space<vmem>> -> memref<1x96x128xf32, #tpu.memory_space<vmem>>
      %dma_start3A_78 = tpu.memref_squeeze %dma_start3A_77 : memref<1x96x128xf32, #tpu.memory_space<vmem>> -> memref<96x128xf32, #tpu.memory_space<vmem>>
      %dma_start3A_79 = arith.constant 0 : i32
      %dma_start3A_80 = tpu.memref_slice %arg6[%add3A_73, %dma_start3A_79] : memref<27x96xi32, #tpu.memory_space<vmem>> -> memref<1x96xi32, #tpu.memory_space<vmem>>
      %dma_start3A_81 = tpu.memref_squeeze %dma_start3A_80 : memref<1x96xi32, #tpu.memory_space<vmem>> -> memref<96xi32, #tpu.memory_space<vmem>>
      %dma_start3A_82 = arith.constant 0 : i32
      %dma_start3A_83 = arith.constant 0 : i32
      %dma_start3A_84 = tpu.memref_slice %arg2[%dma_start3A_82, %dma_start3A_83] : memref<10240x128xf32, #tpu.memory_space<hbm>> -> memref<10240x128xf32, #tpu.memory_space<hbm>>
      tpu.enqueue_indirect_dma source(%dma_start3A_84 : memref<10240x128xf32, #tpu.memory_space<hbm>>) target(%dma_start3A_78 : memref<96x128xf32, #tpu.memory_space<vmem>>) offsets(%dma_start3A_81 : memref<96xi32, #tpu.memory_space<vmem>>) semaphore(%arg12 : memref<!tpu.dma_semaphore, #tpu.memory_space<semaphore_mem>>)
      %dma_wait3A = arith.constant 0 : i32
      %dma_wait3A_85 = arith.constant 0 : i32
      %dma_wait3A_86 = arith.constant 0 : i32
      %dma_wait3A_87 = tpu.memref_slice %arg8[%dma_wait3A, %dma_wait3A_85, %dma_wait3A_86] : memref<3x96x128xf32, #tpu.memory_space<vmem>> -> memref<1x96x128xf32, #tpu.memory_space<vmem>>
      %dma_wait3A_88 = tpu.memref_squeeze %dma_wait3A_87 : memref<1x96x128xf32, #tpu.memory_space<vmem>> -> memref<96x128xf32, #tpu.memory_space<vmem>>
      %dma_wait3A_89 = arith.constant 0 : i32
      %dma_wait3A_90 = tpu.memref_slice %arg6[%add3A_44, %dma_wait3A_89] : memref<27x96xi32, #tpu.memory_space<vmem>> -> memref<1x96xi32, #tpu.memory_space<vmem>>
      %dma_wait3A_91 = tpu.memref_squeeze %dma_wait3A_90 : memref<1x96xi32, #tpu.memory_space<vmem>> -> memref<96xi32, #tpu.memory_space<vmem>>
      %dma_wait3A_92 = arith.constant 0 : i32
      %dma_wait3A_93 = arith.constant 0 : i32
      %dma_wait3A_94 = tpu.memref_slice %arg2[%dma_wait3A_92, %dma_wait3A_93] : memref<10240x128xf32, #tpu.memory_space<hbm>> -> memref<10240x128xf32, #tpu.memory_space<hbm>>
      tpu.wait_indirect_dma semaphore(%arg10 : memref<!tpu.dma_semaphore, #tpu.memory_space<semaphore_mem>>) src(%dma_wait3A_94 : memref<10240x128xf32, #tpu.memory_space<hbm>>) dst(%dma_wait3A_88 : memref<96x128xf32, #tpu.memory_space<vmem>>)
      %mul3A_95 = arith.constant 3 : i32
      %mul3A_96 = arith.muli %mul3A_95, %scan3A_40 : i32
      %add3A_97 = arith.constant 0 : i32
      %add3A_98 = arith.addi %mul3A_96, %add3A_97 : i32
      %run_scoped3A_99 = arith.constant 0 : i32
      "tpu.region"() ({
        %run_scoped3A_132 = tpu.sem_alloc : memref<!tpu.dma_semaphore, #tpu.memory_space<semaphore_mem>>
        %dma_start3A_133 = arith.constant 0 : i32
        %dma_start3A_134 = arith.constant 0 : i32
        %dma_start3A_135 = tpu.memref_slice %arg8[%run_scoped3A_99, %dma_start3A_133, %dma_start3A_134] : memref<3x96x128xf32, #tpu.memory_space<vmem>> -> memref<1x96x128xf32, #tpu.memory_space<vmem>>
        %dma_start3A_136 = tpu.memref_squeeze %dma_start3A_135 : memref<1x96x128xf32, #tpu.memory_space<vmem>> -> memref<96x128xf32, #tpu.memory_space<vmem>>
        %dma_start3A_137 = arith.constant 0 : i32
        %dma_start3A_138 = tpu.memref_slice %arg7[%add3A_98, %dma_start3A_137] : memref<27x96xi32, #tpu.memory_space<vmem>> -> memref<1x96xi32, #tpu.memory_space<vmem>>
        %dma_start3A_139 = tpu.memref_squeeze %dma_start3A_138 : memref<1x96xi32, #tpu.memory_space<vmem>> -> memref<96xi32, #tpu.memory_space<vmem>>
        %dma_start3A_140 = arith.constant 0 : i32
        %dma_start3A_141 = arith.constant 0 : i32
        %dma_start3A_142 = tpu.memref_slice %arg9[%dma_start3A_140, %dma_start3A_141] : memref<10240x128xf32, #tpu.memory_space<vmem_shared>> -> memref<10240x128xf32, #tpu.memory_space<vmem_shared>>
        tpu.enqueue_indirect_dma source(%dma_start3A_136 : memref<96x128xf32, #tpu.memory_space<vmem>>) target(%dma_start3A_142 : memref<10240x128xf32, #tpu.memory_space<vmem_shared>>) offsets(%dma_start3A_139 : memref<96xi32, #tpu.memory_space<vmem>>) semaphore(%run_scoped3A_132 : memref<!tpu.dma_semaphore, #tpu.memory_space<semaphore_mem>>) {add = true}
        %dma_wait3A_143 = arith.constant 0 : i32
        %dma_wait3A_144 = arith.constant 0 : i32
        %dma_wait3A_145 = tpu.memref_slice %arg8[%run_scoped3A_99, %dma_wait3A_143, %dma_wait3A_144] : memref<3x96x128xf32, #tpu.memory_space<vmem>> -> memref<1x96x128xf32, #tpu.memory_space<vmem>>
        %dma_wait3A_146 = tpu.memref_squeeze %dma_wait3A_145 : memref<1x96x128xf32, #tpu.memory_space<vmem>> -> memref<96x128xf32, #tpu.memory_space<vmem>>
        %dma_wait3A_147 = arith.constant 0 : i32
        %dma_wait3A_148 = tpu.memref_slice %arg7[%add3A_98, %dma_wait3A_147] : memref<27x96xi32, #tpu.memory_space<vmem>> -> memref<1x96xi32, #tpu.memory_space<vmem>>
        %dma_wait3A_149 = tpu.memref_squeeze %dma_wait3A_148 : memref<1x96xi32, #tpu.memory_space<vmem>> -> memref<96xi32, #tpu.memory_space<vmem>>
        %dma_wait3A_150 = arith.constant 0 : i32
        %dma_wait3A_151 = arith.constant 0 : i32
        %dma_wait3A_152 = tpu.memref_slice %arg9[%dma_wait3A_150, %dma_wait3A_151] : memref<10240x128xf32, #tpu.memory_space<vmem_shared>> -> memref<10240x128xf32, #tpu.memory_space<vmem_shared>>
        tpu.wait_indirect_dma semaphore(%run_scoped3A_132 : memref<!tpu.dma_semaphore, #tpu.memory_space<semaphore_mem>>) src(%dma_wait3A_146 : memref<96x128xf32, #tpu.memory_space<vmem>>) dst(%dma_wait3A_152 : memref<10240x128xf32, #tpu.memory_space<vmem_shared>>)
        tpu.yield
      }) : () -> ()
      %dma_wait3A_100 = arith.constant 1 : i32
      %dma_wait3A_101 = arith.constant 0 : i32
      %dma_wait3A_102 = arith.constant 0 : i32
      %dma_wait3A_103 = tpu.memref_slice %arg8[%dma_wait3A_100, %dma_wait3A_101, %dma_wait3A_102] : memref<3x96x128xf32, #tpu.memory_space<vmem>> -> memref<1x96x128xf32, #tpu.memory_space<vmem>>
      %dma_wait3A_104 = tpu.memref_squeeze %dma_wait3A_103 : memref<1x96x128xf32, #tpu.memory_space<vmem>> -> memref<96x128xf32, #tpu.memory_space<vmem>>
      %dma_wait3A_105 = arith.constant 0 : i32
      %dma_wait3A_106 = tpu.memref_slice %arg6[%add3A_58, %dma_wait3A_105] : memref<27x96xi32, #tpu.memory_space<vmem>> -> memref<1x96xi32, #tpu.memory_space<vmem>>
      %dma_wait3A_107 = tpu.memref_squeeze %dma_wait3A_106 : memref<1x96xi32, #tpu.memory_space<vmem>> -> memref<96xi32, #tpu.memory_space<vmem>>
      %dma_wait3A_108 = arith.constant 0 : i32
      %dma_wait3A_109 = arith.constant 0 : i32
      %dma_wait3A_110 = tpu.memref_slice %arg2[%dma_wait3A_108, %dma_wait3A_109] : memref<10240x128xf32, #tpu.memory_space<hbm>> -> memref<10240x128xf32, #tpu.memory_space<hbm>>
      tpu.wait_indirect_dma semaphore(%arg11 : memref<!tpu.dma_semaphore, #tpu.memory_space<semaphore_mem>>) src(%dma_wait3A_110 : memref<10240x128xf32, #tpu.memory_space<hbm>>) dst(%dma_wait3A_104 : memref<96x128xf32, #tpu.memory_space<vmem>>)
      %mul3A_111 = arith.constant 3 : i32
      %mul3A_112 = arith.muli %mul3A_111, %scan3A_40 : i32
      %add3A_113 = arith.constant 1 : i32
      %add3A_114 = arith.addi %mul3A_112, %add3A_113 : i32
      %run_scoped3A_115 = arith.constant 1 : i32
      "tpu.region"() ({
        %run_scoped3A_132 = tpu.sem_alloc : memref<!tpu.dma_semaphore, #tpu.memory_space<semaphore_mem>>
        %dma_start3A_133 = arith.constant 0 : i32
        %dma_start3A_134 = arith.constant 0 : i32
        %dma_start3A_135 = tpu.memref_slice %arg8[%run_scoped3A_115, %dma_start3A_133, %dma_start3A_134] : memref<3x96x128xf32, #tpu.memory_space<vmem>> -> memref<1x96x128xf32, #tpu.memory_space<vmem>>
        %dma_start3A_136 = tpu.memref_squeeze %dma_start3A_135 : memref<1x96x128xf32, #tpu.memory_space<vmem>> -> memref<96x128xf32, #tpu.memory_space<vmem>>
        %dma_start3A_137 = arith.constant 0 : i32
        %dma_start3A_138 = tpu.memref_slice %arg7[%add3A_114, %dma_start3A_137] : memref<27x96xi32, #tpu.memory_space<vmem>> -> memref<1x96xi32, #tpu.memory_space<vmem>>
        %dma_start3A_139 = tpu.memref_squeeze %dma_start3A_138 : memref<1x96xi32, #tpu.memory_space<vmem>> -> memref<96xi32, #tpu.memory_space<vmem>>
        %dma_start3A_140 = arith.constant 0 : i32
        %dma_start3A_141 = arith.constant 0 : i32
        %dma_start3A_142 = tpu.memref_slice %arg9[%dma_start3A_140, %dma_start3A_141] : memref<10240x128xf32, #tpu.memory_space<vmem_shared>> -> memref<10240x128xf32, #tpu.memory_space<vmem_shared>>
        tpu.enqueue_indirect_dma source(%dma_start3A_136 : memref<96x128xf32, #tpu.memory_space<vmem>>) target(%dma_start3A_142 : memref<10240x128xf32, #tpu.memory_space<vmem_shared>>) offsets(%dma_start3A_139 : memref<96xi32, #tpu.memory_space<vmem>>) semaphore(%run_scoped3A_132 : memref<!tpu.dma_semaphore, #tpu.memory_space<semaphore_mem>>) {add = true}
        %dma_wait3A_143 = arith.constant 0 : i32
        %dma_wait3A_144 = arith.constant 0 : i32
        %dma_wait3A_145 = tpu.memref_slice %arg8[%run_scoped3A_115, %dma_wait3A_143, %dma_wait3A_144] : memref<3x96x128xf32, #tpu.memory_space<vmem>> -> memref<1x96x128xf32, #tpu.memory_space<vmem>>
        %dma_wait3A_146 = tpu.memref_squeeze %dma_wait3A_145 : memref<1x96x128xf32, #tpu.memory_space<vmem>> -> memref<96x128xf32, #tpu.memory_space<vmem>>
        %dma_wait3A_147 = arith.constant 0 : i32
        %dma_wait3A_148 = tpu.memref_slice %arg7[%add3A_114, %dma_wait3A_147] : memref<27x96xi32, #tpu.memory_space<vmem>> -> memref<1x96xi32, #tpu.memory_space<vmem>>
        %dma_wait3A_149 = tpu.memref_squeeze %dma_wait3A_148 : memref<1x96xi32, #tpu.memory_space<vmem>> -> memref<96xi32, #tpu.memory_space<vmem>>
        %dma_wait3A_150 = arith.constant 0 : i32
        %dma_wait3A_151 = arith.constant 0 : i32
        %dma_wait3A_152 = tpu.memref_slice %arg9[%dma_wait3A_150, %dma_wait3A_151] : memref<10240x128xf32, #tpu.memory_space<vmem_shared>> -> memref<10240x128xf32, #tpu.memory_space<vmem_shared>>
        tpu.wait_indirect_dma semaphore(%run_scoped3A_132 : memref<!tpu.dma_semaphore, #tpu.memory_space<semaphore_mem>>) src(%dma_wait3A_146 : memref<96x128xf32, #tpu.memory_space<vmem>>) dst(%dma_wait3A_152 : memref<10240x128xf32, #tpu.memory_space<vmem_shared>>)
        tpu.yield
      }) : () -> ()
      %dma_wait3A_116 = arith.constant 2 : i32
      %dma_wait3A_117 = arith.constant 0 : i32
      %dma_wait3A_118 = arith.constant 0 : i32
      %dma_wait3A_119 = tpu.memref_slice %arg8[%dma_wait3A_116, %dma_wait3A_117, %dma_wait3A_118] : memref<3x96x128xf32, #tpu.memory_space<vmem>> -> memref<1x96x128xf32, #tpu.memory_space<vmem>>
      %dma_wait3A_120 = tpu.memref_squeeze %dma_wait3A_119 : memref<1x96x128xf32, #tpu.memory_space<vmem>> -> memref<96x128xf32, #tpu.memory_space<vmem>>
      %dma_wait3A_121 = arith.constant 0 : i32
      %dma_wait3A_122 = tpu.memref_slice %arg6[%add3A_73, %dma_wait3A_121] : memref<27x96xi32, #tpu.memory_space<vmem>> -> memref<1x96xi32, #tpu.memory_space<vmem>>
      %dma_wait3A_123 = tpu.memref_squeeze %dma_wait3A_122 : memref<1x96xi32, #tpu.memory_space<vmem>> -> memref<96xi32, #tpu.memory_space<vmem>>
      %dma_wait3A_124 = arith.constant 0 : i32
      %dma_wait3A_125 = arith.constant 0 : i32
      %dma_wait3A_126 = tpu.memref_slice %arg2[%dma_wait3A_124, %dma_wait3A_125] : memref<10240x128xf32, #tpu.memory_space<hbm>> -> memref<10240x128xf32, #tpu.memory_space<hbm>>
      tpu.wait_indirect_dma semaphore(%arg12 : memref<!tpu.dma_semaphore, #tpu.memory_space<semaphore_mem>>) src(%dma_wait3A_126 : memref<10240x128xf32, #tpu.memory_space<hbm>>) dst(%dma_wait3A_120 : memref<96x128xf32, #tpu.memory_space<vmem>>)
      %mul3A_127 = arith.constant 3 : i32
      %mul3A_128 = arith.muli %mul3A_127, %scan3A_40 : i32
      %add3A_129 = arith.constant 2 : i32
      %add3A_130 = arith.addi %mul3A_128, %add3A_129 : i32
      %run_scoped3A_131 = arith.constant 2 : i32
      "tpu.region"() ({
        %run_scoped3A_132 = tpu.sem_alloc : memref<!tpu.dma_semaphore, #tpu.memory_space<semaphore_mem>>
        %dma_start3A_133 = arith.constant 0 : i32
        %dma_start3A_134 = arith.constant 0 : i32
        %dma_start3A_135 = tpu.memref_slice %arg8[%run_scoped3A_131, %dma_start3A_133, %dma_start3A_134] : memref<3x96x128xf32, #tpu.memory_space<vmem>> -> memref<1x96x128xf32, #tpu.memory_space<vmem>>
        %dma_start3A_136 = tpu.memref_squeeze %dma_start3A_135 : memref<1x96x128xf32, #tpu.memory_space<vmem>> -> memref<96x128xf32, #tpu.memory_space<vmem>>
        %dma_start3A_137 = arith.constant 0 : i32
        %dma_start3A_138 = tpu.memref_slice %arg7[%add3A_130, %dma_start3A_137] : memref<27x96xi32, #tpu.memory_space<vmem>> -> memref<1x96xi32, #tpu.memory_space<vmem>>
        %dma_start3A_139 = tpu.memref_squeeze %dma_start3A_138 : memref<1x96xi32, #tpu.memory_space<vmem>> -> memref<96xi32, #tpu.memory_space<vmem>>
        %dma_start3A_140 = arith.constant 0 : i32
        %dma_start3A_141 = arith.constant 0 : i32
        %dma_start3A_142 = tpu.memref_slice %arg9[%dma_start3A_140, %dma_start3A_141] : memref<10240x128xf32, #tpu.memory_space<vmem_shared>> -> memref<10240x128xf32, #tpu.memory_space<vmem_shared>>
        tpu.enqueue_indirect_dma source(%dma_start3A_136 : memref<96x128xf32, #tpu.memory_space<vmem>>) target(%dma_start3A_142 : memref<10240x128xf32, #tpu.memory_space<vmem_shared>>) offsets(%dma_start3A_139 : memref<96xi32, #tpu.memory_space<vmem>>) semaphore(%run_scoped3A_132 : memref<!tpu.dma_semaphore, #tpu.memory_space<semaphore_mem>>) {add = true}
        %dma_wait3A_143 = arith.constant 0 : i32
        %dma_wait3A_144 = arith.constant 0 : i32
        %dma_wait3A_145 = tpu.memref_slice %arg8[%run_scoped3A_131, %dma_wait3A_143, %dma_wait3A_144] : memref<3x96x128xf32, #tpu.memory_space<vmem>> -> memref<1x96x128xf32, #tpu.memory_space<vmem>>
        %dma_wait3A_146 = tpu.memref_squeeze %dma_wait3A_145 : memref<1x96x128xf32, #tpu.memory_space<vmem>> -> memref<96x128xf32, #tpu.memory_space<vmem>>
        %dma_wait3A_147 = arith.constant 0 : i32
        %dma_wait3A_148 = tpu.memref_slice %arg7[%add3A_130, %dma_wait3A_147] : memref<27x96xi32, #tpu.memory_space<vmem>> -> memref<1x96xi32, #tpu.memory_space<vmem>>
        %dma_wait3A_149 = tpu.memref_squeeze %dma_wait3A_148 : memref<1x96xi32, #tpu.memory_space<vmem>> -> memref<96xi32, #tpu.memory_space<vmem>>
        %dma_wait3A_150 = arith.constant 0 : i32
        %dma_wait3A_151 = arith.constant 0 : i32
        %dma_wait3A_152 = tpu.memref_slice %arg9[%dma_wait3A_150, %dma_wait3A_151] : memref<10240x128xf32, #tpu.memory_space<vmem_shared>> -> memref<10240x128xf32, #tpu.memory_space<vmem_shared>>
        tpu.wait_indirect_dma semaphore(%run_scoped3A_132 : memref<!tpu.dma_semaphore, #tpu.memory_space<semaphore_mem>>) src(%dma_wait3A_146 : memref<96x128xf32, #tpu.memory_space<vmem>>) dst(%dma_wait3A_152 : memref<10240x128xf32, #tpu.memory_space<vmem_shared>>)
        tpu.yield
      }) : () -> ()
    }
    %scan3A_10 = arith.constant 9 : i32
    %run_scoped3A_11 = arith.constant 1 : i32
    "tpu.region"() ({
      %run_scoped3A_40 = tpu.sem_alloc : memref<!tpu.dma_semaphore, #tpu.memory_space<semaphore_mem>>
      %dma_start3A = arith.constant 0 : i32
      %dma_start3A_41 = arith.constant 0 : i32
      %dma_start3A_42 = tpu.memref_slice %arg3[%add3A, %run_scoped3A_11, %dma_start3A, %dma_start3A_41] : memref<32x4x27x96xi32, #tpu.memory_space<hbm>> -> memref<1x1x27x96xi32, #tpu.memory_space<hbm>>
      %dma_start3A_43 = tpu.memref_squeeze %dma_start3A_42 : memref<1x1x27x96xi32, #tpu.memory_space<hbm>> -> memref<27x96xi32, #tpu.memory_space<hbm>>
      %dma_start3A_44 = arith.constant 0 : i32
      %dma_start3A_45 = arith.constant 0 : i32
      %dma_start3A_46 = tpu.memref_slice %arg3[%add3A, %run_scoped3A_11, %dma_start3A_44, %dma_start3A_45] : memref<32x4x27x96xi32, #tpu.memory_space<hbm>> -> memref<1x1x27x96xi32, #tpu.memory_space<hbm>>
      %dma_start3A_47 = tpu.memref_squeeze %dma_start3A_46 : memref<1x1x27x96xi32, #tpu.memory_space<hbm>> -> memref<27x96xi32, #tpu.memory_space<hbm>>
      tpu.enqueue_dma source(%dma_start3A_47 : memref<27x96xi32, #tpu.memory_space<hbm>>) target(%arg6 : memref<27x96xi32, #tpu.memory_space<vmem>>) target_semaphore(%run_scoped3A_40 : memref<!tpu.dma_semaphore, #tpu.memory_space<semaphore_mem>>)
      %dma_wait3A = arith.constant 0 : i32
      %dma_wait3A_48 = arith.constant 0 : i32
      %dma_wait3A_49 = tpu.memref_slice %arg3[%add3A, %run_scoped3A_11, %dma_wait3A, %dma_wait3A_48] : memref<32x4x27x96xi32, #tpu.memory_space<hbm>> -> memref<1x1x27x96xi32, #tpu.memory_space<hbm>>
      %dma_wait3A_50 = tpu.memref_squeeze %dma_wait3A_49 : memref<1x1x27x96xi32, #tpu.memory_space<hbm>> -> memref<27x96xi32, #tpu.memory_space<hbm>>
      %dma_wait3A_51 = arith.constant 0 : i32
      %dma_wait3A_52 = arith.constant 0 : i32
      %dma_wait3A_53 = tpu.memref_slice %arg3[%add3A, %run_scoped3A_11, %dma_wait3A_51, %dma_wait3A_52] : memref<32x4x27x96xi32, #tpu.memory_space<hbm>> -> memref<1x1x27x96xi32, #tpu.memory_space<hbm>>
      %dma_wait3A_54 = tpu.memref_squeeze %dma_wait3A_53 : memref<1x1x27x96xi32, #tpu.memory_space<hbm>> -> memref<27x96xi32, #tpu.memory_space<hbm>>
      tpu.wait_dma2 semaphore(%run_scoped3A_40 : memref<!tpu.dma_semaphore, #tpu.memory_space<semaphore_mem>>) src(%dma_wait3A_54 : memref<27x96xi32, #tpu.memory_space<hbm>>) dst(%arg6 : memref<27x96xi32, #tpu.memory_space<vmem>>)
      tpu.yield
    }) : () -> ()
    %run_scoped3A_12 = arith.constant 1 : i32
    "tpu.region"() ({
      %run_scoped3A_40 = tpu.sem_alloc : memref<!tpu.dma_semaphore, #tpu.memory_space<semaphore_mem>>
      %dma_start3A = arith.constant 0 : i32
      %dma_start3A_41 = arith.constant 0 : i32
      %dma_start3A_42 = tpu.memref_slice %arg4[%add3A, %run_scoped3A_12, %dma_start3A, %dma_start3A_41] : memref<32x4x27x96xi32, #tpu.memory_space<hbm>> -> memref<1x1x27x96xi32, #tpu.memory_space<hbm>>
      %dma_start3A_43 = tpu.memref_squeeze %dma_start3A_42 : memref<1x1x27x96xi32, #tpu.memory_space<hbm>> -> memref<27x96xi32, #tpu.memory_space<hbm>>
      %dma_start3A_44 = arith.constant 0 : i32
      %dma_start3A_45 = arith.constant 0 : i32
      %dma_start3A_46 = tpu.memref_slice %arg4[%add3A, %run_scoped3A_12, %dma_start3A_44, %dma_start3A_45] : memref<32x4x27x96xi32, #tpu.memory_space<hbm>> -> memref<1x1x27x96xi32, #tpu.memory_space<hbm>>
      %dma_start3A_47 = tpu.memref_squeeze %dma_start3A_46 : memref<1x1x27x96xi32, #tpu.memory_space<hbm>> -> memref<27x96xi32, #tpu.memory_space<hbm>>
      tpu.enqueue_dma source(%dma_start3A_47 : memref<27x96xi32, #tpu.memory_space<hbm>>) target(%arg7 : memref<27x96xi32, #tpu.memory_space<vmem>>) target_semaphore(%run_scoped3A_40 : memref<!tpu.dma_semaphore, #tpu.memory_space<semaphore_mem>>)
      %dma_wait3A = arith.constant 0 : i32
      %dma_wait3A_48 = arith.constant 0 : i32
      %dma_wait3A_49 = tpu.memref_slice %arg4[%add3A, %run_scoped3A_12, %dma_wait3A, %dma_wait3A_48] : memref<32x4x27x96xi32, #tpu.memory_space<hbm>> -> memref<1x1x27x96xi32, #tpu.memory_space<hbm>>
      %dma_wait3A_50 = tpu.memref_squeeze %dma_wait3A_49 : memref<1x1x27x96xi32, #tpu.memory_space<hbm>> -> memref<27x96xi32, #tpu.memory_space<hbm>>
      %dma_wait3A_51 = arith.constant 0 : i32
      %dma_wait3A_52 = arith.constant 0 : i32
      %dma_wait3A_53 = tpu.memref_slice %arg4[%add3A, %run_scoped3A_12, %dma_wait3A_51, %dma_wait3A_52] : memref<32x4x27x96xi32, #tpu.memory_space<hbm>> -> memref<1x1x27x96xi32, #tpu.memory_space<hbm>>
      %dma_wait3A_54 = tpu.memref_squeeze %dma_wait3A_53 : memref<1x1x27x96xi32, #tpu.memory_space<hbm>> -> memref<27x96xi32, #tpu.memory_space<hbm>>
      tpu.wait_dma2 semaphore(%run_scoped3A_40 : memref<!tpu.dma_semaphore, #tpu.memory_space<semaphore_mem>>) src(%dma_wait3A_54 : memref<27x96xi32, #tpu.memory_space<hbm>>) dst(%arg7 : memref<27x96xi32, #tpu.memory_space<vmem>>)
      tpu.yield
    }) : () -> ()
    %scan3A_13 = arith.constant 0 : i32
    %scan3A_14 = arith.constant 0 : i32
    %scan3A_15 = arith.constant 9 : i32
    %scan3A_16 = arith.addi %scan3A_14, %scan3A_15 : i32
    %scan3A_17 = arith.constant 1 : i32
    scf.for %scan3A_40 = %scan3A_14 to %scan3A_16 step %scan3A_17  : i32 {
      %mul3A_41 = arith.constant 3 : i32
      %mul3A_42 = arith.muli %mul3A_41, %scan3A_40 : i32
      %add3A_43 = arith.constant 0 : i32
      %add3A_44 = arith.addi %mul3A_42, %add3A_43 : i32
      %dma_start3A = arith.constant 0 : i32
      %dma_start3A_45 = arith.constant 0 : i32
      %dma_start3A_46 = arith.constant 0 : i32
      %dma_start3A_47 = tpu.memref_slice %arg8[%dma_start3A, %dma_start3A_45, %dma_start3A_46] : memref<3x96x128xf32, #tpu.memory_space<vmem>> -> memref<1x96x128xf32, #tpu.memory_space<vmem>>
      %dma_start3A_48 = tpu.memref_squeeze %dma_start3A_47 : memref<1x96x128xf32, #tpu.memory_space<vmem>> -> memref<96x128xf32, #tpu.memory_space<vmem>>
      %dma_start3A_49 = arith.constant 0 : i32
      %dma_start3A_50 = tpu.memref_slice %arg6[%add3A_44, %dma_start3A_49] : memref<27x96xi32, #tpu.memory_space<vmem>> -> memref<1x96xi32, #tpu.memory_space<vmem>>
      %dma_start3A_51 = tpu.memref_squeeze %dma_start3A_50 : memref<1x96xi32, #tpu.memory_space<vmem>> -> memref<96xi32, #tpu.memory_space<vmem>>
      %dma_start3A_52 = arith.constant 0 : i32
      %dma_start3A_53 = arith.constant 0 : i32
      %dma_start3A_54 = tpu.memref_slice %arg2[%dma_start3A_52, %dma_start3A_53] : memref<10240x128xf32, #tpu.memory_space<hbm>> -> memref<10240x128xf32, #tpu.memory_space<hbm>>
      tpu.enqueue_indirect_dma source(%dma_start3A_54 : memref<10240x128xf32, #tpu.memory_space<hbm>>) target(%dma_start3A_48 : memref<96x128xf32, #tpu.memory_space<vmem>>) offsets(%dma_start3A_51 : memref<96xi32, #tpu.memory_space<vmem>>) semaphore(%arg10 : memref<!tpu.dma_semaphore, #tpu.memory_space<semaphore_mem>>)
      %mul3A_55 = arith.constant 3 : i32
      %mul3A_56 = arith.muli %mul3A_55, %scan3A_40 : i32
      %add3A_57 = arith.constant 1 : i32
      %add3A_58 = arith.addi %mul3A_56, %add3A_57 : i32
      %dma_start3A_59 = arith.constant 1 : i32
      %dma_start3A_60 = arith.constant 0 : i32
      %dma_start3A_61 = arith.constant 0 : i32
      %dma_start3A_62 = tpu.memref_slice %arg8[%dma_start3A_59, %dma_start3A_60, %dma_start3A_61] : memref<3x96x128xf32, #tpu.memory_space<vmem>> -> memref<1x96x128xf32, #tpu.memory_space<vmem>>
      %dma_start3A_63 = tpu.memref_squeeze %dma_start3A_62 : memref<1x96x128xf32, #tpu.memory_space<vmem>> -> memref<96x128xf32, #tpu.memory_space<vmem>>
      %dma_start3A_64 = arith.constant 0 : i32
      %dma_start3A_65 = tpu.memref_slice %arg6[%add3A_58, %dma_start3A_64] : memref<27x96xi32, #tpu.memory_space<vmem>> -> memref<1x96xi32, #tpu.memory_space<vmem>>
      %dma_start3A_66 = tpu.memref_squeeze %dma_start3A_65 : memref<1x96xi32, #tpu.memory_space<vmem>> -> memref<96xi32, #tpu.memory_space<vmem>>
      %dma_start3A_67 = arith.constant 0 : i32
      %dma_start3A_68 = arith.constant 0 : i32
      %dma_start3A_69 = tpu.memref_slice %arg2[%dma_start3A_67, %dma_start3A_68] : memref<10240x128xf32, #tpu.memory_space<hbm>> -> memref<10240x128xf32, #tpu.memory_space<hbm>>
      tpu.enqueue_indirect_dma source(%dma_start3A_69 : memref<10240x128xf32, #tpu.memory_space<hbm>>) target(%dma_start3A_63 : memref<96x128xf32, #tpu.memory_space<vmem>>) offsets(%dma_start3A_66 : memref<96xi32, #tpu.memory_space<vmem>>) semaphore(%arg11 : memref<!tpu.dma_semaphore, #tpu.memory_space<semaphore_mem>>)
      %mul3A_70 = arith.constant 3 : i32
      %mul3A_71 = arith.muli %mul3A_70, %scan3A_40 : i32
      %add3A_72 = arith.constant 2 : i32
      %add3A_73 = arith.addi %mul3A_71, %add3A_72 : i32
      %dma_start3A_74 = arith.constant 2 : i32
      %dma_start3A_75 = arith.constant 0 : i32
      %dma_start3A_76 = arith.constant 0 : i32
      %dma_start3A_77 = tpu.memref_slice %arg8[%dma_start3A_74, %dma_start3A_75, %dma_start3A_76] : memref<3x96x128xf32, #tpu.memory_space<vmem>> -> memref<1x96x128xf32, #tpu.memory_space<vmem>>
      %dma_start3A_78 = tpu.memref_squeeze %dma_start3A_77 : memref<1x96x128xf32, #tpu.memory_space<vmem>> -> memref<96x128xf32, #tpu.memory_space<vmem>>
      %dma_start3A_79 = arith.constant 0 : i32
      %dma_start3A_80 = tpu.memref_slice %arg6[%add3A_73, %dma_start3A_79] : memref<27x96xi32, #tpu.memory_space<vmem>> -> memref<1x96xi32, #tpu.memory_space<vmem>>
      %dma_start3A_81 = tpu.memref_squeeze %dma_start3A_80 : memref<1x96xi32, #tpu.memory_space<vmem>> -> memref<96xi32, #tpu.memory_space<vmem>>
      %dma_start3A_82 = arith.constant 0 : i32
      %dma_start3A_83 = arith.constant 0 : i32
      %dma_start3A_84 = tpu.memref_slice %arg2[%dma_start3A_82, %dma_start3A_83] : memref<10240x128xf32, #tpu.memory_space<hbm>> -> memref<10240x128xf32, #tpu.memory_space<hbm>>
      tpu.enqueue_indirect_dma source(%dma_start3A_84 : memref<10240x128xf32, #tpu.memory_space<hbm>>) target(%dma_start3A_78 : memref<96x128xf32, #tpu.memory_space<vmem>>) offsets(%dma_start3A_81 : memref<96xi32, #tpu.memory_space<vmem>>) semaphore(%arg12 : memref<!tpu.dma_semaphore, #tpu.memory_space<semaphore_mem>>)
      %dma_wait3A = arith.constant 0 : i32
      %dma_wait3A_85 = arith.constant 0 : i32
      %dma_wait3A_86 = arith.constant 0 : i32
      %dma_wait3A_87 = tpu.memref_slice %arg8[%dma_wait3A, %dma_wait3A_85, %dma_wait3A_86] : memref<3x96x128xf32, #tpu.memory_space<vmem>> -> memref<1x96x128xf32, #tpu.memory_space<vmem>>
      %dma_wait3A_88 = tpu.memref_squeeze %dma_wait3A_87 : memref<1x96x128xf32, #tpu.memory_space<vmem>> -> memref<96x128xf32, #tpu.memory_space<vmem>>
      %dma_wait3A_89 = arith.constant 0 : i32
      %dma_wait3A_90 = tpu.memref_slice %arg6[%add3A_44, %dma_wait3A_89] : memref<27x96xi32, #tpu.memory_space<vmem>> -> memref<1x96xi32, #tpu.memory_space<vmem>>
      %dma_wait3A_91 = tpu.memref_squeeze %dma_wait3A_90 : memref<1x96xi32, #tpu.memory_space<vmem>> -> memref<96xi32, #tpu.memory_space<vmem>>
      %dma_wait3A_92 = arith.constant 0 : i32
      %dma_wait3A_93 = arith.constant 0 : i32
      %dma_wait3A_94 = tpu.memref_slice %arg2[%dma_wait3A_92, %dma_wait3A_93] : memref<10240x128xf32, #tpu.memory_space<hbm>> -> memref<10240x128xf32, #tpu.memory_space<hbm>>
      tpu.wait_indirect_dma semaphore(%arg10 : memref<!tpu.dma_semaphore, #tpu.memory_space<semaphore_mem>>) src(%dma_wait3A_94 : memref<10240x128xf32, #tpu.memory_space<hbm>>) dst(%dma_wait3A_88 : memref<96x128xf32, #tpu.memory_space<vmem>>)
      %mul3A_95 = arith.constant 3 : i32
      %mul3A_96 = arith.muli %mul3A_95, %scan3A_40 : i32
      %add3A_97 = arith.constant 0 : i32
      %add3A_98 = arith.addi %mul3A_96, %add3A_97 : i32
      %run_scoped3A_99 = arith.constant 0 : i32
      "tpu.region"() ({
        %run_scoped3A_132 = tpu.sem_alloc : memref<!tpu.dma_semaphore, #tpu.memory_space<semaphore_mem>>
        %dma_start3A_133 = arith.constant 0 : i32
        %dma_start3A_134 = arith.constant 0 : i32
        %dma_start3A_135 = tpu.memref_slice %arg8[%run_scoped3A_99, %dma_start3A_133, %dma_start3A_134] : memref<3x96x128xf32, #tpu.memory_space<vmem>> -> memref<1x96x128xf32, #tpu.memory_space<vmem>>
        %dma_start3A_136 = tpu.memref_squeeze %dma_start3A_135 : memref<1x96x128xf32, #tpu.memory_space<vmem>> -> memref<96x128xf32, #tpu.memory_space<vmem>>
        %dma_start3A_137 = arith.constant 0 : i32
        %dma_start3A_138 = tpu.memref_slice %arg7[%add3A_98, %dma_start3A_137] : memref<27x96xi32, #tpu.memory_space<vmem>> -> memref<1x96xi32, #tpu.memory_space<vmem>>
        %dma_start3A_139 = tpu.memref_squeeze %dma_start3A_138 : memref<1x96xi32, #tpu.memory_space<vmem>> -> memref<96xi32, #tpu.memory_space<vmem>>
        %dma_start3A_140 = arith.constant 0 : i32
        %dma_start3A_141 = arith.constant 0 : i32
        %dma_start3A_142 = tpu.memref_slice %arg9[%dma_start3A_140, %dma_start3A_141] : memref<10240x128xf32, #tpu.memory_space<vmem_shared>> -> memref<10240x128xf32, #tpu.memory_space<vmem_shared>>
        tpu.enqueue_indirect_dma source(%dma_start3A_136 : memref<96x128xf32, #tpu.memory_space<vmem>>) target(%dma_start3A_142 : memref<10240x128xf32, #tpu.memory_space<vmem_shared>>) offsets(%dma_start3A_139 : memref<96xi32, #tpu.memory_space<vmem>>) semaphore(%run_scoped3A_132 : memref<!tpu.dma_semaphore, #tpu.memory_space<semaphore_mem>>) {add = true}
        %dma_wait3A_143 = arith.constant 0 : i32
        %dma_wait3A_144 = arith.constant 0 : i32
        %dma_wait3A_145 = tpu.memref_slice %arg8[%run_scoped3A_99, %dma_wait3A_143, %dma_wait3A_144] : memref<3x96x128xf32, #tpu.memory_space<vmem>> -> memref<1x96x128xf32, #tpu.memory_space<vmem>>
        %dma_wait3A_146 = tpu.memref_squeeze %dma_wait3A_145 : memref<1x96x128xf32, #tpu.memory_space<vmem>> -> memref<96x128xf32, #tpu.memory_space<vmem>>
        %dma_wait3A_147 = arith.constant 0 : i32
        %dma_wait3A_148 = tpu.memref_slice %arg7[%add3A_98, %dma_wait3A_147] : memref<27x96xi32, #tpu.memory_space<vmem>> -> memref<1x96xi32, #tpu.memory_space<vmem>>
        %dma_wait3A_149 = tpu.memref_squeeze %dma_wait3A_148 : memref<1x96xi32, #tpu.memory_space<vmem>> -> memref<96xi32, #tpu.memory_space<vmem>>
        %dma_wait3A_150 = arith.constant 0 : i32
        %dma_wait3A_151 = arith.constant 0 : i32
        %dma_wait3A_152 = tpu.memref_slice %arg9[%dma_wait3A_150, %dma_wait3A_151] : memref<10240x128xf32, #tpu.memory_space<vmem_shared>> -> memref<10240x128xf32, #tpu.memory_space<vmem_shared>>
        tpu.wait_indirect_dma semaphore(%run_scoped3A_132 : memref<!tpu.dma_semaphore, #tpu.memory_space<semaphore_mem>>) src(%dma_wait3A_146 : memref<96x128xf32, #tpu.memory_space<vmem>>) dst(%dma_wait3A_152 : memref<10240x128xf32, #tpu.memory_space<vmem_shared>>)
        tpu.yield
      }) : () -> ()
      %dma_wait3A_100 = arith.constant 1 : i32
      %dma_wait3A_101 = arith.constant 0 : i32
      %dma_wait3A_102 = arith.constant 0 : i32
      %dma_wait3A_103 = tpu.memref_slice %arg8[%dma_wait3A_100, %dma_wait3A_101, %dma_wait3A_102] : memref<3x96x128xf32, #tpu.memory_space<vmem>> -> memref<1x96x128xf32, #tpu.memory_space<vmem>>
      %dma_wait3A_104 = tpu.memref_squeeze %dma_wait3A_103 : memref<1x96x128xf32, #tpu.memory_space<vmem>> -> memref<96x128xf32, #tpu.memory_space<vmem>>
      %dma_wait3A_105 = arith.constant 0 : i32
      %dma_wait3A_106 = tpu.memref_slice %arg6[%add3A_58, %dma_wait3A_105] : memref<27x96xi32, #tpu.memory_space<vmem>> -> memref<1x96xi32, #tpu.memory_space<vmem>>
      %dma_wait3A_107 = tpu.memref_squeeze %dma_wait3A_106 : memref<1x96xi32, #tpu.memory_space<vmem>> -> memref<96xi32, #tpu.memory_space<vmem>>
      %dma_wait3A_108 = arith.constant 0 : i32
      %dma_wait3A_109 = arith.constant 0 : i32
      %dma_wait3A_110 = tpu.memref_slice %arg2[%dma_wait3A_108, %dma_wait3A_109] : memref<10240x128xf32, #tpu.memory_space<hbm>> -> memref<10240x128xf32, #tpu.memory_space<hbm>>
      tpu.wait_indirect_dma semaphore(%arg11 : memref<!tpu.dma_semaphore, #tpu.memory_space<semaphore_mem>>) src(%dma_wait3A_110 : memref<10240x128xf32, #tpu.memory_space<hbm>>) dst(%dma_wait3A_104 : memref<96x128xf32, #tpu.memory_space<vmem>>)
      %mul3A_111 = arith.constant 3 : i32
      %mul3A_112 = arith.muli %mul3A_111, %scan3A_40 : i32
      %add3A_113 = arith.constant 1 : i32
      %add3A_114 = arith.addi %mul3A_112, %add3A_113 : i32
      %run_scoped3A_115 = arith.constant 1 : i32
      "tpu.region"() ({
        %run_scoped3A_132 = tpu.sem_alloc : memref<!tpu.dma_semaphore, #tpu.memory_space<semaphore_mem>>
        %dma_start3A_133 = arith.constant 0 : i32
        %dma_start3A_134 = arith.constant 0 : i32
        %dma_start3A_135 = tpu.memref_slice %arg8[%run_scoped3A_115, %dma_start3A_133, %dma_start3A_134] : memref<3x96x128xf32, #tpu.memory_space<vmem>> -> memref<1x96x128xf32, #tpu.memory_space<vmem>>
        %dma_start3A_136 = tpu.memref_squeeze %dma_start3A_135 : memref<1x96x128xf32, #tpu.memory_space<vmem>> -> memref<96x128xf32, #tpu.memory_space<vmem>>
        %dma_start3A_137 = arith.constant 0 : i32
        %dma_start3A_138 = tpu.memref_slice %arg7[%add3A_114, %dma_start3A_137] : memref<27x96xi32, #tpu.memory_space<vmem>> -> memref<1x96xi32, #tpu.memory_space<vmem>>
        %dma_start3A_139 = tpu.memref_squeeze %dma_start3A_138 : memref<1x96xi32, #tpu.memory_space<vmem>> -> memref<96xi32, #tpu.memory_space<vmem>>
        %dma_start3A_140 = arith.constant 0 : i32
        %dma_start3A_141 = arith.constant 0 : i32
        %dma_start3A_142 = tpu.memref_slice %arg9[%dma_start3A_140, %dma_start3A_141] : memref<10240x128xf32, #tpu.memory_space<vmem_shared>> -> memref<10240x128xf32, #tpu.memory_space<vmem_shared>>
        tpu.enqueue_indirect_dma source(%dma_start3A_136 : memref<96x128xf32, #tpu.memory_space<vmem>>) target(%dma_start3A_142 : memref<10240x128xf32, #tpu.memory_space<vmem_shared>>) offsets(%dma_start3A_139 : memref<96xi32, #tpu.memory_space<vmem>>) semaphore(%run_scoped3A_132 : memref<!tpu.dma_semaphore, #tpu.memory_space<semaphore_mem>>) {add = true}
        %dma_wait3A_143 = arith.constant 0 : i32
        %dma_wait3A_144 = arith.constant 0 : i32
        %dma_wait3A_145 = tpu.memref_slice %arg8[%run_scoped3A_115, %dma_wait3A_143, %dma_wait3A_144] : memref<3x96x128xf32, #tpu.memory_space<vmem>> -> memref<1x96x128xf32, #tpu.memory_space<vmem>>
        %dma_wait3A_146 = tpu.memref_squeeze %dma_wait3A_145 : memref<1x96x128xf32, #tpu.memory_space<vmem>> -> memref<96x128xf32, #tpu.memory_space<vmem>>
        %dma_wait3A_147 = arith.constant 0 : i32
        %dma_wait3A_148 = tpu.memref_slice %arg7[%add3A_114, %dma_wait3A_147] : memref<27x96xi32, #tpu.memory_space<vmem>> -> memref<1x96xi32, #tpu.memory_space<vmem>>
        %dma_wait3A_149 = tpu.memref_squeeze %dma_wait3A_148 : memref<1x96xi32, #tpu.memory_space<vmem>> -> memref<96xi32, #tpu.memory_space<vmem>>
        %dma_wait3A_150 = arith.constant 0 : i32
        %dma_wait3A_151 = arith.constant 0 : i32
        %dma_wait3A_152 = tpu.memref_slice %arg9[%dma_wait3A_150, %dma_wait3A_151] : memref<10240x128xf32, #tpu.memory_space<vmem_shared>> -> memref<10240x128xf32, #tpu.memory_space<vmem_shared>>
        tpu.wait_indirect_dma semaphore(%run_scoped3A_132 : memref<!tpu.dma_semaphore, #tpu.memory_space<semaphore_mem>>) src(%dma_wait3A_146 : memref<96x128xf32, #tpu.memory_space<vmem>>) dst(%dma_wait3A_152 : memref<10240x128xf32, #tpu.memory_space<vmem_shared>>)
        tpu.yield
      }) : () -> ()
      %dma_wait3A_116 = arith.constant 2 : i32
      %dma_wait3A_117 = arith.constant 0 : i32
      %dma_wait3A_118 = arith.constant 0 : i32
      %dma_wait3A_119 = tpu.memref_slice %arg8[%dma_wait3A_116, %dma_wait3A_117, %dma_wait3A_118] : memref<3x96x128xf32, #tpu.memory_space<vmem>> -> memref<1x96x128xf32, #tpu.memory_space<vmem>>
      %dma_wait3A_120 = tpu.memref_squeeze %dma_wait3A_119 : memref<1x96x128xf32, #tpu.memory_space<vmem>> -> memref<96x128xf32, #tpu.memory_space<vmem>>
      %dma_wait3A_121 = arith.constant 0 : i32
      %dma_wait3A_122 = tpu.memref_slice %arg6[%add3A_73, %dma_wait3A_121] : memref<27x96xi32, #tpu.memory_space<vmem>> -> memref<1x96xi32, #tpu.memory_space<vmem>>
      %dma_wait3A_123 = tpu.memref_squeeze %dma_wait3A_122 : memref<1x96xi32, #tpu.memory_space<vmem>> -> memref<96xi32, #tpu.memory_space<vmem>>
      %dma_wait3A_124 = arith.constant 0 : i32
      %dma_wait3A_125 = arith.constant 0 : i32
      %dma_wait3A_126 = tpu.memref_slice %arg2[%dma_wait3A_124, %dma_wait3A_125] : memref<10240x128xf32, #tpu.memory_space<hbm>> -> memref<10240x128xf32, #tpu.memory_space<hbm>>
      tpu.wait_indirect_dma semaphore(%arg12 : memref<!tpu.dma_semaphore, #tpu.memory_space<semaphore_mem>>) src(%dma_wait3A_126 : memref<10240x128xf32, #tpu.memory_space<hbm>>) dst(%dma_wait3A_120 : memref<96x128xf32, #tpu.memory_space<vmem>>)
      %mul3A_127 = arith.constant 3 : i32
      %mul3A_128 = arith.muli %mul3A_127, %scan3A_40 : i32
      %add3A_129 = arith.constant 2 : i32
      %add3A_130 = arith.addi %mul3A_128, %add3A_129 : i32
      %run_scoped3A_131 = arith.constant 2 : i32
      "tpu.region"() ({
        %run_scoped3A_132 = tpu.sem_alloc : memref<!tpu.dma_semaphore, #tpu.memory_space<semaphore_mem>>
        %dma_start3A_133 = arith.constant 0 : i32
        %dma_start3A_134 = arith.constant 0 : i32
        %dma_start3A_135 = tpu.memref_slice %arg8[%run_scoped3A_131, %dma_start3A_133, %dma_start3A_134] : memref<3x96x128xf32, #tpu.memory_space<vmem>> -> memref<1x96x128xf32, #tpu.memory_space<vmem>>
        %dma_start3A_136 = tpu.memref_squeeze %dma_start3A_135 : memref<1x96x128xf32, #tpu.memory_space<vmem>> -> memref<96x128xf32, #tpu.memory_space<vmem>>
        %dma_start3A_137 = arith.constant 0 : i32
        %dma_start3A_138 = tpu.memref_slice %arg7[%add3A_130, %dma_start3A_137] : memref<27x96xi32, #tpu.memory_space<vmem>> -> memref<1x96xi32, #tpu.memory_space<vmem>>
        %dma_start3A_139 = tpu.memref_squeeze %dma_start3A_138 : memref<1x96xi32, #tpu.memory_space<vmem>> -> memref<96xi32, #tpu.memory_space<vmem>>
        %dma_start3A_140 = arith.constant 0 : i32
        %dma_start3A_141 = arith.constant 0 : i32
        %dma_start3A_142 = tpu.memref_slice %arg9[%dma_start3A_140, %dma_start3A_141] : memref<10240x128xf32, #tpu.memory_space<vmem_shared>> -> memref<10240x128xf32, #tpu.memory_space<vmem_shared>>
        tpu.enqueue_indirect_dma source(%dma_start3A_136 : memref<96x128xf32, #tpu.memory_space<vmem>>) target(%dma_start3A_142 : memref<10240x128xf32, #tpu.memory_space<vmem_shared>>) offsets(%dma_start3A_139 : memref<96xi32, #tpu.memory_space<vmem>>) semaphore(%run_scoped3A_132 : memref<!tpu.dma_semaphore, #tpu.memory_space<semaphore_mem>>) {add = true}
        %dma_wait3A_143 = arith.constant 0 : i32
        %dma_wait3A_144 = arith.constant 0 : i32
        %dma_wait3A_145 = tpu.memref_slice %arg8[%run_scoped3A_131, %dma_wait3A_143, %dma_wait3A_144] : memref<3x96x128xf32, #tpu.memory_space<vmem>> -> memref<1x96x128xf32, #tpu.memory_space<vmem>>
        %dma_wait3A_146 = tpu.memref_squeeze %dma_wait3A_145 : memref<1x96x128xf32, #tpu.memory_space<vmem>> -> memref<96x128xf32, #tpu.memory_space<vmem>>
        %dma_wait3A_147 = arith.constant 0 : i32
        %dma_wait3A_148 = tpu.memref_slice %arg7[%add3A_130, %dma_wait3A_147] : memref<27x96xi32, #tpu.memory_space<vmem>> -> memref<1x96xi32, #tpu.memory_space<vmem>>
        %dma_wait3A_149 = tpu.memref_squeeze %dma_wait3A_148 : memref<1x96xi32, #tpu.memory_space<vmem>> -> memref<96xi32, #tpu.memory_space<vmem>>
        %dma_wait3A_150 = arith.constant 0 : i32
        %dma_wait3A_151 = arith.constant 0 : i32
        %dma_wait3A_152 = tpu.memref_slice %arg9[%dma_wait3A_150, %dma_wait3A_151] : memref<10240x128xf32, #tpu.memory_space<vmem_shared>> -> memref<10240x128xf32, #tpu.memory_space<vmem_shared>>
        tpu.wait_indirect_dma semaphore(%run_scoped3A_132 : memref<!tpu.dma_semaphore, #tpu.memory_space<semaphore_mem>>) src(%dma_wait3A_146 : memref<96x128xf32, #tpu.memory_space<vmem>>) dst(%dma_wait3A_152 : memref<10240x128xf32, #tpu.memory_space<vmem_shared>>)
        tpu.yield
      }) : () -> ()
    }
    %scan3A_18 = arith.constant 9 : i32
    %run_scoped3A_19 = arith.constant 2 : i32
    "tpu.region"() ({
      %run_scoped3A_40 = tpu.sem_alloc : memref<!tpu.dma_semaphore, #tpu.memory_space<semaphore_mem>>
      %dma_start3A = arith.constant 0 : i32
      %dma_start3A_41 = arith.constant 0 : i32
      %dma_start3A_42 = tpu.memref_slice %arg3[%add3A, %run_scoped3A_19, %dma_start3A, %dma_start3A_41] : memref<32x4x27x96xi32, #tpu.memory_space<hbm>> -> memref<1x1x27x96xi32, #tpu.memory_space<hbm>>
      %dma_start3A_43 = tpu.memref_squeeze %dma_start3A_42 : memref<1x1x27x96xi32, #tpu.memory_space<hbm>> -> memref<27x96xi32, #tpu.memory_space<hbm>>
      %dma_start3A_44 = arith.constant 0 : i32
      %dma_start3A_45 = arith.constant 0 : i32
      %dma_start3A_46 = tpu.memref_slice %arg3[%add3A, %run_scoped3A_19, %dma_start3A_44, %dma_start3A_45] : memref<32x4x27x96xi32, #tpu.memory_space<hbm>> -> memref<1x1x27x96xi32, #tpu.memory_space<hbm>>
      %dma_start3A_47 = tpu.memref_squeeze %dma_start3A_46 : memref<1x1x27x96xi32, #tpu.memory_space<hbm>> -> memref<27x96xi32, #tpu.memory_space<hbm>>
      tpu.enqueue_dma source(%dma_start3A_47 : memref<27x96xi32, #tpu.memory_space<hbm>>) target(%arg6 : memref<27x96xi32, #tpu.memory_space<vmem>>) target_semaphore(%run_scoped3A_40 : memref<!tpu.dma_semaphore, #tpu.memory_space<semaphore_mem>>)
      %dma_wait3A = arith.constant 0 : i32
      %dma_wait3A_48 = arith.constant 0 : i32
      %dma_wait3A_49 = tpu.memref_slice %arg3[%add3A, %run_scoped3A_19, %dma_wait3A, %dma_wait3A_48] : memref<32x4x27x96xi32, #tpu.memory_space<hbm>> -> memref<1x1x27x96xi32, #tpu.memory_space<hbm>>
      %dma_wait3A_50 = tpu.memref_squeeze %dma_wait3A_49 : memref<1x1x27x96xi32, #tpu.memory_space<hbm>> -> memref<27x96xi32, #tpu.memory_space<hbm>>
      %dma_wait3A_51 = arith.constant 0 : i32
      %dma_wait3A_52 = arith.constant 0 : i32
      %dma_wait3A_53 = tpu.memref_slice %arg3[%add3A, %run_scoped3A_19, %dma_wait3A_51, %dma_wait3A_52] : memref<32x4x27x96xi32, #tpu.memory_space<hbm>> -> memref<1x1x27x96xi32, #tpu.memory_space<hbm>>
      %dma_wait3A_54 = tpu.memref_squeeze %dma_wait3A_53 : memref<1x1x27x96xi32, #tpu.memory_space<hbm>> -> memref<27x96xi32, #tpu.memory_space<hbm>>
      tpu.wait_dma2 semaphore(%run_scoped3A_40 : memref<!tpu.dma_semaphore, #tpu.memory_space<semaphore_mem>>) src(%dma_wait3A_54 : memref<27x96xi32, #tpu.memory_space<hbm>>) dst(%arg6 : memref<27x96xi32, #tpu.memory_space<vmem>>)
      tpu.yield
    }) : () -> ()
    %run_scoped3A_20 = arith.constant 2 : i32
    "tpu.region"() ({
      %run_scoped3A_40 = tpu.sem_alloc : memref<!tpu.dma_semaphore, #tpu.memory_space<semaphore_mem>>
      %dma_start3A = arith.constant 0 : i32
      %dma_start3A_41 = arith.constant 0 : i32
      %dma_start3A_42 = tpu.memref_slice %arg4[%add3A, %run_scoped3A_20, %dma_start3A, %dma_start3A_41] : memref<32x4x27x96xi32, #tpu.memory_space<hbm>> -> memref<1x1x27x96xi32, #tpu.memory_space<hbm>>
      %dma_start3A_43 = tpu.memref_squeeze %dma_start3A_42 : memref<1x1x27x96xi32, #tpu.memory_space<hbm>> -> memref<27x96xi32, #tpu.memory_space<hbm>>
      %dma_start3A_44 = arith.constant 0 : i32
      %dma_start3A_45 = arith.constant 0 : i32
      %dma_start3A_46 = tpu.memref_slice %arg4[%add3A, %run_scoped3A_20, %dma_start3A_44, %dma_start3A_45] : memref<32x4x27x96xi32, #tpu.memory_space<hbm>> -> memref<1x1x27x96xi32, #tpu.memory_space<hbm>>
      %dma_start3A_47 = tpu.memref_squeeze %dma_start3A_46 : memref<1x1x27x96xi32, #tpu.memory_space<hbm>> -> memref<27x96xi32, #tpu.memory_space<hbm>>
      tpu.enqueue_dma source(%dma_start3A_47 : memref<27x96xi32, #tpu.memory_space<hbm>>) target(%arg7 : memref<27x96xi32, #tpu.memory_space<vmem>>) target_semaphore(%run_scoped3A_40 : memref<!tpu.dma_semaphore, #tpu.memory_space<semaphore_mem>>)
      %dma_wait3A = arith.constant 0 : i32
      %dma_wait3A_48 = arith.constant 0 : i32
      %dma_wait3A_49 = tpu.memref_slice %arg4[%add3A, %run_scoped3A_20, %dma_wait3A, %dma_wait3A_48] : memref<32x4x27x96xi32, #tpu.memory_space<hbm>> -> memref<1x1x27x96xi32, #tpu.memory_space<hbm>>
      %dma_wait3A_50 = tpu.memref_squeeze %dma_wait3A_49 : memref<1x1x27x96xi32, #tpu.memory_space<hbm>> -> memref<27x96xi32, #tpu.memory_space<hbm>>
      %dma_wait3A_51 = arith.constant 0 : i32
      %dma_wait3A_52 = arith.constant 0 : i32
      %dma_wait3A_53 = tpu.memref_slice %arg4[%add3A, %run_scoped3A_20, %dma_wait3A_51, %dma_wait3A_52] : memref<32x4x27x96xi32, #tpu.memory_space<hbm>> -> memref<1x1x27x96xi32, #tpu.memory_space<hbm>>
      %dma_wait3A_54 = tpu.memref_squeeze %dma_wait3A_53 : memref<1x1x27x96xi32, #tpu.memory_space<hbm>> -> memref<27x96xi32, #tpu.memory_space<hbm>>
      tpu.wait_dma2 semaphore(%run_scoped3A_40 : memref<!tpu.dma_semaphore, #tpu.memory_space<semaphore_mem>>) src(%dma_wait3A_54 : memref<27x96xi32, #tpu.memory_space<hbm>>) dst(%arg7 : memref<27x96xi32, #tpu.memory_space<vmem>>)
      tpu.yield
    }) : () -> ()
    %scan3A_21 = arith.constant 0 : i32
    %scan3A_22 = arith.constant 0 : i32
    %scan3A_23 = arith.constant 9 : i32
    %scan3A_24 = arith.addi %scan3A_22, %scan3A_23 : i32
    %scan3A_25 = arith.constant 1 : i32
    scf.for %scan3A_40 = %scan3A_22 to %scan3A_24 step %scan3A_25  : i32 {
      %mul3A_41 = arith.constant 3 : i32
      %mul3A_42 = arith.muli %mul3A_41, %scan3A_40 : i32
      %add3A_43 = arith.constant 0 : i32
      %add3A_44 = arith.addi %mul3A_42, %add3A_43 : i32
      %dma_start3A = arith.constant 0 : i32
      %dma_start3A_45 = arith.constant 0 : i32
      %dma_start3A_46 = arith.constant 0 : i32
      %dma_start3A_47 = tpu.memref_slice %arg8[%dma_start3A, %dma_start3A_45, %dma_start3A_46] : memref<3x96x128xf32, #tpu.memory_space<vmem>> -> memref<1x96x128xf32, #tpu.memory_space<vmem>>
      %dma_start3A_48 = tpu.memref_squeeze %dma_start3A_47 : memref<1x96x128xf32, #tpu.memory_space<vmem>> -> memref<96x128xf32, #tpu.memory_space<vmem>>
      %dma_start3A_49 = arith.constant 0 : i32
      %dma_start3A_50 = tpu.memref_slice %arg6[%add3A_44, %dma_start3A_49] : memref<27x96xi32, #tpu.memory_space<vmem>> -> memref<1x96xi32, #tpu.memory_space<vmem>>
      %dma_start3A_51 = tpu.memref_squeeze %dma_start3A_50 : memref<1x96xi32, #tpu.memory_space<vmem>> -> memref<96xi32, #tpu.memory_space<vmem>>
      %dma_start3A_52 = arith.constant 0 : i32
      %dma_start3A_53 = arith.constant 0 : i32
      %dma_start3A_54 = tpu.memref_slice %arg2[%dma_start3A_52, %dma_start3A_53] : memref<10240x128xf32, #tpu.memory_space<hbm>> -> memref<10240x128xf32, #tpu.memory_space<hbm>>
      tpu.enqueue_indirect_dma source(%dma_start3A_54 : memref<10240x128xf32, #tpu.memory_space<hbm>>) target(%dma_start3A_48 : memref<96x128xf32, #tpu.memory_space<vmem>>) offsets(%dma_start3A_51 : memref<96xi32, #tpu.memory_space<vmem>>) semaphore(%arg10 : memref<!tpu.dma_semaphore, #tpu.memory_space<semaphore_mem>>)
      %mul3A_55 = arith.constant 3 : i32
      %mul3A_56 = arith.muli %mul3A_55, %scan3A_40 : i32
      %add3A_57 = arith.constant 1 : i32
      %add3A_58 = arith.addi %mul3A_56, %add3A_57 : i32
      %dma_start3A_59 = arith.constant 1 : i32
      %dma_start3A_60 = arith.constant 0 : i32
      %dma_start3A_61 = arith.constant 0 : i32
      %dma_start3A_62 = tpu.memref_slice %arg8[%dma_start3A_59, %dma_start3A_60, %dma_start3A_61] : memref<3x96x128xf32, #tpu.memory_space<vmem>> -> memref<1x96x128xf32, #tpu.memory_space<vmem>>
      %dma_start3A_63 = tpu.memref_squeeze %dma_start3A_62 : memref<1x96x128xf32, #tpu.memory_space<vmem>> -> memref<96x128xf32, #tpu.memory_space<vmem>>
      %dma_start3A_64 = arith.constant 0 : i32
      %dma_start3A_65 = tpu.memref_slice %arg6[%add3A_58, %dma_start3A_64] : memref<27x96xi32, #tpu.memory_space<vmem>> -> memref<1x96xi32, #tpu.memory_space<vmem>>
      %dma_start3A_66 = tpu.memref_squeeze %dma_start3A_65 : memref<1x96xi32, #tpu.memory_space<vmem>> -> memref<96xi32, #tpu.memory_space<vmem>>
      %dma_start3A_67 = arith.constant 0 : i32
      %dma_start3A_68 = arith.constant 0 : i32
      %dma_start3A_69 = tpu.memref_slice %arg2[%dma_start3A_67, %dma_start3A_68] : memref<10240x128xf32, #tpu.memory_space<hbm>> -> memref<10240x128xf32, #tpu.memory_space<hbm>>
      tpu.enqueue_indirect_dma source(%dma_start3A_69 : memref<10240x128xf32, #tpu.memory_space<hbm>>) target(%dma_start3A_63 : memref<96x128xf32, #tpu.memory_space<vmem>>) offsets(%dma_start3A_66 : memref<96xi32, #tpu.memory_space<vmem>>) semaphore(%arg11 : memref<!tpu.dma_semaphore, #tpu.memory_space<semaphore_mem>>)
      %mul3A_70 = arith.constant 3 : i32
      %mul3A_71 = arith.muli %mul3A_70, %scan3A_40 : i32
      %add3A_72 = arith.constant 2 : i32
      %add3A_73 = arith.addi %mul3A_71, %add3A_72 : i32
      %dma_start3A_74 = arith.constant 2 : i32
      %dma_start3A_75 = arith.constant 0 : i32
      %dma_start3A_76 = arith.constant 0 : i32
      %dma_start3A_77 = tpu.memref_slice %arg8[%dma_start3A_74, %dma_start3A_75, %dma_start3A_76] : memref<3x96x128xf32, #tpu.memory_space<vmem>> -> memref<1x96x128xf32, #tpu.memory_space<vmem>>
      %dma_start3A_78 = tpu.memref_squeeze %dma_start3A_77 : memref<1x96x128xf32, #tpu.memory_space<vmem>> -> memref<96x128xf32, #tpu.memory_space<vmem>>
      %dma_start3A_79 = arith.constant 0 : i32
      %dma_start3A_80 = tpu.memref_slice %arg6[%add3A_73, %dma_start3A_79] : memref<27x96xi32, #tpu.memory_space<vmem>> -> memref<1x96xi32, #tpu.memory_space<vmem>>
      %dma_start3A_81 = tpu.memref_squeeze %dma_start3A_80 : memref<1x96xi32, #tpu.memory_space<vmem>> -> memref<96xi32, #tpu.memory_space<vmem>>
      %dma_start3A_82 = arith.constant 0 : i32
      %dma_start3A_83 = arith.constant 0 : i32
      %dma_start3A_84 = tpu.memref_slice %arg2[%dma_start3A_82, %dma_start3A_83] : memref<10240x128xf32, #tpu.memory_space<hbm>> -> memref<10240x128xf32, #tpu.memory_space<hbm>>
      tpu.enqueue_indirect_dma source(%dma_start3A_84 : memref<10240x128xf32, #tpu.memory_space<hbm>>) target(%dma_start3A_78 : memref<96x128xf32, #tpu.memory_space<vmem>>) offsets(%dma_start3A_81 : memref<96xi32, #tpu.memory_space<vmem>>) semaphore(%arg12 : memref<!tpu.dma_semaphore, #tpu.memory_space<semaphore_mem>>)
      %dma_wait3A = arith.constant 0 : i32
      %dma_wait3A_85 = arith.constant 0 : i32
      %dma_wait3A_86 = arith.constant 0 : i32
      %dma_wait3A_87 = tpu.memref_slice %arg8[%dma_wait3A, %dma_wait3A_85, %dma_wait3A_86] : memref<3x96x128xf32, #tpu.memory_space<vmem>> -> memref<1x96x128xf32, #tpu.memory_space<vmem>>
      %dma_wait3A_88 = tpu.memref_squeeze %dma_wait3A_87 : memref<1x96x128xf32, #tpu.memory_space<vmem>> -> memref<96x128xf32, #tpu.memory_space<vmem>>
      %dma_wait3A_89 = arith.constant 0 : i32
      %dma_wait3A_90 = tpu.memref_slice %arg6[%add3A_44, %dma_wait3A_89] : memref<27x96xi32, #tpu.memory_space<vmem>> -> memref<1x96xi32, #tpu.memory_space<vmem>>
      %dma_wait3A_91 = tpu.memref_squeeze %dma_wait3A_90 : memref<1x96xi32, #tpu.memory_space<vmem>> -> memref<96xi32, #tpu.memory_space<vmem>>
      %dma_wait3A_92 = arith.constant 0 : i32
      %dma_wait3A_93 = arith.constant 0 : i32
      %dma_wait3A_94 = tpu.memref_slice %arg2[%dma_wait3A_92, %dma_wait3A_93] : memref<10240x128xf32, #tpu.memory_space<hbm>> -> memref<10240x128xf32, #tpu.memory_space<hbm>>
      tpu.wait_indirect_dma semaphore(%arg10 : memref<!tpu.dma_semaphore, #tpu.memory_space<semaphore_mem>>) src(%dma_wait3A_94 : memref<10240x128xf32, #tpu.memory_space<hbm>>) dst(%dma_wait3A_88 : memref<96x128xf32, #tpu.memory_space<vmem>>)
      %mul3A_95 = arith.constant 3 : i32
      %mul3A_96 = arith.muli %mul3A_95, %scan3A_40 : i32
      %add3A_97 = arith.constant 0 : i32
      %add3A_98 = arith.addi %mul3A_96, %add3A_97 : i32
      %run_scoped3A_99 = arith.constant 0 : i32
      "tpu.region"() ({
        %run_scoped3A_132 = tpu.sem_alloc : memref<!tpu.dma_semaphore, #tpu.memory_space<semaphore_mem>>
        %dma_start3A_133 = arith.constant 0 : i32
        %dma_start3A_134 = arith.constant 0 : i32
        %dma_start3A_135 = tpu.memref_slice %arg8[%run_scoped3A_99, %dma_start3A_133, %dma_start3A_134] : memref<3x96x128xf32, #tpu.memory_space<vmem>> -> memref<1x96x128xf32, #tpu.memory_space<vmem>>
        %dma_start3A_136 = tpu.memref_squeeze %dma_start3A_135 : memref<1x96x128xf32, #tpu.memory_space<vmem>> -> memref<96x128xf32, #tpu.memory_space<vmem>>
        %dma_start3A_137 = arith.constant 0 : i32
        %dma_start3A_138 = tpu.memref_slice %arg7[%add3A_98, %dma_start3A_137] : memref<27x96xi32, #tpu.memory_space<vmem>> -> memref<1x96xi32, #tpu.memory_space<vmem>>
        %dma_start3A_139 = tpu.memref_squeeze %dma_start3A_138 : memref<1x96xi32, #tpu.memory_space<vmem>> -> memref<96xi32, #tpu.memory_space<vmem>>
        %dma_start3A_140 = arith.constant 0 : i32
        %dma_start3A_141 = arith.constant 0 : i32
        %dma_start3A_142 = tpu.memref_slice %arg9[%dma_start3A_140, %dma_start3A_141] : memref<10240x128xf32, #tpu.memory_space<vmem_shared>> -> memref<10240x128xf32, #tpu.memory_space<vmem_shared>>
        tpu.enqueue_indirect_dma source(%dma_start3A_136 : memref<96x128xf32, #tpu.memory_space<vmem>>) target(%dma_start3A_142 : memref<10240x128xf32, #tpu.memory_space<vmem_shared>>) offsets(%dma_start3A_139 : memref<96xi32, #tpu.memory_space<vmem>>) semaphore(%run_scoped3A_132 : memref<!tpu.dma_semaphore, #tpu.memory_space<semaphore_mem>>) {add = true}
        %dma_wait3A_143 = arith.constant 0 : i32
        %dma_wait3A_144 = arith.constant 0 : i32
        %dma_wait3A_145 = tpu.memref_slice %arg8[%run_scoped3A_99, %dma_wait3A_143, %dma_wait3A_144] : memref<3x96x128xf32, #tpu.memory_space<vmem>> -> memref<1x96x128xf32, #tpu.memory_space<vmem>>
        %dma_wait3A_146 = tpu.memref_squeeze %dma_wait3A_145 : memref<1x96x128xf32, #tpu.memory_space<vmem>> -> memref<96x128xf32, #tpu.memory_space<vmem>>
        %dma_wait3A_147 = arith.constant 0 : i32
        %dma_wait3A_148 = tpu.memref_slice %arg7[%add3A_98, %dma_wait3A_147] : memref<27x96xi32, #tpu.memory_space<vmem>> -> memref<1x96xi32, #tpu.memory_space<vmem>>
        %dma_wait3A_149 = tpu.memref_squeeze %dma_wait3A_148 : memref<1x96xi32, #tpu.memory_space<vmem>> -> memref<96xi32, #tpu.memory_space<vmem>>
        %dma_wait3A_150 = arith.constant 0 : i32
        %dma_wait3A_151 = arith.constant 0 : i32
        %dma_wait3A_152 = tpu.memref_slice %arg9[%dma_wait3A_150, %dma_wait3A_151] : memref<10240x128xf32, #tpu.memory_space<vmem_shared>> -> memref<10240x128xf32, #tpu.memory_space<vmem_shared>>
        tpu.wait_indirect_dma semaphore(%run_scoped3A_132 : memref<!tpu.dma_semaphore, #tpu.memory_space<semaphore_mem>>) src(%dma_wait3A_146 : memref<96x128xf32, #tpu.memory_space<vmem>>) dst(%dma_wait3A_152 : memref<10240x128xf32, #tpu.memory_space<vmem_shared>>)
        tpu.yield
      }) : () -> ()
      %dma_wait3A_100 = arith.constant 1 : i32
      %dma_wait3A_101 = arith.constant 0 : i32
      %dma_wait3A_102 = arith.constant 0 : i32
      %dma_wait3A_103 = tpu.memref_slice %arg8[%dma_wait3A_100, %dma_wait3A_101, %dma_wait3A_102] : memref<3x96x128xf32, #tpu.memory_space<vmem>> -> memref<1x96x128xf32, #tpu.memory_space<vmem>>
      %dma_wait3A_104 = tpu.memref_squeeze %dma_wait3A_103 : memref<1x96x128xf32, #tpu.memory_space<vmem>> -> memref<96x128xf32, #tpu.memory_space<vmem>>
      %dma_wait3A_105 = arith.constant 0 : i32
      %dma_wait3A_106 = tpu.memref_slice %arg6[%add3A_58, %dma_wait3A_105] : memref<27x96xi32, #tpu.memory_space<vmem>> -> memref<1x96xi32, #tpu.memory_space<vmem>>
      %dma_wait3A_107 = tpu.memref_squeeze %dma_wait3A_106 : memref<1x96xi32, #tpu.memory_space<vmem>> -> memref<96xi32, #tpu.memory_space<vmem>>
      %dma_wait3A_108 = arith.constant 0 : i32
      %dma_wait3A_109 = arith.constant 0 : i32
      %dma_wait3A_110 = tpu.memref_slice %arg2[%dma_wait3A_108, %dma_wait3A_109] : memref<10240x128xf32, #tpu.memory_space<hbm>> -> memref<10240x128xf32, #tpu.memory_space<hbm>>
      tpu.wait_indirect_dma semaphore(%arg11 : memref<!tpu.dma_semaphore, #tpu.memory_space<semaphore_mem>>) src(%dma_wait3A_110 : memref<10240x128xf32, #tpu.memory_space<hbm>>) dst(%dma_wait3A_104 : memref<96x128xf32, #tpu.memory_space<vmem>>)
      %mul3A_111 = arith.constant 3 : i32
      %mul3A_112 = arith.muli %mul3A_111, %scan3A_40 : i32
      %add3A_113 = arith.constant 1 : i32
      %add3A_114 = arith.addi %mul3A_112, %add3A_113 : i32
      %run_scoped3A_115 = arith.constant 1 : i32
      "tpu.region"() ({
        %run_scoped3A_132 = tpu.sem_alloc : memref<!tpu.dma_semaphore, #tpu.memory_space<semaphore_mem>>
        %dma_start3A_133 = arith.constant 0 : i32
        %dma_start3A_134 = arith.constant 0 : i32
        %dma_start3A_135 = tpu.memref_slice %arg8[%run_scoped3A_115, %dma_start3A_133, %dma_start3A_134] : memref<3x96x128xf32, #tpu.memory_space<vmem>> -> memref<1x96x128xf32, #tpu.memory_space<vmem>>
        %dma_start3A_136 = tpu.memref_squeeze %dma_start3A_135 : memref<1x96x128xf32, #tpu.memory_space<vmem>> -> memref<96x128xf32, #tpu.memory_space<vmem>>
        %dma_start3A_137 = arith.constant 0 : i32
        %dma_start3A_138 = tpu.memref_slice %arg7[%add3A_114, %dma_start3A_137] : memref<27x96xi32, #tpu.memory_space<vmem>> -> memref<1x96xi32, #tpu.memory_space<vmem>>
        %dma_start3A_139 = tpu.memref_squeeze %dma_start3A_138 : memref<1x96xi32, #tpu.memory_space<vmem>> -> memref<96xi32, #tpu.memory_space<vmem>>
        %dma_start3A_140 = arith.constant 0 : i32
        %dma_start3A_141 = arith.constant 0 : i32
        %dma_start3A_142 = tpu.memref_slice %arg9[%dma_start3A_140, %dma_start3A_141] : memref<10240x128xf32, #tpu.memory_space<vmem_shared>> -> memref<10240x128xf32, #tpu.memory_space<vmem_shared>>
        tpu.enqueue_indirect_dma source(%dma_start3A_136 : memref<96x128xf32, #tpu.memory_space<vmem>>) target(%dma_start3A_142 : memref<10240x128xf32, #tpu.memory_space<vmem_shared>>) offsets(%dma_start3A_139 : memref<96xi32, #tpu.memory_space<vmem>>) semaphore(%run_scoped3A_132 : memref<!tpu.dma_semaphore, #tpu.memory_space<semaphore_mem>>) {add = true}
        %dma_wait3A_143 = arith.constant 0 : i32
        %dma_wait3A_144 = arith.constant 0 : i32
        %dma_wait3A_145 = tpu.memref_slice %arg8[%run_scoped3A_115, %dma_wait3A_143, %dma_wait3A_144] : memref<3x96x128xf32, #tpu.memory_space<vmem>> -> memref<1x96x128xf32, #tpu.memory_space<vmem>>
        %dma_wait3A_146 = tpu.memref_squeeze %dma_wait3A_145 : memref<1x96x128xf32, #tpu.memory_space<vmem>> -> memref<96x128xf32, #tpu.memory_space<vmem>>
        %dma_wait3A_147 = arith.constant 0 : i32
        %dma_wait3A_148 = tpu.memref_slice %arg7[%add3A_114, %dma_wait3A_147] : memref<27x96xi32, #tpu.memory_space<vmem>> -> memref<1x96xi32, #tpu.memory_space<vmem>>
        %dma_wait3A_149 = tpu.memref_squeeze %dma_wait3A_148 : memref<1x96xi32, #tpu.memory_space<vmem>> -> memref<96xi32, #tpu.memory_space<vmem>>
        %dma_wait3A_150 = arith.constant 0 : i32
        %dma_wait3A_151 = arith.constant 0 : i32
        %dma_wait3A_152 = tpu.memref_slice %arg9[%dma_wait3A_150, %dma_wait3A_151] : memref<10240x128xf32, #tpu.memory_space<vmem_shared>> -> memref<10240x128xf32, #tpu.memory_space<vmem_shared>>
        tpu.wait_indirect_dma semaphore(%run_scoped3A_132 : memref<!tpu.dma_semaphore, #tpu.memory_space<semaphore_mem>>) src(%dma_wait3A_146 : memref<96x128xf32, #tpu.memory_space<vmem>>) dst(%dma_wait3A_152 : memref<10240x128xf32, #tpu.memory_space<vmem_shared>>)
        tpu.yield
      }) : () -> ()
      %dma_wait3A_116 = arith.constant 2 : i32
      %dma_wait3A_117 = arith.constant 0 : i32
      %dma_wait3A_118 = arith.constant 0 : i32
      %dma_wait3A_119 = tpu.memref_slice %arg8[%dma_wait3A_116, %dma_wait3A_117, %dma_wait3A_118] : memref<3x96x128xf32, #tpu.memory_space<vmem>> -> memref<1x96x128xf32, #tpu.memory_space<vmem>>
      %dma_wait3A_120 = tpu.memref_squeeze %dma_wait3A_119 : memref<1x96x128xf32, #tpu.memory_space<vmem>> -> memref<96x128xf32, #tpu.memory_space<vmem>>
      %dma_wait3A_121 = arith.constant 0 : i32
      %dma_wait3A_122 = tpu.memref_slice %arg6[%add3A_73, %dma_wait3A_121] : memref<27x96xi32, #tpu.memory_space<vmem>> -> memref<1x96xi32, #tpu.memory_space<vmem>>
      %dma_wait3A_123 = tpu.memref_squeeze %dma_wait3A_122 : memref<1x96xi32, #tpu.memory_space<vmem>> -> memref<96xi32, #tpu.memory_space<vmem>>
      %dma_wait3A_124 = arith.constant 0 : i32
      %dma_wait3A_125 = arith.constant 0 : i32
      %dma_wait3A_126 = tpu.memref_slice %arg2[%dma_wait3A_124, %dma_wait3A_125] : memref<10240x128xf32, #tpu.memory_space<hbm>> -> memref<10240x128xf32, #tpu.memory_space<hbm>>
      tpu.wait_indirect_dma semaphore(%arg12 : memref<!tpu.dma_semaphore, #tpu.memory_space<semaphore_mem>>) src(%dma_wait3A_126 : memref<10240x128xf32, #tpu.memory_space<hbm>>) dst(%dma_wait3A_120 : memref<96x128xf32, #tpu.memory_space<vmem>>)
      %mul3A_127 = arith.constant 3 : i32
      %mul3A_128 = arith.muli %mul3A_127, %scan3A_40 : i32
      %add3A_129 = arith.constant 2 : i32
      %add3A_130 = arith.addi %mul3A_128, %add3A_129 : i32
      %run_scoped3A_131 = arith.constant 2 : i32
      "tpu.region"() ({
        %run_scoped3A_132 = tpu.sem_alloc : memref<!tpu.dma_semaphore, #tpu.memory_space<semaphore_mem>>
        %dma_start3A_133 = arith.constant 0 : i32
        %dma_start3A_134 = arith.constant 0 : i32
        %dma_start3A_135 = tpu.memref_slice %arg8[%run_scoped3A_131, %dma_start3A_133, %dma_start3A_134] : memref<3x96x128xf32, #tpu.memory_space<vmem>> -> memref<1x96x128xf32, #tpu.memory_space<vmem>>
        %dma_start3A_136 = tpu.memref_squeeze %dma_start3A_135 : memref<1x96x128xf32, #tpu.memory_space<vmem>> -> memref<96x128xf32, #tpu.memory_space<vmem>>
        %dma_start3A_137 = arith.constant 0 : i32
        %dma_start3A_138 = tpu.memref_slice %arg7[%add3A_130, %dma_start3A_137] : memref<27x96xi32, #tpu.memory_space<vmem>> -> memref<1x96xi32, #tpu.memory_space<vmem>>
        %dma_start3A_139 = tpu.memref_squeeze %dma_start3A_138 : memref<1x96xi32, #tpu.memory_space<vmem>> -> memref<96xi32, #tpu.memory_space<vmem>>
        %dma_start3A_140 = arith.constant 0 : i32
        %dma_start3A_141 = arith.constant 0 : i32
        %dma_start3A_142 = tpu.memref_slice %arg9[%dma_start3A_140, %dma_start3A_141] : memref<10240x128xf32, #tpu.memory_space<vmem_shared>> -> memref<10240x128xf32, #tpu.memory_space<vmem_shared>>
        tpu.enqueue_indirect_dma source(%dma_start3A_136 : memref<96x128xf32, #tpu.memory_space<vmem>>) target(%dma_start3A_142 : memref<10240x128xf32, #tpu.memory_space<vmem_shared>>) offsets(%dma_start3A_139 : memref<96xi32, #tpu.memory_space<vmem>>) semaphore(%run_scoped3A_132 : memref<!tpu.dma_semaphore, #tpu.memory_space<semaphore_mem>>) {add = true}
        %dma_wait3A_143 = arith.constant 0 : i32
        %dma_wait3A_144 = arith.constant 0 : i32
        %dma_wait3A_145 = tpu.memref_slice %arg8[%run_scoped3A_131, %dma_wait3A_143, %dma_wait3A_144] : memref<3x96x128xf32, #tpu.memory_space<vmem>> -> memref<1x96x128xf32, #tpu.memory_space<vmem>>
        %dma_wait3A_146 = tpu.memref_squeeze %dma_wait3A_145 : memref<1x96x128xf32, #tpu.memory_space<vmem>> -> memref<96x128xf32, #tpu.memory_space<vmem>>
        %dma_wait3A_147 = arith.constant 0 : i32
        %dma_wait3A_148 = tpu.memref_slice %arg7[%add3A_130, %dma_wait3A_147] : memref<27x96xi32, #tpu.memory_space<vmem>> -> memref<1x96xi32, #tpu.memory_space<vmem>>
        %dma_wait3A_149 = tpu.memref_squeeze %dma_wait3A_148 : memref<1x96xi32, #tpu.memory_space<vmem>> -> memref<96xi32, #tpu.memory_space<vmem>>
        %dma_wait3A_150 = arith.constant 0 : i32
        %dma_wait3A_151 = arith.constant 0 : i32
        %dma_wait3A_152 = tpu.memref_slice %arg9[%dma_wait3A_150, %dma_wait3A_151] : memref<10240x128xf32, #tpu.memory_space<vmem_shared>> -> memref<10240x128xf32, #tpu.memory_space<vmem_shared>>
        tpu.wait_indirect_dma semaphore(%run_scoped3A_132 : memref<!tpu.dma_semaphore, #tpu.memory_space<semaphore_mem>>) src(%dma_wait3A_146 : memref<96x128xf32, #tpu.memory_space<vmem>>) dst(%dma_wait3A_152 : memref<10240x128xf32, #tpu.memory_space<vmem_shared>>)
        tpu.yield
      }) : () -> ()
    }
    %scan3A_26 = arith.constant 9 : i32
    %run_scoped3A_27 = arith.constant 3 : i32
    "tpu.region"() ({
      %run_scoped3A_40 = tpu.sem_alloc : memref<!tpu.dma_semaphore, #tpu.memory_space<semaphore_mem>>
      %dma_start3A = arith.constant 0 : i32
      %dma_start3A_41 = arith.constant 0 : i32
      %dma_start3A_42 = tpu.memref_slice %arg3[%add3A, %run_scoped3A_27, %dma_start3A, %dma_start3A_41] : memref<32x4x27x96xi32, #tpu.memory_space<hbm>> -> memref<1x1x27x96xi32, #tpu.memory_space<hbm>>
      %dma_start3A_43 = tpu.memref_squeeze %dma_start3A_42 : memref<1x1x27x96xi32, #tpu.memory_space<hbm>> -> memref<27x96xi32, #tpu.memory_space<hbm>>
      %dma_start3A_44 = arith.constant 0 : i32
      %dma_start3A_45 = arith.constant 0 : i32
      %dma_start3A_46 = tpu.memref_slice %arg3[%add3A, %run_scoped3A_27, %dma_start3A_44, %dma_start3A_45] : memref<32x4x27x96xi32, #tpu.memory_space<hbm>> -> memref<1x1x27x96xi32, #tpu.memory_space<hbm>>
      %dma_start3A_47 = tpu.memref_squeeze %dma_start3A_46 : memref<1x1x27x96xi32, #tpu.memory_space<hbm>> -> memref<27x96xi32, #tpu.memory_space<hbm>>
      tpu.enqueue_dma source(%dma_start3A_47 : memref<27x96xi32, #tpu.memory_space<hbm>>) target(%arg6 : memref<27x96xi32, #tpu.memory_space<vmem>>) target_semaphore(%run_scoped3A_40 : memref<!tpu.dma_semaphore, #tpu.memory_space<semaphore_mem>>)
      %dma_wait3A = arith.constant 0 : i32
      %dma_wait3A_48 = arith.constant 0 : i32
      %dma_wait3A_49 = tpu.memref_slice %arg3[%add3A, %run_scoped3A_27, %dma_wait3A, %dma_wait3A_48] : memref<32x4x27x96xi32, #tpu.memory_space<hbm>> -> memref<1x1x27x96xi32, #tpu.memory_space<hbm>>
      %dma_wait3A_50 = tpu.memref_squeeze %dma_wait3A_49 : memref<1x1x27x96xi32, #tpu.memory_space<hbm>> -> memref<27x96xi32, #tpu.memory_space<hbm>>
      %dma_wait3A_51 = arith.constant 0 : i32
      %dma_wait3A_52 = arith.constant 0 : i32
      %dma_wait3A_53 = tpu.memref_slice %arg3[%add3A, %run_scoped3A_27, %dma_wait3A_51, %dma_wait3A_52] : memref<32x4x27x96xi32, #tpu.memory_space<hbm>> -> memref<1x1x27x96xi32, #tpu.memory_space<hbm>>
      %dma_wait3A_54 = tpu.memref_squeeze %dma_wait3A_53 : memref<1x1x27x96xi32, #tpu.memory_space<hbm>> -> memref<27x96xi32, #tpu.memory_space<hbm>>
      tpu.wait_dma2 semaphore(%run_scoped3A_40 : memref<!tpu.dma_semaphore, #tpu.memory_space<semaphore_mem>>) src(%dma_wait3A_54 : memref<27x96xi32, #tpu.memory_space<hbm>>) dst(%arg6 : memref<27x96xi32, #tpu.memory_space<vmem>>)
      tpu.yield
    }) : () -> ()
    %run_scoped3A_28 = arith.constant 3 : i32
    "tpu.region"() ({
      %run_scoped3A_40 = tpu.sem_alloc : memref<!tpu.dma_semaphore, #tpu.memory_space<semaphore_mem>>
      %dma_start3A = arith.constant 0 : i32
      %dma_start3A_41 = arith.constant 0 : i32
      %dma_start3A_42 = tpu.memref_slice %arg4[%add3A, %run_scoped3A_28, %dma_start3A, %dma_start3A_41] : memref<32x4x27x96xi32, #tpu.memory_space<hbm>> -> memref<1x1x27x96xi32, #tpu.memory_space<hbm>>
      %dma_start3A_43 = tpu.memref_squeeze %dma_start3A_42 : memref<1x1x27x96xi32, #tpu.memory_space<hbm>> -> memref<27x96xi32, #tpu.memory_space<hbm>>
      %dma_start3A_44 = arith.constant 0 : i32
      %dma_start3A_45 = arith.constant 0 : i32
      %dma_start3A_46 = tpu.memref_slice %arg4[%add3A, %run_scoped3A_28, %dma_start3A_44, %dma_start3A_45] : memref<32x4x27x96xi32, #tpu.memory_space<hbm>> -> memref<1x1x27x96xi32, #tpu.memory_space<hbm>>
      %dma_start3A_47 = tpu.memref_squeeze %dma_start3A_46 : memref<1x1x27x96xi32, #tpu.memory_space<hbm>> -> memref<27x96xi32, #tpu.memory_space<hbm>>
      tpu.enqueue_dma source(%dma_start3A_47 : memref<27x96xi32, #tpu.memory_space<hbm>>) target(%arg7 : memref<27x96xi32, #tpu.memory_space<vmem>>) target_semaphore(%run_scoped3A_40 : memref<!tpu.dma_semaphore, #tpu.memory_space<semaphore_mem>>)
      %dma_wait3A = arith.constant 0 : i32
      %dma_wait3A_48 = arith.constant 0 : i32
      %dma_wait3A_49 = tpu.memref_slice %arg4[%add3A, %run_scoped3A_28, %dma_wait3A, %dma_wait3A_48] : memref<32x4x27x96xi32, #tpu.memory_space<hbm>> -> memref<1x1x27x96xi32, #tpu.memory_space<hbm>>
      %dma_wait3A_50 = tpu.memref_squeeze %dma_wait3A_49 : memref<1x1x27x96xi32, #tpu.memory_space<hbm>> -> memref<27x96xi32, #tpu.memory_space<hbm>>
      %dma_wait3A_51 = arith.constant 0 : i32
      %dma_wait3A_52 = arith.constant 0 : i32
      %dma_wait3A_53 = tpu.memref_slice %arg4[%add3A, %run_scoped3A_28, %dma_wait3A_51, %dma_wait3A_52] : memref<32x4x27x96xi32, #tpu.memory_space<hbm>> -> memref<1x1x27x96xi32, #tpu.memory_space<hbm>>
      %dma_wait3A_54 = tpu.memref_squeeze %dma_wait3A_53 : memref<1x1x27x96xi32, #tpu.memory_space<hbm>> -> memref<27x96xi32, #tpu.memory_space<hbm>>
      tpu.wait_dma2 semaphore(%run_scoped3A_40 : memref<!tpu.dma_semaphore, #tpu.memory_space<semaphore_mem>>) src(%dma_wait3A_54 : memref<27x96xi32, #tpu.memory_space<hbm>>) dst(%arg7 : memref<27x96xi32, #tpu.memory_space<vmem>>)
      tpu.yield
    }) : () -> ()
    %scan3A_29 = arith.constant 0 : i32
    %scan3A_30 = arith.constant 0 : i32
    %scan3A_31 = arith.constant 9 : i32
    %scan3A_32 = arith.addi %scan3A_30, %scan3A_31 : i32
    %scan3A_33 = arith.constant 1 : i32
    scf.for %scan3A_40 = %scan3A_30 to %scan3A_32 step %scan3A_33  : i32 {
      %mul3A_41 = arith.constant 3 : i32
      %mul3A_42 = arith.muli %mul3A_41, %scan3A_40 : i32
      %add3A_43 = arith.constant 0 : i32
      %add3A_44 = arith.addi %mul3A_42, %add3A_43 : i32
      %dma_start3A = arith.constant 0 : i32
      %dma_start3A_45 = arith.constant 0 : i32
      %dma_start3A_46 = arith.constant 0 : i32
      %dma_start3A_47 = tpu.memref_slice %arg8[%dma_start3A, %dma_start3A_45, %dma_start3A_46] : memref<3x96x128xf32, #tpu.memory_space<vmem>> -> memref<1x96x128xf32, #tpu.memory_space<vmem>>
      %dma_start3A_48 = tpu.memref_squeeze %dma_start3A_47 : memref<1x96x128xf32, #tpu.memory_space<vmem>> -> memref<96x128xf32, #tpu.memory_space<vmem>>
      %dma_start3A_49 = arith.constant 0 : i32
      %dma_start3A_50 = tpu.memref_slice %arg6[%add3A_44, %dma_start3A_49] : memref<27x96xi32, #tpu.memory_space<vmem>> -> memref<1x96xi32, #tpu.memory_space<vmem>>
      %dma_start3A_51 = tpu.memref_squeeze %dma_start3A_50 : memref<1x96xi32, #tpu.memory_space<vmem>> -> memref<96xi32, #tpu.memory_space<vmem>>
      %dma_start3A_52 = arith.constant 0 : i32
      %dma_start3A_53 = arith.constant 0 : i32
      %dma_start3A_54 = tpu.memref_slice %arg2[%dma_start3A_52, %dma_start3A_53] : memref<10240x128xf32, #tpu.memory_space<hbm>> -> memref<10240x128xf32, #tpu.memory_space<hbm>>
      tpu.enqueue_indirect_dma source(%dma_start3A_54 : memref<10240x128xf32, #tpu.memory_space<hbm>>) target(%dma_start3A_48 : memref<96x128xf32, #tpu.memory_space<vmem>>) offsets(%dma_start3A_51 : memref<96xi32, #tpu.memory_space<vmem>>) semaphore(%arg10 : memref<!tpu.dma_semaphore, #tpu.memory_space<semaphore_mem>>)
      %mul3A_55 = arith.constant 3 : i32
      %mul3A_56 = arith.muli %mul3A_55, %scan3A_40 : i32
      %add3A_57 = arith.constant 1 : i32
      %add3A_58 = arith.addi %mul3A_56, %add3A_57 : i32
      %dma_start3A_59 = arith.constant 1 : i32
      %dma_start3A_60 = arith.constant 0 : i32
      %dma_start3A_61 = arith.constant 0 : i32
      %dma_start3A_62 = tpu.memref_slice %arg8[%dma_start3A_59, %dma_start3A_60, %dma_start3A_61] : memref<3x96x128xf32, #tpu.memory_space<vmem>> -> memref<1x96x128xf32, #tpu.memory_space<vmem>>
      %dma_start3A_63 = tpu.memref_squeeze %dma_start3A_62 : memref<1x96x128xf32, #tpu.memory_space<vmem>> -> memref<96x128xf32, #tpu.memory_space<vmem>>
      %dma_start3A_64 = arith.constant 0 : i32
      %dma_start3A_65 = tpu.memref_slice %arg6[%add3A_58, %dma_start3A_64] : memref<27x96xi32, #tpu.memory_space<vmem>> -> memref<1x96xi32, #tpu.memory_space<vmem>>
      %dma_start3A_66 = tpu.memref_squeeze %dma_start3A_65 : memref<1x96xi32, #tpu.memory_space<vmem>> -> memref<96xi32, #tpu.memory_space<vmem>>
      %dma_start3A_67 = arith.constant 0 : i32
      %dma_start3A_68 = arith.constant 0 : i32
      %dma_start3A_69 = tpu.memref_slice %arg2[%dma_start3A_67, %dma_start3A_68] : memref<10240x128xf32, #tpu.memory_space<hbm>> -> memref<10240x128xf32, #tpu.memory_space<hbm>>
      tpu.enqueue_indirect_dma source(%dma_start3A_69 : memref<10240x128xf32, #tpu.memory_space<hbm>>) target(%dma_start3A_63 : memref<96x128xf32, #tpu.memory_space<vmem>>) offsets(%dma_start3A_66 : memref<96xi32, #tpu.memory_space<vmem>>) semaphore(%arg11 : memref<!tpu.dma_semaphore, #tpu.memory_space<semaphore_mem>>)
      %mul3A_70 = arith.constant 3 : i32
      %mul3A_71 = arith.muli %mul3A_70, %scan3A_40 : i32
      %add3A_72 = arith.constant 2 : i32
      %add3A_73 = arith.addi %mul3A_71, %add3A_72 : i32
      %dma_start3A_74 = arith.constant 2 : i32
      %dma_start3A_75 = arith.constant 0 : i32
      %dma_start3A_76 = arith.constant 0 : i32
      %dma_start3A_77 = tpu.memref_slice %arg8[%dma_start3A_74, %dma_start3A_75, %dma_start3A_76] : memref<3x96x128xf32, #tpu.memory_space<vmem>> -> memref<1x96x128xf32, #tpu.memory_space<vmem>>
      %dma_start3A_78 = tpu.memref_squeeze %dma_start3A_77 : memref<1x96x128xf32, #tpu.memory_space<vmem>> -> memref<96x128xf32, #tpu.memory_space<vmem>>
      %dma_start3A_79 = arith.constant 0 : i32
      %dma_start3A_80 = tpu.memref_slice %arg6[%add3A_73, %dma_start3A_79] : memref<27x96xi32, #tpu.memory_space<vmem>> -> memref<1x96xi32, #tpu.memory_space<vmem>>
      %dma_start3A_81 = tpu.memref_squeeze %dma_start3A_80 : memref<1x96xi32, #tpu.memory_space<vmem>> -> memref<96xi32, #tpu.memory_space<vmem>>
      %dma_start3A_82 = arith.constant 0 : i32
      %dma_start3A_83 = arith.constant 0 : i32
      %dma_start3A_84 = tpu.memref_slice %arg2[%dma_start3A_82, %dma_start3A_83] : memref<10240x128xf32, #tpu.memory_space<hbm>> -> memref<10240x128xf32, #tpu.memory_space<hbm>>
      tpu.enqueue_indirect_dma source(%dma_start3A_84 : memref<10240x128xf32, #tpu.memory_space<hbm>>) target(%dma_start3A_78 : memref<96x128xf32, #tpu.memory_space<vmem>>) offsets(%dma_start3A_81 : memref<96xi32, #tpu.memory_space<vmem>>) semaphore(%arg12 : memref<!tpu.dma_semaphore, #tpu.memory_space<semaphore_mem>>)
      %dma_wait3A = arith.constant 0 : i32
      %dma_wait3A_85 = arith.constant 0 : i32
      %dma_wait3A_86 = arith.constant 0 : i32
      %dma_wait3A_87 = tpu.memref_slice %arg8[%dma_wait3A, %dma_wait3A_85, %dma_wait3A_86] : memref<3x96x128xf32, #tpu.memory_space<vmem>> -> memref<1x96x128xf32, #tpu.memory_space<vmem>>
      %dma_wait3A_88 = tpu.memref_squeeze %dma_wait3A_87 : memref<1x96x128xf32, #tpu.memory_space<vmem>> -> memref<96x128xf32, #tpu.memory_space<vmem>>
      %dma_wait3A_89 = arith.constant 0 : i32
      %dma_wait3A_90 = tpu.memref_slice %arg6[%add3A_44, %dma_wait3A_89] : memref<27x96xi32, #tpu.memory_space<vmem>> -> memref<1x96xi32, #tpu.memory_space<vmem>>
      %dma_wait3A_91 = tpu.memref_squeeze %dma_wait3A_90 : memref<1x96xi32, #tpu.memory_space<vmem>> -> memref<96xi32, #tpu.memory_space<vmem>>
      %dma_wait3A_92 = arith.constant 0 : i32
      %dma_wait3A_93 = arith.constant 0 : i32
      %dma_wait3A_94 = tpu.memref_slice %arg2[%dma_wait3A_92, %dma_wait3A_93] : memref<10240x128xf32, #tpu.memory_space<hbm>> -> memref<10240x128xf32, #tpu.memory_space<hbm>>
      tpu.wait_indirect_dma semaphore(%arg10 : memref<!tpu.dma_semaphore, #tpu.memory_space<semaphore_mem>>) src(%dma_wait3A_94 : memref<10240x128xf32, #tpu.memory_space<hbm>>) dst(%dma_wait3A_88 : memref<96x128xf32, #tpu.memory_space<vmem>>)
      %mul3A_95 = arith.constant 3 : i32
      %mul3A_96 = arith.muli %mul3A_95, %scan3A_40 : i32
      %add3A_97 = arith.constant 0 : i32
      %add3A_98 = arith.addi %mul3A_96, %add3A_97 : i32
      %run_scoped3A_99 = arith.constant 0 : i32
      "tpu.region"() ({
        %run_scoped3A_132 = tpu.sem_alloc : memref<!tpu.dma_semaphore, #tpu.memory_space<semaphore_mem>>
        %dma_start3A_133 = arith.constant 0 : i32
        %dma_start3A_134 = arith.constant 0 : i32
        %dma_start3A_135 = tpu.memref_slice %arg8[%run_scoped3A_99, %dma_start3A_133, %dma_start3A_134] : memref<3x96x128xf32, #tpu.memory_space<vmem>> -> memref<1x96x128xf32, #tpu.memory_space<vmem>>
        %dma_start3A_136 = tpu.memref_squeeze %dma_start3A_135 : memref<1x96x128xf32, #tpu.memory_space<vmem>> -> memref<96x128xf32, #tpu.memory_space<vmem>>
        %dma_start3A_137 = arith.constant 0 : i32
        %dma_start3A_138 = tpu.memref_slice %arg7[%add3A_98, %dma_start3A_137] : memref<27x96xi32, #tpu.memory_space<vmem>> -> memref<1x96xi32, #tpu.memory_space<vmem>>
        %dma_start3A_139 = tpu.memref_squeeze %dma_start3A_138 : memref<1x96xi32, #tpu.memory_space<vmem>> -> memref<96xi32, #tpu.memory_space<vmem>>
        %dma_start3A_140 = arith.constant 0 : i32
        %dma_start3A_141 = arith.constant 0 : i32
        %dma_start3A_142 = tpu.memref_slice %arg9[%dma_start3A_140, %dma_start3A_141] : memref<10240x128xf32, #tpu.memory_space<vmem_shared>> -> memref<10240x128xf32, #tpu.memory_space<vmem_shared>>
        tpu.enqueue_indirect_dma source(%dma_start3A_136 : memref<96x128xf32, #tpu.memory_space<vmem>>) target(%dma_start3A_142 : memref<10240x128xf32, #tpu.memory_space<vmem_shared>>) offsets(%dma_start3A_139 : memref<96xi32, #tpu.memory_space<vmem>>) semaphore(%run_scoped3A_132 : memref<!tpu.dma_semaphore, #tpu.memory_space<semaphore_mem>>) {add = true}
        %dma_wait3A_143 = arith.constant 0 : i32
        %dma_wait3A_144 = arith.constant 0 : i32
        %dma_wait3A_145 = tpu.memref_slice %arg8[%run_scoped3A_99, %dma_wait3A_143, %dma_wait3A_144] : memref<3x96x128xf32, #tpu.memory_space<vmem>> -> memref<1x96x128xf32, #tpu.memory_space<vmem>>
        %dma_wait3A_146 = tpu.memref_squeeze %dma_wait3A_145 : memref<1x96x128xf32, #tpu.memory_space<vmem>> -> memref<96x128xf32, #tpu.memory_space<vmem>>
        %dma_wait3A_147 = arith.constant 0 : i32
        %dma_wait3A_148 = tpu.memref_slice %arg7[%add3A_98, %dma_wait3A_147] : memref<27x96xi32, #tpu.memory_space<vmem>> -> memref<1x96xi32, #tpu.memory_space<vmem>>
        %dma_wait3A_149 = tpu.memref_squeeze %dma_wait3A_148 : memref<1x96xi32, #tpu.memory_space<vmem>> -> memref<96xi32, #tpu.memory_space<vmem>>
        %dma_wait3A_150 = arith.constant 0 : i32
        %dma_wait3A_151 = arith.constant 0 : i32
        %dma_wait3A_152 = tpu.memref_slice %arg9[%dma_wait3A_150, %dma_wait3A_151] : memref<10240x128xf32, #tpu.memory_space<vmem_shared>> -> memref<10240x128xf32, #tpu.memory_space<vmem_shared>>
        tpu.wait_indirect_dma semaphore(%run_scoped3A_132 : memref<!tpu.dma_semaphore, #tpu.memory_space<semaphore_mem>>) src(%dma_wait3A_146 : memref<96x128xf32, #tpu.memory_space<vmem>>) dst(%dma_wait3A_152 : memref<10240x128xf32, #tpu.memory_space<vmem_shared>>)
        tpu.yield
      }) : () -> ()
      %dma_wait3A_100 = arith.constant 1 : i32
      %dma_wait3A_101 = arith.constant 0 : i32
      %dma_wait3A_102 = arith.constant 0 : i32
      %dma_wait3A_103 = tpu.memref_slice %arg8[%dma_wait3A_100, %dma_wait3A_101, %dma_wait3A_102] : memref<3x96x128xf32, #tpu.memory_space<vmem>> -> memref<1x96x128xf32, #tpu.memory_space<vmem>>
      %dma_wait3A_104 = tpu.memref_squeeze %dma_wait3A_103 : memref<1x96x128xf32, #tpu.memory_space<vmem>> -> memref<96x128xf32, #tpu.memory_space<vmem>>
      %dma_wait3A_105 = arith.constant 0 : i32
      %dma_wait3A_106 = tpu.memref_slice %arg6[%add3A_58, %dma_wait3A_105] : memref<27x96xi32, #tpu.memory_space<vmem>> -> memref<1x96xi32, #tpu.memory_space<vmem>>
      %dma_wait3A_107 = tpu.memref_squeeze %dma_wait3A_106 : memref<1x96xi32, #tpu.memory_space<vmem>> -> memref<96xi32, #tpu.memory_space<vmem>>
      %dma_wait3A_108 = arith.constant 0 : i32
      %dma_wait3A_109 = arith.constant 0 : i32
      %dma_wait3A_110 = tpu.memref_slice %arg2[%dma_wait3A_108, %dma_wait3A_109] : memref<10240x128xf32, #tpu.memory_space<hbm>> -> memref<10240x128xf32, #tpu.memory_space<hbm>>
      tpu.wait_indirect_dma semaphore(%arg11 : memref<!tpu.dma_semaphore, #tpu.memory_space<semaphore_mem>>) src(%dma_wait3A_110 : memref<10240x128xf32, #tpu.memory_space<hbm>>) dst(%dma_wait3A_104 : memref<96x128xf32, #tpu.memory_space<vmem>>)
      %mul3A_111 = arith.constant 3 : i32
      %mul3A_112 = arith.muli %mul3A_111, %scan3A_40 : i32
      %add3A_113 = arith.constant 1 : i32
      %add3A_114 = arith.addi %mul3A_112, %add3A_113 : i32
      %run_scoped3A_115 = arith.constant 1 : i32
      "tpu.region"() ({
        %run_scoped3A_132 = tpu.sem_alloc : memref<!tpu.dma_semaphore, #tpu.memory_space<semaphore_mem>>
        %dma_start3A_133 = arith.constant 0 : i32
        %dma_start3A_134 = arith.constant 0 : i32
        %dma_start3A_135 = tpu.memref_slice %arg8[%run_scoped3A_115, %dma_start3A_133, %dma_start3A_134] : memref<3x96x128xf32, #tpu.memory_space<vmem>> -> memref<1x96x128xf32, #tpu.memory_space<vmem>>
        %dma_start3A_136 = tpu.memref_squeeze %dma_start3A_135 : memref<1x96x128xf32, #tpu.memory_space<vmem>> -> memref<96x128xf32, #tpu.memory_space<vmem>>
        %dma_start3A_137 = arith.constant 0 : i32
        %dma_start3A_138 = tpu.memref_slice %arg7[%add3A_114, %dma_start3A_137] : memref<27x96xi32, #tpu.memory_space<vmem>> -> memref<1x96xi32, #tpu.memory_space<vmem>>
        %dma_start3A_139 = tpu.memref_squeeze %dma_start3A_138 : memref<1x96xi32, #tpu.memory_space<vmem>> -> memref<96xi32, #tpu.memory_space<vmem>>
        %dma_start3A_140 = arith.constant 0 : i32
        %dma_start3A_141 = arith.constant 0 : i32
        %dma_start3A_142 = tpu.memref_slice %arg9[%dma_start3A_140, %dma_start3A_141] : memref<10240x128xf32, #tpu.memory_space<vmem_shared>> -> memref<10240x128xf32, #tpu.memory_space<vmem_shared>>
        tpu.enqueue_indirect_dma source(%dma_start3A_136 : memref<96x128xf32, #tpu.memory_space<vmem>>) target(%dma_start3A_142 : memref<10240x128xf32, #tpu.memory_space<vmem_shared>>) offsets(%dma_start3A_139 : memref<96xi32, #tpu.memory_space<vmem>>) semaphore(%run_scoped3A_132 : memref<!tpu.dma_semaphore, #tpu.memory_space<semaphore_mem>>) {add = true}
        %dma_wait3A_143 = arith.constant 0 : i32
        %dma_wait3A_144 = arith.constant 0 : i32
        %dma_wait3A_145 = tpu.memref_slice %arg8[%run_scoped3A_115, %dma_wait3A_143, %dma_wait3A_144] : memref<3x96x128xf32, #tpu.memory_space<vmem>> -> memref<1x96x128xf32, #tpu.memory_space<vmem>>
        %dma_wait3A_146 = tpu.memref_squeeze %dma_wait3A_145 : memref<1x96x128xf32, #tpu.memory_space<vmem>> -> memref<96x128xf32, #tpu.memory_space<vmem>>
        %dma_wait3A_147 = arith.constant 0 : i32
        %dma_wait3A_148 = tpu.memref_slice %arg7[%add3A_114, %dma_wait3A_147] : memref<27x96xi32, #tpu.memory_space<vmem>> -> memref<1x96xi32, #tpu.memory_space<vmem>>
        %dma_wait3A_149 = tpu.memref_squeeze %dma_wait3A_148 : memref<1x96xi32, #tpu.memory_space<vmem>> -> memref<96xi32, #tpu.memory_space<vmem>>
        %dma_wait3A_150 = arith.constant 0 : i32
        %dma_wait3A_151 = arith.constant 0 : i32
        %dma_wait3A_152 = tpu.memref_slice %arg9[%dma_wait3A_150, %dma_wait3A_151] : memref<10240x128xf32, #tpu.memory_space<vmem_shared>> -> memref<10240x128xf32, #tpu.memory_space<vmem_shared>>
        tpu.wait_indirect_dma semaphore(%run_scoped3A_132 : memref<!tpu.dma_semaphore, #tpu.memory_space<semaphore_mem>>) src(%dma_wait3A_146 : memref<96x128xf32, #tpu.memory_space<vmem>>) dst(%dma_wait3A_152 : memref<10240x128xf32, #tpu.memory_space<vmem_shared>>)
        tpu.yield
      }) : () -> ()
      %dma_wait3A_116 = arith.constant 2 : i32
      %dma_wait3A_117 = arith.constant 0 : i32
      %dma_wait3A_118 = arith.constant 0 : i32
      %dma_wait3A_119 = tpu.memref_slice %arg8[%dma_wait3A_116, %dma_wait3A_117, %dma_wait3A_118] : memref<3x96x128xf32, #tpu.memory_space<vmem>> -> memref<1x96x128xf32, #tpu.memory_space<vmem>>
      %dma_wait3A_120 = tpu.memref_squeeze %dma_wait3A_119 : memref<1x96x128xf32, #tpu.memory_space<vmem>> -> memref<96x128xf32, #tpu.memory_space<vmem>>
      %dma_wait3A_121 = arith.constant 0 : i32
      %dma_wait3A_122 = tpu.memref_slice %arg6[%add3A_73, %dma_wait3A_121] : memref<27x96xi32, #tpu.memory_space<vmem>> -> memref<1x96xi32, #tpu.memory_space<vmem>>
      %dma_wait3A_123 = tpu.memref_squeeze %dma_wait3A_122 : memref<1x96xi32, #tpu.memory_space<vmem>> -> memref<96xi32, #tpu.memory_space<vmem>>
      %dma_wait3A_124 = arith.constant 0 : i32
      %dma_wait3A_125 = arith.constant 0 : i32
      %dma_wait3A_126 = tpu.memref_slice %arg2[%dma_wait3A_124, %dma_wait3A_125] : memref<10240x128xf32, #tpu.memory_space<hbm>> -> memref<10240x128xf32, #tpu.memory_space<hbm>>
      tpu.wait_indirect_dma semaphore(%arg12 : memref<!tpu.dma_semaphore, #tpu.memory_space<semaphore_mem>>) src(%dma_wait3A_126 : memref<10240x128xf32, #tpu.memory_space<hbm>>) dst(%dma_wait3A_120 : memref<96x128xf32, #tpu.memory_space<vmem>>)
      %mul3A_127 = arith.constant 3 : i32
      %mul3A_128 = arith.muli %mul3A_127, %scan3A_40 : i32
      %add3A_129 = arith.constant 2 : i32
      %add3A_130 = arith.addi %mul3A_128, %add3A_129 : i32
      %run_scoped3A_131 = arith.constant 2 : i32
      "tpu.region"() ({
        %run_scoped3A_132 = tpu.sem_alloc : memref<!tpu.dma_semaphore, #tpu.memory_space<semaphore_mem>>
        %dma_start3A_133 = arith.constant 0 : i32
        %dma_start3A_134 = arith.constant 0 : i32
        %dma_start3A_135 = tpu.memref_slice %arg8[%run_scoped3A_131, %dma_start3A_133, %dma_start3A_134] : memref<3x96x128xf32, #tpu.memory_space<vmem>> -> memref<1x96x128xf32, #tpu.memory_space<vmem>>
        %dma_start3A_136 = tpu.memref_squeeze %dma_start3A_135 : memref<1x96x128xf32, #tpu.memory_space<vmem>> -> memref<96x128xf32, #tpu.memory_space<vmem>>
        %dma_start3A_137 = arith.constant 0 : i32
        %dma_start3A_138 = tpu.memref_slice %arg7[%add3A_130, %dma_start3A_137] : memref<27x96xi32, #tpu.memory_space<vmem>> -> memref<1x96xi32, #tpu.memory_space<vmem>>
        %dma_start3A_139 = tpu.memref_squeeze %dma_start3A_138 : memref<1x96xi32, #tpu.memory_space<vmem>> -> memref<96xi32, #tpu.memory_space<vmem>>
        %dma_start3A_140 = arith.constant 0 : i32
        %dma_start3A_141 = arith.constant 0 : i32
        %dma_start3A_142 = tpu.memref_slice %arg9[%dma_start3A_140, %dma_start3A_141] : memref<10240x128xf32, #tpu.memory_space<vmem_shared>> -> memref<10240x128xf32, #tpu.memory_space<vmem_shared>>
        tpu.enqueue_indirect_dma source(%dma_start3A_136 : memref<96x128xf32, #tpu.memory_space<vmem>>) target(%dma_start3A_142 : memref<10240x128xf32, #tpu.memory_space<vmem_shared>>) offsets(%dma_start3A_139 : memref<96xi32, #tpu.memory_space<vmem>>) semaphore(%run_scoped3A_132 : memref<!tpu.dma_semaphore, #tpu.memory_space<semaphore_mem>>) {add = true}
        %dma_wait3A_143 = arith.constant 0 : i32
        %dma_wait3A_144 = arith.constant 0 : i32
        %dma_wait3A_145 = tpu.memref_slice %arg8[%run_scoped3A_131, %dma_wait3A_143, %dma_wait3A_144] : memref<3x96x128xf32, #tpu.memory_space<vmem>> -> memref<1x96x128xf32, #tpu.memory_space<vmem>>
        %dma_wait3A_146 = tpu.memref_squeeze %dma_wait3A_145 : memref<1x96x128xf32, #tpu.memory_space<vmem>> -> memref<96x128xf32, #tpu.memory_space<vmem>>
        %dma_wait3A_147 = arith.constant 0 : i32
        %dma_wait3A_148 = tpu.memref_slice %arg7[%add3A_130, %dma_wait3A_147] : memref<27x96xi32, #tpu.memory_space<vmem>> -> memref<1x96xi32, #tpu.memory_space<vmem>>
        %dma_wait3A_149 = tpu.memref_squeeze %dma_wait3A_148 : memref<1x96xi32, #tpu.memory_space<vmem>> -> memref<96xi32, #tpu.memory_space<vmem>>
        %dma_wait3A_150 = arith.constant 0 : i32
        %dma_wait3A_151 = arith.constant 0 : i32
        %dma_wait3A_152 = tpu.memref_slice %arg9[%dma_wait3A_150, %dma_wait3A_151] : memref<10240x128xf32, #tpu.memory_space<vmem_shared>> -> memref<10240x128xf32, #tpu.memory_space<vmem_shared>>
        tpu.wait_indirect_dma semaphore(%run_scoped3A_132 : memref<!tpu.dma_semaphore, #tpu.memory_space<semaphore_mem>>) src(%dma_wait3A_146 : memref<96x128xf32, #tpu.memory_space<vmem>>) dst(%dma_wait3A_152 : memref<10240x128xf32, #tpu.memory_space<vmem_shared>>)
        tpu.yield
      }) : () -> ()
    }
    %scan3A_34 = arith.constant 9 : i32
    %barrier3A_35 = arith.constant 0 : index
    tpu.barrier barrier_id(%barrier3A_35)
    %mul3A_36 = arith.constant 640 : i32
    %mul3A_37 = arith.muli %arg1, %mul3A_36 : i32
    %mul3A_38 = arith.constant 640 : i32
    %mul3A_39 = arith.muli %arg1, %mul3A_38 : i32
    "tpu.region"() ({
      %run_scoped3A_40 = tpu.sem_alloc : memref<!tpu.dma_semaphore, #tpu.memory_space<semaphore_mem>>
      %dma_start3A = arith.constant 0 : i32
      %dma_start3A_41 = tpu.memref_slice %arg5[%arg0, %mul3A_39, %dma_start3A] : memref<2x10240x128xf32, #tpu.memory_space<hbm>> -> memref<1x640x128xf32, #tpu.memory_space<hbm>>
      %dma_start3A_42 = tpu.memref_squeeze %dma_start3A_41 : memref<1x640x128xf32, #tpu.memory_space<hbm>> -> memref<640x128xf32, #tpu.memory_space<hbm>>
      %dma_start3A_43 = arith.constant 0 : i32
      %dma_start3A_44 = tpu.memref_slice %arg9[%mul3A_37, %dma_start3A_43] : memref<10240x128xf32, #tpu.memory_space<vmem_shared>> -> memref<640x128xf32, #tpu.memory_space<vmem_shared>>
      tpu.enqueue_dma source(%dma_start3A_44 : memref<640x128xf32, #tpu.memory_space<vmem_shared>>) target(%dma_start3A_42 : memref<640x128xf32, #tpu.memory_space<hbm>>) target_semaphore(%run_scoped3A_40 : memref<!tpu.dma_semaphore, #tpu.memory_space<semaphore_mem>>)
      %dma_wait3A = arith.constant 0 : i32
      %dma_wait3A_45 = tpu.memref_slice %arg5[%arg0, %mul3A_39, %dma_wait3A] : memref<2x10240x128xf32, #tpu.memory_space<hbm>> -> memref<1x640x128xf32, #tpu.memory_space<hbm>>
      %dma_wait3A_46 = tpu.memref_squeeze %dma_wait3A_45 : memref<1x640x128xf32, #tpu.memory_space<hbm>> -> memref<640x128xf32, #tpu.memory_space<hbm>>
      %dma_wait3A_47 = arith.constant 0 : i32
      %dma_wait3A_48 = tpu.memref_slice %arg9[%mul3A_37, %dma_wait3A_47] : memref<10240x128xf32, #tpu.memory_space<vmem_shared>> -> memref<640x128xf32, #tpu.memory_space<vmem_shared>>
      tpu.wait_dma2 semaphore(%run_scoped3A_40 : memref<!tpu.dma_semaphore, #tpu.memory_space<semaphore_mem>>) src(%dma_wait3A_48 : memref<640x128xf32, #tpu.memory_space<vmem_shared>>) dst(%dma_wait3A_46 : memref<640x128xf32, #tpu.memory_space<hbm>>)
      tpu.yield
    }) : () -> ()
    return
  }
}

module attributes {stable_mosaic.version = 14 : i64} {
  func.func @_mm_body(%arg0: i32, %arg1: memref<1024x128xf32, #tpu.memory_space<vmem>>, %arg2: memref<32x1024xf32, #tpu.memory_space<vmem>>, %arg3: memref<128x128xf32, #tpu.memory_space<vmem>>, %arg4: memref<1024x128xf32, #tpu.memory_space<vmem>>) attributes {dimension_semantics = [#tpu.dimension_semantics<arbitrary>], iteration_bounds = array<i64: 10>, scalar_prefetch = 0 : i64, scratch_operands = 0 : i64, tpu.core_type = #tpu.core_type<tc>, window_params = [{transform_indices = @transform_0, window_bounds = array<i64: 1024, 128>}, {transform_indices = @transform_1, window_bounds = array<i64: 32, 1024>}, {pipeline_mode = #tpu.pipeline_mode<synchronous>, transform_indices = @transform_2, window_bounds = array<i64: 128, 128>}, {transform_indices = @transform_3, window_bounds = array<i64: 1024, 128>}]} {
    %get3A = arith.constant 0 : index
    %get3A_0 = arith.constant 0 : index
    %get3A_1 = vector.load %arg2[%get3A, %get3A_0] : memref<32x1024xf32, #tpu.memory_space<vmem>>, vector<32x1024xf32>
    %reduce_sum3A = arith.constant dense<0.000000e+00> : vector<1024xf32>
    %reduce_sum3A_2 = vector.multi_reduction <add>, %get3A_1, %reduce_sum3A [0] : vector<32x1024xf32> to vector<1024xf32>
    %add3A = arith.constant 1.000000e+00 : f32
    %add3A_3 = vector.broadcast %add3A : f32 to vector<1024xf32>
    %add3A_4 = arith.addf %reduce_sum3A_2, %add3A_3 : vector<1024xf32>
    %rsqrt3A = math.rsqrt %add3A_4 : vector<1024xf32>
    %get3A_5 = arith.constant 0 : index
    %get3A_6 = arith.constant 0 : index
    %get3A_7 = vector.load %arg1[%get3A_5, %get3A_6] : memref<1024x128xf32, #tpu.memory_space<vmem>>, vector<1024x128xf32>
    %broadcast_in_dim3A = vector.shape_cast %rsqrt3A : vector<1024xf32> to vector<1024x1xf32>
    %mul3A = vector.broadcast %broadcast_in_dim3A : vector<1024x1xf32> to vector<1024x128xf32>
    %mul3A_8 = arith.mulf %get3A_7, %mul3A : vector<1024x128xf32>
    %get3A_9 = arith.constant 0 : index
    %get3A_10 = arith.constant 0 : index
    %get3A_11 = vector.load %arg3[%get3A_9, %get3A_10] : memref<128x128xf32, #tpu.memory_space<vmem>>, vector<128x128xf32>
    %dot_general3A = arith.constant dense<0.000000e+00> : vector<1024x128xf32>
    %dot_general3A_12 = tpu.matmul %mul3A_8, %get3A_11, %dot_general3A {dimension_numbers = #tpu.dot_dimension_numbers<[1], [0], [0], [1], [0, 0, 1, 1], [], []>, transpose_lhs_hint = false} : vector<1024x128xf32>, vector<128x128xf32>, vector<1024x128xf32> -> vector<1024x128xf32>
    %swap3A = arith.constant 0 : index
    %swap3A_13 = arith.constant 0 : index
    %swap3A_14 = vector.load %arg4[%swap3A, %swap3A_13] : memref<1024x128xf32, #tpu.memory_space<vmem>>, vector<1024x128xf32>
    tpu.vector_store %arg4[%swap3A, %swap3A_13], %dot_general3A_12 {strides = array<i32>} : memref<1024x128xf32, #tpu.memory_space<vmem>>, vector<1024x128xf32>,
    return
  }
  func.func @transform_0(%arg0: i32) -> (i32, i32) {
    %c0_i32 = arith.constant 0 : i32
    %c0_i32_0 = arith.constant 0 : i32
    return %arg0, %c0_i32 : i32, i32
  }
  func.func @transform_1(%arg0: i32) -> (i32, i32) {
    %c0_i32 = arith.constant 0 : i32
    %c0_i32_0 = arith.constant 0 : i32
    return %c0_i32, %arg0 : i32, i32
  }
  func.func @transform_2(%arg0: i32) -> (i32, i32) {
    %c0_i32 = arith.constant 0 : i32
    %c0_i32_0 = arith.constant 0 : i32
    %c0_i32_1 = arith.constant 0 : i32
    return %c0_i32, %c0_i32_0 : i32, i32
  }
  func.func @transform_3(%arg0: i32) -> (i32, i32) {
    %c0_i32 = arith.constant 0 : i32
    %c0_i32_0 = arith.constant 0 : i32
    return %arg0, %c0_i32 : i32, i32
  }
}

module attributes {stable_mosaic.version = 14 : i64} {
  func.func @_fin_body(%arg0: i32, %arg1: memref<2x1024x128xf32, #tpu.memory_space<vmem>>, %arg2: memref<1024x128xf32, #tpu.memory_space<vmem>>, %arg3: memref<32x1024xf32, #tpu.memory_space<vmem>>, %arg4: memref<1x128xf32, #tpu.memory_space<vmem>>, %arg5: memref<1x128xf32, #tpu.memory_space<vmem>>, %arg6: memref<1024x128xf32, #tpu.memory_space<vmem>>) attributes {dimension_semantics = [#tpu.dimension_semantics<arbitrary>], iteration_bounds = array<i64: 10>, scalar_prefetch = 0 : i64, scratch_operands = 0 : i64, tpu.core_type = #tpu.core_type<tc>, window_params = [{transform_indices = @transform_0, window_bounds = array<i64: 2, 1024, 128>}, {transform_indices = @transform_1, window_bounds = array<i64: 1024, 128>}, {transform_indices = @transform_2, window_bounds = array<i64: 32, 1024>}, {pipeline_mode = #tpu.pipeline_mode<synchronous>, transform_indices = @transform_3, window_bounds = array<i64: 1, 128>}, {pipeline_mode = #tpu.pipeline_mode<synchronous>, transform_indices = @transform_4, window_bounds = array<i64: 1, 128>}, {transform_indices = @transform_5, window_bounds = array<i64: 1024, 128>}]} {
    %get3A = arith.constant 0 : index
    %get3A_0 = arith.constant 0 : index
    %get3A_1 = vector.load %arg3[%get3A, %get3A_0] : memref<32x1024xf32, #tpu.memory_space<vmem>>, vector<32x1024xf32>
    %reduce_sum3A = arith.constant dense<0.000000e+00> : vector<1024xf32>
    %reduce_sum3A_2 = vector.multi_reduction <add>, %get3A_1, %reduce_sum3A [0] : vector<32x1024xf32> to vector<1024xf32>
    %add3A = arith.constant 1.000000e+00 : f32
    %add3A_3 = vector.broadcast %add3A : f32 to vector<1024xf32>
    %add3A_4 = arith.addf %reduce_sum3A_2, %add3A_3 : vector<1024xf32>
    %rsqrt3A = math.rsqrt %add3A_4 : vector<1024xf32>
    %get3A_5 = arith.constant 0 : index
    %get3A_6 = arith.constant 0 : index
    %get3A_7 = arith.constant 0 : index
    %get3A_8 = vector.load %arg1[%get3A_5, %get3A_6, %get3A_7] : memref<2x1024x128xf32, #tpu.memory_space<vmem>>, vector<1x1024x128xf32>
    %get3A_9 = vector.shape_cast %get3A_8 : vector<1x1024x128xf32> to vector<1024x128xf32>
    %get3A_10 = arith.constant 1 : index
    %get3A_11 = arith.constant 0 : index
    %get3A_12 = arith.constant 0 : index
    %get3A_13 = vector.load %arg1[%get3A_10, %get3A_11, %get3A_12] : memref<2x1024x128xf32, #tpu.memory_space<vmem>>, vector<1x1024x128xf32>
    %get3A_14 = vector.shape_cast %get3A_13 : vector<1x1024x128xf32> to vector<1024x128xf32>
    %add3A_15 = arith.addf %get3A_9, %get3A_14 : vector<1024x128xf32>
    %get3A_16 = arith.constant 0 : index
    %get3A_17 = arith.constant 0 : index
    %get3A_18 = vector.load %arg2[%get3A_16, %get3A_17] : memref<1024x128xf32, #tpu.memory_space<vmem>>, vector<1024x128xf32>
    %sub3A = arith.subf %add3A_15, %get3A_18 : vector<1024x128xf32>
    %broadcast_in_dim3A = vector.shape_cast %rsqrt3A : vector<1024xf32> to vector<1024x1xf32>
    %mul3A = vector.broadcast %broadcast_in_dim3A : vector<1024x1xf32> to vector<1024x128xf32>
    %mul3A_19 = arith.mulf %sub3A, %mul3A : vector<1024x128xf32>
    %get3A_20 = arith.constant 0 : index
    %get3A_21 = arith.constant 0 : index
    %get3A_22 = vector.load %arg4[%get3A_20, %get3A_21] : memref<1x128xf32, #tpu.memory_space<vmem>>, vector<1x128xf32>
    %mul3A_23 = vector.broadcast %get3A_22 : vector<1x128xf32> to vector<1024x128xf32>
    %mul3A_24 = arith.mulf %mul3A_19, %mul3A_23 : vector<1024x128xf32>
    %get3A_25 = arith.constant 0 : index
    %get3A_26 = arith.constant 0 : index
    %get3A_27 = vector.load %arg5[%get3A_25, %get3A_26] : memref<1x128xf32, #tpu.memory_space<vmem>>, vector<1x128xf32>
    %add3A_28 = vector.broadcast %get3A_27 : vector<1x128xf32> to vector<1024x128xf32>
    %add3A_29 = arith.addf %mul3A_24, %add3A_28 : vector<1024x128xf32>
    %max3A = arith.constant 0.000000e+00 : f32
    %max3A_30 = vector.broadcast %max3A : f32 to vector<1024x128xf32>
    %max3A_31 = arith.maximumf %add3A_29, %max3A_30 : vector<1024x128xf32>
    %swap3A = arith.constant 0 : index
    %swap3A_32 = arith.constant 0 : index
    %swap3A_33 = vector.load %arg6[%swap3A, %swap3A_32] : memref<1024x128xf32, #tpu.memory_space<vmem>>, vector<1024x128xf32>
    tpu.vector_store %arg6[%swap3A, %swap3A_32], %max3A_31 {strides = array<i32>} : memref<1024x128xf32, #tpu.memory_space<vmem>>, vector<1024x128xf32>,
    return
  }
  func.func @transform_0(%arg0: i32) -> (i32, i32, i32) {
    %c0_i32 = arith.constant 0 : i32
    %c0_i32_0 = arith.constant 0 : i32
    %c0_i32_1 = arith.constant 0 : i32
    return %c0_i32, %arg0, %c0_i32_0 : i32, i32, i32
  }
  func.func @transform_1(%arg0: i32) -> (i32, i32) {
    %c0_i32 = arith.constant 0 : i32
    %c0_i32_0 = arith.constant 0 : i32
    return %arg0, %c0_i32 : i32, i32
  }
  func.func @transform_2(%arg0: i32) -> (i32, i32) {
    %c0_i32 = arith.constant 0 : i32
    %c0_i32_0 = arith.constant 0 : i32
    return %c0_i32, %arg0 : i32, i32
  }
  func.func @transform_3(%arg0: i32) -> (i32, i32) {
    %c0_i32 = arith.constant 0 : i32
    %c0_i32_0 = arith.constant 0 : i32
    %c0_i32_1 = arith.constant 0 : i32
    return %c0_i32, %c0_i32_0 : i32, i32
  }
  func.func @transform_4(%arg0: i32) -> (i32, i32) {
    %c0_i32 = arith.constant 0 : i32
    %c0_i32_0 = arith.constant 0 : i32
    %c0_i32_1 = arith.constant 0 : i32
    return %c0_i32, %c0_i32_0 : i32, i32
  }
  func.func @transform_5(%arg0: i32) -> (i32, i32) {
    %c0_i32 = arith.constant 0 : i32
    %c0_i32_0 = arith.constant 0 : i32
    return %arg0, %c0_i32 : i32, i32
  }
}

</mosaic_0001>

<sc_bundles>
// kernel: kernel.6.cloned.1.call-start
scs
__scs_entry_jumppad:
0x0: {  	(pc) =	sbr.rel $0x88, $3  }
0x1: {  	(tag) =	ssettag $0x0;
	lr =	simm.s32 $0x1  }
0x2: {  	[smem:$0x3F9B] =	sst lr;
	_ =	strace $0xD0000000  }
0x3: {  	_ = 	snop  }
0x4: {  	_ = 	snop  }
0x5: {  	_ = 	snop  }
0x6: {  	_ = 	snop  }
0x7: {  	_ = 	snop  }
__scs_overlays_trampoline_lowered:
0x8: {  	[smem:$0x3FAA] =	sst s0  }
0x9: {  	[smem:$0x3FAB] =	sst s1  }
0xa: {  	[smem:$0x3FAC] =	sst s2  }
0xb: {  	[smem:$0x3FAD] =	sst s3  }
0xc: {  	[smem:$0x3FAE] =	sst s4  }
0xd: {  	[smem:$0x3FAF] =	sst s5  }
0xe: {  	[smem:$0x3FB0] =	sst s6  }
0xf: {  	[smem:$0x3FB1] =	sst s7  }
0x10: {  	[smem:$0x3FB2] =	sst s8  }
0x11: {  	[smem:$0x3FB3] =	sst s9;
	s0 =	simm.s32 @!p0 $0x0  }
0x12: {  	s1 =	sld [smem:$0x3F99];
	s0 =	simm.s32 @p0 $0x1  }
0x13: {  	[smem:$0x3FB4] =	sst s0;
	s0 =	simm.s32 @!p1 $0x0  }
0x14: {  	s2 =	sld [smem:$0x3F98];
	s0 =	simm.s32 @p1 $0x1  }
0x15: {  	[smem:$0x3FB5] =	sst s0;
	s0 =	simm.s32 @!p2 $0x0  }
0x16: {  	s3 =	sld [smem:$0x3FDB];
	s0 =	simm.s32 @p2 $0x1  }
0x17: {  	s4 =	simm.s32 $0x1BF5;
	[smem:$0x3FB7] =	sst s0  }
0x18: {  	s0 =	sld [smem:$0x3F9A];
	_ =	swait.ge [sflag:s4], $0x0  }
0x19: {  	s7 =	sld [smem:$0x3F9B]  }
0x1a: {  	s8 =	sadd.s32 $0xFFFFE003, lr  }
0x1b: {  	s9 =	sadd.s32 $0xFFFFFEF7, lr;
	s5 =	simm.s32 $0xFFFFFFFF;
	p2 =	slt.u32 s8, $0xFFFFF086  }
0x1c: {  	p1 =	slt.u32 s9, $0xF7A;
	s5 =	simm.s32 @!p2 $0x0  }
0x1d: {  	s5 =	simm.s32 @p1 $0x1;
	p0 =	seq.s32 s7, s2  }
0x1e: {  	s7 =	smul.u32 @!p0 $0xF7A, s2;
	p2 =	seq.s32 @!p0 s5, $0x0  }
0x1f: {  	s9 =	smul.u32 $0xF7A, s1;
	s8 =	simm.s32 @!p0 $0x1BF5;
	p2 =	por !p2, p0  }
0x20: {  	[sflag:s8] =	ssyncset.s32 @!p0 $0xFFFFF086;
	s6 =	sadd.s32 @!p0 s3, s7;
	s7 =	simm.s32 @!p0 $0x108  }
0x21: {  	s3 =	sadd.s32 s3, s9;
	s6 =	sadd.s32 @!p0 $0x88, s6;
	s7 =	simm.s32 @p2 $0x1082  }
0x22: {  	[simem:s7], [sflag:s8] =	dma.local @!p0 [hbm:s6], $0xF7A  }
0x23: {  	s9 =	sor.u32 $0xD0000000, s2;
	s6 =	simm.s32 $0x108;
	_ =	swait.ge @!p0 [sflag:s8], $0x0  }
0x24: {  	s3 =	sadd.s32 $0x88, s3;
	s6 =	simm.s32 @!p1 $0x1082;
	[sflag:s4] =	ssyncset.s32 $0xFFFFF086  }
0x25: {  	[simem:s6], [sflag:s4] =	dma.local [hbm:s3], $0xF7A  }
0x26: {  	[smem:$0x3F9B] =	sst s1;
	(tag) =	ssettag s2;
	_ =	strace s9  }
0x27: {  	s1 =	sld [smem:$0x3FAB]  }
0x28: {  	s2 =	sld [smem:$0x3FAC]  }
0x29: {  	s4 =	sld [smem:$0x3FAE]  }
0x2a: {  	p0 =	seq.s32 s5, $0x0;
	s5 =	sld [smem:$0x3FAF]  }
0x2b: {  	s6 =	sld [smem:$0x3FB0]  }
0x2c: {  	s7 =	sld [smem:$0x3FB1]  }
0x2d: {  	s3 =	simm.s32 $0x108;
	s8 =	sld [smem:$0x3FB2]  }
0x2e: {  	s3 =	simm.s32 @!p0 $0x1082;
	s9 =	sld [smem:$0x3FB3]  }
0x2f: {  	lr =	sadd.s32 s0, s3;
	s0 =	sld [smem:$0x3FAA]  }
0x30: {  	s3 =	sld [smem:$0x3FAD]  }
0x31: {  	[smem:$0x3FB6] =	sst s10  }
0x32: {  	s10 =	sld [smem:$0x3FB4];
	_ =	sdelay $0x3  }
0x33: {  	p0 =	seq.s32 s10, $0x1;
	s10 =	sld [smem:$0x3FB6];
	_ =	sdelay $0x3  }
0x34: {  	[smem:$0x3FB6] =	sst s10  }
0x35: {  	s10 =	sld [smem:$0x3FB5];
	_ =	sdelay $0x3  }
0x36: {  	p1 =	seq.s32 s10, $0x1;
	s10 =	sld [smem:$0x3FB6];
	_ =	sdelay $0x3  }
0x37: {  	[smem:$0x3FB6] =	sst s10  }
0x38: {  	s10 =	sld [smem:$0x3FB7]  }
0x39: {  	_ = 	snop;
	(pc) =	sbr.ind lr, $3  }
0x3a: {  	_ = 	snop  }
0x3b: {  	_ = 	snop  }
0x3c: {  	p2 =	seq.s32 s10, $0x1;
	s10 =	sld [smem:$0x3FB6]  }
0x3d: {  	_ =	shalt  }
0x3e: {  	_ =	shalt  }
0x3f: {  	_ =	shalt  }
0x40: {  	_ =	shalt  }
0x41: {  	_ =	shalt  }
0x42: {  	_ =	shalt  }
0x43: {  	_ =	shalt  }
0x44: {  	_ =	shalt  }
0x45: {  	_ =	shalt  }
0x46: {  	_ =	shalt  }
0x47: {  	_ =	shalt  }
0x48: {  	_ =	shalt  }
0x49: {  	_ =	shalt  }
0x4a: {  	_ =	shalt  }
0x4b: {  	_ =	shalt  }
0x4c: {  	_ =	shalt  }
0x4d: {  	_ =	shalt  }
0x4e: {  	_ =	shalt  }
0x4f: {  	_ =	shalt  }
0x50: {  	_ =	shalt  }
0x51: {  	_ =	shalt  }
0x52: {  	_ =	shalt  }
0x53: {  	_ =	shalt  }
0x54: {  	_ =	shalt  }
0x55: {  	_ =	shalt  }
0x56: {  	_ =	shalt  }
0x57: {  	_ =	shalt  }
0x58: {  	_ =	shalt  }
0x59: {  	_ =	shalt  }
0x5a: {  	_ =	shalt  }
0x5b: {  	_ =	shalt  }
0x5c: {  	_ =	shalt  }
0x5d: {  	_ =	shalt  }
0x5e: {  	_ =	shalt  }
0x5f: {  	_ =	shalt  }
0x60: {  	_ =	shalt  }
0x61: {  	_ =	shalt  }
0x62: {  	_ =	shalt  }
0x63: {  	_ =	shalt  }
0x64: {  	_ =	shalt  }
0x65: {  	_ =	shalt  }
0x66: {  	_ =	shalt  }
0x67: {  	_ =	shalt  }
0x68: {  	_ =	shalt  }
0x69: {  	_ =	shalt  }
0x6a: {  	_ =	shalt  }
0x6b: {  	_ =	shalt  }
0x6c: {  	_ =	shalt  }
0x6d: {  	_ =	shalt  }
0x6e: {  	_ =	shalt  }
0x6f: {  	_ =	shalt  }
0x70: {  	_ =	shalt  }
0x71: {  	_ =	shalt  }
0x72: {  	_ =	shalt  }
0x73: {  	_ =	shalt  }
0x74: {  	_ =	shalt  }
0x75: {  	_ =	shalt  }
0x76: {  	_ =	shalt  }
0x77: {  	_ =	shalt  }
0x78: {  	_ =	shalt  }
0x79: {  	_ =	shalt  }
0x7a: {  	_ =	shalt  }
0x7b: {  	_ =	shalt  }
0x7c: {  	_ =	shalt  }
0x7d: {  	_ =	shalt  }
0x7e: {  	_ =	shalt  }
0x7f: {  	_ =	shalt  }
0x80: {  	_ =	shalt  }
0x81: {  	_ =	shalt  }
0x82: {  	_ =	shalt  }
0x83: {  	_ =	shalt  }
0x84: {  	_ =	shalt  }
0x85: {  	_ =	shalt  }
0x86: {  	_ =	shalt  }
0x87: {  	_ =	shalt  }
.Lfunc_end0:
.L_simem_size_0:
called_computation_lowered:
.L_overlay_start_0:
0x88: {  	s2 =	sld [smem:$0x3FD9]  }
0x89: {  	s3 =	sld [smem:$0x3FFE];
	_ =	sdelay $0x1  }
0x8a: {  	s1 =	srdreg.scid  }
0x8b: {  	s0 =	sand.u32 $0x1, s1  }
0x8c: {  	s16 =	sshll.u32 s0, $0xA;
	s2 =	sadd.s32 s3, s2  }
0x8d: {  	s2 =	sadd.s32 s2, s16  }
0x8e: {  	[smem:$0x3FC2] =	sst s2  }
0x8f: {  	_ = 	snop  }
0x90: {  	(tm) =	ssettm $0x1  }
0x91: {  	s17 =	sld [smem:$0x3FFB];
	_ =	sdelay $0x3  }
0x92: {  	_ =	strace s17  }
0x93: {  	s2 =	sld [smem:$0x3FFC];
	_ =	sdelay $0x3  }
0x94: {  	_ =	strace s2  }
0x95: {  	s2 =	sld [smem:$0x3FFD];
	_ =	sdelay $0x3  }
0x96: {  	_ =	strace s2  }
0x97: {  	_ =	strace $0x8FFFFFFF  }
0x98: {  	s18 =	sld [smem:$0x3FDB];
	_ =	sdelay $0x1  }
0x99: {  	s19 =	simm.s32 $_scs_section_size  }
0x9a: {  	s4 =	simm.s32 $_size__tile_overlayer_lowered;
	s5 =	simm.s32 $_tile_overlayer_lowered  }
0x9b: {  	s22 =	simm.s32 $0x1BFF;
	s21 =	sshll.u32 s5, $0x1;
	s2 =	sadd.s32 s19, s18  }
0x9c: {  	s6 =	simm.s32 $0x0;
	s20 =	sshll.u32 s4, $0x1;
	s4 =	sadd.s32 s21, s2  }
0x9d: {  	[timem:s6], [sflag:s22] =	dma.local [hbm:s4], s20  }
0x9e: {  	_ =	swait.ge [sflag:s22], s20  }
0x9f: {  	s3 =	ssub.s32 $0x0, s20;
	[sflag:s22] =	ssyncset.done $0x0  }
0xa0: {  	[sflag:s22] =	ssyncadd.s32 s3;
	_ =	sdelay $0x1  }
0xa1: {  	s23 =	simm.s32 $0x1B8B  }
0xa2: {  	_ =	swait.ge [sflag:s23], $0x1  }
0xa3: {  	[sflag:s23] =	ssyncset.done $0x0  }
0xa4: {  	s25 =	simm.s32 $0x1B8E;
	s24 =	sld [smem:$0x3FFE];
	[sflag:s23] =	ssyncadd.s32 $0xFFFFFFFF  }
0xa5: {  	s26 =	simm.s32 $execute0_lowered;
	[smem:$0x3FD2] =	sst s25  }
0xa6: {  	s4 =	sshll.u32 s26, $0x1;
	_ =	strace $0x80000046;
	[dreg:$0x1] =	wrdreg $0xFFFFFFFF  }
0xa7: {  	s28 =	simm.s32 $_size_execute0_lowered;
	s2 =	sadd.s32 s2, s4;
	[dreg:$0x0] =	wrdreg $0x0  }
0xa8: {  	s4 =	sshll.u32 s28, $0x1;
	[dreg:$0x2] =	wrdreg s2  }
0xa9: {  	[dreg:$0x3] =	wrdreg s4  }
0xaa: {  	[dreg:$0x4] =	wrdreg $0xC0  }
0xab: {  	_ =	task [dreg:s6], $0x5FFFF  }
0xac: {  	[dreg:$0x1] =	wrdreg $0xFFFFFFFF  }
0xad: {  	[dreg:$0x0] =	wrdreg $0x60  }
0xae: {  	[dreg:$0x2] =	wrdreg s24  }
0xaf: {  	[dreg:$0x3] =	wrdreg $0x9  }
0xb0: {  	_ =	task.clear_ibuf [dreg:s6], $0x4FFFF;
	_ =	strace $0x90000046  }
0xb1: {  	s29 =	simm.s32 $0x9;
	_ =	strace $0x80000048  }
0xb2: {  	_ =	swait.ge [sflag:s29], $0x1  }
0xb3: {  	[sflag:s29] =	ssyncadd.s32 $0xFFFFFFFF  }
0xb4: {  	_ =	strace $0x90000048  }
0xb5: {  	_ =	sfence  }
0xb6: {  	s30 =	sld [smem:$0x0];
	_ =	sdelay $0x2  }
0xb7: {  	s31 =	sshll.u32 s1, $0xD;
	s1 =	sshrl.u32 s1, $0x2  }
0xb8: {  	s3 =	sand.u32 $0x4000, s31;
	s1 =	sadd.s32 s1, s30  }
0xb9: {  	s0 =	sor.u32 s3, s0;
	s1 =	sshll.u32 s1, $0x11  }
0xba: {  	s0 =	sor.u32 s1, s0  }
0xbb: {  	s0 =	sadd.s32 $0x8F2B, s0  }
0xbc: {  	[sflag:s0] =	ssyncadd.remote.s32 $0x1  }
0xbd: {  	_ =	sfence.sel $0xFFFF  }
0xbe: {  	[dreg:$0x0] =	wrdreg $0xFFFFFFFF;
	(pc) =	sbr.abs _section_cstart, $3  }
0xbf: {  	[dreg:$0x1] =	wrdreg $0xFFFFFFFF  }
0xc0: {  	_ =	task.clear_ibuf [dreg:s6], $0x2FFFF;
	_ =	strace $0x9FFFFFFF  }
0xc1: {  	(tm) =	ssettm $0x7FFFFFFF  }
tec
execute0_lowered:
.L_overlay_start_1:
0x0: {  	(tag) =	ssettag $0x1  }
0x1: {  	s3 =	rddreg [dreg:$0x0]  }
0x2: {  	s0 =	rddreg [dreg:$0x1];
	s2 =	simm.s32 $0x0;
	s4 =	srdreg.scid  }
0x3: {  	s1 =	stileid.u32;
	s9 =	simm.s32 $0x2880;
	s4 =	sand.u32 $0x1, s4  }
0x4: {  	s5 =	sshrl.u32 s1, $0x2;
	s6 =	sshll.u32 s1, $0x8;
	[smem:$0x7FF] =	sst s2  }
0x5: {  	s7 =	sshll.u32 s4, $0x7;
	s6 =	sand.u32 $0x300, s6;
	s8 =	smul.u32 $0x14400, s5  }
0x6: {  	s5 =	smul.u32 $0x14000, s5;
	s4 =	ssub.s32 $0x2, s4;
	s6 =	sor.u32 s7, s6  }
0x7: {  	_ =	strace $0x80000047;
	s31 =	sshrl.u32 s4, $0x1;
	s7 =	sor.u32 s8, s6  }
0x8: {  	s5 =	sor.u32 s5, s6;
	s6 =	simm.s32 $0x80;
	s7 =	sshrl.u32 s7, $0x3  }
0x9: {  	s8 =	simm.s32 $0x1;
	s5 =	sshrl.u32 s5, $0x3;
	s30 =	sadd.s32 s7, s3  }
0xa: {  	s5 =	sadd.s32 s5, s3;
	s7 =	ssub.s32 s4, s31;
	s3 =	sadd.s32 $0x1C00, s30  }
0xb: {  	v0 =	vimm.f32 $0.0e+00;
	v1 =	vimm.f32 $1.000000000e+00;
	s4 =	sadd.s32 $0xBE00, s5;
	s5 =	smax.u32 s7, $0x1;
	s7 =	simm.s32 $0x400  }
.LBB2_1:
0xc: {  	s10 =	simm.s32 $0x40;
	s11 =	simm.s32 $0x0  }
.LBB2_2:
0xd: {  	p0 =	sne.s32 s10, $0x9FC0;
	[tilespmem:s11+$0x2880] =	vst v0;
	s11 =	smov.u32 s10;
	s10 =	sadd.s32 $0x40, s10  }
.Ltmp0:
0xe: {  	(pc) =	sbr.rel @p0 .LBB2_2-.Ltmp0, $2  }
0xf: {  	_ =	sdelay $0x2  }
0x10: {  	s11 =	sshra.s32 s11, $0x2  }
0x11: {  	[tilespmem:s11+$0x2880] =	vst v0;
	s10 =	simm.s32 $0x0  }
0x12: {  	[tilespmem:s10], [sflag:$0x1] =	stream.strided.gather [hbm4b:s3+s6], $0x2880, s7, s6, $0x38;
	[tilespmem:$0x5080] =	vst v63  }
0x13: {  	_ =	swait.ge [sflag:s8], $0x2880  }
0x14: {  	[sflag:s8] =	ssyncset.done $0x0  }
0x15: {  	s11 =	simm.s32 $0x0;
	s10 =	simm.s32 $0x40;
	[sflag:s8] =	ssyncadd.s32 $0xFFFFD780  }
.LBB2_4:
0x16: {  	p0 =	sne.s32 s10, $0xA1C0;
	v2 =	vld [tilespmem:s11+$0x0];
	_ =	sdelay $0x3  }
.Ltmp1:
0x17: {  	(pc) =	sbr.rel @p0 .LBB2_4-.Ltmp1, $2  }
0x18: {  	_ =	sdelay $0x2  }
0x19: {  	s11 =	sshra.s32 s10, $0x2;
	s10 =	sadd.s32 $0x40, s10;
	[tilespmem:v2+s9+$0x0] =	vst.idx.add.f32.msk $0xffff, v1  }
0x1a: {  	v2 =	vld [tilespmem:s11+$0x0];
	_ =	sdelay $0x5  }
0x1b: {  	s2 =	sadd.s32 $0x1, s2  }
0x1c: {  	p0 =	sne.s32 s2, s5  }
.Ltmp2:
0x1d: {  	[tilespmem:v2+s9+$0x0] =	vst.idx.add.f32.msk $0xffff, v1;
	(pc) =	sbr.rel @p0 .LBB2_1-.Ltmp2, $4  }
0x1e: {  	[hbm4b:s4+s6] =	stream.strided.scatter [tilespmem:s9], [sflag:$0x1], $0x2800, s7, s6, $0x38;
	[tilespmem:$0x5080] =	vst v63  }
0x1f: {  	_ =	swait.ge [sflag:s8], $0x2800  }
0x20: {  	[sflag:s8] =	ssyncset.done $0x0  }
0x21: {  	[sflag:s8] =	ssyncadd.s32 $0xFFFFD800  }
0x22: {  	_ =	sfence.sel $0x180000  }
0x23: {  	[bflag:$0x0] =	sbarrier.arrive $0xFFFF  }
0x24: {  	p0 =	sne.s32 s1, $0x0;
	_ =	strace $0x90000047  }
0x25: {  	s0 =	sadd.s32 @!p0 $0x100000, s0;
	[bflag:$0x2] =	sbarrier.arrive $0xFFFF  }
0x26: {  	[sflag:s0] =	ssyncadd.tile.s32 @!p0 $0x1;
	_ =	shalt  }
.Lfunc_end2:
_tile_overlayer_lowered:
.L_overlay_start_2:
0x27: {  	(tag) =	ssettag $0x2  }
0x28: {  	s0 =	rddreg [dreg:$0x0];
	s2 =	stileid.u32  }
0x29: {  	s1 =	rddreg [dreg:$0x1];
	p0 =	sne.s32 s2, $0x0  }
0x2a: {  	s3 =	rddreg [dreg:$0x2];
	[bflag:$0x3] =	sbarrier.arrive $0xFFFF;
	s2 =	simm.s32 @!p0 $0x1C01  }
0x2b: {  	[timem:s3], [sflag:s2] =	dma.local @!p0 [hbm:s0], s1  }
0x2c: {  	s0 =	simm.s32 @!p0 $0x1  }
0x2d: {  	_ =	swait.ge @!p0 [sflag:s0], s1  }
0x2e: {  	s1 =	ssub.s32 @!p0 $0x0, s1;
	[sflag:s0] =	ssyncset.done @!p0 $0x0  }
0x2f: {  	[sflag:s0] =	ssyncadd.s32 @!p0 s1  }
0x30: {  	[bflag:$0x3] =	sbarrier.arrive $0xFFFF  }
0x31: {  	_ =	shalt  }

// kernel: kernel.9.cloned.1.call-start
scs
__scs_entry_jumppad:
0x0: {  	(pc) =	sbr.rel $0x88, $3  }
0x1: {  	(tag) =	ssettag $0x0;
	lr =	simm.s32 $0x1  }
0x2: {  	[smem:$0x3F9B] =	sst lr;
	_ =	strace $0xD0000000  }
0x3: {  	_ = 	snop  }
0x4: {  	_ = 	snop  }
0x5: {  	_ = 	snop  }
0x6: {  	_ = 	snop  }
0x7: {  	_ = 	snop  }
__scs_overlays_trampoline_lowered:
0x8: {  	[smem:$0x3FAA] =	sst s0  }
0x9: {  	[smem:$0x3FAB] =	sst s1  }
0xa: {  	[smem:$0x3FAC] =	sst s2  }
0xb: {  	[smem:$0x3FAD] =	sst s3  }
0xc: {  	[smem:$0x3FAE] =	sst s4  }
0xd: {  	[smem:$0x3FAF] =	sst s5  }
0xe: {  	[smem:$0x3FB0] =	sst s6  }
0xf: {  	[smem:$0x3FB1] =	sst s7  }
0x10: {  	[smem:$0x3FB2] =	sst s8  }
0x11: {  	[smem:$0x3FB3] =	sst s9;
	s0 =	simm.s32 @!p0 $0x0  }
0x12: {  	s1 =	sld [smem:$0x3F99];
	s0 =	simm.s32 @p0 $0x1  }
0x13: {  	[smem:$0x3FB4] =	sst s0;
	s0 =	simm.s32 @!p1 $0x0  }
0x14: {  	s2 =	sld [smem:$0x3F98];
	s0 =	simm.s32 @p1 $0x1  }
0x15: {  	[smem:$0x3FB5] =	sst s0;
	s0 =	simm.s32 @!p2 $0x0  }
0x16: {  	s3 =	sld [smem:$0x3FDB];
	s0 =	simm.s32 @p2 $0x1  }
0x17: {  	s4 =	simm.s32 $0x1BF5;
	[smem:$0x3FB7] =	sst s0  }
0x18: {  	s0 =	sld [smem:$0x3F9A];
	_ =	swait.ge [sflag:s4], $0x0  }
0x19: {  	s7 =	sld [smem:$0x3F9B]  }
0x1a: {  	s8 =	sadd.s32 $0xFFFFE003, lr  }
0x1b: {  	s9 =	sadd.s32 $0xFFFFFEF7, lr;
	s5 =	simm.s32 $0xFFFFFFFF;
	p2 =	slt.u32 s8, $0xFFFFF086  }
0x1c: {  	p1 =	slt.u32 s9, $0xF7A;
	s5 =	simm.s32 @!p2 $0x0  }
0x1d: {  	s5 =	simm.s32 @p1 $0x1;
	p0 =	seq.s32 s7, s2  }
0x1e: {  	s7 =	smul.u32 @!p0 $0xF7A, s2;
	p2 =	seq.s32 @!p0 s5, $0x0  }
0x1f: {  	s9 =	smul.u32 $0xF7A, s1;
	s8 =	simm.s32 @!p0 $0x1BF5;
	p2 =	por !p2, p0  }
0x20: {  	[sflag:s8] =	ssyncset.s32 @!p0 $0xFFFFF086;
	s6 =	sadd.s32 @!p0 s3, s7;
	s7 =	simm.s32 @!p0 $0x108  }
0x21: {  	s3 =	sadd.s32 s3, s9;
	s6 =	sadd.s32 @!p0 $0x88, s6;
	s7 =	simm.s32 @p2 $0x1082  }
0x22: {  	[simem:s7], [sflag:s8] =	dma.local @!p0 [hbm:s6], $0xF7A  }
0x23: {  	s9 =	sor.u32 $0xD0000000, s2;
	s6 =	simm.s32 $0x108;
	_ =	swait.ge @!p0 [sflag:s8], $0x0  }
0x24: {  	s3 =	sadd.s32 $0x88, s3;
	s6 =	simm.s32 @!p1 $0x1082;
	[sflag:s4] =	ssyncset.s32 $0xFFFFF086  }
0x25: {  	[simem:s6], [sflag:s4] =	dma.local [hbm:s3], $0xF7A  }
0x26: {  	[smem:$0x3F9B] =	sst s1;
	(tag) =	ssettag s2;
	_ =	strace s9  }
0x27: {  	s1 =	sld [smem:$0x3FAB]  }
0x28: {  	s2 =	sld [smem:$0x3FAC]  }
0x29: {  	s4 =	sld [smem:$0x3FAE]  }
0x2a: {  	p0 =	seq.s32 s5, $0x0;
	s5 =	sld [smem:$0x3FAF]  }
0x2b: {  	s6 =	sld [smem:$0x3FB0]  }
0x2c: {  	s7 =	sld [smem:$0x3FB1]  }
0x2d: {  	s3 =	simm.s32 $0x108;
	s8 =	sld [smem:$0x3FB2]  }
0x2e: {  	s3 =	simm.s32 @!p0 $0x1082;
	s9 =	sld [smem:$0x3FB3]  }
0x2f: {  	lr =	sadd.s32 s0, s3;
	s0 =	sld [smem:$0x3FAA]  }
0x30: {  	s3 =	sld [smem:$0x3FAD]  }
0x31: {  	[smem:$0x3FB6] =	sst s10  }
0x32: {  	s10 =	sld [smem:$0x3FB4];
	_ =	sdelay $0x3  }
0x33: {  	p0 =	seq.s32 s10, $0x1;
	s10 =	sld [smem:$0x3FB6];
	_ =	sdelay $0x3  }
0x34: {  	[smem:$0x3FB6] =	sst s10  }
0x35: {  	s10 =	sld [smem:$0x3FB5];
	_ =	sdelay $0x3  }
0x36: {  	p1 =	seq.s32 s10, $0x1;
	s10 =	sld [smem:$0x3FB6];
	_ =	sdelay $0x3  }
0x37: {  	[smem:$0x3FB6] =	sst s10  }
0x38: {  	s10 =	sld [smem:$0x3FB7]  }
0x39: {  	_ = 	snop;
	(pc) =	sbr.ind lr, $3  }
0x3a: {  	_ = 	snop  }
0x3b: {  	_ = 	snop  }
0x3c: {  	p2 =	seq.s32 s10, $0x1;
	s10 =	sld [smem:$0x3FB6]  }
0x3d: {  	_ =	shalt  }
0x3e: {  	_ =	shalt  }
0x3f: {  	_ =	shalt  }
0x40: {  	_ =	shalt  }
0x41: {  	_ =	shalt  }
0x42: {  	_ =	shalt  }
0x43: {  	_ =	shalt  }
0x44: {  	_ =	shalt  }
0x45: {  	_ =	shalt  }
0x46: {  	_ =	shalt  }
0x47: {  	_ =	shalt  }
0x48: {  	_ =	shalt  }
0x49: {  	_ =	shalt  }
0x4a: {  	_ =	shalt  }
0x4b: {  	_ =	shalt  }
0x4c: {  	_ =	shalt  }
0x4d: {  	_ =	shalt  }
0x4e: {  	_ =	shalt  }
0x4f: {  	_ =	shalt  }
0x50: {  	_ =	shalt  }
0x51: {  	_ =	shalt  }
0x52: {  	_ =	shalt  }
0x53: {  	_ =	shalt  }
0x54: {  	_ =	shalt  }
0x55: {  	_ =	shalt  }
0x56: {  	_ =	shalt  }
0x57: {  	_ =	shalt  }
0x58: {  	_ =	shalt  }
0x59: {  	_ =	shalt  }
0x5a: {  	_ =	shalt  }
0x5b: {  	_ =	shalt  }
0x5c: {  	_ =	shalt  }
0x5d: {  	_ =	shalt  }
0x5e: {  	_ =	shalt  }
0x5f: {  	_ =	shalt  }
0x60: {  	_ =	shalt  }
0x61: {  	_ =	shalt  }
0x62: {  	_ =	shalt  }
0x63: {  	_ =	shalt  }
0x64: {  	_ =	shalt  }
0x65: {  	_ =	shalt  }
0x66: {  	_ =	shalt  }
0x67: {  	_ =	shalt  }
0x68: {  	_ =	shalt  }
0x69: {  	_ =	shalt  }
0x6a: {  	_ =	shalt  }
0x6b: {  	_ =	shalt  }
0x6c: {  	_ =	shalt  }
0x6d: {  	_ =	shalt  }
0x6e: {  	_ =	shalt  }
0x6f: {  	_ =	shalt  }
0x70: {  	_ =	shalt  }
0x71: {  	_ =	shalt  }
0x72: {  	_ =	shalt  }
0x73: {  	_ =	shalt  }
0x74: {  	_ =	shalt  }
0x75: {  	_ =	shalt  }
0x76: {  	_ =	shalt  }
0x77: {  	_ =	shalt  }
0x78: {  	_ =	shalt  }
0x79: {  	_ =	shalt  }
0x7a: {  	_ =	shalt  }
0x7b: {  	_ =	shalt  }
0x7c: {  	_ =	shalt  }
0x7d: {  	_ =	shalt  }
0x7e: {  	_ =	shalt  }
0x7f: {  	_ =	shalt  }
0x80: {  	_ =	shalt  }
0x81: {  	_ =	shalt  }
0x82: {  	_ =	shalt  }
0x83: {  	_ =	shalt  }
0x84: {  	_ =	shalt  }
0x85: {  	_ =	shalt  }
0x86: {  	_ =	shalt  }
0x87: {  	_ =	shalt  }
.Lfunc_end0:
.L_simem_size_0:
called_computation.1_lowered:
.L_overlay_start_0:
0x88: {  	s2 =	sld [smem:$0x3FD9]  }
0x89: {  	s3 =	sld [smem:$0x3FFE];
	_ =	sdelay $0x1  }
0x8a: {  	s1 =	srdreg.scid  }
0x8b: {  	s0 =	sand.u32 $0x1, s1  }
0x8c: {  	s17 =	sshll.u32 s0, $0xA;
	s2 =	sadd.s32 s3, s2  }
0x8d: {  	s2 =	sadd.s32 s2, s17  }
0x8e: {  	[smem:$0x3FC2] =	sst s2  }
0x8f: {  	_ = 	snop  }
0x90: {  	s2 =	sld [smem:$0x3FD0];
	(tm) =	ssettm $0x1  }
0x91: {  	s18 =	sld [smem:$0x3FFB];
	_ =	sdelay $0x3  }
0x92: {  	_ =	strace s18  }
0x93: {  	s3 =	sld [smem:$0x3FFC];
	_ =	sdelay $0x3  }
0x94: {  	_ =	strace s3  }
0x95: {  	s3 =	sld [smem:$0x3FFD];
	_ =	sdelay $0x3  }
0x96: {  	_ =	strace s3  }
0x97: {  	_ =	strace $0x8FFFFFFF  }
0x98: {  	s19 =	sld [smem:$0x3FDB];
	_ =	sdelay $0x1  }
0x99: {  	s4 =	simm.s32 $_scs_section_size  }
0x9a: {  	s5 =	simm.s32 $_size__tile_overlayer_lowered;
	s6 =	simm.s32 $_tile_overlayer_lowered  }
0x9b: {  	s22 =	simm.s32 $0x1BFF;
	s21 =	sshll.u32 s6, $0x1;
	s3 =	sadd.s32 s4, s19  }
0x9c: {  	s7 =	simm.s32 $0x0;
	s20 =	sshll.u32 s5, $0x1;
	s5 =	sadd.s32 s21, s3  }
0x9d: {  	[timem:s7], [sflag:s22] =	dma.local [hbm:s5], s20  }
0x9e: {  	_ =	swait.ge [sflag:s22], s20  }
0x9f: {  	s4 =	ssub.s32 $0x0, s20;
	[sflag:s22] =	ssyncset.done $0x0  }
0xa0: {  	[sflag:s22] =	ssyncadd.s32 s4;
	_ =	sdelay $0x1  }
0xa1: {  	s23 =	simm.s32 $0x1B8B  }
0xa2: {  	_ =	swait.ge [sflag:s23], $0x1  }
0xa3: {  	[sflag:s23] =	ssyncset.done $0x0  }
0xa4: {  	s25 =	simm.s32 $0x1B8E;
	s24 =	sld [smem:$0x3FFE];
	[sflag:s23] =	ssyncadd.s32 $0xFFFFFFFF  }
0xa5: {  	s26 =	simm.s32 $execute0_lowered;
	[smem:$0x3FD2] =	sst s25  }
0xa6: {  	s5 =	sshll.u32 s26, $0x1;
	_ =	strace $0x80000049;
	[dreg:$0x1] =	wrdreg $0xFFFFFFFF  }
0xa7: {  	s28 =	simm.s32 $_size_execute0_lowered;
	s3 =	sadd.s32 s3, s5;
	[dreg:$0x0] =	wrdreg $0x0  }
0xa8: {  	s5 =	sshll.u32 s28, $0x1;
	[dreg:$0x2] =	wrdreg s3  }
0xa9: {  	[dreg:$0x3] =	wrdreg s5  }
0xaa: {  	[dreg:$0x4] =	wrdreg $0xC0  }
0xab: {  	_ =	task [dreg:s7], $0x5FFFF  }
0xac: {  	[dreg:$0x1] =	wrdreg $0xFFFFFFFF  }
0xad: {  	[dreg:$0x0] =	wrdreg $0x60  }
0xae: {  	[dreg:$0x2] =	wrdreg s24  }
0xaf: {  	[dreg:$0x3] =	wrdreg s2  }
0xb0: {  	[dreg:$0x4] =	wrdreg $0xB0000  }
0xb1: {  	[dreg:$0x5] =	wrdreg $0x9  }
0xb2: {  	_ =	task.clear_ibuf [dreg:s7], $0x6FFFF;
	_ =	strace $0x90000049  }
0xb3: {  	s29 =	simm.s32 $0x9;
	_ =	strace $0x8000004B  }
0xb4: {  	_ =	swait.ge [sflag:s29], $0x1  }
0xb5: {  	[sflag:s29] =	ssyncadd.s32 $0xFFFFFFFF  }
0xb6: {  	_ =	strace $0x9000004B  }
0xb7: {  	_ =	sfence  }
0xb8: {  	s30 =	sld [smem:$0x0];
	_ =	sdelay $0x2  }
0xb9: {  	s31 =	sshll.u32 s1, $0xD;
	s1 =	sshrl.u32 s1, $0x2  }
0xba: {  	s3 =	sand.u32 $0x4000, s31;
	s1 =	sadd.s32 s1, s30  }
0xbb: {  	s0 =	sor.u32 s3, s0;
	s1 =	sshll.u32 s1, $0x11  }
0xbc: {  	s0 =	sor.u32 s1, s0  }
0xbd: {  	s0 =	sadd.s32 $0x8F2B, s0  }
0xbe: {  	[sflag:s0] =	ssyncadd.remote.s32 $0x1  }
0xbf: {  	_ =	sfence.sel $0xFFFF  }
0xc0: {  	[dreg:$0x0] =	wrdreg $0xFFFFFFFF;
	(pc) =	sbr.abs _section_cstart, $3  }
0xc1: {  	[dreg:$0x1] =	wrdreg $0xFFFFFFFF  }
0xc2: {  	_ =	task.clear_ibuf [dreg:s7], $0x2FFFF;
	_ =	strace $0x9FFFFFFF  }
0xc3: {  	(tm) =	ssettm $0x7FFFFFFF  }
tec
execute0_lowered:
.L_overlay_start_1:
0x0: {  	(tag) =	ssettag $0x1  }
0x1: {  	s0 =	rddreg [dreg:$0x0]  }
0x2: {  	s1 =	rddreg [dreg:$0x1]  }
0x3: {  	s2 =	rddreg [dreg:$0x2];
	s4 =	srdreg.scid;
	s3 =	simm.s32 $0x0  }
0x4: {  	s11 =	stileid.u32;
	s10 =	sand.u32 $0x1, s4;
	[smem:$0x7FF] =	sst s3  }
0x5: {  	s29 =	sshll.u32 s11, $0xC;
	s6 =	smul.u32 $0x14000, s11;
	s5 =	sshll.u32 s10, $0xB  }
0x6: {  	s4 =	sadd.s32 $0x25E00, s0;
	[dreg:$0x10] =	wrdreg s10;
	s5 =	sor.u32 s5, s29  }
0x7: {  	s7 =	sadd.s32 $0x15E00, s0;
	_ =	strace $0x8000004A;
	s8 =	sadd.s32 s1, s5  }
0x8: {  	s9 =	sshrl.u32 s6, $0x3;
	s30 =	sadd.s32 s7, s5;
	[dreg:$0x4] =	wrdreg s8  }
0x9: {  	s12 =	sadd.s32 s4, s9;
	s13 =	sor.u32 $0x200, s5;
	[dreg:$0x5] =	wrdreg s30  }
0xa: {  	[dreg:$0x6] =	wrdreg s12;
	s14 =	sadd.s32 s1, s13  }
0xb: {  	s16 =	sor.u32 $0x400, s5;
	s15 =	sadd.s32 s7, s13;
	[dreg:$0x7] =	wrdreg s14  }
0xc: {  	s10 =	smul.u32 $0x140000, s10;
	s17 =	sadd.s32 s1, s16;
	[dreg:$0x8] =	wrdreg s15  }
0xd: {  	s5 =	sor.u32 $0x600, s5;
	s18 =	sadd.s32 s7, s16;
	[dreg:$0x9] =	wrdreg s17  }
0xe: {  	s6 =	sadd.s32 s6, s10;
	s1 =	sadd.s32 s1, s5;
	[dreg:$0xa] =	wrdreg s18  }
0xf: {  	s6 =	sshrl.u32 s6, $0x3;
	[dreg:$0xb] =	wrdreg s1  }
0x10: {  	s19 =	sadd.s32 s7, s5;
	s0 =	sadd.s32 s6, s0;
	s20 =	rddreg [dreg:$0x4]  }
0x11: {  	[dreg:$0xc] =	wrdreg s19;
	s0 =	sadd.s32 $0x4DE00, s0  }
0x12: {  	[tilespmem:s3], [sflag:$0x4] =	stream.linear.gather [hbm4b:s20+s3], $0xD80, $0x38;
	[tilespmem:$0x1F000] =	vst v63  }
0x13: {  	s22 =	smul.u32 $0x50000, s11;
	s5 =	simm.s32 $0x4;
	[dreg:$0xd] =	wrdreg s0  }
0x14: {  	s23 =	simm.s32 $0x1000;
	s28 =	sshll.u32 s11, $0x6;
	_ =	swait.ge [sflag:s5], $0xD80  }
0x15: {  	s25 =	sshrl.u32 s22, $0x2;
	s29 =	sor.u32 $0x1C04, s28;
	[sflag:s5] =	ssyncset.done $0x0  }
0x16: {  	s0 =	sadd.s32 s25, s2;
	s21 =	rddreg [dreg:$0x5];
	[sflag:s5] =	ssyncadd.s32 $0xFFFFF280  }
0x17: {  	[tilespmem:s23], [sflag:$0x4] =	stream.linear.gather [hbm4b:s21+s3], $0xD80, $0x38;
	[tilespmem:$0x1F000] =	vst v63  }
0x18: {  	s0 =	sshrl.u32 s0, $0x3;
	_ =	swait.ge [sflag:s5], $0xD80;
	[dreg:$0xe] =	wrdreg s29  }
0x19: {  	[dreg:$0xf] =	wrdreg s0;
	[sflag:s5] =	ssyncset.done $0x0  }
0x1a: {  	s26 =	rddreg [dreg:$0x6];
	[sflag:s5] =	ssyncadd.s32 $0xFFFFF280  }
0x1b: {  	[spmem:s0], [sflag:s29] =	dma.local [hbm:s26], $0x2800  }
0x1c: {  	_ =	swait.ge [sflag:s5], $0x2800  }
0x1d: {  	[sflag:s5] =	ssyncset.done $0x0  }
0x1e: {  	[sflag:s5] =	ssyncadd.s32 $0xFFFFD800  }
0x1f: {  	s9 =	simm.s32 $0x60;
	s10 =	simm.s32 $0x2000;
	[bflag:$0x0] =	sbarrier.arrive $0xFFFF  }
0x20: {  	[tilespmem:s10], [sflag:$0x1] =	stream.indirect.gather [hbm4b:s4+s9], $0x80, s3, s9, $0xb8;
	[tilespmem:$0x1F000] =	vst v63  }
0x21: {  	s30 =	simm.s32 $0x80;
	s12 =	simm.s32 $0x5000  }
0x22: {  	[tilespmem:s12], [sflag:$0x2] =	stream.indirect.gather [hbm4b:s4+s9], $0x80, s30, s9, $0xb8;
	[tilespmem:$0x1F000] =	vst v63  }
0x23: {  	s14 =	simm.s32 $0x8000;
	s15 =	simm.s32 $0x1;
	s0 =	simm.s32 $0x100  }
0x24: {  	[tilespmem:s14], [sflag:$0x3] =	stream.indirect.gather [hbm4b:s4+s9], $0x80, s0, s9, $0xb8;
	[tilespmem:$0x1F000] =	vst v63  }
0x25: {  	_ =	swait.ge [sflag:s15], $0x3000  }
0x26: {  	[sflag:s15] =	ssyncset.done $0x0  }
0x27: {  	s24 =	simm.s32 $0x1000;
	[sflag:s15] =	ssyncadd.s32 $0xFFFFD000  }
0x28: {  	[spmem:s2] =	stream.indirect.scatter.add.f32 [tilespmem:s10], [sflag:$0x4], $0x80, s24, s9, $0xb8;
	[tilespmem:$0x1F000] =	vst v63  }
0x29: {  	_ =	swait.ge [sflag:s5], $0x3000  }
0x2a: {  	[sflag:s5] =	ssyncset.done $0x0  }
0x2b: {  	s16 =	simm.s32 $0x2;
	[sflag:s5] =	ssyncadd.s32 $0xFFFFD000  }
0x2c: {  	_ =	swait.ge [sflag:s16], $0x3000  }
0x2d: {  	[sflag:s16] =	ssyncset.done $0x0  }
0x2e: {  	s1 =	simm.s32 $0x1080;
	[sflag:s16] =	ssyncadd.s32 $0xFFFFD000  }
0x2f: {  	[spmem:s2] =	stream.indirect.scatter.add.f32 [tilespmem:s12], [sflag:$0x4], $0x80, s1, s9, $0xb8;
	[tilespmem:$0x1F000] =	vst v63  }
0x30: {  	_ =	swait.ge [sflag:s5], $0x3000  }
0x31: {  	[sflag:s5] =	ssyncset.done $0x0  }
0x32: {  	s18 =	simm.s32 $0x3;
	[sflag:s5] =	ssyncadd.s32 $0xFFFFD000  }
0x33: {  	_ =	swait.ge [sflag:s18], $0x3000  }
0x34: {  	[sflag:s18] =	ssyncset.done $0x0  }
0x35: {  	s6 =	simm.s32 $0x1100;
	[sflag:s18] =	ssyncadd.s32 $0xFFFFD000  }
0x36: {  	[spmem:s2] =	stream.indirect.scatter.add.f32 [tilespmem:s14], [sflag:$0x4], $0x80, s6, s9, $0xb8;
	[tilespmem:$0x1F000] =	vst v63  }
0x37: {  	_ =	swait.ge [sflag:s5], $0x3000  }
0x38: {  	[sflag:s5] =	ssyncset.done $0x0  }
0x39: {  	s7 =	simm.s32 $0x180;
	[sflag:s5] =	ssyncadd.s32 $0xFFFFD000  }
0x3a: {  	[tilespmem:s10], [sflag:$0x1] =	stream.indirect.gather [hbm4b:s4+s9], $0x80, s7, s9, $0xb8;
	[tilespmem:$0x1F000] =	vst v63  }
0x3b: {  	s8 =	simm.s32 $0x200  }
0x3c: {  	[tilespmem:s12], [sflag:$0x2] =	stream.indirect.gather [hbm4b:s4+s9], $0x80, s8, s9, $0xb8;
	[tilespmem:$0x1F000] =	vst v63  }
0x3d: {  	s11 =	simm.s32 $0x280  }
0x3e: {  	[tilespmem:s14], [sflag:$0x3] =	stream.indirect.gather [hbm4b:s4+s9], $0x80, s11, s9, $0xb8;
	[tilespmem:$0x1F000] =	vst v63  }
0x3f: {  	_ =	swait.ge [sflag:s15], $0x3000  }
0x40: {  	[sflag:s15] =	ssyncset.done $0x0  }
0x41: {  	s13 =	simm.s32 $0x1180;
	[sflag:s15] =	ssyncadd.s32 $0xFFFFD000  }
0x42: {  	[spmem:s2] =	stream.indirect.scatter.add.f32 [tilespmem:s10], [sflag:$0x4], $0x80, s13, s9, $0xb8;
	[tilespmem:$0x1F000] =	vst v63  }
0x43: {  	_ =	swait.ge [sflag:s5], $0x3000  }
0x44: {  	[sflag:s5] =	ssyncset.done $0x0  }
0x45: {  	[sflag:s5] =	ssyncadd.s32 $0xFFFFD000  }
0x46: {  	_ =	swait.ge [sflag:s16], $0x3000  }
0x47: {  	[sflag:s16] =	ssyncset.done $0x0  }
0x48: {  	s17 =	simm.s32 $0x1200;
	[sflag:s16] =	ssyncadd.s32 $0xFFFFD000  }
0x49: {  	[spmem:s2] =	stream.indirect.scatter.add.f32 [tilespmem:s12], [sflag:$0x4], $0x80, s17, s9, $0xb8;
	[tilespmem:$0x1F000] =	vst v63  }
0x4a: {  	_ =	swait.ge [sflag:s5], $0x3000  }
0x4b: {  	[sflag:s5] =	ssyncset.done $0x0  }
0x4c: {  	[sflag:s5] =	ssyncadd.s32 $0xFFFFD000  }
0x4d: {  	_ =	swait.ge [sflag:s18], $0x3000  }
0x4e: {  	[sflag:s18] =	ssyncset.done $0x0  }
0x4f: {  	s19 =	simm.s32 $0x1280;
	[sflag:s18] =	ssyncadd.s32 $0xFFFFD000  }
0x50: {  	[spmem:s2] =	stream.indirect.scatter.add.f32 [tilespmem:s14], [sflag:$0x4], $0x80, s19, s9, $0xb8;
	[tilespmem:$0x1F000] =	vst v63  }
0x51: {  	_ =	swait.ge [sflag:s5], $0x3000  }
0x52: {  	[sflag:s5] =	ssyncset.done $0x0  }
0x53: {  	s20 =	simm.s32 $0x300;
	[sflag:s5] =	ssyncadd.s32 $0xFFFFD000  }
0x54: {  	[tilespmem:s10], [sflag:$0x1] =	stream.indirect.gather [hbm4b:s4+s9], $0x80, s20, s9, $0xb8;
	[tilespmem:$0x1F000] =	vst v63  }
0x55: {  	s21 =	simm.s32 $0x380  }
0x56: {  	[tilespmem:s12], [sflag:$0x2] =	stream.indirect.gather [hbm4b:s4+s9], $0x80, s21, s9, $0xb8;
	[tilespmem:$0x1F000] =	vst v63  }
0x57: {  	s22 =	simm.s32 $0x400  }
0x58: {  	[tilespmem:s14], [sflag:$0x3] =	stream.indirect.gather [hbm4b:s4+s9], $0x80, s22, s9, $0xb8;
	[tilespmem:$0x1F000] =	vst v63  }
0x59: {  	_ =	swait.ge [sflag:s15], $0x3000  }
0x5a: {  	[sflag:s15] =	ssyncset.done $0x0  }
0x5b: {  	s23 =	simm.s32 $0x1300;
	[sflag:s15] =	ssyncadd.s32 $0xFFFFD000  }
0x5c: {  	[spmem:s2] =	stream.indirect.scatter.add.f32 [tilespmem:s10], [sflag:$0x4], $0x80, s23, s9, $0xb8;
	[tilespmem:$0x1F000] =	vst v63  }
0x5d: {  	_ =	swait.ge [sflag:s5], $0x3000  }
0x5e: {  	[sflag:s5] =	ssyncset.done $0x0  }
0x5f: {  	[sflag:s5] =	ssyncadd.s32 $0xFFFFD000  }
0x60: {  	_ =	swait.ge [sflag:s16], $0x3000  }
0x61: {  	[sflag:s16] =	ssyncset.done $0x0  }
0x62: {  	s24 =	simm.s32 $0x1380;
	[sflag:s16] =	ssyncadd.s32 $0xFFFFD000  }
0x63: {  	[spmem:s2] =	stream.indirect.scatter.add.f32 [tilespmem:s12], [sflag:$0x4], $0x80, s24, s9, $0xb8;
	[tilespmem:$0x1F000] =	vst v63  }
0x64: {  	_ =	swait.ge [sflag:s5], $0x3000  }
0x65: {  	[sflag:s5] =	ssyncset.done $0x0  }
0x66: {  	[sflag:s5] =	ssyncadd.s32 $0xFFFFD000  }
0x67: {  	_ =	swait.ge [sflag:s18], $0x3000  }
0x68: {  	[sflag:s18] =	ssyncset.done $0x0  }
0x69: {  	s25 =	simm.s32 $0x1400;
	[sflag:s18] =	ssyncadd.s32 $0xFFFFD000  }
0x6a: {  	[spmem:s2] =	stream.indirect.scatter.add.f32 [tilespmem:s14], [sflag:$0x4], $0x80, s25, s9, $0xb8;
	[tilespmem:$0x1F000] =	vst v63  }
0x6b: {  	_ =	swait.ge [sflag:s5], $0x3000  }
0x6c: {  	[sflag:s5] =	ssyncset.done $0x0  }
0x6d: {  	s26 =	simm.s32 $0x480;
	[sflag:s5] =	ssyncadd.s32 $0xFFFFD000  }
0x6e: {  	[tilespmem:s10], [sflag:$0x1] =	stream.indirect.gather [hbm4b:s4+s9], $0x80, s26, s9, $0xb8;
	[tilespmem:$0x1F000] =	vst v63  }
0x6f: {  	s28 =	simm.s32 $0x500  }
0x70: {  	[tilespmem:s12], [sflag:$0x2] =	stream.indirect.gather [hbm4b:s4+s9], $0x80, s28, s9, $0xb8;
	[tilespmem:$0x1F000] =	vst v63  }
0x71: {  	s29 =	simm.s32 $0x580  }
0x72: {  	[tilespmem:s14], [sflag:$0x3] =	stream.indirect.gather [hbm4b:s4+s9], $0x80, s29, s9, $0xb8;
	[tilespmem:$0x1F000] =	vst v63  }
0x73: {  	_ =	swait.ge [sflag:s15], $0x3000  }
0x74: {  	[sflag:s15] =	ssyncset.done $0x0  }
0x75: {  	s30 =	simm.s32 $0x1480;
	[sflag:s15] =	ssyncadd.s32 $0xFFFFD000  }
0x76: {  	[spmem:s2] =	stream.indirect.scatter.add.f32 [tilespmem:s10], [sflag:$0x4], $0x80, s30, s9, $0xb8;
	[tilespmem:$0x1F000] =	vst v63  }
0x77: {  	_ =	swait.ge [sflag:s5], $0x3000  }
0x78: {  	[sflag:s5] =	ssyncset.done $0x0  }
0x79: {  	[sflag:s5] =	ssyncadd.s32 $0xFFFFD000  }
0x7a: {  	_ =	swait.ge [sflag:s16], $0x3000  }
0x7b: {  	[sflag:s16] =	ssyncset.done $0x0  }
0x7c: {  	s1 =	simm.s32 $0x1500;
	[sflag:s16] =	ssyncadd.s32 $0xFFFFD000  }
0x7d: {  	[spmem:s2] =	stream.indirect.scatter.add.f32 [tilespmem:s12], [sflag:$0x4], $0x80, s1, s9, $0xb8;
	[tilespmem:$0x1F000] =	vst v63  }
0x7e: {  	_ =	swait.ge [sflag:s5], $0x3000  }
0x7f: {  	[sflag:s5] =	ssyncset.done $0x0  }
0x80: {  	[sflag:s5] =	ssyncadd.s32 $0xFFFFD000  }
0x81: {  	_ =	swait.ge [sflag:s18], $0x3000  }
0x82: {  	[sflag:s18] =	ssyncset.done $0x0  }
0x83: {  	s6 =	simm.s32 $0x1580;
	[sflag:s18] =	ssyncadd.s32 $0xFFFFD000  }
0x84: {  	[spmem:s2] =	stream.indirect.scatter.add.f32 [tilespmem:s14], [sflag:$0x4], $0x80, s6, s9, $0xb8;
	[tilespmem:$0x1F000] =	vst v63  }
0x85: {  	_ =	swait.ge [sflag:s5], $0x3000  }
0x86: {  	[sflag:s5] =	ssyncset.done $0x0  }
0x87: {  	s7 =	simm.s32 $0x600;
	[sflag:s5] =	ssyncadd.s32 $0xFFFFD000  }
0x88: {  	[tilespmem:s10], [sflag:$0x1] =	stream.indirect.gather [hbm4b:s4+s9], $0x80, s7, s9, $0xb8;
	[tilespmem:$0x1F000] =	vst v63  }
0x89: {  	s8 =	simm.s32 $0x680  }
0x8a: {  	[tilespmem:s12], [sflag:$0x2] =	stream.indirect.gather [hbm4b:s4+s9], $0x80, s8, s9, $0xb8;
	[tilespmem:$0x1F000] =	vst v63  }
0x8b: {  	s11 =	simm.s32 $0x700  }
0x8c: {  	[tilespmem:s14], [sflag:$0x3] =	stream.indirect.gather [hbm4b:s4+s9], $0x80, s11, s9, $0xb8;
	[tilespmem:$0x1F000] =	vst v63  }
0x8d: {  	_ =	swait.ge [sflag:s15], $0x3000  }
0x8e: {  	[sflag:s15] =	ssyncset.done $0x0  }
0x8f: {  	s13 =	simm.s32 $0x1600;
	[sflag:s15] =	ssyncadd.s32 $0xFFFFD000  }
0x90: {  	[spmem:s2] =	stream.indirect.scatter.add.f32 [tilespmem:s10], [sflag:$0x4], $0x80, s13, s9, $0xb8;
	[tilespmem:$0x1F000] =	vst v63  }
0x91: {  	_ =	swait.ge [sflag:s5], $0x3000  }
0x92: {  	[sflag:s5] =	ssyncset.done $0x0  }
0x93: {  	[sflag:s5] =	ssyncadd.s32 $0xFFFFD000  }
0x94: {  	_ =	swait.ge [sflag:s16], $0x3000  }
0x95: {  	[sflag:s16] =	ssyncset.done $0x0  }
0x96: {  	s17 =	simm.s32 $0x1680;
	[sflag:s16] =	ssyncadd.s32 $0xFFFFD000  }
0x97: {  	[spmem:s2] =	stream.indirect.scatter.add.f32 [tilespmem:s12], [sflag:$0x4], $0x80, s17, s9, $0xb8;
	[tilespmem:$0x1F000] =	vst v63  }
0x98: {  	_ =	swait.ge [sflag:s5], $0x3000  }
0x99: {  	[sflag:s5] =	ssyncset.done $0x0  }
0x9a: {  	[sflag:s5] =	ssyncadd.s32 $0xFFFFD000  }
0x9b: {  	_ =	swait.ge [sflag:s18], $0x3000  }
0x9c: {  	[sflag:s18] =	ssyncset.done $0x0  }
0x9d: {  	s19 =	simm.s32 $0x1700;
	[sflag:s18] =	ssyncadd.s32 $0xFFFFD000  }
0x9e: {  	[spmem:s2] =	stream.indirect.scatter.add.f32 [tilespmem:s14], [sflag:$0x4], $0x80, s19, s9, $0xb8;
	[tilespmem:$0x1F000] =	vst v63  }
0x9f: {  	_ =	swait.ge [sflag:s5], $0x3000  }
0xa0: {  	[sflag:s5] =	ssyncset.done $0x0  }
0xa1: {  	s20 =	simm.s32 $0x780;
	[sflag:s5] =	ssyncadd.s32 $0xFFFFD000  }
0xa2: {  	[tilespmem:s10], [sflag:$0x1] =	stream.indirect.gather [hbm4b:s4+s9], $0x80, s20, s9, $0xb8;
	[tilespmem:$0x1F000] =	vst v63  }
0xa3: {  	s21 =	simm.s32 $0x800  }
0xa4: {  	[tilespmem:s12], [sflag:$0x2] =	stream.indirect.gather [hbm4b:s4+s9], $0x80, s21, s9, $0xb8;
	[tilespmem:$0x1F000] =	vst v63  }
0xa5: {  	s22 =	simm.s32 $0x880  }
0xa6: {  	[tilespmem:s14], [sflag:$0x3] =	stream.indirect.gather [hbm4b:s4+s9], $0x80, s22, s9, $0xb8;
	[tilespmem:$0x1F000] =	vst v63  }
0xa7: {  	_ =	swait.ge [sflag:s15], $0x3000  }
0xa8: {  	[sflag:s15] =	ssyncset.done $0x0  }
0xa9: {  	s23 =	simm.s32 $0x1780;
	[sflag:s15] =	ssyncadd.s32 $0xFFFFD000  }
0xaa: {  	[spmem:s2] =	stream.indirect.scatter.add.f32 [tilespmem:s10], [sflag:$0x4], $0x80, s23, s9, $0xb8;
	[tilespmem:$0x1F000] =	vst v63  }
0xab: {  	_ =	swait.ge [sflag:s5], $0x3000  }
0xac: {  	[sflag:s5] =	ssyncset.done $0x0  }
0xad: {  	[sflag:s5] =	ssyncadd.s32 $0xFFFFD000  }
0xae: {  	_ =	swait.ge [sflag:s16], $0x3000  }
0xaf: {  	[sflag:s16] =	ssyncset.done $0x0  }
0xb0: {  	s24 =	simm.s32 $0x1800;
	[sflag:s16] =	ssyncadd.s32 $0xFFFFD000  }
0xb1: {  	[spmem:s2] =	stream.indirect.scatter.add.f32 [tilespmem:s12], [sflag:$0x4], $0x80, s24, s9, $0xb8;
	[tilespmem:$0x1F000] =	vst v63  }
0xb2: {  	_ =	swait.ge [sflag:s5], $0x3000  }
0xb3: {  	[sflag:s5] =	ssyncset.done $0x0  }
0xb4: {  	[sflag:s5] =	ssyncadd.s32 $0xFFFFD000  }
0xb5: {  	_ =	swait.ge [sflag:s18], $0x3000  }
0xb6: {  	[sflag:s18] =	ssyncset.done $0x0  }
0xb7: {  	s25 =	simm.s32 $0x1880;
	[sflag:s18] =	ssyncadd.s32 $0xFFFFD000  }
0xb8: {  	[spmem:s2] =	stream.indirect.scatter.add.f32 [tilespmem:s14], [sflag:$0x4], $0x80, s25, s9, $0xb8;
	[tilespmem:$0x1F000] =	vst v63  }
0xb9: {  	_ =	swait.ge [sflag:s5], $0x3000  }
0xba: {  	[sflag:s5] =	ssyncset.done $0x0  }
0xbb: {  	s26 =	simm.s32 $0x900;
	[sflag:s5] =	ssyncadd.s32 $0xFFFFD000  }
0xbc: {  	[tilespmem:s10], [sflag:$0x1] =	stream.indirect.gather [hbm4b:s4+s9], $0x80, s26, s9, $0xb8;
	[tilespmem:$0x1F000] =	vst v63  }
0xbd: {  	s28 =	simm.s32 $0x980  }
0xbe: {  	[tilespmem:s12], [sflag:$0x2] =	stream.indirect.gather [hbm4b:s4+s9], $0x80, s28, s9, $0xb8;
	[tilespmem:$0x1F000] =	vst v63  }
0xbf: {  	s29 =	simm.s32 $0xA00  }
0xc0: {  	[tilespmem:s14], [sflag:$0x3] =	stream.indirect.gather [hbm4b:s4+s9], $0x80, s29, s9, $0xb8;
	[tilespmem:$0x1F000] =	vst v63  }
0xc1: {  	_ =	swait.ge [sflag:s15], $0x3000  }
0xc2: {  	[sflag:s15] =	ssyncset.done $0x0  }
0xc3: {  	s30 =	simm.s32 $0x1900;
	[sflag:s15] =	ssyncadd.s32 $0xFFFFD000  }
0xc4: {  	[spmem:s2] =	stream.indirect.scatter.add.f32 [tilespmem:s10], [sflag:$0x4], $0x80, s30, s9, $0xb8;
	[tilespmem:$0x1F000] =	vst v63  }
0xc5: {  	_ =	swait.ge [sflag:s5], $0x3000  }
0xc6: {  	[sflag:s5] =	ssyncset.done $0x0  }
0xc7: {  	[sflag:s5] =	ssyncadd.s32 $0xFFFFD000  }
0xc8: {  	_ =	swait.ge [sflag:s16], $0x3000  }
0xc9: {  	[sflag:s16] =	ssyncset.done $0x0  }
0xca: {  	s1 =	simm.s32 $0x1980;
	[sflag:s16] =	ssyncadd.s32 $0xFFFFD000  }
0xcb: {  	[spmem:s2] =	stream.indirect.scatter.add.f32 [tilespmem:s12], [sflag:$0x4], $0x80, s1, s9, $0xb8;
	[tilespmem:$0x1F000] =	vst v63  }
0xcc: {  	_ =	swait.ge [sflag:s5], $0x3000  }
0xcd: {  	[sflag:s5] =	ssyncset.done $0x0  }
0xce: {  	[sflag:s5] =	ssyncadd.s32 $0xFFFFD000  }
0xcf: {  	_ =	swait.ge [sflag:s18], $0x3000  }
0xd0: {  	[sflag:s18] =	ssyncset.done $0x0  }
0xd1: {  	s6 =	simm.s32 $0x1A00;
	[sflag:s18] =	ssyncadd.s32 $0xFFFFD000  }
0xd2: {  	[spmem:s2] =	stream.indirect.scatter.add.f32 [tilespmem:s14], [sflag:$0x4], $0x80, s6, s9, $0xb8;
	[tilespmem:$0x1F000] =	vst v63  }
0xd3: {  	_ =	swait.ge [sflag:s5], $0x3000  }
0xd4: {  	[sflag:s5] =	ssyncset.done $0x0  }
0xd5: {  	s7 =	simm.s32 $0xA80;
	[sflag:s5] =	ssyncadd.s32 $0xFFFFD000  }
0xd6: {  	[tilespmem:s10], [sflag:$0x1] =	stream.indirect.gather [hbm4b:s4+s9], $0x80, s7, s9, $0xb8;
	[tilespmem:$0x1F000] =	vst v63  }
0xd7: {  	s8 =	simm.s32 $0xB00  }
0xd8: {  	[tilespmem:s12], [sflag:$0x2] =	stream.indirect.gather [hbm4b:s4+s9], $0x80, s8, s9, $0xb8;
	[tilespmem:$0x1F000] =	vst v63  }
0xd9: {  	s11 =	simm.s32 $0xB80  }
0xda: {  	[tilespmem:s14], [sflag:$0x3] =	stream.indirect.gather [hbm4b:s4+s9], $0x80, s11, s9, $0xb8;
	[tilespmem:$0x1F000] =	vst v63  }
0xdb: {  	_ =	swait.ge [sflag:s15], $0x3000  }
0xdc: {  	[sflag:s15] =	ssyncset.done $0x0  }
0xdd: {  	s13 =	simm.s32 $0x1A80;
	[sflag:s15] =	ssyncadd.s32 $0xFFFFD000  }
0xde: {  	[spmem:s2] =	stream.indirect.scatter.add.f32 [tilespmem:s10], [sflag:$0x4], $0x80, s13, s9, $0xb8;
	[tilespmem:$0x1F000] =	vst v63  }
0xdf: {  	_ =	swait.ge [sflag:s5], $0x3000  }
0xe0: {  	[sflag:s5] =	ssyncset.done $0x0  }
0xe1: {  	[sflag:s5] =	ssyncadd.s32 $0xFFFFD000  }
0xe2: {  	_ =	swait.ge [sflag:s16], $0x3000  }
0xe3: {  	[sflag:s16] =	ssyncset.done $0x0  }
0xe4: {  	s17 =	simm.s32 $0x1B00;
	[sflag:s16] =	ssyncadd.s32 $0xFFFFD000  }
0xe5: {  	[spmem:s2] =	stream.indirect.scatter.add.f32 [tilespmem:s12], [sflag:$0x4], $0x80, s17, s9, $0xb8;
	[tilespmem:$0x1F000] =	vst v63  }
0xe6: {  	_ =	swait.ge [sflag:s5], $0x3000  }
0xe7: {  	[sflag:s5] =	ssyncset.done $0x0  }
0xe8: {  	[sflag:s5] =	ssyncadd.s32 $0xFFFFD000  }
0xe9: {  	_ =	swait.ge [sflag:s18], $0x3000  }
0xea: {  	[sflag:s18] =	ssyncset.done $0x0  }
0xeb: {  	s19 =	simm.s32 $0x1B80;
	[sflag:s18] =	ssyncadd.s32 $0xFFFFD000  }
0xec: {  	[spmem:s2] =	stream.indirect.scatter.add.f32 [tilespmem:s14], [sflag:$0x4], $0x80, s19, s9, $0xb8;
	[tilespmem:$0x1F000] =	vst v63  }
0xed: {  	_ =	swait.ge [sflag:s5], $0x3000  }
0xee: {  	[sflag:s5] =	ssyncset.done $0x0  }
0xef: {  	s20 =	simm.s32 $0xC00;
	[sflag:s5] =	ssyncadd.s32 $0xFFFFD000  }
0xf0: {  	[tilespmem:s10], [sflag:$0x1] =	stream.indirect.gather [hbm4b:s4+s9], $0x80, s20, s9, $0xb8;
	[tilespmem:$0x1F000] =	vst v63  }
0xf1: {  	s21 =	simm.s32 $0xC80  }
0xf2: {  	[tilespmem:s12], [sflag:$0x2] =	stream.indirect.gather [hbm4b:s4+s9], $0x80, s21, s9, $0xb8;
	[tilespmem:$0x1F000] =	vst v63  }
0xf3: {  	s22 =	simm.s32 $0xD00  }
0xf4: {  	[tilespmem:s14], [sflag:$0x3] =	stream.indirect.gather [hbm4b:s4+s9], $0x80, s22, s9, $0xb8;
	[tilespmem:$0x1F000] =	vst v63  }
0xf5: {  	_ =	swait.ge [sflag:s15], $0x3000  }
0xf6: {  	[sflag:s15] =	ssyncset.done $0x0  }
0xf7: {  	s23 =	simm.s32 $0x1C00;
	[sflag:s15] =	ssyncadd.s32 $0xFFFFD000  }
0xf8: {  	[spmem:s2] =	stream.indirect.scatter.add.f32 [tilespmem:s10], [sflag:$0x4], $0x80, s23, s9, $0xb8;
	[tilespmem:$0x1F000] =	vst v63  }
0xf9: {  	_ =	swait.ge [sflag:s5], $0x3000  }
0xfa: {  	[sflag:s5] =	ssyncset.done $0x0  }
0xfb: {  	[sflag:s5] =	ssyncadd.s32 $0xFFFFD000  }
0xfc: {  	_ =	swait.ge [sflag:s16], $0x3000  }
0xfd: {  	[sflag:s16] =	ssyncset.done $0x0  }
0xfe: {  	s24 =	simm.s32 $0x1C80;
	[sflag:s16] =	ssyncadd.s32 $0xFFFFD000  }
0xff: {  	[spmem:s2] =	stream.indirect.scatter.add.f32 [tilespmem:s12], [sflag:$0x4], $0x80, s24, s9, $0xb8;
	[tilespmem:$0x1F000] =	vst v63  }
0x100: {  	_ =	swait.ge [sflag:s5], $0x3000  }
0x101: {  	[sflag:s5] =	ssyncset.done $0x0  }
0x102: {  	[sflag:s5] =	ssyncadd.s32 $0xFFFFD000  }
0x103: {  	_ =	swait.ge [sflag:s18], $0x3000  }
0x104: {  	[sflag:s18] =	ssyncset.done $0x0  }
0x105: {  	s25 =	simm.s32 $0x1D00;
	[sflag:s18] =	ssyncadd.s32 $0xFFFFD000  }
0x106: {  	[spmem:s2] =	stream.indirect.scatter.add.f32 [tilespmem:s14], [sflag:$0x4], $0x80, s25, s9, $0xb8;
	[tilespmem:$0x1F000] =	vst v63  }
0x107: {  	_ =	swait.ge [sflag:s5], $0x3000  }
0x108: {  	[sflag:s5] =	ssyncset.done $0x0  }
0x109: {  	s31 =	rddreg [dreg:$0x7];
	[sflag:s5] =	ssyncadd.s32 $0xFFFFD000  }
0x10a: {  	[tilespmem:s3], [sflag:$0x4] =	stream.linear.gather [hbm4b:s31+s3], $0xD80, $0x38;
	[tilespmem:$0x1F000] =	vst v63  }
0x10b: {  	_ =	swait.ge [sflag:s5], $0xD80  }
0x10c: {  	[sflag:s5] =	ssyncset.done $0x0  }
0x10d: {  	s26 =	simm.s32 $0x1000;
	s31 =	rddreg [dreg:$0x8];
	[sflag:s5] =	ssyncadd.s32 $0xFFFFF280  }
0x10e: {  	[tilespmem:s26], [sflag:$0x4] =	stream.linear.gather [hbm4b:s31+s3], $0xD80, $0x38;
	[tilespmem:$0x1F000] =	vst v63  }
0x10f: {  	_ =	swait.ge [sflag:s5], $0xD80  }
0x110: {  	[sflag:s5] =	ssyncset.done $0x0  }
0x111: {  	[sflag:s5] =	ssyncadd.s32 $0xFFFFF280  }
0x112: {  	[tilespmem:s10], [sflag:$0x1] =	stream.indirect.gather [hbm4b:s4+s9], $0x80, s3, s9, $0xb8;
	[tilespmem:$0x1F000] =	vst v63  }
0x113: {  	s28 =	simm.s32 $0x80  }
0x114: {  	[tilespmem:s12], [sflag:$0x2] =	stream.indirect.gather [hbm4b:s4+s9], $0x80, s28, s9, $0xb8;
	[tilespmem:$0x1F000] =	vst v63  }
0x115: {  	s1 =	simm.s32 $0x100  }
0x116: {  	[tilespmem:s14], [sflag:$0x3] =	stream.indirect.gather [hbm4b:s4+s9], $0x80, s1, s9, $0xb8;
	[tilespmem:$0x1F000] =	vst v63  }
0x117: {  	_ =	swait.ge [sflag:s15], $0x3000  }
0x118: {  	[sflag:s15] =	ssyncset.done $0x0  }
0x119: {  	[sflag:s15] =	ssyncadd.s32 $0xFFFFD000  }
0x11a: {  	[spmem:s2] =	stream.indirect.scatter.add.f32 [tilespmem:s10], [sflag:$0x4], $0x80, s26, s9, $0xb8;
	[tilespmem:$0x1F000] =	vst v63  }
0x11b: {  	_ =	swait.ge [sflag:s5], $0x3000  }
0x11c: {  	[sflag:s5] =	ssyncset.done $0x0  }
0x11d: {  	[sflag:s5] =	ssyncadd.s32 $0xFFFFD000  }
0x11e: {  	_ =	swait.ge [sflag:s16], $0x3000  }
0x11f: {  	[sflag:s16] =	ssyncset.done $0x0  }
0x120: {  	s6 =	simm.s32 $0x1080;
	[sflag:s16] =	ssyncadd.s32 $0xFFFFD000  }
0x121: {  	[spmem:s2] =	stream.indirect.scatter.add.f32 [tilespmem:s12], [sflag:$0x4], $0x80, s6, s9, $0xb8;
	[tilespmem:$0x1F000] =	vst v63  }
0x122: {  	_ =	swait.ge [sflag:s5], $0x3000  }
0x123: {  	[sflag:s5] =	ssyncset.done $0x0  }
0x124: {  	[sflag:s5] =	ssyncadd.s32 $0xFFFFD000  }
0x125: {  	_ =	swait.ge [sflag:s18], $0x3000  }
0x126: {  	[sflag:s18] =	ssyncset.done $0x0  }
0x127: {  	s7 =	simm.s32 $0x1100;
	[sflag:s18] =	ssyncadd.s32 $0xFFFFD000  }
0x128: {  	[spmem:s2] =	stream.indirect.scatter.add.f32 [tilespmem:s14], [sflag:$0x4], $0x80, s7, s9, $0xb8;
	[tilespmem:$0x1F000] =	vst v63  }
0x129: {  	_ =	swait.ge [sflag:s5], $0x3000  }
0x12a: {  	[sflag:s5] =	ssyncset.done $0x0  }
0x12b: {  	s8 =	simm.s32 $0x180;
	[sflag:s5] =	ssyncadd.s32 $0xFFFFD000  }
0x12c: {  	[tilespmem:s10], [sflag:$0x1] =	stream.indirect.gather [hbm4b:s4+s9], $0x80, s8, s9, $0xb8;
	[tilespmem:$0x1F000] =	vst v63  }
0x12d: {  	s11 =	simm.s32 $0x200  }
0x12e: {  	[tilespmem:s12], [sflag:$0x2] =	stream.indirect.gather [hbm4b:s4+s9], $0x80, s11, s9, $0xb8;
	[tilespmem:$0x1F000] =	vst v63  }
0x12f: {  	s13 =	simm.s32 $0x280  }
0x130: {  	[tilespmem:s14], [sflag:$0x3] =	stream.indirect.gather [hbm4b:s4+s9], $0x80, s13, s9, $0xb8;
	[tilespmem:$0x1F000] =	vst v63  }
0x131: {  	_ =	swait.ge [sflag:s15], $0x3000  }
0x132: {  	[sflag:s15] =	ssyncset.done $0x0  }
0x133: {  	s17 =	simm.s32 $0x1180;
	[sflag:s15] =	ssyncadd.s32 $0xFFFFD000  }
0x134: {  	[spmem:s2] =	stream.indirect.scatter.add.f32 [tilespmem:s10], [sflag:$0x4], $0x80, s17, s9, $0xb8;
	[tilespmem:$0x1F000] =	vst v63  }
0x135: {  	_ =	swait.ge [sflag:s5], $0x3000  }
0x136: {  	[sflag:s5] =	ssyncset.done $0x0  }
0x137: {  	[sflag:s5] =	ssyncadd.s32 $0xFFFFD000  }
0x138: {  	_ =	swait.ge [sflag:s16], $0x3000  }
0x139: {  	[sflag:s16] =	ssyncset.done $0x0  }
0x13a: {  	s19 =	simm.s32 $0x1200;
	[sflag:s16] =	ssyncadd.s32 $0xFFFFD000  }
0x13b: {  	[spmem:s2] =	stream.indirect.scatter.add.f32 [tilespmem:s12], [sflag:$0x4], $0x80, s19, s9, $0xb8;
	[tilespmem:$0x1F000] =	vst v63  }
0x13c: {  	_ =	swait.ge [sflag:s5], $0x3000  }
0x13d: {  	[sflag:s5] =	ssyncset.done $0x0  }
0x13e: {  	[sflag:s5] =	ssyncadd.s32 $0xFFFFD000  }
0x13f: {  	_ =	swait.ge [sflag:s18], $0x3000  }
0x140: {  	[sflag:s18] =	ssyncset.done $0x0  }
0x141: {  	s20 =	simm.s32 $0x1280;
	[sflag:s18] =	ssyncadd.s32 $0xFFFFD000  }
0x142: {  	[spmem:s2] =	stream.indirect.scatter.add.f32 [tilespmem:s14], [sflag:$0x4], $0x80, s20, s9, $0xb8;
	[tilespmem:$0x1F000] =	vst v63  }
0x143: {  	_ =	swait.ge [sflag:s5], $0x3000  }
0x144: {  	[sflag:s5] =	ssyncset.done $0x0  }
0x145: {  	s21 =	simm.s32 $0x300;
	[sflag:s5] =	ssyncadd.s32 $0xFFFFD000  }
0x146: {  	[tilespmem:s10], [sflag:$0x1] =	stream.indirect.gather [hbm4b:s4+s9], $0x80, s21, s9, $0xb8;
	[tilespmem:$0x1F000] =	vst v63  }
0x147: {  	s22 =	simm.s32 $0x380  }
0x148: {  	[tilespmem:s12], [sflag:$0x2] =	stream.indirect.gather [hbm4b:s4+s9], $0x80, s22, s9, $0xb8;
	[tilespmem:$0x1F000] =	vst v63  }
0x149: {  	s23 =	simm.s32 $0x400  }
0x14a: {  	[tilespmem:s14], [sflag:$0x3] =	stream.indirect.gather [hbm4b:s4+s9], $0x80, s23, s9, $0xb8;
	[tilespmem:$0x1F000] =	vst v63  }
0x14b: {  	_ =	swait.ge [sflag:s15], $0x3000  }
0x14c: {  	[sflag:s15] =	ssyncset.done $0x0  }
0x14d: {  	s24 =	simm.s32 $0x1300;
	[sflag:s15] =	ssyncadd.s32 $0xFFFFD000  }
0x14e: {  	[spmem:s2] =	stream.indirect.scatter.add.f32 [tilespmem:s10], [sflag:$0x4], $0x80, s24, s9, $0xb8;
	[tilespmem:$0x1F000] =	vst v63  }
0x14f: {  	_ =	swait.ge [sflag:s5], $0x3000  }
0x150: {  	[sflag:s5] =	ssyncset.done $0x0  }
0x151: {  	[sflag:s5] =	ssyncadd.s32 $0xFFFFD000  }
0x152: {  	_ =	swait.ge [sflag:s16], $0x3000  }
0x153: {  	[sflag:s16] =	ssyncset.done $0x0  }
0x154: {  	s25 =	simm.s32 $0x1380;
	[sflag:s16] =	ssyncadd.s32 $0xFFFFD000  }
0x155: {  	[spmem:s2] =	stream.indirect.scatter.add.f32 [tilespmem:s12], [sflag:$0x4], $0x80, s25, s9, $0xb8;
	[tilespmem:$0x1F000] =	vst v63  }
0x156: {  	_ =	swait.ge [sflag:s5], $0x3000  }
0x157: {  	[sflag:s5] =	ssyncset.done $0x0  }
0x158: {  	[sflag:s5] =	ssyncadd.s32 $0xFFFFD000  }
0x159: {  	_ =	swait.ge [sflag:s18], $0x3000  }
0x15a: {  	[sflag:s18] =	ssyncset.done $0x0  }
0x15b: {  	s26 =	simm.s32 $0x1400;
	[sflag:s18] =	ssyncadd.s32 $0xFFFFD000  }
0x15c: {  	[spmem:s2] =	stream.indirect.scatter.add.f32 [tilespmem:s14], [sflag:$0x4], $0x80, s26, s9, $0xb8;
	[tilespmem:$0x1F000] =	vst v63  }
0x15d: {  	_ =	swait.ge [sflag:s5], $0x3000  }
0x15e: {  	[sflag:s5] =	ssyncset.done $0x0  }
0x15f: {  	s28 =	simm.s32 $0x480;
	[sflag:s5] =	ssyncadd.s32 $0xFFFFD000  }
0x160: {  	[tilespmem:s10], [sflag:$0x1] =	stream.indirect.gather [hbm4b:s4+s9], $0x80, s28, s9, $0xb8;
	[tilespmem:$0x1F000] =	vst v63  }
0x161: {  	s29 =	simm.s32 $0x500  }
0x162: {  	[tilespmem:s12], [sflag:$0x2] =	stream.indirect.gather [hbm4b:s4+s9], $0x80, s29, s9, $0xb8;
	[tilespmem:$0x1F000] =	vst v63  }
0x163: {  	s30 =	simm.s32 $0x580  }
0x164: {  	[tilespmem:s14], [sflag:$0x3] =	stream.indirect.gather [hbm4b:s4+s9], $0x80, s30, s9, $0xb8;
	[tilespmem:$0x1F000] =	vst v63  }
0x165: {  	_ =	swait.ge [sflag:s15], $0x3000  }
0x166: {  	[sflag:s15] =	ssyncset.done $0x0  }
0x167: {  	s31 =	simm.s32 $0x1480;
	[sflag:s15] =	ssyncadd.s32 $0xFFFFD000  }
0x168: {  	[spmem:s2] =	stream.indirect.scatter.add.f32 [tilespmem:s10], [sflag:$0x4], $0x80, s31, s9, $0xb8;
	[tilespmem:$0x1F000] =	vst v63  }
0x169: {  	_ =	swait.ge [sflag:s5], $0x3000  }
0x16a: {  	[sflag:s5] =	ssyncset.done $0x0  }
0x16b: {  	[sflag:s5] =	ssyncadd.s32 $0xFFFFD000  }
0x16c: {  	_ =	swait.ge [sflag:s16], $0x3000  }
0x16d: {  	[sflag:s16] =	ssyncset.done $0x0  }
0x16e: {  	s31 =	simm.s32 $0x1500;
	[sflag:s16] =	ssyncadd.s32 $0xFFFFD000  }
0x16f: {  	[spmem:s2] =	stream.indirect.scatter.add.f32 [tilespmem:s12], [sflag:$0x4], $0x80, s31, s9, $0xb8;
	[tilespmem:$0x1F000] =	vst v63  }
0x170: {  	_ =	swait.ge [sflag:s5], $0x3000  }
0x171: {  	[sflag:s5] =	ssyncset.done $0x0  }
0x172: {  	[sflag:s5] =	ssyncadd.s32 $0xFFFFD000  }
0x173: {  	_ =	swait.ge [sflag:s18], $0x3000  }
0x174: {  	[sflag:s18] =	ssyncset.done $0x0  }
0x175: {  	s31 =	simm.s32 $0x1580;
	[sflag:s18] =	ssyncadd.s32 $0xFFFFD000  }
0x176: {  	[spmem:s2] =	stream.indirect.scatter.add.f32 [tilespmem:s14], [sflag:$0x4], $0x80, s31, s9, $0xb8;
	[tilespmem:$0x1F000] =	vst v63  }
0x177: {  	_ =	swait.ge [sflag:s5], $0x3000  }
0x178: {  	[sflag:s5] =	ssyncset.done $0x0  }
0x179: {  	s31 =	simm.s32 $0x600;
	[sflag:s5] =	ssyncadd.s32 $0xFFFFD000  }
0x17a: {  	[tilespmem:s10], [sflag:$0x1] =	stream.indirect.gather [hbm4b:s4+s9], $0x80, s31, s9, $0xb8;
	[tilespmem:$0x1F000] =	vst v63  }
0x17b: {  	s31 =	simm.s32 $0x680  }
0x17c: {  	[tilespmem:s12], [sflag:$0x2] =	stream.indirect.gather [hbm4b:s4+s9], $0x80, s31, s9, $0xb8;
	[tilespmem:$0x1F000] =	vst v63  }
0x17d: {  	s31 =	simm.s32 $0x700  }
0x17e: {  	[tilespmem:s14], [sflag:$0x3] =	stream.indirect.gather [hbm4b:s4+s9], $0x80, s31, s9, $0xb8;
	[tilespmem:$0x1F000] =	vst v63  }
0x17f: {  	_ =	swait.ge [sflag:s15], $0x3000  }
0x180: {  	[sflag:s15] =	ssyncset.done $0x0  }
0x181: {  	s31 =	simm.s32 $0x1600;
	[sflag:s15] =	ssyncadd.s32 $0xFFFFD000  }
0x182: {  	[spmem:s2] =	stream.indirect.scatter.add.f32 [tilespmem:s10], [sflag:$0x4], $0x80, s31, s9, $0xb8;
	[tilespmem:$0x1F000] =	vst v63  }
0x183: {  	_ =	swait.ge [sflag:s5], $0x3000  }
0x184: {  	[sflag:s5] =	ssyncset.done $0x0  }
0x185: {  	[sflag:s5] =	ssyncadd.s32 $0xFFFFD000  }
0x186: {  	_ =	swait.ge [sflag:s16], $0x3000  }
0x187: {  	[sflag:s16] =	ssyncset.done $0x0  }
0x188: {  	s31 =	simm.s32 $0x1680;
	[sflag:s16] =	ssyncadd.s32 $0xFFFFD000  }
0x189: {  	[spmem:s2] =	stream.indirect.scatter.add.f32 [tilespmem:s12], [sflag:$0x4], $0x80, s31, s9, $0xb8;
	[tilespmem:$0x1F000] =	vst v63  }
0x18a: {  	_ =	swait.ge [sflag:s5], $0x3000  }
0x18b: {  	[sflag:s5] =	ssyncset.done $0x0  }
0x18c: {  	[sflag:s5] =	ssyncadd.s32 $0xFFFFD000  }
0x18d: {  	_ =	swait.ge [sflag:s18], $0x3000  }
0x18e: {  	[sflag:s18] =	ssyncset.done $0x0  }
0x18f: {  	s31 =	simm.s32 $0x1700;
	[sflag:s18] =	ssyncadd.s32 $0xFFFFD000  }
0x190: {  	[spmem:s2] =	stream.indirect.scatter.add.f32 [tilespmem:s14], [sflag:$0x4], $0x80, s31, s9, $0xb8;
	[tilespmem:$0x1F000] =	vst v63  }
0x191: {  	_ =	swait.ge [sflag:s5], $0x3000  }
0x192: {  	[sflag:s5] =	ssyncset.done $0x0  }
0x193: {  	s31 =	simm.s32 $0x780;
	[sflag:s5] =	ssyncadd.s32 $0xFFFFD000  }
0x194: {  	[tilespmem:s10], [sflag:$0x1] =	stream.indirect.gather [hbm4b:s4+s9], $0x80, s31, s9, $0xb8;
	[tilespmem:$0x1F000] =	vst v63  }
0x195: {  	s31 =	simm.s32 $0x800  }
0x196: {  	[tilespmem:s12], [sflag:$0x2] =	stream.indirect.gather [hbm4b:s4+s9], $0x80, s31, s9, $0xb8;
	[tilespmem:$0x1F000] =	vst v63  }
0x197: {  	s31 =	simm.s32 $0x880  }
0x198: {  	[tilespmem:s14], [sflag:$0x3] =	stream.indirect.gather [hbm4b:s4+s9], $0x80, s31, s9, $0xb8;
	[tilespmem:$0x1F000] =	vst v63  }
0x199: {  	_ =	swait.ge [sflag:s15], $0x3000  }
0x19a: {  	[sflag:s15] =	ssyncset.done $0x0  }
0x19b: {  	s31 =	simm.s32 $0x1780;
	[sflag:s15] =	ssyncadd.s32 $0xFFFFD000  }
0x19c: {  	[spmem:s2] =	stream.indirect.scatter.add.f32 [tilespmem:s10], [sflag:$0x4], $0x80, s31, s9, $0xb8;
	[tilespmem:$0x1F000] =	vst v63  }
0x19d: {  	_ =	swait.ge [sflag:s5], $0x3000  }
0x19e: {  	[sflag:s5] =	ssyncset.done $0x0  }
0x19f: {  	[sflag:s5] =	ssyncadd.s32 $0xFFFFD000  }
0x1a0: {  	_ =	swait.ge [sflag:s16], $0x3000  }
0x1a1: {  	[sflag:s16] =	ssyncset.done $0x0  }
0x1a2: {  	s31 =	simm.s32 $0x1800;
	[sflag:s16] =	ssyncadd.s32 $0xFFFFD000  }
0x1a3: {  	[spmem:s2] =	stream.indirect.scatter.add.f32 [tilespmem:s12], [sflag:$0x4], $0x80, s31, s9, $0xb8;
	[tilespmem:$0x1F000] =	vst v63  }
0x1a4: {  	_ =	swait.ge [sflag:s5], $0x3000  }
0x1a5: {  	[sflag:s5] =	ssyncset.done $0x0  }
0x1a6: {  	[sflag:s5] =	ssyncadd.s32 $0xFFFFD000  }
0x1a7: {  	_ =	swait.ge [sflag:s18], $0x3000  }
0x1a8: {  	[sflag:s18] =	ssyncset.done $0x0  }
0x1a9: {  	s31 =	simm.s32 $0x1880;
	[sflag:s18] =	ssyncadd.s32 $0xFFFFD000  }
0x1aa: {  	[spmem:s2] =	stream.indirect.scatter.add.f32 [tilespmem:s14], [sflag:$0x4], $0x80, s31, s9, $0xb8;
	[tilespmem:$0x1F000] =	vst v63  }
0x1ab: {  	_ =	swait.ge [sflag:s5], $0x3000  }
0x1ac: {  	[sflag:s5] =	ssyncset.done $0x0  }
0x1ad: {  	s31 =	simm.s32 $0x900;
	[sflag:s5] =	ssyncadd.s32 $0xFFFFD000  }
0x1ae: {  	[tilespmem:s10], [sflag:$0x1] =	stream.indirect.gather [hbm4b:s4+s9], $0x80, s31, s9, $0xb8;
	[tilespmem:$0x1F000] =	vst v63  }
0x1af: {  	s31 =	simm.s32 $0x980  }
0x1b0: {  	[tilespmem:s12], [sflag:$0x2] =	stream.indirect.gather [hbm4b:s4+s9], $0x80, s31, s9, $0xb8;
	[tilespmem:$0x1F000] =	vst v63  }
0x1b1: {  	s31 =	simm.s32 $0xA00  }
0x1b2: {  	[tilespmem:s14], [sflag:$0x3] =	stream.indirect.gather [hbm4b:s4+s9], $0x80, s31, s9, $0xb8;
	[tilespmem:$0x1F000] =	vst v63  }
0x1b3: {  	_ =	swait.ge [sflag:s15], $0x3000  }
0x1b4: {  	[sflag:s15] =	ssyncset.done $0x0  }
0x1b5: {  	s31 =	simm.s32 $0x1900;
	[sflag:s15] =	ssyncadd.s32 $0xFFFFD000  }
0x1b6: {  	[spmem:s2] =	stream.indirect.scatter.add.f32 [tilespmem:s10], [sflag:$0x4], $0x80, s31, s9, $0xb8;
	[tilespmem:$0x1F000] =	vst v63  }
0x1b7: {  	_ =	swait.ge [sflag:s5], $0x3000  }
0x1b8: {  	[sflag:s5] =	ssyncset.done $0x0  }
0x1b9: {  	[sflag:s5] =	ssyncadd.s32 $0xFFFFD000  }
0x1ba: {  	_ =	swait.ge [sflag:s16], $0x3000  }
0x1bb: {  	[sflag:s16] =	ssyncset.done $0x0  }
0x1bc: {  	s31 =	simm.s32 $0x1980;
	[sflag:s16] =	ssyncadd.s32 $0xFFFFD000  }
0x1bd: {  	[spmem:s2] =	stream.indirect.scatter.add.f32 [tilespmem:s12], [sflag:$0x4], $0x80, s31, s9, $0xb8;
	[tilespmem:$0x1F000] =	vst v63  }
0x1be: {  	_ =	swait.ge [sflag:s5], $0x3000  }
0x1bf: {  	[sflag:s5] =	ssyncset.done $0x0  }
0x1c0: {  	[sflag:s5] =	ssyncadd.s32 $0xFFFFD000  }
0x1c1: {  	_ =	swait.ge [sflag:s18], $0x3000  }
0x1c2: {  	[sflag:s18] =	ssyncset.done $0x0  }
0x1c3: {  	s31 =	simm.s32 $0x1A00;
	[sflag:s18] =	ssyncadd.s32 $0xFFFFD000  }
0x1c4: {  	[spmem:s2] =	stream.indirect.scatter.add.f32 [tilespmem:s14], [sflag:$0x4], $0x80, s31, s9, $0xb8;
	[tilespmem:$0x1F000] =	vst v63  }
0x1c5: {  	_ =	swait.ge [sflag:s5], $0x3000  }
0x1c6: {  	[sflag:s5] =	ssyncset.done $0x0  }
0x1c7: {  	s31 =	simm.s32 $0xA80;
	[sflag:s5] =	ssyncadd.s32 $0xFFFFD000  }
0x1c8: {  	[tilespmem:s10], [sflag:$0x1] =	stream.indirect.gather [hbm4b:s4+s9], $0x80, s31, s9, $0xb8;
	[tilespmem:$0x1F000] =	vst v63  }
0x1c9: {  	s31 =	simm.s32 $0xB00  }
0x1ca: {  	[tilespmem:s12], [sflag:$0x2] =	stream.indirect.gather [hbm4b:s4+s9], $0x80, s31, s9, $0xb8;
	[tilespmem:$0x1F000] =	vst v63  }
0x1cb: {  	s31 =	simm.s32 $0xB80  }
0x1cc: {  	[tilespmem:s14], [sflag:$0x3] =	stream.indirect.gather [hbm4b:s4+s9], $0x80, s31, s9, $0xb8;
	[tilespmem:$0x1F000] =	vst v63  }
0x1cd: {  	_ =	swait.ge [sflag:s15], $0x3000  }
0x1ce: {  	[sflag:s15] =	ssyncset.done $0x0  }
0x1cf: {  	s31 =	simm.s32 $0x1A80;
	[sflag:s15] =	ssyncadd.s32 $0xFFFFD000  }
0x1d0: {  	[spmem:s2] =	stream.indirect.scatter.add.f32 [tilespmem:s10], [sflag:$0x4], $0x80, s31, s9, $0xb8;
	[tilespmem:$0x1F000] =	vst v63  }
0x1d1: {  	_ =	swait.ge [sflag:s5], $0x3000  }
0x1d2: {  	[sflag:s5] =	ssyncset.done $0x0  }
0x1d3: {  	[sflag:s5] =	ssyncadd.s32 $0xFFFFD000  }
0x1d4: {  	_ =	swait.ge [sflag:s16], $0x3000  }
0x1d5: {  	[sflag:s16] =	ssyncset.done $0x0  }
0x1d6: {  	s31 =	simm.s32 $0x1B00;
	[sflag:s16] =	ssyncadd.s32 $0xFFFFD000  }
0x1d7: {  	[spmem:s2] =	stream.indirect.scatter.add.f32 [tilespmem:s12], [sflag:$0x4], $0x80, s31, s9, $0xb8;
	[tilespmem:$0x1F000] =	vst v63  }
0x1d8: {  	_ =	swait.ge [sflag:s5], $0x3000  }
0x1d9: {  	[sflag:s5] =	ssyncset.done $0x0  }
0x1da: {  	[sflag:s5] =	ssyncadd.s32 $0xFFFFD000  }
0x1db: {  	_ =	swait.ge [sflag:s18], $0x3000  }
0x1dc: {  	[sflag:s18] =	ssyncset.done $0x0  }
0x1dd: {  	s31 =	simm.s32 $0x1B80;
	[sflag:s18] =	ssyncadd.s32 $0xFFFFD000  }
0x1de: {  	[spmem:s2] =	stream.indirect.scatter.add.f32 [tilespmem:s14], [sflag:$0x4], $0x80, s31, s9, $0xb8;
	[tilespmem:$0x1F000] =	vst v63  }
0x1df: {  	_ =	swait.ge [sflag:s5], $0x3000  }
0x1e0: {  	[sflag:s5] =	ssyncset.done $0x0  }
0x1e1: {  	s31 =	simm.s32 $0xC00;
	[sflag:s5] =	ssyncadd.s32 $0xFFFFD000  }
0x1e2: {  	[tilespmem:s10], [sflag:$0x1] =	stream.indirect.gather [hbm4b:s4+s9], $0x80, s31, s9, $0xb8;
	[tilespmem:$0x1F000] =	vst v63  }
0x1e3: {  	s31 =	simm.s32 $0xC80  }
0x1e4: {  	[tilespmem:s12], [sflag:$0x2] =	stream.indirect.gather [hbm4b:s4+s9], $0x80, s31, s9, $0xb8;
	[tilespmem:$0x1F000] =	vst v63  }
0x1e5: {  	s31 =	simm.s32 $0xD00  }
0x1e6: {  	[tilespmem:s14], [sflag:$0x3] =	stream.indirect.gather [hbm4b:s4+s9], $0x80, s31, s9, $0xb8;
	[tilespmem:$0x1F000] =	vst v63  }
0x1e7: {  	_ =	swait.ge [sflag:s15], $0x3000  }
0x1e8: {  	[sflag:s15] =	ssyncset.done $0x0  }
0x1e9: {  	s31 =	simm.s32 $0x1C00;
	[sflag:s15] =	ssyncadd.s32 $0xFFFFD000  }
0x1ea: {  	[spmem:s2] =	stream.indirect.scatter.add.f32 [tilespmem:s10], [sflag:$0x4], $0x80, s31, s9, $0xb8;
	[tilespmem:$0x1F000] =	vst v63  }
0x1eb: {  	_ =	swait.ge [sflag:s5], $0x3000  }
0x1ec: {  	[sflag:s5] =	ssyncset.done $0x0  }
0x1ed: {  	[sflag:s5] =	ssyncadd.s32 $0xFFFFD000  }
0x1ee: {  	_ =	swait.ge [sflag:s16], $0x3000  }
0x1ef: {  	[sflag:s16] =	ssyncset.done $0x0  }
0x1f0: {  	s31 =	simm.s32 $0x1C80;
	[sflag:s16] =	ssyncadd.s32 $0xFFFFD000  }
0x1f1: {  	[spmem:s2] =	stream.indirect.scatter.add.f32 [tilespmem:s12], [sflag:$0x4], $0x80, s31, s9, $0xb8;
	[tilespmem:$0x1F000] =	vst v63  }
0x1f2: {  	_ =	swait.ge [sflag:s5], $0x3000  }
0x1f3: {  	[sflag:s5] =	ssyncset.done $0x0  }
0x1f4: {  	[sflag:s5] =	ssyncadd.s32 $0xFFFFD000  }
0x1f5: {  	_ =	swait.ge [sflag:s18], $0x3000  }
0x1f6: {  	[sflag:s18] =	ssyncset.done $0x0  }
0x1f7: {  	s31 =	simm.s32 $0x1D00;
	[sflag:s18] =	ssyncadd.s32 $0xFFFFD000  }
0x1f8: {  	[spmem:s2] =	stream.indirect.scatter.add.f32 [tilespmem:s14], [sflag:$0x4], $0x80, s31, s9, $0xb8;
	[tilespmem:$0x1F000] =	vst v63  }
0x1f9: {  	_ =	swait.ge [sflag:s5], $0x3000  }
0x1fa: {  	[sflag:s5] =	ssyncset.done $0x0  }
0x1fb: {  	s31 =	rddreg [dreg:$0x9];
	[sflag:s5] =	ssyncadd.s32 $0xFFFFD000  }
0x1fc: {  	[tilespmem:s3], [sflag:$0x4] =	stream.linear.gather [hbm4b:s31+s3], $0xD80, $0x38;
	[tilespmem:$0x1F000] =	vst v63  }
0x1fd: {  	_ =	swait.ge [sflag:s5], $0xD80  }
0x1fe: {  	[sflag:s5] =	ssyncset.done $0x0  }
0x1ff: {  	s0 =	simm.s32 $0x1000;
	s31 =	rddreg [dreg:$0xa];
	[sflag:s5] =	ssyncadd.s32 $0xFFFFF280  }
0x200: {  	[tilespmem:s0], [sflag:$0x4] =	stream.linear.gather [hbm4b:s31+s3], $0xD80, $0x38;
	[tilespmem:$0x1F000] =	vst v63  }
0x201: {  	_ =	swait.ge [sflag:s5], $0xD80  }
0x202: {  	[sflag:s5] =	ssyncset.done $0x0  }
0x203: {  	[sflag:s5] =	ssyncadd.s32 $0xFFFFF280  }
0x204: {  	[tilespmem:s10], [sflag:$0x1] =	stream.indirect.gather [hbm4b:s4+s9], $0x80, s3, s9, $0xb8;
	[tilespmem:$0x1F000] =	vst v63  }
0x205: {  	s31 =	simm.s32 $0x80  }
0x206: {  	[tilespmem:s12], [sflag:$0x2] =	stream.indirect.gather [hbm4b:s4+s9], $0x80, s31, s9, $0xb8;
	[tilespmem:$0x1F000] =	vst v63  }
0x207: {  	_ = 	snop  }
0x208: {  	[tilespmem:s14], [sflag:$0x3] =	stream.indirect.gather [hbm4b:s4+s9], $0x80, s1, s9, $0xb8;
	[tilespmem:$0x1F000] =	vst v63  }
0x209: {  	_ =	swait.ge [sflag:s15], $0x3000  }
0x20a: {  	[sflag:s15] =	ssyncset.done $0x0  }
0x20b: {  	[sflag:s15] =	ssyncadd.s32 $0xFFFFD000  }
0x20c: {  	[spmem:s2] =	stream.indirect.scatter.add.f32 [tilespmem:s10], [sflag:$0x4], $0x80, s0, s9, $0xb8;
	[tilespmem:$0x1F000] =	vst v63  }
0x20d: {  	_ =	swait.ge [sflag:s5], $0x3000  }
0x20e: {  	[sflag:s5] =	ssyncset.done $0x0  }
0x20f: {  	[sflag:s5] =	ssyncadd.s32 $0xFFFFD000  }
0x210: {  	_ =	swait.ge [sflag:s16], $0x3000  }
0x211: {  	[sflag:s16] =	ssyncset.done $0x0  }
0x212: {  	[sflag:s16] =	ssyncadd.s32 $0xFFFFD000  }
0x213: {  	[spmem:s2] =	stream.indirect.scatter.add.f32 [tilespmem:s12], [sflag:$0x4], $0x80, s6, s9, $0xb8;
	[tilespmem:$0x1F000] =	vst v63  }
0x214: {  	_ =	swait.ge [sflag:s5], $0x3000  }
0x215: {  	[sflag:s5] =	ssyncset.done $0x0  }
0x216: {  	[sflag:s5] =	ssyncadd.s32 $0xFFFFD000  }
0x217: {  	_ =	swait.ge [sflag:s18], $0x3000  }
0x218: {  	[sflag:s18] =	ssyncset.done $0x0  }
0x219: {  	[sflag:s18] =	ssyncadd.s32 $0xFFFFD000  }
0x21a: {  	[spmem:s2] =	stream.indirect.scatter.add.f32 [tilespmem:s14], [sflag:$0x4], $0x80, s7, s9, $0xb8;
	[tilespmem:$0x1F000] =	vst v63  }
0x21b: {  	_ =	swait.ge [sflag:s5], $0x3000  }
0x21c: {  	[sflag:s5] =	ssyncset.done $0x0  }
0x21d: {  	[sflag:s5] =	ssyncadd.s32 $0xFFFFD000  }
0x21e: {  	[tilespmem:s10], [sflag:$0x1] =	stream.indirect.gather [hbm4b:s4+s9], $0x80, s8, s9, $0xb8;
	[tilespmem:$0x1F000] =	vst v63  }
0x21f: {  	_ = 	snop  }
0x220: {  	[tilespmem:s12], [sflag:$0x2] =	stream.indirect.gather [hbm4b:s4+s9], $0x80, s11, s9, $0xb8;
	[tilespmem:$0x1F000] =	vst v63  }
0x221: {  	_ = 	snop  }
0x222: {  	[tilespmem:s14], [sflag:$0x3] =	stream.indirect.gather [hbm4b:s4+s9], $0x80, s13, s9, $0xb8;
	[tilespmem:$0x1F000] =	vst v63  }
0x223: {  	_ =	swait.ge [sflag:s15], $0x3000  }
0x224: {  	[sflag:s15] =	ssyncset.done $0x0  }
0x225: {  	[sflag:s15] =	ssyncadd.s32 $0xFFFFD000  }
0x226: {  	[spmem:s2] =	stream.indirect.scatter.add.f32 [tilespmem:s10], [sflag:$0x4], $0x80, s17, s9, $0xb8;
	[tilespmem:$0x1F000] =	vst v63  }
0x227: {  	_ =	swait.ge [sflag:s5], $0x3000  }
0x228: {  	[sflag:s5] =	ssyncset.done $0x0  }
0x229: {  	[sflag:s5] =	ssyncadd.s32 $0xFFFFD000  }
0x22a: {  	_ =	swait.ge [sflag:s16], $0x3000  }
0x22b: {  	[sflag:s16] =	ssyncset.done $0x0  }
0x22c: {  	[sflag:s16] =	ssyncadd.s32 $0xFFFFD000  }
0x22d: {  	[spmem:s2] =	stream.indirect.scatter.add.f32 [tilespmem:s12], [sflag:$0x4], $0x80, s19, s9, $0xb8;
	[tilespmem:$0x1F000] =	vst v63  }
0x22e: {  	_ =	swait.ge [sflag:s5], $0x3000  }
0x22f: {  	[sflag:s5] =	ssyncset.done $0x0  }
0x230: {  	[sflag:s5] =	ssyncadd.s32 $0xFFFFD000  }
0x231: {  	_ =	swait.ge [sflag:s18], $0x3000  }
0x232: {  	[sflag:s18] =	ssyncset.done $0x0  }
0x233: {  	[sflag:s18] =	ssyncadd.s32 $0xFFFFD000  }
0x234: {  	[spmem:s2] =	stream.indirect.scatter.add.f32 [tilespmem:s14], [sflag:$0x4], $0x80, s20, s9, $0xb8;
	[tilespmem:$0x1F000] =	vst v63  }
0x235: {  	_ =	swait.ge [sflag:s5], $0x3000  }
0x236: {  	[sflag:s5] =	ssyncset.done $0x0  }
0x237: {  	[sflag:s5] =	ssyncadd.s32 $0xFFFFD000  }
0x238: {  	[tilespmem:s10], [sflag:$0x1] =	stream.indirect.gather [hbm4b:s4+s9], $0x80, s21, s9, $0xb8;
	[tilespmem:$0x1F000] =	vst v63  }
0x239: {  	_ = 	snop  }
0x23a: {  	[tilespmem:s12], [sflag:$0x2] =	stream.indirect.gather [hbm4b:s4+s9], $0x80, s22, s9, $0xb8;
	[tilespmem:$0x1F000] =	vst v63  }
0x23b: {  	_ = 	snop  }
0x23c: {  	[tilespmem:s14], [sflag:$0x3] =	stream.indirect.gather [hbm4b:s4+s9], $0x80, s23, s9, $0xb8;
	[tilespmem:$0x1F000] =	vst v63  }
0x23d: {  	_ =	swait.ge [sflag:s15], $0x3000  }
0x23e: {  	[sflag:s15] =	ssyncset.done $0x0  }
0x23f: {  	[sflag:s15] =	ssyncadd.s32 $0xFFFFD000  }
0x240: {  	[spmem:s2] =	stream.indirect.scatter.add.f32 [tilespmem:s10], [sflag:$0x4], $0x80, s24, s9, $0xb8;
	[tilespmem:$0x1F000] =	vst v63  }
0x241: {  	_ =	swait.ge [sflag:s5], $0x3000  }
0x242: {  	[sflag:s5] =	ssyncset.done $0x0  }
0x243: {  	[sflag:s5] =	ssyncadd.s32 $0xFFFFD000  }
0x244: {  	_ =	swait.ge [sflag:s16], $0x3000  }
0x245: {  	[sflag:s16] =	ssyncset.done $0x0  }
0x246: {  	[sflag:s16] =	ssyncadd.s32 $0xFFFFD000  }
0x247: {  	[spmem:s2] =	stream.indirect.scatter.add.f32 [tilespmem:s12], [sflag:$0x4], $0x80, s25, s9, $0xb8;
	[tilespmem:$0x1F000] =	vst v63  }
0x248: {  	_ =	swait.ge [sflag:s5], $0x3000  }
0x249: {  	[sflag:s5] =	ssyncset.done $0x0  }
0x24a: {  	[sflag:s5] =	ssyncadd.s32 $0xFFFFD000  }
0x24b: {  	_ =	swait.ge [sflag:s18], $0x3000  }
0x24c: {  	[sflag:s18] =	ssyncset.done $0x0  }
0x24d: {  	[sflag:s18] =	ssyncadd.s32 $0xFFFFD000  }
0x24e: {  	[spmem:s2] =	stream.indirect.scatter.add.f32 [tilespmem:s14], [sflag:$0x4], $0x80, s26, s9, $0xb8;
	[tilespmem:$0x1F000] =	vst v63  }
0x24f: {  	_ =	swait.ge [sflag:s5], $0x3000  }
0x250: {  	[sflag:s5] =	ssyncset.done $0x0  }
0x251: {  	[sflag:s5] =	ssyncadd.s32 $0xFFFFD000  }
0x252: {  	[tilespmem:s10], [sflag:$0x1] =	stream.indirect.gather [hbm4b:s4+s9], $0x80, s28, s9, $0xb8;
	[tilespmem:$0x1F000] =	vst v63  }
0x253: {  	_ = 	snop  }
0x254: {  	[tilespmem:s12], [sflag:$0x2] =	stream.indirect.gather [hbm4b:s4+s9], $0x80, s29, s9, $0xb8;
	[tilespmem:$0x1F000] =	vst v63  }
0x255: {  	_ = 	snop  }
0x256: {  	[tilespmem:s14], [sflag:$0x3] =	stream.indirect.gather [hbm4b:s4+s9], $0x80, s30, s9, $0xb8;
	[tilespmem:$0x1F000] =	vst v63  }
0x257: {  	_ =	swait.ge [sflag:s15], $0x3000  }
0x258: {  	[sflag:s15] =	ssyncset.done $0x0  }
0x259: {  	s31 =	simm.s32 $0x1480;
	[sflag:s15] =	ssyncadd.s32 $0xFFFFD000  }
0x25a: {  	[spmem:s2] =	stream.indirect.scatter.add.f32 [tilespmem:s10], [sflag:$0x4], $0x80, s31, s9, $0xb8;
	[tilespmem:$0x1F000] =	vst v63  }
0x25b: {  	_ =	swait.ge [sflag:s5], $0x3000  }
0x25c: {  	[sflag:s5] =	ssyncset.done $0x0  }
0x25d: {  	[sflag:s5] =	ssyncadd.s32 $0xFFFFD000  }
0x25e: {  	_ =	swait.ge [sflag:s16], $0x3000  }
0x25f: {  	[sflag:s16] =	ssyncset.done $0x0  }
0x260: {  	s31 =	simm.s32 $0x1500;
	[sflag:s16] =	ssyncadd.s32 $0xFFFFD000  }
0x261: {  	[spmem:s2] =	stream.indirect.scatter.add.f32 [tilespmem:s12], [sflag:$0x4], $0x80, s31, s9, $0xb8;
	[tilespmem:$0x1F000] =	vst v63  }
0x262: {  	_ =	swait.ge [sflag:s5], $0x3000  }
0x263: {  	[sflag:s5] =	ssyncset.done $0x0  }
0x264: {  	[sflag:s5] =	ssyncadd.s32 $0xFFFFD000  }
0x265: {  	_ =	swait.ge [sflag:s18], $0x3000  }
0x266: {  	[sflag:s18] =	ssyncset.done $0x0  }
0x267: {  	s31 =	simm.s32 $0x1580;
	[sflag:s18] =	ssyncadd.s32 $0xFFFFD000  }
0x268: {  	[spmem:s2] =	stream.indirect.scatter.add.f32 [tilespmem:s14], [sflag:$0x4], $0x80, s31, s9, $0xb8;
	[tilespmem:$0x1F000] =	vst v63  }
0x269: {  	_ =	swait.ge [sflag:s5], $0x3000  }
0x26a: {  	[sflag:s5] =	ssyncset.done $0x0  }
0x26b: {  	s31 =	simm.s32 $0x600;
	[sflag:s5] =	ssyncadd.s32 $0xFFFFD000  }
0x26c: {  	[tilespmem:s10], [sflag:$0x1] =	stream.indirect.gather [hbm4b:s4+s9], $0x80, s31, s9, $0xb8;
	[tilespmem:$0x1F000] =	vst v63  }
0x26d: {  	s31 =	simm.s32 $0x680  }
0x26e: {  	[tilespmem:s12], [sflag:$0x2] =	stream.indirect.gather [hbm4b:s4+s9], $0x80, s31, s9, $0xb8;
	[tilespmem:$0x1F000] =	vst v63  }
0x26f: {  	s31 =	simm.s32 $0x700  }
0x270: {  	[tilespmem:s14], [sflag:$0x3] =	stream.indirect.gather [hbm4b:s4+s9], $0x80, s31, s9, $0xb8;
	[tilespmem:$0x1F000] =	vst v63  }
0x271: {  	_ =	swait.ge [sflag:s15], $0x3000  }
0x272: {  	[sflag:s15] =	ssyncset.done $0x0  }
0x273: {  	s31 =	simm.s32 $0x1600;
	[sflag:s15] =	ssyncadd.s32 $0xFFFFD000  }
0x274: {  	[spmem:s2] =	stream.indirect.scatter.add.f32 [tilespmem:s10], [sflag:$0x4], $0x80, s31, s9, $0xb8;
	[tilespmem:$0x1F000] =	vst v63  }
0x275: {  	_ =	swait.ge [sflag:s5], $0x3000  }
0x276: {  	[sflag:s5] =	ssyncset.done $0x0  }
0x277: {  	[sflag:s5] =	ssyncadd.s32 $0xFFFFD000  }
0x278: {  	_ =	swait.ge [sflag:s16], $0x3000  }
0x279: {  	[sflag:s16] =	ssyncset.done $0x0  }
0x27a: {  	s31 =	simm.s32 $0x1680;
	[sflag:s16] =	ssyncadd.s32 $0xFFFFD000  }
0x27b: {  	[spmem:s2] =	stream.indirect.scatter.add.f32 [tilespmem:s12], [sflag:$0x4], $0x80, s31, s9, $0xb8;
	[tilespmem:$0x1F000] =	vst v63  }
0x27c: {  	_ =	swait.ge [sflag:s5], $0x3000  }
0x27d: {  	[sflag:s5] =	ssyncset.done $0x0  }
0x27e: {  	[sflag:s5] =	ssyncadd.s32 $0xFFFFD000  }
0x27f: {  	_ =	swait.ge [sflag:s18], $0x3000  }
0x280: {  	[sflag:s18] =	ssyncset.done $0x0  }
0x281: {  	s31 =	simm.s32 $0x1700;
	[sflag:s18] =	ssyncadd.s32 $0xFFFFD000  }
0x282: {  	[spmem:s2] =	stream.indirect.scatter.add.f32 [tilespmem:s14], [sflag:$0x4], $0x80, s31, s9, $0xb8;
	[tilespmem:$0x1F000] =	vst v63  }
0x283: {  	_ =	swait.ge [sflag:s5], $0x3000  }
0x284: {  	[sflag:s5] =	ssyncset.done $0x0  }
0x285: {  	s31 =	simm.s32 $0x780;
	[sflag:s5] =	ssyncadd.s32 $0xFFFFD000  }
0x286: {  	[tilespmem:s10], [sflag:$0x1] =	stream.indirect.gather [hbm4b:s4+s9], $0x80, s31, s9, $0xb8;
	[tilespmem:$0x1F000] =	vst v63  }
0x287: {  	s31 =	simm.s32 $0x800  }
0x288: {  	[tilespmem:s12], [sflag:$0x2] =	stream.indirect.gather [hbm4b:s4+s9], $0x80, s31, s9, $0xb8;
	[tilespmem:$0x1F000] =	vst v63  }
0x289: {  	s31 =	simm.s32 $0x880  }
0x28a: {  	[tilespmem:s14], [sflag:$0x3] =	stream.indirect.gather [hbm4b:s4+s9], $0x80, s31, s9, $0xb8;
	[tilespmem:$0x1F000] =	vst v63  }
0x28b: {  	_ =	swait.ge [sflag:s15], $0x3000  }
0x28c: {  	[sflag:s15] =	ssyncset.done $0x0  }
0x28d: {  	s31 =	simm.s32 $0x1780;
	[sflag:s15] =	ssyncadd.s32 $0xFFFFD000  }
0x28e: {  	[spmem:s2] =	stream.indirect.scatter.add.f32 [tilespmem:s10], [sflag:$0x4], $0x80, s31, s9, $0xb8;
	[tilespmem:$0x1F000] =	vst v63  }
0x28f: {  	_ =	swait.ge [sflag:s5], $0x3000  }
0x290: {  	[sflag:s5] =	ssyncset.done $0x0  }
0x291: {  	[sflag:s5] =	ssyncadd.s32 $0xFFFFD000  }
0x292: {  	_ =	swait.ge [sflag:s16], $0x3000  }
0x293: {  	[sflag:s16] =	ssyncset.done $0x0  }
0x294: {  	s31 =	simm.s32 $0x1800;
	[sflag:s16] =	ssyncadd.s32 $0xFFFFD000  }
0x295: {  	[spmem:s2] =	stream.indirect.scatter.add.f32 [tilespmem:s12], [sflag:$0x4], $0x80, s31, s9, $0xb8;
	[tilespmem:$0x1F000] =	vst v63  }
0x296: {  	_ =	swait.ge [sflag:s5], $0x3000  }
0x297: {  	[sflag:s5] =	ssyncset.done $0x0  }
0x298: {  	[sflag:s5] =	ssyncadd.s32 $0xFFFFD000  }
0x299: {  	_ =	swait.ge [sflag:s18], $0x3000  }
0x29a: {  	[sflag:s18] =	ssyncset.done $0x0  }
0x29b: {  	s31 =	simm.s32 $0x1880;
	[sflag:s18] =	ssyncadd.s32 $0xFFFFD000  }
0x29c: {  	[spmem:s2] =	stream.indirect.scatter.add.f32 [tilespmem:s14], [sflag:$0x4], $0x80, s31, s9, $0xb8;
	[tilespmem:$0x1F000] =	vst v63  }
0x29d: {  	_ =	swait.ge [sflag:s5], $0x3000  }
0x29e: {  	[sflag:s5] =	ssyncset.done $0x0  }
0x29f: {  	s31 =	simm.s32 $0x900;
	[sflag:s5] =	ssyncadd.s32 $0xFFFFD000  }
0x2a0: {  	[tilespmem:s10], [sflag:$0x1] =	stream.indirect.gather [hbm4b:s4+s9], $0x80, s31, s9, $0xb8;
	[tilespmem:$0x1F000] =	vst v63  }
0x2a1: {  	s31 =	simm.s32 $0x980  }
0x2a2: {  	[tilespmem:s12], [sflag:$0x2] =	stream.indirect.gather [hbm4b:s4+s9], $0x80, s31, s9, $0xb8;
	[tilespmem:$0x1F000] =	vst v63  }
0x2a3: {  	s31 =	simm.s32 $0xA00  }
0x2a4: {  	[tilespmem:s14], [sflag:$0x3] =	stream.indirect.gather [hbm4b:s4+s9], $0x80, s31, s9, $0xb8;
	[tilespmem:$0x1F000] =	vst v63  }
0x2a5: {  	_ =	swait.ge [sflag:s15], $0x3000  }
0x2a6: {  	[sflag:s15] =	ssyncset.done $0x0  }
0x2a7: {  	s31 =	simm.s32 $0x1900;
	[sflag:s15] =	ssyncadd.s32 $0xFFFFD000  }
0x2a8: {  	[spmem:s2] =	stream.indirect.scatter.add.f32 [tilespmem:s10], [sflag:$0x4], $0x80, s31, s9, $0xb8;
	[tilespmem:$0x1F000] =	vst v63  }
0x2a9: {  	_ =	swait.ge [sflag:s5], $0x3000  }
0x2aa: {  	[sflag:s5] =	ssyncset.done $0x0  }
0x2ab: {  	[sflag:s5] =	ssyncadd.s32 $0xFFFFD000  }
0x2ac: {  	_ =	swait.ge [sflag:s16], $0x3000  }
0x2ad: {  	[sflag:s16] =	ssyncset.done $0x0  }
0x2ae: {  	s31 =	simm.s32 $0x1980;
	[sflag:s16] =	ssyncadd.s32 $0xFFFFD000  }
0x2af: {  	[spmem:s2] =	stream.indirect.scatter.add.f32 [tilespmem:s12], [sflag:$0x4], $0x80, s31, s9, $0xb8;
	[tilespmem:$0x1F000] =	vst v63  }
0x2b0: {  	_ =	swait.ge [sflag:s5], $0x3000  }
0x2b1: {  	[sflag:s5] =	ssyncset.done $0x0  }
0x2b2: {  	[sflag:s5] =	ssyncadd.s32 $0xFFFFD000  }
0x2b3: {  	_ =	swait.ge [sflag:s18], $0x3000  }
0x2b4: {  	[sflag:s18] =	ssyncset.done $0x0  }
0x2b5: {  	s31 =	simm.s32 $0x1A00;
	[sflag:s18] =	ssyncadd.s32 $0xFFFFD000  }
0x2b6: {  	[spmem:s2] =	stream.indirect.scatter.add.f32 [tilespmem:s14], [sflag:$0x4], $0x80, s31, s9, $0xb8;
	[tilespmem:$0x1F000] =	vst v63  }
0x2b7: {  	_ =	swait.ge [sflag:s5], $0x3000  }
0x2b8: {  	[sflag:s5] =	ssyncset.done $0x0  }
0x2b9: {  	s31 =	simm.s32 $0xA80;
	[sflag:s5] =	ssyncadd.s32 $0xFFFFD000  }
0x2ba: {  	[tilespmem:s10], [sflag:$0x1] =	stream.indirect.gather [hbm4b:s4+s9], $0x80, s31, s9, $0xb8;
	[tilespmem:$0x1F000] =	vst v63  }
0x2bb: {  	s31 =	simm.s32 $0xB00  }
0x2bc: {  	[tilespmem:s12], [sflag:$0x2] =	stream.indirect.gather [hbm4b:s4+s9], $0x80, s31, s9, $0xb8;
	[tilespmem:$0x1F000] =	vst v63  }
0x2bd: {  	s31 =	simm.s32 $0xB80  }
0x2be: {  	[tilespmem:s14], [sflag:$0x3] =	stream.indirect.gather [hbm4b:s4+s9], $0x80, s31, s9, $0xb8;
	[tilespmem:$0x1F000] =	vst v63  }
0x2bf: {  	_ =	swait.ge [sflag:s15], $0x3000  }
0x2c0: {  	[sflag:s15] =	ssyncset.done $0x0  }
0x2c1: {  	s31 =	simm.s32 $0x1A80;
	[sflag:s15] =	ssyncadd.s32 $0xFFFFD000  }
0x2c2: {  	[spmem:s2] =	stream.indirect.scatter.add.f32 [tilespmem:s10], [sflag:$0x4], $0x80, s31, s9, $0xb8;
	[tilespmem:$0x1F000] =	vst v63  }
0x2c3: {  	_ =	swait.ge [sflag:s5], $0x3000  }
0x2c4: {  	[sflag:s5] =	ssyncset.done $0x0  }
0x2c5: {  	[sflag:s5] =	ssyncadd.s32 $0xFFFFD000  }
0x2c6: {  	_ =	swait.ge [sflag:s16], $0x3000  }
0x2c7: {  	[sflag:s16] =	ssyncset.done $0x0  }
0x2c8: {  	s31 =	simm.s32 $0x1B00;
	[sflag:s16] =	ssyncadd.s32 $0xFFFFD000  }
0x2c9: {  	[spmem:s2] =	stream.indirect.scatter.add.f32 [tilespmem:s12], [sflag:$0x4], $0x80, s31, s9, $0xb8;
	[tilespmem:$0x1F000] =	vst v63  }
0x2ca: {  	_ =	swait.ge [sflag:s5], $0x3000  }
0x2cb: {  	[sflag:s5] =	ssyncset.done $0x0  }
0x2cc: {  	[sflag:s5] =	ssyncadd.s32 $0xFFFFD000  }
0x2cd: {  	_ =	swait.ge [sflag:s18], $0x3000  }
0x2ce: {  	[sflag:s18] =	ssyncset.done $0x0  }
0x2cf: {  	s31 =	simm.s32 $0x1B80;
	[sflag:s18] =	ssyncadd.s32 $0xFFFFD000  }
0x2d0: {  	[spmem:s2] =	stream.indirect.scatter.add.f32 [tilespmem:s14], [sflag:$0x4], $0x80, s31, s9, $0xb8;
	[tilespmem:$0x1F000] =	vst v63  }
0x2d1: {  	_ =	swait.ge [sflag:s5], $0x3000  }
0x2d2: {  	[sflag:s5] =	ssyncset.done $0x0  }
0x2d3: {  	s31 =	simm.s32 $0xC00;
	[sflag:s5] =	ssyncadd.s32 $0xFFFFD000  }
0x2d4: {  	[tilespmem:s10], [sflag:$0x1] =	stream.indirect.gather [hbm4b:s4+s9], $0x80, s31, s9, $0xb8;
	[tilespmem:$0x1F000] =	vst v63  }
0x2d5: {  	s31 =	simm.s32 $0xC80  }
0x2d6: {  	[tilespmem:s12], [sflag:$0x2] =	stream.indirect.gather [hbm4b:s4+s9], $0x80, s31, s9, $0xb8;
	[tilespmem:$0x1F000] =	vst v63  }
0x2d7: {  	s31 =	simm.s32 $0xD00  }
0x2d8: {  	[tilespmem:s14], [sflag:$0x3] =	stream.indirect.gather [hbm4b:s4+s9], $0x80, s31, s9, $0xb8;
	[tilespmem:$0x1F000] =	vst v63  }
0x2d9: {  	_ =	swait.ge [sflag:s15], $0x3000  }
0x2da: {  	[sflag:s15] =	ssyncset.done $0x0  }
0x2db: {  	s31 =	simm.s32 $0x1C00;
	[sflag:s15] =	ssyncadd.s32 $0xFFFFD000  }
0x2dc: {  	[spmem:s2] =	stream.indirect.scatter.add.f32 [tilespmem:s10], [sflag:$0x4], $0x80, s31, s9, $0xb8;
	[tilespmem:$0x1F000] =	vst v63  }
0x2dd: {  	_ =	swait.ge [sflag:s5], $0x3000  }
0x2de: {  	[sflag:s5] =	ssyncset.done $0x0  }
0x2df: {  	[sflag:s5] =	ssyncadd.s32 $0xFFFFD000  }
0x2e0: {  	_ =	swait.ge [sflag:s16], $0x3000  }
0x2e1: {  	[sflag:s16] =	ssyncset.done $0x0  }
0x2e2: {  	s31 =	simm.s32 $0x1C80;
	[sflag:s16] =	ssyncadd.s32 $0xFFFFD000  }
0x2e3: {  	[spmem:s2] =	stream.indirect.scatter.add.f32 [tilespmem:s12], [sflag:$0x4], $0x80, s31, s9, $0xb8;
	[tilespmem:$0x1F000] =	vst v63  }
0x2e4: {  	_ =	swait.ge [sflag:s5], $0x3000  }
0x2e5: {  	[sflag:s5] =	ssyncset.done $0x0  }
0x2e6: {  	[sflag:s5] =	ssyncadd.s32 $0xFFFFD000  }
0x2e7: {  	_ =	swait.ge [sflag:s18], $0x3000  }
0x2e8: {  	[sflag:s18] =	ssyncset.done $0x0  }
0x2e9: {  	s31 =	simm.s32 $0x1D00;
	[sflag:s18] =	ssyncadd.s32 $0xFFFFD000  }
0x2ea: {  	[spmem:s2] =	stream.indirect.scatter.add.f32 [tilespmem:s14], [sflag:$0x4], $0x80, s31, s9, $0xb8;
	[tilespmem:$0x1F000] =	vst v63  }
0x2eb: {  	_ =	swait.ge [sflag:s5], $0x3000  }
0x2ec: {  	[sflag:s5] =	ssyncset.done $0x0  }
0x2ed: {  	s31 =	rddreg [dreg:$0xb];
	[sflag:s5] =	ssyncadd.s32 $0xFFFFD000  }
0x2ee: {  	[tilespmem:s3], [sflag:$0x4] =	stream.linear.gather [hbm4b:s31+s3], $0xD80, $0x38;
	[tilespmem:$0x1F000] =	vst v63  }
0x2ef: {  	_ =	swait.ge [sflag:s5], $0xD80  }
0x2f0: {  	[sflag:s5] =	ssyncset.done $0x0  }
0x2f1: {  	s0 =	simm.s32 $0x1000;
	s31 =	rddreg [dreg:$0xc];
	[sflag:s5] =	ssyncadd.s32 $0xFFFFF280  }
0x2f2: {  	[tilespmem:s0], [sflag:$0x4] =	stream.linear.gather [hbm4b:s31+s3], $0xD80, $0x38;
	[tilespmem:$0x1F000] =	vst v63  }
0x2f3: {  	_ =	swait.ge [sflag:s5], $0xD80  }
0x2f4: {  	[sflag:s5] =	ssyncset.done $0x0  }
0x2f5: {  	[sflag:s5] =	ssyncadd.s32 $0xFFFFF280  }
0x2f6: {  	[tilespmem:s10], [sflag:$0x1] =	stream.indirect.gather [hbm4b:s4+s9], $0x80, s3, s9, $0xb8;
	[tilespmem:$0x1F000] =	vst v63  }
0x2f7: {  	s31 =	simm.s32 $0x80  }
0x2f8: {  	[tilespmem:s12], [sflag:$0x2] =	stream.indirect.gather [hbm4b:s4+s9], $0x80, s31, s9, $0xb8;
	[tilespmem:$0x1F000] =	vst v63  }
0x2f9: {  	s1 =	simm.s32 $0x100  }
0x2fa: {  	[tilespmem:s14], [sflag:$0x3] =	stream.indirect.gather [hbm4b:s4+s9], $0x80, s1, s9, $0xb8;
	[tilespmem:$0x1F000] =	vst v63  }
0x2fb: {  	_ =	swait.ge [sflag:s15], $0x3000  }
0x2fc: {  	[sflag:s15] =	ssyncset.done $0x0  }
0x2fd: {  	[sflag:s15] =	ssyncadd.s32 $0xFFFFD000  }
0x2fe: {  	[spmem:s2] =	stream.indirect.scatter.add.f32 [tilespmem:s10], [sflag:$0x4], $0x80, s0, s9, $0xb8;
	[tilespmem:$0x1F000] =	vst v63  }
0x2ff: {  	_ =	swait.ge [sflag:s5], $0x3000  }
0x300: {  	[sflag:s5] =	ssyncset.done $0x0  }
0x301: {  	[sflag:s5] =	ssyncadd.s32 $0xFFFFD000  }
0x302: {  	_ =	swait.ge [sflag:s16], $0x3000  }
0x303: {  	[sflag:s16] =	ssyncset.done $0x0  }
0x304: {  	s6 =	simm.s32 $0x1080;
	[sflag:s16] =	ssyncadd.s32 $0xFFFFD000  }
0x305: {  	[spmem:s2] =	stream.indirect.scatter.add.f32 [tilespmem:s12], [sflag:$0x4], $0x80, s6, s9, $0xb8;
	[tilespmem:$0x1F000] =	vst v63  }
0x306: {  	_ =	swait.ge [sflag:s5], $0x3000  }
0x307: {  	[sflag:s5] =	ssyncset.done $0x0  }
0x308: {  	[sflag:s5] =	ssyncadd.s32 $0xFFFFD000  }
0x309: {  	_ =	swait.ge [sflag:s18], $0x3000  }
0x30a: {  	[sflag:s18] =	ssyncset.done $0x0  }
0x30b: {  	s7 =	simm.s32 $0x1100;
	[sflag:s18] =	ssyncadd.s32 $0xFFFFD000  }
0x30c: {  	[spmem:s2] =	stream.indirect.scatter.add.f32 [tilespmem:s14], [sflag:$0x4], $0x80, s7, s9, $0xb8;
	[tilespmem:$0x1F000] =	vst v63  }
0x30d: {  	_ =	swait.ge [sflag:s5], $0x3000  }
0x30e: {  	[sflag:s5] =	ssyncset.done $0x0  }
0x30f: {  	s8 =	simm.s32 $0x180;
	[sflag:s5] =	ssyncadd.s32 $0xFFFFD000  }
0x310: {  	[tilespmem:s10], [sflag:$0x1] =	stream.indirect.gather [hbm4b:s4+s9], $0x80, s8, s9, $0xb8;
	[tilespmem:$0x1F000] =	vst v63  }
0x311: {  	s11 =	simm.s32 $0x200  }
0x312: {  	[tilespmem:s12], [sflag:$0x2] =	stream.indirect.gather [hbm4b:s4+s9], $0x80, s11, s9, $0xb8;
	[tilespmem:$0x1F000] =	vst v63  }
0x313: {  	s13 =	simm.s32 $0x280  }
0x314: {  	[tilespmem:s14], [sflag:$0x3] =	stream.indirect.gather [hbm4b:s4+s9], $0x80, s13, s9, $0xb8;
	[tilespmem:$0x1F000] =	vst v63  }
0x315: {  	_ =	swait.ge [sflag:s15], $0x3000  }
0x316: {  	[sflag:s15] =	ssyncset.done $0x0  }
0x317: {  	s17 =	simm.s32 $0x1180;
	[sflag:s15] =	ssyncadd.s32 $0xFFFFD000  }
0x318: {  	[spmem:s2] =	stream.indirect.scatter.add.f32 [tilespmem:s10], [sflag:$0x4], $0x80, s17, s9, $0xb8;
	[tilespmem:$0x1F000] =	vst v63  }
0x319: {  	_ =	swait.ge [sflag:s5], $0x3000  }
0x31a: {  	[sflag:s5] =	ssyncset.done $0x0  }
0x31b: {  	[sflag:s5] =	ssyncadd.s32 $0xFFFFD000  }
0x31c: {  	_ =	swait.ge [sflag:s16], $0x3000  }
0x31d: {  	[sflag:s16] =	ssyncset.done $0x0  }
0x31e: {  	s19 =	simm.s32 $0x1200;
	[sflag:s16] =	ssyncadd.s32 $0xFFFFD000  }
0x31f: {  	[spmem:s2] =	stream.indirect.scatter.add.f32 [tilespmem:s12], [sflag:$0x4], $0x80, s19, s9, $0xb8;
	[tilespmem:$0x1F000] =	vst v63  }
0x320: {  	_ =	swait.ge [sflag:s5], $0x3000  }
0x321: {  	[sflag:s5] =	ssyncset.done $0x0  }
0x322: {  	[sflag:s5] =	ssyncadd.s32 $0xFFFFD000  }
0x323: {  	_ =	swait.ge [sflag:s18], $0x3000  }
0x324: {  	[sflag:s18] =	ssyncset.done $0x0  }
0x325: {  	s20 =	simm.s32 $0x1280;
	[sflag:s18] =	ssyncadd.s32 $0xFFFFD000  }
0x326: {  	[spmem:s2] =	stream.indirect.scatter.add.f32 [tilespmem:s14], [sflag:$0x4], $0x80, s20, s9, $0xb8;
	[tilespmem:$0x1F000] =	vst v63  }
0x327: {  	_ =	swait.ge [sflag:s5], $0x3000  }
0x328: {  	[sflag:s5] =	ssyncset.done $0x0  }
0x329: {  	s21 =	simm.s32 $0x300;
	[sflag:s5] =	ssyncadd.s32 $0xFFFFD000  }
0x32a: {  	[tilespmem:s10], [sflag:$0x1] =	stream.indirect.gather [hbm4b:s4+s9], $0x80, s21, s9, $0xb8;
	[tilespmem:$0x1F000] =	vst v63  }
0x32b: {  	s22 =	simm.s32 $0x380  }
0x32c: {  	[tilespmem:s12], [sflag:$0x2] =	stream.indirect.gather [hbm4b:s4+s9], $0x80, s22, s9, $0xb8;
	[tilespmem:$0x1F000] =	vst v63  }
0x32d: {  	s23 =	simm.s32 $0x400  }
0x32e: {  	[tilespmem:s14], [sflag:$0x3] =	stream.indirect.gather [hbm4b:s4+s9], $0x80, s23, s9, $0xb8;
	[tilespmem:$0x1F000] =	vst v63  }
0x32f: {  	_ =	swait.ge [sflag:s15], $0x3000  }
0x330: {  	[sflag:s15] =	ssyncset.done $0x0  }
0x331: {  	s24 =	simm.s32 $0x1300;
	[sflag:s15] =	ssyncadd.s32 $0xFFFFD000  }
0x332: {  	[spmem:s2] =	stream.indirect.scatter.add.f32 [tilespmem:s10], [sflag:$0x4], $0x80, s24, s9, $0xb8;
	[tilespmem:$0x1F000] =	vst v63  }
0x333: {  	_ =	swait.ge [sflag:s5], $0x3000  }
0x334: {  	[sflag:s5] =	ssyncset.done $0x0  }
0x335: {  	[sflag:s5] =	ssyncadd.s32 $0xFFFFD000  }
0x336: {  	_ =	swait.ge [sflag:s16], $0x3000  }
0x337: {  	[sflag:s16] =	ssyncset.done $0x0  }
0x338: {  	s25 =	simm.s32 $0x1380;
	[sflag:s16] =	ssyncadd.s32 $0xFFFFD000  }
0x339: {  	[spmem:s2] =	stream.indirect.scatter.add.f32 [tilespmem:s12], [sflag:$0x4], $0x80, s25, s9, $0xb8;
	[tilespmem:$0x1F000] =	vst v63  }
0x33a: {  	_ =	swait.ge [sflag:s5], $0x3000  }
0x33b: {  	[sflag:s5] =	ssyncset.done $0x0  }
0x33c: {  	[sflag:s5] =	ssyncadd.s32 $0xFFFFD000  }
0x33d: {  	_ =	swait.ge [sflag:s18], $0x3000  }
0x33e: {  	[sflag:s18] =	ssyncset.done $0x0  }
0x33f: {  	s26 =	simm.s32 $0x1400;
	[sflag:s18] =	ssyncadd.s32 $0xFFFFD000  }
0x340: {  	[spmem:s2] =	stream.indirect.scatter.add.f32 [tilespmem:s14], [sflag:$0x4], $0x80, s26, s9, $0xb8;
	[tilespmem:$0x1F000] =	vst v63  }
0x341: {  	_ =	swait.ge [sflag:s5], $0x3000  }
0x342: {  	[sflag:s5] =	ssyncset.done $0x0  }
0x343: {  	s28 =	simm.s32 $0x480;
	[sflag:s5] =	ssyncadd.s32 $0xFFFFD000  }
0x344: {  	[tilespmem:s10], [sflag:$0x1] =	stream.indirect.gather [hbm4b:s4+s9], $0x80, s28, s9, $0xb8;
	[tilespmem:$0x1F000] =	vst v63  }
0x345: {  	s29 =	simm.s32 $0x500  }
0x346: {  	[tilespmem:s12], [sflag:$0x2] =	stream.indirect.gather [hbm4b:s4+s9], $0x80, s29, s9, $0xb8;
	[tilespmem:$0x1F000] =	vst v63  }
0x347: {  	s30 =	simm.s32 $0x580  }
0x348: {  	[tilespmem:s14], [sflag:$0x3] =	stream.indirect.gather [hbm4b:s4+s9], $0x80, s30, s9, $0xb8;
	[tilespmem:$0x1F000] =	vst v63  }
0x349: {  	_ =	swait.ge [sflag:s15], $0x3000  }
0x34a: {  	[sflag:s15] =	ssyncset.done $0x0  }
0x34b: {  	s29 =	simm.s32 $0x1480;
	[sflag:s15] =	ssyncadd.s32 $0xFFFFD000  }
0x34c: {  	[spmem:s2] =	stream.indirect.scatter.add.f32 [tilespmem:s10], [sflag:$0x4], $0x80, s29, s9, $0xb8;
	[tilespmem:$0x1F000] =	vst v63  }
0x34d: {  	_ =	swait.ge [sflag:s5], $0x3000  }
0x34e: {  	[sflag:s5] =	ssyncset.done $0x0  }
0x34f: {  	[sflag:s5] =	ssyncadd.s32 $0xFFFFD000  }
0x350: {  	_ =	swait.ge [sflag:s16], $0x3000  }
0x351: {  	[sflag:s16] =	ssyncset.done $0x0  }
0x352: {  	s30 =	simm.s32 $0x1500;
	[sflag:s16] =	ssyncadd.s32 $0xFFFFD000  }
0x353: {  	[spmem:s2] =	stream.indirect.scatter.add.f32 [tilespmem:s12], [sflag:$0x4], $0x80, s30, s9, $0xb8;
	[tilespmem:$0x1F000] =	vst v63  }
0x354: {  	_ =	swait.ge [sflag:s5], $0x3000  }
0x355: {  	[sflag:s5] =	ssyncset.done $0x0  }
0x356: {  	[sflag:s5] =	ssyncadd.s32 $0xFFFFD000  }
0x357: {  	_ =	swait.ge [sflag:s18], $0x3000  }
0x358: {  	[sflag:s18] =	ssyncset.done $0x0  }
0x359: {  	s1 =	simm.s32 $0x1580;
	[sflag:s18] =	ssyncadd.s32 $0xFFFFD000  }
0x35a: {  	[spmem:s2] =	stream.indirect.scatter.add.f32 [tilespmem:s14], [sflag:$0x4], $0x80, s1, s9, $0xb8;
	[tilespmem:$0x1F000] =	vst v63  }
0x35b: {  	_ =	swait.ge [sflag:s5], $0x3000  }
0x35c: {  	[sflag:s5] =	ssyncset.done $0x0  }
0x35d: {  	s6 =	simm.s32 $0x600;
	[sflag:s5] =	ssyncadd.s32 $0xFFFFD000  }
0x35e: {  	[tilespmem:s10], [sflag:$0x1] =	stream.indirect.gather [hbm4b:s4+s9], $0x80, s6, s9, $0xb8;
	[tilespmem:$0x1F000] =	vst v63  }
0x35f: {  	s7 =	simm.s32 $0x680  }
0x360: {  	[tilespmem:s12], [sflag:$0x2] =	stream.indirect.gather [hbm4b:s4+s9], $0x80, s7, s9, $0xb8;
	[tilespmem:$0x1F000] =	vst v63  }
0x361: {  	s8 =	simm.s32 $0x700  }
0x362: {  	[tilespmem:s14], [sflag:$0x3] =	stream.indirect.gather [hbm4b:s4+s9], $0x80, s8, s9, $0xb8;
	[tilespmem:$0x1F000] =	vst v63  }
0x363: {  	_ =	swait.ge [sflag:s15], $0x3000  }
0x364: {  	[sflag:s15] =	ssyncset.done $0x0  }
0x365: {  	s11 =	simm.s32 $0x1600;
	[sflag:s15] =	ssyncadd.s32 $0xFFFFD000  }
0x366: {  	[spmem:s2] =	stream.indirect.scatter.add.f32 [tilespmem:s10], [sflag:$0x4], $0x80, s11, s9, $0xb8;
	[tilespmem:$0x1F000] =	vst v63  }
0x367: {  	_ =	swait.ge [sflag:s5], $0x3000  }
0x368: {  	[sflag:s5] =	ssyncset.done $0x0  }
0x369: {  	[sflag:s5] =	ssyncadd.s32 $0xFFFFD000  }
0x36a: {  	_ =	swait.ge [sflag:s16], $0x3000  }
0x36b: {  	[sflag:s16] =	ssyncset.done $0x0  }
0x36c: {  	s13 =	simm.s32 $0x1680;
	[sflag:s16] =	ssyncadd.s32 $0xFFFFD000  }
0x36d: {  	[spmem:s2] =	stream.indirect.scatter.add.f32 [tilespmem:s12], [sflag:$0x4], $0x80, s13, s9, $0xb8;
	[tilespmem:$0x1F000] =	vst v63  }
0x36e: {  	_ =	swait.ge [sflag:s5], $0x3000  }
0x36f: {  	[sflag:s5] =	ssyncset.done $0x0  }
0x370: {  	[sflag:s5] =	ssyncadd.s32 $0xFFFFD000  }
0x371: {  	_ =	swait.ge [sflag:s18], $0x3000  }
0x372: {  	[sflag:s18] =	ssyncset.done $0x0  }
0x373: {  	s17 =	simm.s32 $0x1700;
	[sflag:s18] =	ssyncadd.s32 $0xFFFFD000  }
0x374: {  	[spmem:s2] =	stream.indirect.scatter.add.f32 [tilespmem:s14], [sflag:$0x4], $0x80, s17, s9, $0xb8;
	[tilespmem:$0x1F000] =	vst v63  }
0x375: {  	_ =	swait.ge [sflag:s5], $0x3000  }
0x376: {  	[sflag:s5] =	ssyncset.done $0x0  }
0x377: {  	s19 =	simm.s32 $0x780;
	[sflag:s5] =	ssyncadd.s32 $0xFFFFD000  }
0x378: {  	[tilespmem:s10], [sflag:$0x1] =	stream.indirect.gather [hbm4b:s4+s9], $0x80, s19, s9, $0xb8;
	[tilespmem:$0x1F000] =	vst v63  }
0x379: {  	s20 =	simm.s32 $0x800  }
0x37a: {  	[tilespmem:s12], [sflag:$0x2] =	stream.indirect.gather [hbm4b:s4+s9], $0x80, s20, s9, $0xb8;
	[tilespmem:$0x1F000] =	vst v63  }
0x37b: {  	s21 =	simm.s32 $0x880  }
0x37c: {  	[tilespmem:s14], [sflag:$0x3] =	stream.indirect.gather [hbm4b:s4+s9], $0x80, s21, s9, $0xb8;
	[tilespmem:$0x1F000] =	vst v63  }
0x37d: {  	_ =	swait.ge [sflag:s15], $0x3000  }
0x37e: {  	[sflag:s15] =	ssyncset.done $0x0  }
0x37f: {  	s22 =	simm.s32 $0x1780;
	[sflag:s15] =	ssyncadd.s32 $0xFFFFD000  }
0x380: {  	[spmem:s2] =	stream.indirect.scatter.add.f32 [tilespmem:s10], [sflag:$0x4], $0x80, s22, s9, $0xb8;
	[tilespmem:$0x1F000] =	vst v63  }
0x381: {  	_ =	swait.ge [sflag:s5], $0x3000  }
0x382: {  	[sflag:s5] =	ssyncset.done $0x0  }
0x383: {  	[sflag:s5] =	ssyncadd.s32 $0xFFFFD000  }
0x384: {  	_ =	swait.ge [sflag:s16], $0x3000  }
0x385: {  	[sflag:s16] =	ssyncset.done $0x0  }
0x386: {  	s23 =	simm.s32 $0x1800;
	[sflag:s16] =	ssyncadd.s32 $0xFFFFD000  }
0x387: {  	[spmem:s2] =	stream.indirect.scatter.add.f32 [tilespmem:s12], [sflag:$0x4], $0x80, s23, s9, $0xb8;
	[tilespmem:$0x1F000] =	vst v63  }
0x388: {  	_ =	swait.ge [sflag:s5], $0x3000  }
0x389: {  	[sflag:s5] =	ssyncset.done $0x0  }
0x38a: {  	[sflag:s5] =	ssyncadd.s32 $0xFFFFD000  }
0x38b: {  	_ =	swait.ge [sflag:s18], $0x3000  }
0x38c: {  	[sflag:s18] =	ssyncset.done $0x0  }
0x38d: {  	s24 =	simm.s32 $0x1880;
	[sflag:s18] =	ssyncadd.s32 $0xFFFFD000  }
0x38e: {  	[spmem:s2] =	stream.indirect.scatter.add.f32 [tilespmem:s14], [sflag:$0x4], $0x80, s24, s9, $0xb8;
	[tilespmem:$0x1F000] =	vst v63  }
0x38f: {  	_ =	swait.ge [sflag:s5], $0x3000  }
0x390: {  	[sflag:s5] =	ssyncset.done $0x0  }
0x391: {  	s25 =	simm.s32 $0x900;
	[sflag:s5] =	ssyncadd.s32 $0xFFFFD000  }
0x392: {  	[tilespmem:s10], [sflag:$0x1] =	stream.indirect.gather [hbm4b:s4+s9], $0x80, s25, s9, $0xb8;
	[tilespmem:$0x1F000] =	vst v63  }
0x393: {  	s26 =	simm.s32 $0x980  }
0x394: {  	[tilespmem:s12], [sflag:$0x2] =	stream.indirect.gather [hbm4b:s4+s9], $0x80, s26, s9, $0xb8;
	[tilespmem:$0x1F000] =	vst v63  }
0x395: {  	s28 =	simm.s32 $0xA00  }
0x396: {  	[tilespmem:s14], [sflag:$0x3] =	stream.indirect.gather [hbm4b:s4+s9], $0x80, s28, s9, $0xb8;
	[tilespmem:$0x1F000] =	vst v63  }
0x397: {  	_ =	swait.ge [sflag:s15], $0x3000  }
0x398: {  	[sflag:s15] =	ssyncset.done $0x0  }
0x399: {  	s29 =	simm.s32 $0x1900;
	[sflag:s15] =	ssyncadd.s32 $0xFFFFD000  }
0x39a: {  	[spmem:s2] =	stream.indirect.scatter.add.f32 [tilespmem:s10], [sflag:$0x4], $0x80, s29, s9, $0xb8;
	[tilespmem:$0x1F000] =	vst v63  }
0x39b: {  	_ =	swait.ge [sflag:s5], $0x3000  }
0x39c: {  	[sflag:s5] =	ssyncset.done $0x0  }
0x39d: {  	[sflag:s5] =	ssyncadd.s32 $0xFFFFD000  }
0x39e: {  	_ =	swait.ge [sflag:s16], $0x3000  }
0x39f: {  	[sflag:s16] =	ssyncset.done $0x0  }
0x3a0: {  	s30 =	simm.s32 $0x1980;
	[sflag:s16] =	ssyncadd.s32 $0xFFFFD000  }
0x3a1: {  	[spmem:s2] =	stream.indirect.scatter.add.f32 [tilespmem:s12], [sflag:$0x4], $0x80, s30, s9, $0xb8;
	[tilespmem:$0x1F000] =	vst v63  }
0x3a2: {  	_ =	swait.ge [sflag:s5], $0x3000  }
0x3a3: {  	[sflag:s5] =	ssyncset.done $0x0  }
0x3a4: {  	[sflag:s5] =	ssyncadd.s32 $0xFFFFD000  }
0x3a5: {  	_ =	swait.ge [sflag:s18], $0x3000  }
0x3a6: {  	[sflag:s18] =	ssyncset.done $0x0  }
0x3a7: {  	s1 =	simm.s32 $0x1A00;
	[sflag:s18] =	ssyncadd.s32 $0xFFFFD000  }
0x3a8: {  	[spmem:s2] =	stream.indirect.scatter.add.f32 [tilespmem:s14], [sflag:$0x4], $0x80, s1, s9, $0xb8;
	[tilespmem:$0x1F000] =	vst v63  }
0x3a9: {  	_ =	swait.ge [sflag:s5], $0x3000  }
0x3aa: {  	[sflag:s5] =	ssyncset.done $0x0  }
0x3ab: {  	s6 =	simm.s32 $0xA80;
	[sflag:s5] =	ssyncadd.s32 $0xFFFFD000  }
0x3ac: {  	[tilespmem:s10], [sflag:$0x1] =	stream.indirect.gather [hbm4b:s4+s9], $0x80, s6, s9, $0xb8;
	[tilespmem:$0x1F000] =	vst v63  }
0x3ad: {  	s7 =	simm.s32 $0xB00  }
0x3ae: {  	[tilespmem:s12], [sflag:$0x2] =	stream.indirect.gather [hbm4b:s4+s9], $0x80, s7, s9, $0xb8;
	[tilespmem:$0x1F000] =	vst v63  }
0x3af: {  	s8 =	simm.s32 $0xB80  }
0x3b0: {  	[tilespmem:s14], [sflag:$0x3] =	stream.indirect.gather [hbm4b:s4+s9], $0x80, s8, s9, $0xb8;
	[tilespmem:$0x1F000] =	vst v63  }
0x3b1: {  	_ =	swait.ge [sflag:s15], $0x3000  }
0x3b2: {  	[sflag:s15] =	ssyncset.done $0x0  }
0x3b3: {  	s11 =	simm.s32 $0x1A80;
	[sflag:s15] =	ssyncadd.s32 $0xFFFFD000  }
0x3b4: {  	[spmem:s2] =	stream.indirect.scatter.add.f32 [tilespmem:s10], [sflag:$0x4], $0x80, s11, s9, $0xb8;
	[tilespmem:$0x1F000] =	vst v63  }
0x3b5: {  	_ =	swait.ge [sflag:s5], $0x3000  }
0x3b6: {  	[sflag:s5] =	ssyncset.done $0x0  }
0x3b7: {  	[sflag:s5] =	ssyncadd.s32 $0xFFFFD000  }
0x3b8: {  	_ =	swait.ge [sflag:s16], $0x3000  }
0x3b9: {  	[sflag:s16] =	ssyncset.done $0x0  }
0x3ba: {  	s13 =	simm.s32 $0x1B00;
	[sflag:s16] =	ssyncadd.s32 $0xFFFFD000  }
0x3bb: {  	[spmem:s2] =	stream.indirect.scatter.add.f32 [tilespmem:s12], [sflag:$0x4], $0x80, s13, s9, $0xb8;
	[tilespmem:$0x1F000] =	vst v63  }
0x3bc: {  	_ =	swait.ge [sflag:s5], $0x3000  }
0x3bd: {  	[sflag:s5] =	ssyncset.done $0x0  }
0x3be: {  	[sflag:s5] =	ssyncadd.s32 $0xFFFFD000  }
0x3bf: {  	_ =	swait.ge [sflag:s18], $0x3000  }
0x3c0: {  	[sflag:s18] =	ssyncset.done $0x0  }
0x3c1: {  	s17 =	simm.s32 $0x1B80;
	[sflag:s18] =	ssyncadd.s32 $0xFFFFD000  }
0x3c2: {  	[spmem:s2] =	stream.indirect.scatter.add.f32 [tilespmem:s14], [sflag:$0x4], $0x80, s17, s9, $0xb8;
	[tilespmem:$0x1F000] =	vst v63  }
0x3c3: {  	_ =	swait.ge [sflag:s5], $0x3000  }
0x3c4: {  	[sflag:s5] =	ssyncset.done $0x0  }
0x3c5: {  	s19 =	simm.s32 $0xC00;
	[sflag:s5] =	ssyncadd.s32 $0xFFFFD000  }
0x3c6: {  	[tilespmem:s10], [sflag:$0x1] =	stream.indirect.gather [hbm4b:s4+s9], $0x80, s19, s9, $0xb8;
	[tilespmem:$0x1F000] =	vst v63  }
0x3c7: {  	s20 =	simm.s32 $0xC80  }
0x3c8: {  	[tilespmem:s12], [sflag:$0x2] =	stream.indirect.gather [hbm4b:s4+s9], $0x80, s20, s9, $0xb8;
	[tilespmem:$0x1F000] =	vst v63  }
0x3c9: {  	s21 =	simm.s32 $0xD00  }
0x3ca: {  	[tilespmem:s14], [sflag:$0x3] =	stream.indirect.gather [hbm4b:s4+s9], $0x80, s21, s9, $0xb8;
	[tilespmem:$0x1F000] =	vst v63  }
0x3cb: {  	_ =	swait.ge [sflag:s15], $0x3000  }
0x3cc: {  	[sflag:s15] =	ssyncset.done $0x0  }
0x3cd: {  	s22 =	simm.s32 $0x1C00;
	[sflag:s15] =	ssyncadd.s32 $0xFFFFD000  }
0x3ce: {  	[spmem:s2] =	stream.indirect.scatter.add.f32 [tilespmem:s10], [sflag:$0x4], $0x80, s22, s9, $0xb8;
	[tilespmem:$0x1F000] =	vst v63  }
0x3cf: {  	_ =	swait.ge [sflag:s5], $0x3000  }
0x3d0: {  	[sflag:s5] =	ssyncset.done $0x0  }
0x3d1: {  	[sflag:s5] =	ssyncadd.s32 $0xFFFFD000  }
0x3d2: {  	_ =	swait.ge [sflag:s16], $0x3000  }
0x3d3: {  	[sflag:s16] =	ssyncset.done $0x0  }
0x3d4: {  	s23 =	simm.s32 $0x1C80;
	[sflag:s16] =	ssyncadd.s32 $0xFFFFD000  }
0x3d5: {  	[spmem:s2] =	stream.indirect.scatter.add.f32 [tilespmem:s12], [sflag:$0x4], $0x80, s23, s9, $0xb8;
	[tilespmem:$0x1F000] =	vst v63  }
0x3d6: {  	_ =	swait.ge [sflag:s5], $0x3000  }
0x3d7: {  	[sflag:s5] =	ssyncset.done $0x0  }
0x3d8: {  	[sflag:s5] =	ssyncadd.s32 $0xFFFFD000  }
0x3d9: {  	_ =	swait.ge [sflag:s18], $0x3000  }
0x3da: {  	[sflag:s18] =	ssyncset.done $0x0  }
0x3db: {  	s24 =	simm.s32 $0x1D00;
	[sflag:s18] =	ssyncadd.s32 $0xFFFFD000  }
0x3dc: {  	[spmem:s2] =	stream.indirect.scatter.add.f32 [tilespmem:s14], [sflag:$0x4], $0x80, s24, s9, $0xb8;
	[tilespmem:$0x1F000] =	vst v63  }
0x3dd: {  	_ =	swait.ge [sflag:s5], $0x3000  }
0x3de: {  	[sflag:s5] =	ssyncset.done $0x0  }
0x3df: {  	[sflag:s5] =	ssyncadd.s32 $0xFFFFD000  }
0x3e0: {  	[bflag:$0x0] =	sbarrier.arrive $0xFFFF  }
0x3e1: {  	s25 =	rddreg [dreg:$0x10]  }
0x3e2: {  	s26 =	ssub.s32 $0x2, s25  }
0x3e3: {  	s31 =	sshrl.u32 s26, $0x1  }
0x3e4: {  	s31 =	ssub.s32 s26, s31  }
0x3e5: {  	s31 =	smax.u32 s31, $0x1  }
0x3e6: {  	p0 =	sne.s32 s31, $0x1  }
.Ltmp0:
0x3e7: {  	s28 =	rddreg [dreg:$0xd];
	(pc) =	sbr.rel @!p0 .LBB2_2-.Ltmp0, $4  }
0x3e8: {  	s29 =	rddreg [dreg:$0xe]  }
0x3e9: {  	s30 =	rddreg [dreg:$0xf]  }
0x3ea: {  	[hbm:s28], [sflag:s29] =	dma.local [spmem:s30], $0x2800  }
0x3eb: {  	_ =	swait.ge [sflag:s5], $0x2800;
	s31 =	sadd.s32 $0xFFFFFFFF, s31  }
.LBB2_1:
0x3ec: {  	[sflag:s5] =	ssyncset.done $0x0  }
0x3ed: {  	s0 =	rddreg [dreg:$0x4];
	[sflag:s5] =	ssyncadd.s32 $0xFFFFD800  }
0x3ee: {  	[tilespmem:s3], [sflag:$0x4] =	stream.linear.gather [hbm4b:s0+s3], $0xD80, $0x38;
	[tilespmem:$0x1F000] =	vst v63  }
0x3ef: {  	_ =	swait.ge [sflag:s5], $0xD80  }
0x3f0: {  	[sflag:s5] =	ssyncset.done $0x0  }
0x3f1: {  	s1 =	simm.s32 $0x1000;
	s29 =	rddreg [dreg:$0x5];
	[sflag:s5] =	ssyncadd.s32 $0xFFFFF280  }
0x3f2: {  	[tilespmem:s1], [sflag:$0x4] =	stream.linear.gather [hbm4b:s29+s3], $0xD80, $0x38;
	[tilespmem:$0x1F000] =	vst v63  }
0x3f3: {  	_ =	swait.ge [sflag:s5], $0xD80  }
0x3f4: {  	s30 =	rddreg [dreg:$0x6]  }
0x3f5: {  	[sflag:s5] =	ssyncset.done $0x0;
	s6 =	rddreg [dreg:$0xe]  }
0x3f6: {  	s7 =	rddreg [dreg:$0xf];
	[sflag:s5] =	ssyncadd.s32 $0xFFFFF280  }
0x3f7: {  	[spmem:s7], [sflag:s6] =	dma.local [hbm:s30], $0x2800  }
0x3f8: {  	_ =	swait.ge [sflag:s5], $0x2800  }
0x3f9: {  	[sflag:s5] =	ssyncset.done $0x0  }
0x3fa: {  	[sflag:s5] =	ssyncadd.s32 $0xFFFFD800  }
0x3fb: {  	[bflag:$0x0] =	sbarrier.arrive $0xFFFF  }
0x3fc: {  	[tilespmem:s10], [sflag:$0x1] =	stream.indirect.gather [hbm4b:s4+s9], $0x80, s3, s9, $0xb8;
	[tilespmem:$0x1F000] =	vst v63  }
0x3fd: {  	s6 =	simm.s32 $0x80  }
0x3fe: {  	[tilespmem:s12], [sflag:$0x2] =	stream.indirect.gather [hbm4b:s4+s9], $0x80, s6, s9, $0xb8;
	[tilespmem:$0x1F000] =	vst v63  }
0x3ff: {  	s7 =	simm.s32 $0x100  }
0x400: {  	[tilespmem:s14], [sflag:$0x3] =	stream.indirect.gather [hbm4b:s4+s9], $0x80, s7, s9, $0xb8;
	[tilespmem:$0x1F000] =	vst v63  }
0x401: {  	_ =	swait.ge [sflag:s15], $0x3000  }
0x402: {  	[sflag:s15] =	ssyncset.done $0x0  }
0x403: {  	[sflag:s15] =	ssyncadd.s32 $0xFFFFD000  }
0x404: {  	[spmem:s2] =	stream.indirect.scatter.add.f32 [tilespmem:s10], [sflag:$0x4], $0x80, s1, s9, $0xb8;
	[tilespmem:$0x1F000] =	vst v63  }
0x405: {  	_ =	swait.ge [sflag:s5], $0x3000  }
0x406: {  	[sflag:s5] =	ssyncset.done $0x0  }
0x407: {  	[sflag:s5] =	ssyncadd.s32 $0xFFFFD000  }
0x408: {  	_ =	swait.ge [sflag:s16], $0x3000  }
0x409: {  	[sflag:s16] =	ssyncset.done $0x0  }
0x40a: {  	s8 =	simm.s32 $0x1080;
	[sflag:s16] =	ssyncadd.s32 $0xFFFFD000  }
0x40b: {  	[spmem:s2] =	stream.indirect.scatter.add.f32 [tilespmem:s12], [sflag:$0x4], $0x80, s8, s9, $0xb8;
	[tilespmem:$0x1F000] =	vst v63  }
0x40c: {  	_ =	swait.ge [sflag:s5], $0x3000  }
0x40d: {  	[sflag:s5] =	ssyncset.done $0x0  }
0x40e: {  	[sflag:s5] =	ssyncadd.s32 $0xFFFFD000  }
0x40f: {  	_ =	swait.ge [sflag:s18], $0x3000  }
0x410: {  	[sflag:s18] =	ssyncset.done $0x0  }
0x411: {  	s11 =	simm.s32 $0x1100;
	[sflag:s18] =	ssyncadd.s32 $0xFFFFD000  }
0x412: {  	[spmem:s2] =	stream.indirect.scatter.add.f32 [tilespmem:s14], [sflag:$0x4], $0x80, s11, s9, $0xb8;
	[tilespmem:$0x1F000] =	vst v63  }
0x413: {  	_ =	swait.ge [sflag:s5], $0x3000  }
0x414: {  	[sflag:s5] =	ssyncset.done $0x0  }
0x415: {  	s13 =	simm.s32 $0x180;
	[sflag:s5] =	ssyncadd.s32 $0xFFFFD000  }
0x416: {  	[tilespmem:s10], [sflag:$0x1] =	stream.indirect.gather [hbm4b:s4+s9], $0x80, s13, s9, $0xb8;
	[tilespmem:$0x1F000] =	vst v63  }
0x417: {  	s17 =	simm.s32 $0x200  }
0x418: {  	[tilespmem:s12], [sflag:$0x2] =	stream.indirect.gather [hbm4b:s4+s9], $0x80, s17, s9, $0xb8;
	[tilespmem:$0x1F000] =	vst v63  }
0x419: {  	s19 =	simm.s32 $0x280  }
0x41a: {  	[tilespmem:s14], [sflag:$0x3] =	stream.indirect.gather [hbm4b:s4+s9], $0x80, s19, s9, $0xb8;
	[tilespmem:$0x1F000] =	vst v63  }
0x41b: {  	_ =	swait.ge [sflag:s15], $0x3000  }
0x41c: {  	[sflag:s15] =	ssyncset.done $0x0  }
0x41d: {  	s20 =	simm.s32 $0x1180;
	[sflag:s15] =	ssyncadd.s32 $0xFFFFD000  }
0x41e: {  	[spmem:s2] =	stream.indirect.scatter.add.f32 [tilespmem:s10], [sflag:$0x4], $0x80, s20, s9, $0xb8;
	[tilespmem:$0x1F000] =	vst v63  }
0x41f: {  	_ =	swait.ge [sflag:s5], $0x3000  }
0x420: {  	[sflag:s5] =	ssyncset.done $0x0  }
0x421: {  	[sflag:s5] =	ssyncadd.s32 $0xFFFFD000  }
0x422: {  	_ =	swait.ge [sflag:s16], $0x3000  }
0x423: {  	[sflag:s16] =	ssyncset.done $0x0  }
0x424: {  	s21 =	simm.s32 $0x1200;
	[sflag:s16] =	ssyncadd.s32 $0xFFFFD000  }
0x425: {  	[spmem:s2] =	stream.indirect.scatter.add.f32 [tilespmem:s12], [sflag:$0x4], $0x80, s21, s9, $0xb8;
	[tilespmem:$0x1F000] =	vst v63  }
0x426: {  	_ =	swait.ge [sflag:s5], $0x3000  }
0x427: {  	[sflag:s5] =	ssyncset.done $0x0  }
0x428: {  	[sflag:s5] =	ssyncadd.s32 $0xFFFFD000  }
0x429: {  	_ =	swait.ge [sflag:s18], $0x3000  }
0x42a: {  	[sflag:s18] =	ssyncset.done $0x0  }
0x42b: {  	s22 =	simm.s32 $0x1280;
	[sflag:s18] =	ssyncadd.s32 $0xFFFFD000  }
0x42c: {  	[spmem:s2] =	stream.indirect.scatter.add.f32 [tilespmem:s14], [sflag:$0x4], $0x80, s22, s9, $0xb8;
	[tilespmem:$0x1F000] =	vst v63  }
0x42d: {  	_ =	swait.ge [sflag:s5], $0x3000  }
0x42e: {  	[sflag:s5] =	ssyncset.done $0x0  }
0x42f: {  	s23 =	simm.s32 $0x300;
	[sflag:s5] =	ssyncadd.s32 $0xFFFFD000  }
0x430: {  	[tilespmem:s10], [sflag:$0x1] =	stream.indirect.gather [hbm4b:s4+s9], $0x80, s23, s9, $0xb8;
	[tilespmem:$0x1F000] =	vst v63  }
0x431: {  	s24 =	simm.s32 $0x380  }
0x432: {  	[tilespmem:s12], [sflag:$0x2] =	stream.indirect.gather [hbm4b:s4+s9], $0x80, s24, s9, $0xb8;
	[tilespmem:$0x1F000] =	vst v63  }
0x433: {  	s25 =	simm.s32 $0x400  }
0x434: {  	[tilespmem:s14], [sflag:$0x3] =	stream.indirect.gather [hbm4b:s4+s9], $0x80, s25, s9, $0xb8;
	[tilespmem:$0x1F000] =	vst v63  }
0x435: {  	_ =	swait.ge [sflag:s15], $0x3000  }
0x436: {  	[sflag:s15] =	ssyncset.done $0x0  }
0x437: {  	s26 =	simm.s32 $0x1300;
	[sflag:s15] =	ssyncadd.s32 $0xFFFFD000  }
0x438: {  	[spmem:s2] =	stream.indirect.scatter.add.f32 [tilespmem:s10], [sflag:$0x4], $0x80, s26, s9, $0xb8;
	[tilespmem:$0x1F000] =	vst v63  }
0x439: {  	_ =	swait.ge [sflag:s5], $0x3000  }
0x43a: {  	[sflag:s5] =	ssyncset.done $0x0  }
0x43b: {  	[sflag:s5] =	ssyncadd.s32 $0xFFFFD000  }
0x43c: {  	_ =	swait.ge [sflag:s16], $0x3000  }
0x43d: {  	[sflag:s16] =	ssyncset.done $0x0  }
0x43e: {  	s28 =	simm.s32 $0x1380;
	[sflag:s16] =	ssyncadd.s32 $0xFFFFD000  }
0x43f: {  	[spmem:s2] =	stream.indirect.scatter.add.f32 [tilespmem:s12], [sflag:$0x4], $0x80, s28, s9, $0xb8;
	[tilespmem:$0x1F000] =	vst v63  }
0x440: {  	_ =	swait.ge [sflag:s5], $0x3000  }
0x441: {  	[sflag:s5] =	ssyncset.done $0x0  }
0x442: {  	[sflag:s5] =	ssyncadd.s32 $0xFFFFD000  }
0x443: {  	_ =	swait.ge [sflag:s18], $0x3000  }
0x444: {  	[sflag:s18] =	ssyncset.done $0x0  }
0x445: {  	s29 =	simm.s32 $0x1400;
	[sflag:s18] =	ssyncadd.s32 $0xFFFFD000  }
0x446: {  	[spmem:s2] =	stream.indirect.scatter.add.f32 [tilespmem:s14], [sflag:$0x4], $0x80, s29, s9, $0xb8;
	[tilespmem:$0x1F000] =	vst v63  }
0x447: {  	_ =	swait.ge [sflag:s5], $0x3000  }
0x448: {  	[sflag:s5] =	ssyncset.done $0x0  }
0x449: {  	s30 =	simm.s32 $0x480;
	[sflag:s5] =	ssyncadd.s32 $0xFFFFD000  }
0x44a: {  	[tilespmem:s10], [sflag:$0x1] =	stream.indirect.gather [hbm4b:s4+s9], $0x80, s30, s9, $0xb8;
	[tilespmem:$0x1F000] =	vst v63  }
0x44b: {  	s6 =	simm.s32 $0x500  }
0x44c: {  	[tilespmem:s12], [sflag:$0x2] =	stream.indirect.gather [hbm4b:s4+s9], $0x80, s6, s9, $0xb8;
	[tilespmem:$0x1F000] =	vst v63  }
0x44d: {  	s7 =	simm.s32 $0x580  }
0x44e: {  	[tilespmem:s14], [sflag:$0x3] =	stream.indirect.gather [hbm4b:s4+s9], $0x80, s7, s9, $0xb8;
	[tilespmem:$0x1F000] =	vst v63  }
0x44f: {  	_ =	swait.ge [sflag:s15], $0x3000  }
0x450: {  	[sflag:s15] =	ssyncset.done $0x0  }
0x451: {  	s8 =	simm.s32 $0x1480;
	[sflag:s15] =	ssyncadd.s32 $0xFFFFD000  }
0x452: {  	[spmem:s2] =	stream.indirect.scatter.add.f32 [tilespmem:s10], [sflag:$0x4], $0x80, s8, s9, $0xb8;
	[tilespmem:$0x1F000] =	vst v63  }
0x453: {  	_ =	swait.ge [sflag:s5], $0x3000  }
0x454: {  	[sflag:s5] =	ssyncset.done $0x0  }
0x455: {  	[sflag:s5] =	ssyncadd.s32 $0xFFFFD000  }
0x456: {  	_ =	swait.ge [sflag:s16], $0x3000  }
0x457: {  	[sflag:s16] =	ssyncset.done $0x0  }
0x458: {  	s11 =	simm.s32 $0x1500;
	[sflag:s16] =	ssyncadd.s32 $0xFFFFD000  }
0x459: {  	[spmem:s2] =	stream.indirect.scatter.add.f32 [tilespmem:s12], [sflag:$0x4], $0x80, s11, s9, $0xb8;
	[tilespmem:$0x1F000] =	vst v63  }
0x45a: {  	_ =	swait.ge [sflag:s5], $0x3000  }
0x45b: {  	[sflag:s5] =	ssyncset.done $0x0  }
0x45c: {  	[sflag:s5] =	ssyncadd.s32 $0xFFFFD000  }
0x45d: {  	_ =	swait.ge [sflag:s18], $0x3000  }
0x45e: {  	[sflag:s18] =	ssyncset.done $0x0  }
0x45f: {  	s13 =	simm.s32 $0x1580;
	[sflag:s18] =	ssyncadd.s32 $0xFFFFD000  }
0x460: {  	[spmem:s2] =	stream.indirect.scatter.add.f32 [tilespmem:s14], [sflag:$0x4], $0x80, s13, s9, $0xb8;
	[tilespmem:$0x1F000] =	vst v63  }
0x461: {  	_ =	swait.ge [sflag:s5], $0x3000  }
0x462: {  	[sflag:s5] =	ssyncset.done $0x0  }
0x463: {  	s17 =	simm.s32 $0x600;
	[sflag:s5] =	ssyncadd.s32 $0xFFFFD000  }
0x464: {  	[tilespmem:s10], [sflag:$0x1] =	stream.indirect.gather [hbm4b:s4+s9], $0x80, s17, s9, $0xb8;
	[tilespmem:$0x1F000] =	vst v63  }
0x465: {  	s19 =	simm.s32 $0x680  }
0x466: {  	[tilespmem:s12], [sflag:$0x2] =	stream.indirect.gather [hbm4b:s4+s9], $0x80, s19, s9, $0xb8;
	[tilespmem:$0x1F000] =	vst v63  }
0x467: {  	s20 =	simm.s32 $0x700  }
0x468: {  	[tilespmem:s14], [sflag:$0x3] =	stream.indirect.gather [hbm4b:s4+s9], $0x80, s20, s9, $0xb8;
	[tilespmem:$0x1F000] =	vst v63  }
0x469: {  	_ =	swait.ge [sflag:s15], $0x3000  }
0x46a: {  	[sflag:s15] =	ssyncset.done $0x0  }
0x46b: {  	s21 =	simm.s32 $0x1600;
	[sflag:s15] =	ssyncadd.s32 $0xFFFFD000  }
0x46c: {  	[spmem:s2] =	stream.indirect.scatter.add.f32 [tilespmem:s10], [sflag:$0x4], $0x80, s21, s9, $0xb8;
	[tilespmem:$0x1F000] =	vst v63  }
0x46d: {  	_ =	swait.ge [sflag:s5], $0x3000  }
0x46e: {  	[sflag:s5] =	ssyncset.done $0x0  }
0x46f: {  	[sflag:s5] =	ssyncadd.s32 $0xFFFFD000  }
0x470: {  	_ =	swait.ge [sflag:s16], $0x3000  }
0x471: {  	[sflag:s16] =	ssyncset.done $0x0  }
0x472: {  	s22 =	simm.s32 $0x1680;
	[sflag:s16] =	ssyncadd.s32 $0xFFFFD000  }
0x473: {  	[spmem:s2] =	stream.indirect.scatter.add.f32 [tilespmem:s12], [sflag:$0x4], $0x80, s22, s9, $0xb8;
	[tilespmem:$0x1F000] =	vst v63  }
0x474: {  	_ =	swait.ge [sflag:s5], $0x3000  }
0x475: {  	[sflag:s5] =	ssyncset.done $0x0  }
0x476: {  	[sflag:s5] =	ssyncadd.s32 $0xFFFFD000  }
0x477: {  	_ =	swait.ge [sflag:s18], $0x3000  }
0x478: {  	[sflag:s18] =	ssyncset.done $0x0  }
0x479: {  	s23 =	simm.s32 $0x1700;
	[sflag:s18] =	ssyncadd.s32 $0xFFFFD000  }
0x47a: {  	[spmem:s2] =	stream.indirect.scatter.add.f32 [tilespmem:s14], [sflag:$0x4], $0x80, s23, s9, $0xb8;
	[tilespmem:$0x1F000] =	vst v63  }
0x47b: {  	_ =	swait.ge [sflag:s5], $0x3000  }
0x47c: {  	[sflag:s5] =	ssyncset.done $0x0  }
0x47d: {  	s24 =	simm.s32 $0x780;
	[sflag:s5] =	ssyncadd.s32 $0xFFFFD000  }
0x47e: {  	[tilespmem:s10], [sflag:$0x1] =	stream.indirect.gather [hbm4b:s4+s9], $0x80, s24, s9, $0xb8;
	[tilespmem:$0x1F000] =	vst v63  }
0x47f: {  	s25 =	simm.s32 $0x800  }
0x480: {  	[tilespmem:s12], [sflag:$0x2] =	stream.indirect.gather [hbm4b:s4+s9], $0x80, s25, s9, $0xb8;
	[tilespmem:$0x1F000] =	vst v63  }
0x481: {  	s26 =	simm.s32 $0x880  }
0x482: {  	[tilespmem:s14], [sflag:$0x3] =	stream.indirect.gather [hbm4b:s4+s9], $0x80, s26, s9, $0xb8;
	[tilespmem:$0x1F000] =	vst v63  }
0x483: {  	_ =	swait.ge [sflag:s15], $0x3000  }
0x484: {  	[sflag:s15] =	ssyncset.done $0x0  }
0x485: {  	s28 =	simm.s32 $0x1780;
	[sflag:s15] =	ssyncadd.s32 $0xFFFFD000  }
0x486: {  	[spmem:s2] =	stream.indirect.scatter.add.f32 [tilespmem:s10], [sflag:$0x4], $0x80, s28, s9, $0xb8;
	[tilespmem:$0x1F000] =	vst v63  }
0x487: {  	_ =	swait.ge [sflag:s5], $0x3000  }
0x488: {  	[sflag:s5] =	ssyncset.done $0x0  }
0x489: {  	[sflag:s5] =	ssyncadd.s32 $0xFFFFD000  }
0x48a: {  	_ =	swait.ge [sflag:s16], $0x3000  }
0x48b: {  	[sflag:s16] =	ssyncset.done $0x0  }
0x48c: {  	s29 =	simm.s32 $0x1800;
	[sflag:s16] =	ssyncadd.s32 $0xFFFFD000  }
0x48d: {  	[spmem:s2] =	stream.indirect.scatter.add.f32 [tilespmem:s12], [sflag:$0x4], $0x80, s29, s9, $0xb8;
	[tilespmem:$0x1F000] =	vst v63  }
0x48e: {  	_ =	swait.ge [sflag:s5], $0x3000  }
0x48f: {  	[sflag:s5] =	ssyncset.done $0x0  }
0x490: {  	[sflag:s5] =	ssyncadd.s32 $0xFFFFD000  }
0x491: {  	_ =	swait.ge [sflag:s18], $0x3000  }
0x492: {  	[sflag:s18] =	ssyncset.done $0x0  }
0x493: {  	s30 =	simm.s32 $0x1880;
	[sflag:s18] =	ssyncadd.s32 $0xFFFFD000  }
0x494: {  	[spmem:s2] =	stream.indirect.scatter.add.f32 [tilespmem:s14], [sflag:$0x4], $0x80, s30, s9, $0xb8;
	[tilespmem:$0x1F000] =	vst v63  }
0x495: {  	_ =	swait.ge [sflag:s5], $0x3000  }
0x496: {  	[sflag:s5] =	ssyncset.done $0x0  }
0x497: {  	s0 =	simm.s32 $0x900;
	[sflag:s5] =	ssyncadd.s32 $0xFFFFD000  }
0x498: {  	[tilespmem:s10], [sflag:$0x1] =	stream.indirect.gather [hbm4b:s4+s9], $0x80, s0, s9, $0xb8;
	[tilespmem:$0x1F000] =	vst v63  }
0x499: {  	s0 =	simm.s32 $0x980  }
0x49a: {  	[tilespmem:s12], [sflag:$0x2] =	stream.indirect.gather [hbm4b:s4+s9], $0x80, s0, s9, $0xb8;
	[tilespmem:$0x1F000] =	vst v63  }
0x49b: {  	s0 =	simm.s32 $0xA00  }
0x49c: {  	[tilespmem:s14], [sflag:$0x3] =	stream.indirect.gather [hbm4b:s4+s9], $0x80, s0, s9, $0xb8;
	[tilespmem:$0x1F000] =	vst v63  }
0x49d: {  	_ =	swait.ge [sflag:s15], $0x3000  }
0x49e: {  	[sflag:s15] =	ssyncset.done $0x0  }
0x49f: {  	s0 =	simm.s32 $0x1900;
	[sflag:s15] =	ssyncadd.s32 $0xFFFFD000  }
0x4a0: {  	[spmem:s2] =	stream.indirect.scatter.add.f32 [tilespmem:s10], [sflag:$0x4], $0x80, s0, s9, $0xb8;
	[tilespmem:$0x1F000] =	vst v63  }
0x4a1: {  	_ =	swait.ge [sflag:s5], $0x3000  }
0x4a2: {  	[sflag:s5] =	ssyncset.done $0x0  }
0x4a3: {  	[sflag:s5] =	ssyncadd.s32 $0xFFFFD000  }
0x4a4: {  	_ =	swait.ge [sflag:s16], $0x3000  }
0x4a5: {  	[sflag:s16] =	ssyncset.done $0x0  }
0x4a6: {  	s0 =	simm.s32 $0x1980;
	[sflag:s16] =	ssyncadd.s32 $0xFFFFD000  }
0x4a7: {  	[spmem:s2] =	stream.indirect.scatter.add.f32 [tilespmem:s12], [sflag:$0x4], $0x80, s0, s9, $0xb8;
	[tilespmem:$0x1F000] =	vst v63  }
0x4a8: {  	_ =	swait.ge [sflag:s5], $0x3000  }
0x4a9: {  	[sflag:s5] =	ssyncset.done $0x0  }
0x4aa: {  	[sflag:s5] =	ssyncadd.s32 $0xFFFFD000  }
0x4ab: {  	_ =	swait.ge [sflag:s18], $0x3000  }
0x4ac: {  	[sflag:s18] =	ssyncset.done $0x0  }
0x4ad: {  	s0 =	simm.s32 $0x1A00;
	[sflag:s18] =	ssyncadd.s32 $0xFFFFD000  }
0x4ae: {  	[spmem:s2] =	stream.indirect.scatter.add.f32 [tilespmem:s14], [sflag:$0x4], $0x80, s0, s9, $0xb8;
	[tilespmem:$0x1F000] =	vst v63  }
0x4af: {  	_ =	swait.ge [sflag:s5], $0x3000  }
0x4b0: {  	[sflag:s5] =	ssyncset.done $0x0  }
0x4b1: {  	s0 =	simm.s32 $0xA80;
	[sflag:s5] =	ssyncadd.s32 $0xFFFFD000  }
0x4b2: {  	[tilespmem:s10], [sflag:$0x1] =	stream.indirect.gather [hbm4b:s4+s9], $0x80, s0, s9, $0xb8;
	[tilespmem:$0x1F000] =	vst v63  }
0x4b3: {  	s0 =	simm.s32 $0xB00  }
0x4b4: {  	[tilespmem:s12], [sflag:$0x2] =	stream.indirect.gather [hbm4b:s4+s9], $0x80, s0, s9, $0xb8;
	[tilespmem:$0x1F000] =	vst v63  }
0x4b5: {  	s0 =	simm.s32 $0xB80  }
0x4b6: {  	[tilespmem:s14], [sflag:$0x3] =	stream.indirect.gather [hbm4b:s4+s9], $0x80, s0, s9, $0xb8;
	[tilespmem:$0x1F000] =	vst v63  }
0x4b7: {  	_ =	swait.ge [sflag:s15], $0x3000  }
0x4b8: {  	[sflag:s15] =	ssyncset.done $0x0  }
0x4b9: {  	s0 =	simm.s32 $0x1A80;
	[sflag:s15] =	ssyncadd.s32 $0xFFFFD000  }
0x4ba: {  	[spmem:s2] =	stream.indirect.scatter.add.f32 [tilespmem:s10], [sflag:$0x4], $0x80, s0, s9, $0xb8;
	[tilespmem:$0x1F000] =	vst v63  }
0x4bb: {  	_ =	swait.ge [sflag:s5], $0x3000  }
0x4bc: {  	[sflag:s5] =	ssyncset.done $0x0  }
0x4bd: {  	[sflag:s5] =	ssyncadd.s32 $0xFFFFD000  }
0x4be: {  	_ =	swait.ge [sflag:s16], $0x3000  }
0x4bf: {  	[sflag:s16] =	ssyncset.done $0x0  }
0x4c0: {  	s0 =	simm.s32 $0x1B00;
	[sflag:s16] =	ssyncadd.s32 $0xFFFFD000  }
0x4c1: {  	[spmem:s2] =	stream.indirect.scatter.add.f32 [tilespmem:s12], [sflag:$0x4], $0x80, s0, s9, $0xb8;
	[tilespmem:$0x1F000] =	vst v63  }
0x4c2: {  	_ =	swait.ge [sflag:s5], $0x3000  }
0x4c3: {  	[sflag:s5] =	ssyncset.done $0x0  }
0x4c4: {  	[sflag:s5] =	ssyncadd.s32 $0xFFFFD000  }
0x4c5: {  	_ =	swait.ge [sflag:s18], $0x3000  }
0x4c6: {  	[sflag:s18] =	ssyncset.done $0x0  }
0x4c7: {  	s0 =	simm.s32 $0x1B80;
	[sflag:s18] =	ssyncadd.s32 $0xFFFFD000  }
0x4c8: {  	[spmem:s2] =	stream.indirect.scatter.add.f32 [tilespmem:s14], [sflag:$0x4], $0x80, s0, s9, $0xb8;
	[tilespmem:$0x1F000] =	vst v63  }
0x4c9: {  	_ =	swait.ge [sflag:s5], $0x3000  }
0x4ca: {  	[sflag:s5] =	ssyncset.done $0x0  }
0x4cb: {  	s0 =	simm.s32 $0xC00;
	[sflag:s5] =	ssyncadd.s32 $0xFFFFD000  }
0x4cc: {  	[tilespmem:s10], [sflag:$0x1] =	stream.indirect.gather [hbm4b:s4+s9], $0x80, s0, s9, $0xb8;
	[tilespmem:$0x1F000] =	vst v63  }
0x4cd: {  	s0 =	simm.s32 $0xC80  }
0x4ce: {  	[tilespmem:s12], [sflag:$0x2] =	stream.indirect.gather [hbm4b:s4+s9], $0x80, s0, s9, $0xb8;
	[tilespmem:$0x1F000] =	vst v63  }
0x4cf: {  	s0 =	simm.s32 $0xD00  }
0x4d0: {  	[tilespmem:s14], [sflag:$0x3] =	stream.indirect.gather [hbm4b:s4+s9], $0x80, s0, s9, $0xb8;
	[tilespmem:$0x1F000] =	vst v63  }
0x4d1: {  	_ =	swait.ge [sflag:s15], $0x3000  }
0x4d2: {  	[sflag:s15] =	ssyncset.done $0x0  }
0x4d3: {  	s0 =	simm.s32 $0x1C00;
	[sflag:s15] =	ssyncadd.s32 $0xFFFFD000  }
0x4d4: {  	[spmem:s2] =	stream.indirect.scatter.add.f32 [tilespmem:s10], [sflag:$0x4], $0x80, s0, s9, $0xb8;
	[tilespmem:$0x1F000] =	vst v63  }
0x4d5: {  	_ =	swait.ge [sflag:s5], $0x3000  }
0x4d6: {  	[sflag:s5] =	ssyncset.done $0x0  }
0x4d7: {  	[sflag:s5] =	ssyncadd.s32 $0xFFFFD000  }
0x4d8: {  	_ =	swait.ge [sflag:s16], $0x3000  }
0x4d9: {  	[sflag:s16] =	ssyncset.done $0x0  }
0x4da: {  	s0 =	simm.s32 $0x1C80;
	[sflag:s16] =	ssyncadd.s32 $0xFFFFD000  }
0x4db: {  	[spmem:s2] =	stream.indirect.scatter.add.f32 [tilespmem:s12], [sflag:$0x4], $0x80, s0, s9, $0xb8;
	[tilespmem:$0x1F000] =	vst v63  }
0x4dc: {  	_ =	swait.ge [sflag:s5], $0x3000  }
0x4dd: {  	[sflag:s5] =	ssyncset.done $0x0  }
0x4de: {  	[sflag:s5] =	ssyncadd.s32 $0xFFFFD000  }
0x4df: {  	_ =	swait.ge [sflag:s18], $0x3000  }
0x4e0: {  	[sflag:s18] =	ssyncset.done $0x0  }
0x4e1: {  	s0 =	simm.s32 $0x1D00;
	[sflag:s18] =	ssyncadd.s32 $0xFFFFD000  }
0x4e2: {  	[spmem:s2] =	stream.indirect.scatter.add.f32 [tilespmem:s14], [sflag:$0x4], $0x80, s0, s9, $0xb8;
	[tilespmem:$0x1F000] =	vst v63  }
0x4e3: {  	_ =	swait.ge [sflag:s5], $0x3000  }
0x4e4: {  	[sflag:s5] =	ssyncset.done $0x0  }
0x4e5: {  	s0 =	rddreg [dreg:$0x7];
	[sflag:s5] =	ssyncadd.s32 $0xFFFFD000  }
0x4e6: {  	[tilespmem:s3], [sflag:$0x4] =	stream.linear.gather [hbm4b:s0+s3], $0xD80, $0x38;
	[tilespmem:$0x1F000] =	vst v63  }
0x4e7: {  	_ =	swait.ge [sflag:s5], $0xD80  }
0x4e8: {  	[sflag:s5] =	ssyncset.done $0x0  }
0x4e9: {  	s0 =	rddreg [dreg:$0x8];
	[sflag:s5] =	ssyncadd.s32 $0xFFFFF280  }
0x4ea: {  	[tilespmem:s1], [sflag:$0x4] =	stream.linear.gather [hbm4b:s0+s3], $0xD80, $0x38;
	[tilespmem:$0x1F000] =	vst v63  }
0x4eb: {  	_ =	swait.ge [sflag:s5], $0xD80  }
0x4ec: {  	[sflag:s5] =	ssyncset.done $0x0  }
0x4ed: {  	[sflag:s5] =	ssyncadd.s32 $0xFFFFF280  }
0x4ee: {  	[tilespmem:s10], [sflag:$0x1] =	stream.indirect.gather [hbm4b:s4+s9], $0x80, s3, s9, $0xb8;
	[tilespmem:$0x1F000] =	vst v63  }
0x4ef: {  	s0 =	simm.s32 $0x80  }
0x4f0: {  	[tilespmem:s12], [sflag:$0x2] =	stream.indirect.gather [hbm4b:s4+s9], $0x80, s0, s9, $0xb8;
	[tilespmem:$0x1F000] =	vst v63  }
0x4f1: {  	s0 =	simm.s32 $0x100  }
0x4f2: {  	[tilespmem:s14], [sflag:$0x3] =	stream.indirect.gather [hbm4b:s4+s9], $0x80, s0, s9, $0xb8;
	[tilespmem:$0x1F000] =	vst v63  }
0x4f3: {  	_ =	swait.ge [sflag:s15], $0x3000  }
0x4f4: {  	[sflag:s15] =	ssyncset.done $0x0  }
0x4f5: {  	[sflag:s15] =	ssyncadd.s32 $0xFFFFD000  }
0x4f6: {  	[spmem:s2] =	stream.indirect.scatter.add.f32 [tilespmem:s10], [sflag:$0x4], $0x80, s1, s9, $0xb8;
	[tilespmem:$0x1F000] =	vst v63  }
0x4f7: {  	_ =	swait.ge [sflag:s5], $0x3000  }
0x4f8: {  	[sflag:s5] =	ssyncset.done $0x0  }
0x4f9: {  	[sflag:s5] =	ssyncadd.s32 $0xFFFFD000  }
0x4fa: {  	_ =	swait.ge [sflag:s16], $0x3000  }
0x4fb: {  	[sflag:s16] =	ssyncset.done $0x0  }
0x4fc: {  	s0 =	simm.s32 $0x1080;
	[sflag:s16] =	ssyncadd.s32 $0xFFFFD000  }
0x4fd: {  	[spmem:s2] =	stream.indirect.scatter.add.f32 [tilespmem:s12], [sflag:$0x4], $0x80, s0, s9, $0xb8;
	[tilespmem:$0x1F000] =	vst v63  }
0x4fe: {  	_ =	swait.ge [sflag:s5], $0x3000  }
0x4ff: {  	[sflag:s5] =	ssyncset.done $0x0  }
0x500: {  	[sflag:s5] =	ssyncadd.s32 $0xFFFFD000  }
0x501: {  	_ =	swait.ge [sflag:s18], $0x3000  }
0x502: {  	[sflag:s18] =	ssyncset.done $0x0  }
0x503: {  	s0 =	simm.s32 $0x1100;
	[sflag:s18] =	ssyncadd.s32 $0xFFFFD000  }
0x504: {  	[spmem:s2] =	stream.indirect.scatter.add.f32 [tilespmem:s14], [sflag:$0x4], $0x80, s0, s9, $0xb8;
	[tilespmem:$0x1F000] =	vst v63  }
0x505: {  	_ =	swait.ge [sflag:s5], $0x3000  }
0x506: {  	[sflag:s5] =	ssyncset.done $0x0  }
0x507: {  	s0 =	simm.s32 $0x180;
	[sflag:s5] =	ssyncadd.s32 $0xFFFFD000  }
0x508: {  	[tilespmem:s10], [sflag:$0x1] =	stream.indirect.gather [hbm4b:s4+s9], $0x80, s0, s9, $0xb8;
	[tilespmem:$0x1F000] =	vst v63  }
0x509: {  	s0 =	simm.s32 $0x200  }
0x50a: {  	[tilespmem:s12], [sflag:$0x2] =	stream.indirect.gather [hbm4b:s4+s9], $0x80, s0, s9, $0xb8;
	[tilespmem:$0x1F000] =	vst v63  }
0x50b: {  	s0 =	simm.s32 $0x280  }
0x50c: {  	[tilespmem:s14], [sflag:$0x3] =	stream.indirect.gather [hbm4b:s4+s9], $0x80, s0, s9, $0xb8;
	[tilespmem:$0x1F000] =	vst v63  }
0x50d: {  	_ =	swait.ge [sflag:s15], $0x3000  }
0x50e: {  	[sflag:s15] =	ssyncset.done $0x0  }
0x50f: {  	s0 =	simm.s32 $0x1180;
	[sflag:s15] =	ssyncadd.s32 $0xFFFFD000  }
0x510: {  	[spmem:s2] =	stream.indirect.scatter.add.f32 [tilespmem:s10], [sflag:$0x4], $0x80, s0, s9, $0xb8;
	[tilespmem:$0x1F000] =	vst v63  }
0x511: {  	_ =	swait.ge [sflag:s5], $0x3000  }
0x512: {  	[sflag:s5] =	ssyncset.done $0x0  }
0x513: {  	[sflag:s5] =	ssyncadd.s32 $0xFFFFD000  }
0x514: {  	_ =	swait.ge [sflag:s16], $0x3000  }
0x515: {  	[sflag:s16] =	ssyncset.done $0x0  }
0x516: {  	s0 =	simm.s32 $0x1200;
	[sflag:s16] =	ssyncadd.s32 $0xFFFFD000  }
0x517: {  	[spmem:s2] =	stream.indirect.scatter.add.f32 [tilespmem:s12], [sflag:$0x4], $0x80, s0, s9, $0xb8;
	[tilespmem:$0x1F000] =	vst v63  }
0x518: {  	_ =	swait.ge [sflag:s5], $0x3000  }
0x519: {  	[sflag:s5] =	ssyncset.done $0x0  }
0x51a: {  	[sflag:s5] =	ssyncadd.s32 $0xFFFFD000  }
0x51b: {  	_ =	swait.ge [sflag:s18], $0x3000  }
0x51c: {  	[sflag:s18] =	ssyncset.done $0x0  }
0x51d: {  	s0 =	simm.s32 $0x1280;
	[sflag:s18] =	ssyncadd.s32 $0xFFFFD000  }
0x51e: {  	[spmem:s2] =	stream.indirect.scatter.add.f32 [tilespmem:s14], [sflag:$0x4], $0x80, s0, s9, $0xb8;
	[tilespmem:$0x1F000] =	vst v63  }
0x51f: {  	_ =	swait.ge [sflag:s5], $0x3000  }
0x520: {  	[sflag:s5] =	ssyncset.done $0x0  }
0x521: {  	s0 =	simm.s32 $0x300;
	[sflag:s5] =	ssyncadd.s32 $0xFFFFD000  }
0x522: {  	[tilespmem:s10], [sflag:$0x1] =	stream.indirect.gather [hbm4b:s4+s9], $0x80, s0, s9, $0xb8;
	[tilespmem:$0x1F000] =	vst v63  }
0x523: {  	s0 =	simm.s32 $0x380  }
0x524: {  	[tilespmem:s12], [sflag:$0x2] =	stream.indirect.gather [hbm4b:s4+s9], $0x80, s0, s9, $0xb8;
	[tilespmem:$0x1F000] =	vst v63  }
0x525: {  	s0 =	simm.s32 $0x400  }
0x526: {  	[tilespmem:s14], [sflag:$0x3] =	stream.indirect.gather [hbm4b:s4+s9], $0x80, s0, s9, $0xb8;
	[tilespmem:$0x1F000] =	vst v63  }
0x527: {  	_ =	swait.ge [sflag:s15], $0x3000  }
0x528: {  	[sflag:s15] =	ssyncset.done $0x0  }
0x529: {  	s0 =	simm.s32 $0x1300;
	[sflag:s15] =	ssyncadd.s32 $0xFFFFD000  }
0x52a: {  	[spmem:s2] =	stream.indirect.scatter.add.f32 [tilespmem:s10], [sflag:$0x4], $0x80, s0, s9, $0xb8;
	[tilespmem:$0x1F000] =	vst v63  }
0x52b: {  	_ =	swait.ge [sflag:s5], $0x3000  }
0x52c: {  	[sflag:s5] =	ssyncset.done $0x0  }
0x52d: {  	[sflag:s5] =	ssyncadd.s32 $0xFFFFD000  }
0x52e: {  	_ =	swait.ge [sflag:s16], $0x3000  }
0x52f: {  	[sflag:s16] =	ssyncset.done $0x0  }
0x530: {  	s0 =	simm.s32 $0x1380;
	[sflag:s16] =	ssyncadd.s32 $0xFFFFD000  }
0x531: {  	[spmem:s2] =	stream.indirect.scatter.add.f32 [tilespmem:s12], [sflag:$0x4], $0x80, s0, s9, $0xb8;
	[tilespmem:$0x1F000] =	vst v63  }
0x532: {  	_ =	swait.ge [sflag:s5], $0x3000  }
0x533: {  	[sflag:s5] =	ssyncset.done $0x0  }
0x534: {  	[sflag:s5] =	ssyncadd.s32 $0xFFFFD000  }
0x535: {  	_ =	swait.ge [sflag:s18], $0x3000  }
0x536: {  	[sflag:s18] =	ssyncset.done $0x0  }
0x537: {  	s0 =	simm.s32 $0x1400;
	[sflag:s18] =	ssyncadd.s32 $0xFFFFD000  }
0x538: {  	[spmem:s2] =	stream.indirect.scatter.add.f32 [tilespmem:s14], [sflag:$0x4], $0x80, s0, s9, $0xb8;
	[tilespmem:$0x1F000] =	vst v63  }
0x539: {  	_ =	swait.ge [sflag:s5], $0x3000  }
0x53a: {  	[sflag:s5] =	ssyncset.done $0x0  }
0x53b: {  	s0 =	simm.s32 $0x480;
	[sflag:s5] =	ssyncadd.s32 $0xFFFFD000  }
0x53c: {  	[tilespmem:s10], [sflag:$0x1] =	stream.indirect.gather [hbm4b:s4+s9], $0x80, s0, s9, $0xb8;
	[tilespmem:$0x1F000] =	vst v63  }
0x53d: {  	s6 =	simm.s32 $0x500  }
0x53e: {  	[tilespmem:s12], [sflag:$0x2] =	stream.indirect.gather [hbm4b:s4+s9], $0x80, s6, s9, $0xb8;
	[tilespmem:$0x1F000] =	vst v63  }
0x53f: {  	s7 =	simm.s32 $0x580  }
0x540: {  	[tilespmem:s14], [sflag:$0x3] =	stream.indirect.gather [hbm4b:s4+s9], $0x80, s7, s9, $0xb8;
	[tilespmem:$0x1F000] =	vst v63  }
0x541: {  	_ =	swait.ge [sflag:s15], $0x3000  }
0x542: {  	[sflag:s15] =	ssyncset.done $0x0  }
0x543: {  	s8 =	simm.s32 $0x1480;
	[sflag:s15] =	ssyncadd.s32 $0xFFFFD000  }
0x544: {  	[spmem:s2] =	stream.indirect.scatter.add.f32 [tilespmem:s10], [sflag:$0x4], $0x80, s8, s9, $0xb8;
	[tilespmem:$0x1F000] =	vst v63  }
0x545: {  	_ =	swait.ge [sflag:s5], $0x3000  }
0x546: {  	[sflag:s5] =	ssyncset.done $0x0  }
0x547: {  	[sflag:s5] =	ssyncadd.s32 $0xFFFFD000  }
0x548: {  	_ =	swait.ge [sflag:s16], $0x3000  }
0x549: {  	[sflag:s16] =	ssyncset.done $0x0  }
0x54a: {  	s11 =	simm.s32 $0x1500;
	[sflag:s16] =	ssyncadd.s32 $0xFFFFD000  }
0x54b: {  	[spmem:s2] =	stream.indirect.scatter.add.f32 [tilespmem:s12], [sflag:$0x4], $0x80, s11, s9, $0xb8;
	[tilespmem:$0x1F000] =	vst v63  }
0x54c: {  	_ =	swait.ge [sflag:s5], $0x3000  }
0x54d: {  	[sflag:s5] =	ssyncset.done $0x0  }
0x54e: {  	[sflag:s5] =	ssyncadd.s32 $0xFFFFD000  }
0x54f: {  	_ =	swait.ge [sflag:s18], $0x3000  }
0x550: {  	[sflag:s18] =	ssyncset.done $0x0  }
0x551: {  	s13 =	simm.s32 $0x1580;
	[sflag:s18] =	ssyncadd.s32 $0xFFFFD000  }
0x552: {  	[spmem:s2] =	stream.indirect.scatter.add.f32 [tilespmem:s14], [sflag:$0x4], $0x80, s13, s9, $0xb8;
	[tilespmem:$0x1F000] =	vst v63  }
0x553: {  	_ =	swait.ge [sflag:s5], $0x3000  }
0x554: {  	[sflag:s5] =	ssyncset.done $0x0  }
0x555: {  	s17 =	simm.s32 $0x600;
	[sflag:s5] =	ssyncadd.s32 $0xFFFFD000  }
0x556: {  	[tilespmem:s10], [sflag:$0x1] =	stream.indirect.gather [hbm4b:s4+s9], $0x80, s17, s9, $0xb8;
	[tilespmem:$0x1F000] =	vst v63  }
0x557: {  	s19 =	simm.s32 $0x680  }
0x558: {  	[tilespmem:s12], [sflag:$0x2] =	stream.indirect.gather [hbm4b:s4+s9], $0x80, s19, s9, $0xb8;
	[tilespmem:$0x1F000] =	vst v63  }
0x559: {  	s20 =	simm.s32 $0x700  }
0x55a: {  	[tilespmem:s14], [sflag:$0x3] =	stream.indirect.gather [hbm4b:s4+s9], $0x80, s20, s9, $0xb8;
	[tilespmem:$0x1F000] =	vst v63  }
0x55b: {  	_ =	swait.ge [sflag:s15], $0x3000  }
0x55c: {  	[sflag:s15] =	ssyncset.done $0x0  }
0x55d: {  	s21 =	simm.s32 $0x1600;
	[sflag:s15] =	ssyncadd.s32 $0xFFFFD000  }
0x55e: {  	[spmem:s2] =	stream.indirect.scatter.add.f32 [tilespmem:s10], [sflag:$0x4], $0x80, s21, s9, $0xb8;
	[tilespmem:$0x1F000] =	vst v63  }
0x55f: {  	_ =	swait.ge [sflag:s5], $0x3000  }
0x560: {  	[sflag:s5] =	ssyncset.done $0x0  }
0x561: {  	[sflag:s5] =	ssyncadd.s32 $0xFFFFD000  }
0x562: {  	_ =	swait.ge [sflag:s16], $0x3000  }
0x563: {  	[sflag:s16] =	ssyncset.done $0x0  }
0x564: {  	s22 =	simm.s32 $0x1680;
	[sflag:s16] =	ssyncadd.s32 $0xFFFFD000  }
0x565: {  	[spmem:s2] =	stream.indirect.scatter.add.f32 [tilespmem:s12], [sflag:$0x4], $0x80, s22, s9, $0xb8;
	[tilespmem:$0x1F000] =	vst v63  }
0x566: {  	_ =	swait.ge [sflag:s5], $0x3000  }
0x567: {  	[sflag:s5] =	ssyncset.done $0x0  }
0x568: {  	[sflag:s5] =	ssyncadd.s32 $0xFFFFD000  }
0x569: {  	_ =	swait.ge [sflag:s18], $0x3000  }
0x56a: {  	[sflag:s18] =	ssyncset.done $0x0  }
0x56b: {  	s23 =	simm.s32 $0x1700;
	[sflag:s18] =	ssyncadd.s32 $0xFFFFD000  }
0x56c: {  	[spmem:s2] =	stream.indirect.scatter.add.f32 [tilespmem:s14], [sflag:$0x4], $0x80, s23, s9, $0xb8;
	[tilespmem:$0x1F000] =	vst v63  }
0x56d: {  	_ =	swait.ge [sflag:s5], $0x3000  }
0x56e: {  	[sflag:s5] =	ssyncset.done $0x0  }
0x56f: {  	s24 =	simm.s32 $0x780;
	[sflag:s5] =	ssyncadd.s32 $0xFFFFD000  }
0x570: {  	[tilespmem:s10], [sflag:$0x1] =	stream.indirect.gather [hbm4b:s4+s9], $0x80, s24, s9, $0xb8;
	[tilespmem:$0x1F000] =	vst v63  }
0x571: {  	s25 =	simm.s32 $0x800  }
0x572: {  	[tilespmem:s12], [sflag:$0x2] =	stream.indirect.gather [hbm4b:s4+s9], $0x80, s25, s9, $0xb8;
	[tilespmem:$0x1F000] =	vst v63  }
0x573: {  	s26 =	simm.s32 $0x880  }
0x574: {  	[tilespmem:s14], [sflag:$0x3] =	stream.indirect.gather [hbm4b:s4+s9], $0x80, s26, s9, $0xb8;
	[tilespmem:$0x1F000] =	vst v63  }
0x575: {  	_ =	swait.ge [sflag:s15], $0x3000  }
0x576: {  	[sflag:s15] =	ssyncset.done $0x0  }
0x577: {  	s28 =	simm.s32 $0x1780;
	[sflag:s15] =	ssyncadd.s32 $0xFFFFD000  }
0x578: {  	[spmem:s2] =	stream.indirect.scatter.add.f32 [tilespmem:s10], [sflag:$0x4], $0x80, s28, s9, $0xb8;
	[tilespmem:$0x1F000] =	vst v63  }
0x579: {  	_ =	swait.ge [sflag:s5], $0x3000  }
0x57a: {  	[sflag:s5] =	ssyncset.done $0x0  }
0x57b: {  	[sflag:s5] =	ssyncadd.s32 $0xFFFFD000  }
0x57c: {  	_ =	swait.ge [sflag:s16], $0x3000  }
0x57d: {  	[sflag:s16] =	ssyncset.done $0x0  }
0x57e: {  	s29 =	simm.s32 $0x1800;
	[sflag:s16] =	ssyncadd.s32 $0xFFFFD000  }
0x57f: {  	[spmem:s2] =	stream.indirect.scatter.add.f32 [tilespmem:s12], [sflag:$0x4], $0x80, s29, s9, $0xb8;
	[tilespmem:$0x1F000] =	vst v63  }
0x580: {  	_ =	swait.ge [sflag:s5], $0x3000  }
0x581: {  	[sflag:s5] =	ssyncset.done $0x0  }
0x582: {  	[sflag:s5] =	ssyncadd.s32 $0xFFFFD000  }
0x583: {  	_ =	swait.ge [sflag:s18], $0x3000  }
0x584: {  	[sflag:s18] =	ssyncset.done $0x0  }
0x585: {  	s30 =	simm.s32 $0x1880;
	[sflag:s18] =	ssyncadd.s32 $0xFFFFD000  }
0x586: {  	[spmem:s2] =	stream.indirect.scatter.add.f32 [tilespmem:s14], [sflag:$0x4], $0x80, s30, s9, $0xb8;
	[tilespmem:$0x1F000] =	vst v63  }
0x587: {  	_ =	swait.ge [sflag:s5], $0x3000  }
0x588: {  	[sflag:s5] =	ssyncset.done $0x0  }
0x589: {  	s0 =	simm.s32 $0x900;
	[sflag:s5] =	ssyncadd.s32 $0xFFFFD000  }
0x58a: {  	[tilespmem:s10], [sflag:$0x1] =	stream.indirect.gather [hbm4b:s4+s9], $0x80, s0, s9, $0xb8;
	[tilespmem:$0x1F000] =	vst v63  }
0x58b: {  	s0 =	simm.s32 $0x980  }
0x58c: {  	[tilespmem:s12], [sflag:$0x2] =	stream.indirect.gather [hbm4b:s4+s9], $0x80, s0, s9, $0xb8;
	[tilespmem:$0x1F000] =	vst v63  }
0x58d: {  	s0 =	simm.s32 $0xA00  }
0x58e: {  	[tilespmem:s14], [sflag:$0x3] =	stream.indirect.gather [hbm4b:s4+s9], $0x80, s0, s9, $0xb8;
	[tilespmem:$0x1F000] =	vst v63  }
0x58f: {  	_ =	swait.ge [sflag:s15], $0x3000  }
0x590: {  	[sflag:s15] =	ssyncset.done $0x0  }
0x591: {  	s0 =	simm.s32 $0x1900;
	[sflag:s15] =	ssyncadd.s32 $0xFFFFD000  }
0x592: {  	[spmem:s2] =	stream.indirect.scatter.add.f32 [tilespmem:s10], [sflag:$0x4], $0x80, s0, s9, $0xb8;
	[tilespmem:$0x1F000] =	vst v63  }
0x593: {  	_ =	swait.ge [sflag:s5], $0x3000  }
0x594: {  	[sflag:s5] =	ssyncset.done $0x0  }
0x595: {  	[sflag:s5] =	ssyncadd.s32 $0xFFFFD000  }
0x596: {  	_ =	swait.ge [sflag:s16], $0x3000  }
0x597: {  	[sflag:s16] =	ssyncset.done $0x0  }
0x598: {  	s0 =	simm.s32 $0x1980;
	[sflag:s16] =	ssyncadd.s32 $0xFFFFD000  }
0x599: {  	[spmem:s2] =	stream.indirect.scatter.add.f32 [tilespmem:s12], [sflag:$0x4], $0x80, s0, s9, $0xb8;
	[tilespmem:$0x1F000] =	vst v63  }
0x59a: {  	_ =	swait.ge [sflag:s5], $0x3000  }
0x59b: {  	[sflag:s5] =	ssyncset.done $0x0  }
0x59c: {  	[sflag:s5] =	ssyncadd.s32 $0xFFFFD000  }
0x59d: {  	_ =	swait.ge [sflag:s18], $0x3000  }
0x59e: {  	[sflag:s18] =	ssyncset.done $0x0  }
0x59f: {  	s0 =	simm.s32 $0x1A00;
	[sflag:s18] =	ssyncadd.s32 $0xFFFFD000  }
0x5a0: {  	[spmem:s2] =	stream.indirect.scatter.add.f32 [tilespmem:s14], [sflag:$0x4], $0x80, s0, s9, $0xb8;
	[tilespmem:$0x1F000] =	vst v63  }
0x5a1: {  	_ =	swait.ge [sflag:s5], $0x3000  }
0x5a2: {  	[sflag:s5] =	ssyncset.done $0x0  }
0x5a3: {  	s0 =	simm.s32 $0xA80;
	[sflag:s5] =	ssyncadd.s32 $0xFFFFD000  }
0x5a4: {  	[tilespmem:s10], [sflag:$0x1] =	stream.indirect.gather [hbm4b:s4+s9], $0x80, s0, s9, $0xb8;
	[tilespmem:$0x1F000] =	vst v63  }
0x5a5: {  	s0 =	simm.s32 $0xB00  }
0x5a6: {  	[tilespmem:s12], [sflag:$0x2] =	stream.indirect.gather [hbm4b:s4+s9], $0x80, s0, s9, $0xb8;
	[tilespmem:$0x1F000] =	vst v63  }
0x5a7: {  	s0 =	simm.s32 $0xB80  }
0x5a8: {  	[tilespmem:s14], [sflag:$0x3] =	stream.indirect.gather [hbm4b:s4+s9], $0x80, s0, s9, $0xb8;
	[tilespmem:$0x1F000] =	vst v63  }
0x5a9: {  	_ =	swait.ge [sflag:s15], $0x3000  }
0x5aa: {  	[sflag:s15] =	ssyncset.done $0x0  }
0x5ab: {  	s0 =	simm.s32 $0x1A80;
	[sflag:s15] =	ssyncadd.s32 $0xFFFFD000  }
0x5ac: {  	[spmem:s2] =	stream.indirect.scatter.add.f32 [tilespmem:s10], [sflag:$0x4], $0x80, s0, s9, $0xb8;
	[tilespmem:$0x1F000] =	vst v63  }
0x5ad: {  	_ =	swait.ge [sflag:s5], $0x3000  }
0x5ae: {  	[sflag:s5] =	ssyncset.done $0x0  }
0x5af: {  	[sflag:s5] =	ssyncadd.s32 $0xFFFFD000  }
0x5b0: {  	_ =	swait.ge [sflag:s16], $0x3000  }
0x5b1: {  	[sflag:s16] =	ssyncset.done $0x0  }
0x5b2: {  	s0 =	simm.s32 $0x1B00;
	[sflag:s16] =	ssyncadd.s32 $0xFFFFD000  }
0x5b3: {  	[spmem:s2] =	stream.indirect.scatter.add.f32 [tilespmem:s12], [sflag:$0x4], $0x80, s0, s9, $0xb8;
	[tilespmem:$0x1F000] =	vst v63  }
0x5b4: {  	_ =	swait.ge [sflag:s5], $0x3000  }
0x5b5: {  	[sflag:s5] =	ssyncset.done $0x0  }
0x5b6: {  	[sflag:s5] =	ssyncadd.s32 $0xFFFFD000  }
0x5b7: {  	_ =	swait.ge [sflag:s18], $0x3000  }
0x5b8: {  	[sflag:s18] =	ssyncset.done $0x0  }
0x5b9: {  	s0 =	simm.s32 $0x1B80;
	[sflag:s18] =	ssyncadd.s32 $0xFFFFD000  }
0x5ba: {  	[spmem:s2] =	stream.indirect.scatter.add.f32 [tilespmem:s14], [sflag:$0x4], $0x80, s0, s9, $0xb8;
	[tilespmem:$0x1F000] =	vst v63  }
0x5bb: {  	_ =	swait.ge [sflag:s5], $0x3000  }
0x5bc: {  	[sflag:s5] =	ssyncset.done $0x0  }
0x5bd: {  	s0 =	simm.s32 $0xC00;
	[sflag:s5] =	ssyncadd.s32 $0xFFFFD000  }
0x5be: {  	[tilespmem:s10], [sflag:$0x1] =	stream.indirect.gather [hbm4b:s4+s9], $0x80, s0, s9, $0xb8;
	[tilespmem:$0x1F000] =	vst v63  }
0x5bf: {  	s0 =	simm.s32 $0xC80  }
0x5c0: {  	[tilespmem:s12], [sflag:$0x2] =	stream.indirect.gather [hbm4b:s4+s9], $0x80, s0, s9, $0xb8;
	[tilespmem:$0x1F000] =	vst v63  }
0x5c1: {  	s0 =	simm.s32 $0xD00  }
0x5c2: {  	[tilespmem:s14], [sflag:$0x3] =	stream.indirect.gather [hbm4b:s4+s9], $0x80, s0, s9, $0xb8;
	[tilespmem:$0x1F000] =	vst v63  }
0x5c3: {  	_ =	swait.ge [sflag:s15], $0x3000  }
0x5c4: {  	[sflag:s15] =	ssyncset.done $0x0  }
0x5c5: {  	s0 =	simm.s32 $0x1C00;
	[sflag:s15] =	ssyncadd.s32 $0xFFFFD000  }
0x5c6: {  	[spmem:s2] =	stream.indirect.scatter.add.f32 [tilespmem:s10], [sflag:$0x4], $0x80, s0, s9, $0xb8;
	[tilespmem:$0x1F000] =	vst v63  }
0x5c7: {  	_ =	swait.ge [sflag:s5], $0x3000  }
0x5c8: {  	[sflag:s5] =	ssyncset.done $0x0  }
0x5c9: {  	[sflag:s5] =	ssyncadd.s32 $0xFFFFD000  }
0x5ca: {  	_ =	swait.ge [sflag:s16], $0x3000  }
0x5cb: {  	[sflag:s16] =	ssyncset.done $0x0  }
0x5cc: {  	s0 =	simm.s32 $0x1C80;
	[sflag:s16] =	ssyncadd.s32 $0xFFFFD000  }
0x5cd: {  	[spmem:s2] =	stream.indirect.scatter.add.f32 [tilespmem:s12], [sflag:$0x4], $0x80, s0, s9, $0xb8;
	[tilespmem:$0x1F000] =	vst v63  }
0x5ce: {  	_ =	swait.ge [sflag:s5], $0x3000  }
0x5cf: {  	[sflag:s5] =	ssyncset.done $0x0  }
0x5d0: {  	[sflag:s5] =	ssyncadd.s32 $0xFFFFD000  }
0x5d1: {  	_ =	swait.ge [sflag:s18], $0x3000  }
0x5d2: {  	[sflag:s18] =	ssyncset.done $0x0  }
0x5d3: {  	s0 =	simm.s32 $0x1D00;
	[sflag:s18] =	ssyncadd.s32 $0xFFFFD000  }
0x5d4: {  	[spmem:s2] =	stream.indirect.scatter.add.f32 [tilespmem:s14], [sflag:$0x4], $0x80, s0, s9, $0xb8;
	[tilespmem:$0x1F000] =	vst v63  }
0x5d5: {  	_ =	swait.ge [sflag:s5], $0x3000  }
0x5d6: {  	[sflag:s5] =	ssyncset.done $0x0  }
0x5d7: {  	s0 =	rddreg [dreg:$0x9];
	[sflag:s5] =	ssyncadd.s32 $0xFFFFD000  }
0x5d8: {  	[tilespmem:s3], [sflag:$0x4] =	stream.linear.gather [hbm4b:s0+s3], $0xD80, $0x38;
	[tilespmem:$0x1F000] =	vst v63  }
0x5d9: {  	_ =	swait.ge [sflag:s5], $0xD80  }
0x5da: {  	[sflag:s5] =	ssyncset.done $0x0  }
0x5db: {  	s0 =	rddreg [dreg:$0xa];
	[sflag:s5] =	ssyncadd.s32 $0xFFFFF280  }
0x5dc: {  	[tilespmem:s1], [sflag:$0x4] =	stream.linear.gather [hbm4b:s0+s3], $0xD80, $0x38;
	[tilespmem:$0x1F000] =	vst v63  }
0x5dd: {  	_ =	swait.ge [sflag:s5], $0xD80  }
0x5de: {  	[sflag:s5] =	ssyncset.done $0x0  }
0x5df: {  	[sflag:s5] =	ssyncadd.s32 $0xFFFFF280  }
0x5e0: {  	[tilespmem:s10], [sflag:$0x1] =	stream.indirect.gather [hbm4b:s4+s9], $0x80, s3, s9, $0xb8;
	[tilespmem:$0x1F000] =	vst v63  }
0x5e1: {  	s0 =	simm.s32 $0x80  }
0x5e2: {  	[tilespmem:s12], [sflag:$0x2] =	stream.indirect.gather [hbm4b:s4+s9], $0x80, s0, s9, $0xb8;
	[tilespmem:$0x1F000] =	vst v63  }
0x5e3: {  	s0 =	simm.s32 $0x100  }
0x5e4: {  	[tilespmem:s14], [sflag:$0x3] =	stream.indirect.gather [hbm4b:s4+s9], $0x80, s0, s9, $0xb8;
	[tilespmem:$0x1F000] =	vst v63  }
0x5e5: {  	_ =	swait.ge [sflag:s15], $0x3000  }
0x5e6: {  	[sflag:s15] =	ssyncset.done $0x0  }
0x5e7: {  	[sflag:s15] =	ssyncadd.s32 $0xFFFFD000  }
0x5e8: {  	[spmem:s2] =	stream.indirect.scatter.add.f32 [tilespmem:s10], [sflag:$0x4], $0x80, s1, s9, $0xb8;
	[tilespmem:$0x1F000] =	vst v63  }
0x5e9: {  	_ =	swait.ge [sflag:s5], $0x3000  }
0x5ea: {  	[sflag:s5] =	ssyncset.done $0x0  }
0x5eb: {  	[sflag:s5] =	ssyncadd.s32 $0xFFFFD000  }
0x5ec: {  	_ =	swait.ge [sflag:s16], $0x3000  }
0x5ed: {  	[sflag:s16] =	ssyncset.done $0x0  }
0x5ee: {  	s0 =	simm.s32 $0x1080;
	[sflag:s16] =	ssyncadd.s32 $0xFFFFD000  }
0x5ef: {  	[spmem:s2] =	stream.indirect.scatter.add.f32 [tilespmem:s12], [sflag:$0x4], $0x80, s0, s9, $0xb8;
	[tilespmem:$0x1F000] =	vst v63  }
0x5f0: {  	_ =	swait.ge [sflag:s5], $0x3000  }
0x5f1: {  	[sflag:s5] =	ssyncset.done $0x0  }
0x5f2: {  	[sflag:s5] =	ssyncadd.s32 $0xFFFFD000  }
0x5f3: {  	_ =	swait.ge [sflag:s18], $0x3000  }
0x5f4: {  	[sflag:s18] =	ssyncset.done $0x0  }
0x5f5: {  	s0 =	simm.s32 $0x1100;
	[sflag:s18] =	ssyncadd.s32 $0xFFFFD000  }
0x5f6: {  	[spmem:s2] =	stream.indirect.scatter.add.f32 [tilespmem:s14], [sflag:$0x4], $0x80, s0, s9, $0xb8;
	[tilespmem:$0x1F000] =	vst v63  }
0x5f7: {  	_ =	swait.ge [sflag:s5], $0x3000  }
0x5f8: {  	[sflag:s5] =	ssyncset.done $0x0  }
0x5f9: {  	s0 =	simm.s32 $0x180;
	[sflag:s5] =	ssyncadd.s32 $0xFFFFD000  }
0x5fa: {  	[tilespmem:s10], [sflag:$0x1] =	stream.indirect.gather [hbm4b:s4+s9], $0x80, s0, s9, $0xb8;
	[tilespmem:$0x1F000] =	vst v63  }
0x5fb: {  	s0 =	simm.s32 $0x200  }
0x5fc: {  	[tilespmem:s12], [sflag:$0x2] =	stream.indirect.gather [hbm4b:s4+s9], $0x80, s0, s9, $0xb8;
	[tilespmem:$0x1F000] =	vst v63  }
0x5fd: {  	s0 =	simm.s32 $0x280  }
0x5fe: {  	[tilespmem:s14], [sflag:$0x3] =	stream.indirect.gather [hbm4b:s4+s9], $0x80, s0, s9, $0xb8;
	[tilespmem:$0x1F000] =	vst v63  }
0x5ff: {  	_ =	swait.ge [sflag:s15], $0x3000  }
0x600: {  	[sflag:s15] =	ssyncset.done $0x0  }
0x601: {  	s0 =	simm.s32 $0x1180;
	[sflag:s15] =	ssyncadd.s32 $0xFFFFD000  }
0x602: {  	[spmem:s2] =	stream.indirect.scatter.add.f32 [tilespmem:s10], [sflag:$0x4], $0x80, s0, s9, $0xb8;
	[tilespmem:$0x1F000] =	vst v63  }
0x603: {  	_ =	swait.ge [sflag:s5], $0x3000  }
0x604: {  	[sflag:s5] =	ssyncset.done $0x0  }
0x605: {  	[sflag:s5] =	ssyncadd.s32 $0xFFFFD000  }
0x606: {  	_ =	swait.ge [sflag:s16], $0x3000  }
0x607: {  	[sflag:s16] =	ssyncset.done $0x0  }
0x608: {  	s0 =	simm.s32 $0x1200;
	[sflag:s16] =	ssyncadd.s32 $0xFFFFD000  }
0x609: {  	[spmem:s2] =	stream.indirect.scatter.add.f32 [tilespmem:s12], [sflag:$0x4], $0x80, s0, s9, $0xb8;
	[tilespmem:$0x1F000] =	vst v63  }
0x60a: {  	_ =	swait.ge [sflag:s5], $0x3000  }
0x60b: {  	[sflag:s5] =	ssyncset.done $0x0  }
0x60c: {  	[sflag:s5] =	ssyncadd.s32 $0xFFFFD000  }
0x60d: {  	_ =	swait.ge [sflag:s18], $0x3000  }
0x60e: {  	[sflag:s18] =	ssyncset.done $0x0  }
0x60f: {  	s0 =	simm.s32 $0x1280;
	[sflag:s18] =	ssyncadd.s32 $0xFFFFD000  }
0x610: {  	[spmem:s2] =	stream.indirect.scatter.add.f32 [tilespmem:s14], [sflag:$0x4], $0x80, s0, s9, $0xb8;
	[tilespmem:$0x1F000] =	vst v63  }
0x611: {  	_ =	swait.ge [sflag:s5], $0x3000  }
0x612: {  	[sflag:s5] =	ssyncset.done $0x0  }
0x613: {  	s0 =	simm.s32 $0x300;
	[sflag:s5] =	ssyncadd.s32 $0xFFFFD000  }
0x614: {  	[tilespmem:s10], [sflag:$0x1] =	stream.indirect.gather [hbm4b:s4+s9], $0x80, s0, s9, $0xb8;
	[tilespmem:$0x1F000] =	vst v63  }
0x615: {  	s0 =	simm.s32 $0x380  }
0x616: {  	[tilespmem:s12], [sflag:$0x2] =	stream.indirect.gather [hbm4b:s4+s9], $0x80, s0, s9, $0xb8;
	[tilespmem:$0x1F000] =	vst v63  }
0x617: {  	s0 =	simm.s32 $0x400  }
0x618: {  	[tilespmem:s14], [sflag:$0x3] =	stream.indirect.gather [hbm4b:s4+s9], $0x80, s0, s9, $0xb8;
	[tilespmem:$0x1F000] =	vst v63  }
0x619: {  	_ =	swait.ge [sflag:s15], $0x3000  }
0x61a: {  	[sflag:s15] =	ssyncset.done $0x0  }
0x61b: {  	s0 =	simm.s32 $0x1300;
	[sflag:s15] =	ssyncadd.s32 $0xFFFFD000  }
0x61c: {  	[spmem:s2] =	stream.indirect.scatter.add.f32 [tilespmem:s10], [sflag:$0x4], $0x80, s0, s9, $0xb8;
	[tilespmem:$0x1F000] =	vst v63  }
0x61d: {  	_ =	swait.ge [sflag:s5], $0x3000  }
0x61e: {  	[sflag:s5] =	ssyncset.done $0x0  }
0x61f: {  	[sflag:s5] =	ssyncadd.s32 $0xFFFFD000  }
0x620: {  	_ =	swait.ge [sflag:s16], $0x3000  }
0x621: {  	[sflag:s16] =	ssyncset.done $0x0  }
0x622: {  	s0 =	simm.s32 $0x1380;
	[sflag:s16] =	ssyncadd.s32 $0xFFFFD000  }
0x623: {  	[spmem:s2] =	stream.indirect.scatter.add.f32 [tilespmem:s12], [sflag:$0x4], $0x80, s0, s9, $0xb8;
	[tilespmem:$0x1F000] =	vst v63  }
0x624: {  	_ =	swait.ge [sflag:s5], $0x3000  }
0x625: {  	[sflag:s5] =	ssyncset.done $0x0  }
0x626: {  	[sflag:s5] =	ssyncadd.s32 $0xFFFFD000  }
0x627: {  	_ =	swait.ge [sflag:s18], $0x3000  }
0x628: {  	[sflag:s18] =	ssyncset.done $0x0  }
0x629: {  	s0 =	simm.s32 $0x1400;
	[sflag:s18] =	ssyncadd.s32 $0xFFFFD000  }
0x62a: {  	[spmem:s2] =	stream.indirect.scatter.add.f32 [tilespmem:s14], [sflag:$0x4], $0x80, s0, s9, $0xb8;
	[tilespmem:$0x1F000] =	vst v63  }
0x62b: {  	_ =	swait.ge [sflag:s5], $0x3000  }
0x62c: {  	[sflag:s5] =	ssyncset.done $0x0  }
0x62d: {  	s0 =	simm.s32 $0x480;
	[sflag:s5] =	ssyncadd.s32 $0xFFFFD000  }
0x62e: {  	[tilespmem:s10], [sflag:$0x1] =	stream.indirect.gather [hbm4b:s4+s9], $0x80, s0, s9, $0xb8;
	[tilespmem:$0x1F000] =	vst v63  }
0x62f: {  	s6 =	simm.s32 $0x500  }
0x630: {  	[tilespmem:s12], [sflag:$0x2] =	stream.indirect.gather [hbm4b:s4+s9], $0x80, s6, s9, $0xb8;
	[tilespmem:$0x1F000] =	vst v63  }
0x631: {  	s7 =	simm.s32 $0x580  }
0x632: {  	[tilespmem:s14], [sflag:$0x3] =	stream.indirect.gather [hbm4b:s4+s9], $0x80, s7, s9, $0xb8;
	[tilespmem:$0x1F000] =	vst v63  }
0x633: {  	_ =	swait.ge [sflag:s15], $0x3000  }
0x634: {  	[sflag:s15] =	ssyncset.done $0x0  }
0x635: {  	s8 =	simm.s32 $0x1480;
	[sflag:s15] =	ssyncadd.s32 $0xFFFFD000  }
0x636: {  	[spmem:s2] =	stream.indirect.scatter.add.f32 [tilespmem:s10], [sflag:$0x4], $0x80, s8, s9, $0xb8;
	[tilespmem:$0x1F000] =	vst v63  }
0x637: {  	_ =	swait.ge [sflag:s5], $0x3000  }
0x638: {  	[sflag:s5] =	ssyncset.done $0x0  }
0x639: {  	[sflag:s5] =	ssyncadd.s32 $0xFFFFD000  }
0x63a: {  	_ =	swait.ge [sflag:s16], $0x3000  }
0x63b: {  	[sflag:s16] =	ssyncset.done $0x0  }
0x63c: {  	s11 =	simm.s32 $0x1500;
	[sflag:s16] =	ssyncadd.s32 $0xFFFFD000  }
0x63d: {  	[spmem:s2] =	stream.indirect.scatter.add.f32 [tilespmem:s12], [sflag:$0x4], $0x80, s11, s9, $0xb8;
	[tilespmem:$0x1F000] =	vst v63  }
0x63e: {  	_ =	swait.ge [sflag:s5], $0x3000  }
0x63f: {  	[sflag:s5] =	ssyncset.done $0x0  }
0x640: {  	[sflag:s5] =	ssyncadd.s32 $0xFFFFD000  }
0x641: {  	_ =	swait.ge [sflag:s18], $0x3000  }
0x642: {  	[sflag:s18] =	ssyncset.done $0x0  }
0x643: {  	s13 =	simm.s32 $0x1580;
	[sflag:s18] =	ssyncadd.s32 $0xFFFFD000  }
0x644: {  	[spmem:s2] =	stream.indirect.scatter.add.f32 [tilespmem:s14], [sflag:$0x4], $0x80, s13, s9, $0xb8;
	[tilespmem:$0x1F000] =	vst v63  }
0x645: {  	_ =	swait.ge [sflag:s5], $0x3000  }
0x646: {  	[sflag:s5] =	ssyncset.done $0x0  }
0x647: {  	s17 =	simm.s32 $0x600;
	[sflag:s5] =	ssyncadd.s32 $0xFFFFD000  }
0x648: {  	[tilespmem:s10], [sflag:$0x1] =	stream.indirect.gather [hbm4b:s4+s9], $0x80, s17, s9, $0xb8;
	[tilespmem:$0x1F000] =	vst v63  }
0x649: {  	s19 =	simm.s32 $0x680  }
0x64a: {  	[tilespmem:s12], [sflag:$0x2] =	stream.indirect.gather [hbm4b:s4+s9], $0x80, s19, s9, $0xb8;
	[tilespmem:$0x1F000] =	vst v63  }
0x64b: {  	s20 =	simm.s32 $0x700  }
0x64c: {  	[tilespmem:s14], [sflag:$0x3] =	stream.indirect.gather [hbm4b:s4+s9], $0x80, s20, s9, $0xb8;
	[tilespmem:$0x1F000] =	vst v63  }
0x64d: {  	_ =	swait.ge [sflag:s15], $0x3000  }
0x64e: {  	[sflag:s15] =	ssyncset.done $0x0  }
0x64f: {  	s21 =	simm.s32 $0x1600;
	[sflag:s15] =	ssyncadd.s32 $0xFFFFD000  }
0x650: {  	[spmem:s2] =	stream.indirect.scatter.add.f32 [tilespmem:s10], [sflag:$0x4], $0x80, s21, s9, $0xb8;
	[tilespmem:$0x1F000] =	vst v63  }
0x651: {  	_ =	swait.ge [sflag:s5], $0x3000  }
0x652: {  	[sflag:s5] =	ssyncset.done $0x0  }
0x653: {  	[sflag:s5] =	ssyncadd.s32 $0xFFFFD000  }
0x654: {  	_ =	swait.ge [sflag:s16], $0x3000  }
0x655: {  	[sflag:s16] =	ssyncset.done $0x0  }
0x656: {  	s22 =	simm.s32 $0x1680;
	[sflag:s16] =	ssyncadd.s32 $0xFFFFD000  }
0x657: {  	[spmem:s2] =	stream.indirect.scatter.add.f32 [tilespmem:s12], [sflag:$0x4], $0x80, s22, s9, $0xb8;
	[tilespmem:$0x1F000] =	vst v63  }
0x658: {  	_ =	swait.ge [sflag:s5], $0x3000  }
0x659: {  	[sflag:s5] =	ssyncset.done $0x0  }
0x65a: {  	[sflag:s5] =	ssyncadd.s32 $0xFFFFD000  }
0x65b: {  	_ =	swait.ge [sflag:s18], $0x3000  }
0x65c: {  	[sflag:s18] =	ssyncset.done $0x0  }
0x65d: {  	s23 =	simm.s32 $0x1700;
	[sflag:s18] =	ssyncadd.s32 $0xFFFFD000  }
0x65e: {  	[spmem:s2] =	stream.indirect.scatter.add.f32 [tilespmem:s14], [sflag:$0x4], $0x80, s23, s9, $0xb8;
	[tilespmem:$0x1F000] =	vst v63  }
0x65f: {  	_ =	swait.ge [sflag:s5], $0x3000  }
0x660: {  	[sflag:s5] =	ssyncset.done $0x0  }
0x661: {  	s24 =	simm.s32 $0x780;
	[sflag:s5] =	ssyncadd.s32 $0xFFFFD000  }
0x662: {  	[tilespmem:s10], [sflag:$0x1] =	stream.indirect.gather [hbm4b:s4+s9], $0x80, s24, s9, $0xb8;
	[tilespmem:$0x1F000] =	vst v63  }
0x663: {  	s25 =	simm.s32 $0x800  }
0x664: {  	[tilespmem:s12], [sflag:$0x2] =	stream.indirect.gather [hbm4b:s4+s9], $0x80, s25, s9, $0xb8;
	[tilespmem:$0x1F000] =	vst v63  }
0x665: {  	s26 =	simm.s32 $0x880  }
0x666: {  	[tilespmem:s14], [sflag:$0x3] =	stream.indirect.gather [hbm4b:s4+s9], $0x80, s26, s9, $0xb8;
	[tilespmem:$0x1F000] =	vst v63  }
0x667: {  	_ =	swait.ge [sflag:s15], $0x3000  }
0x668: {  	[sflag:s15] =	ssyncset.done $0x0  }
0x669: {  	s28 =	simm.s32 $0x1780;
	[sflag:s15] =	ssyncadd.s32 $0xFFFFD000  }
0x66a: {  	[spmem:s2] =	stream.indirect.scatter.add.f32 [tilespmem:s10], [sflag:$0x4], $0x80, s28, s9, $0xb8;
	[tilespmem:$0x1F000] =	vst v63  }
0x66b: {  	_ =	swait.ge [sflag:s5], $0x3000  }
0x66c: {  	[sflag:s5] =	ssyncset.done $0x0  }
0x66d: {  	[sflag:s5] =	ssyncadd.s32 $0xFFFFD000  }
0x66e: {  	_ =	swait.ge [sflag:s16], $0x3000  }
0x66f: {  	[sflag:s16] =	ssyncset.done $0x0  }
0x670: {  	s29 =	simm.s32 $0x1800;
	[sflag:s16] =	ssyncadd.s32 $0xFFFFD000  }
0x671: {  	[spmem:s2] =	stream.indirect.scatter.add.f32 [tilespmem:s12], [sflag:$0x4], $0x80, s29, s9, $0xb8;
	[tilespmem:$0x1F000] =	vst v63  }
0x672: {  	_ =	swait.ge [sflag:s5], $0x3000  }
0x673: {  	[sflag:s5] =	ssyncset.done $0x0  }
0x674: {  	[sflag:s5] =	ssyncadd.s32 $0xFFFFD000  }
0x675: {  	_ =	swait.ge [sflag:s18], $0x3000  }
0x676: {  	[sflag:s18] =	ssyncset.done $0x0  }
0x677: {  	s30 =	simm.s32 $0x1880;
	[sflag:s18] =	ssyncadd.s32 $0xFFFFD000  }
0x678: {  	[spmem:s2] =	stream.indirect.scatter.add.f32 [tilespmem:s14], [sflag:$0x4], $0x80, s30, s9, $0xb8;
	[tilespmem:$0x1F000] =	vst v63  }
0x679: {  	_ =	swait.ge [sflag:s5], $0x3000  }
0x67a: {  	[sflag:s5] =	ssyncset.done $0x0  }
0x67b: {  	s0 =	simm.s32 $0x900;
	[sflag:s5] =	ssyncadd.s32 $0xFFFFD000  }
0x67c: {  	[tilespmem:s10], [sflag:$0x1] =	stream.indirect.gather [hbm4b:s4+s9], $0x80, s0, s9, $0xb8;
	[tilespmem:$0x1F000] =	vst v63  }
0x67d: {  	s0 =	simm.s32 $0x980  }
0x67e: {  	[tilespmem:s12], [sflag:$0x2] =	stream.indirect.gather [hbm4b:s4+s9], $0x80, s0, s9, $0xb8;
	[tilespmem:$0x1F000] =	vst v63  }
0x67f: {  	s0 =	simm.s32 $0xA00  }
0x680: {  	[tilespmem:s14], [sflag:$0x3] =	stream.indirect.gather [hbm4b:s4+s9], $0x80, s0, s9, $0xb8;
	[tilespmem:$0x1F000] =	vst v63  }
0x681: {  	_ =	swait.ge [sflag:s15], $0x3000  }
0x682: {  	[sflag:s15] =	ssyncset.done $0x0  }
0x683: {  	s0 =	simm.s32 $0x1900;
	[sflag:s15] =	ssyncadd.s32 $0xFFFFD000  }
0x684: {  	[spmem:s2] =	stream.indirect.scatter.add.f32 [tilespmem:s10], [sflag:$0x4], $0x80, s0, s9, $0xb8;
	[tilespmem:$0x1F000] =	vst v63  }
0x685: {  	_ =	swait.ge [sflag:s5], $0x3000  }
0x686: {  	[sflag:s5] =	ssyncset.done $0x0  }
0x687: {  	[sflag:s5] =	ssyncadd.s32 $0xFFFFD000  }
0x688: {  	_ =	swait.ge [sflag:s16], $0x3000  }
0x689: {  	[sflag:s16] =	ssyncset.done $0x0  }
0x68a: {  	s0 =	simm.s32 $0x1980;
	[sflag:s16] =	ssyncadd.s32 $0xFFFFD000  }
0x68b: {  	[spmem:s2] =	stream.indirect.scatter.add.f32 [tilespmem:s12], [sflag:$0x4], $0x80, s0, s9, $0xb8;
	[tilespmem:$0x1F000] =	vst v63  }
0x68c: {  	_ =	swait.ge [sflag:s5], $0x3000  }
0x68d: {  	[sflag:s5] =	ssyncset.done $0x0  }
0x68e: {  	[sflag:s5] =	ssyncadd.s32 $0xFFFFD000  }
0x68f: {  	_ =	swait.ge [sflag:s18], $0x3000  }
0x690: {  	[sflag:s18] =	ssyncset.done $0x0  }
0x691: {  	s0 =	simm.s32 $0x1A00;
	[sflag:s18] =	ssyncadd.s32 $0xFFFFD000  }
0x692: {  	[spmem:s2] =	stream.indirect.scatter.add.f32 [tilespmem:s14], [sflag:$0x4], $0x80, s0, s9, $0xb8;
	[tilespmem:$0x1F000] =	vst v63  }
0x693: {  	_ =	swait.ge [sflag:s5], $0x3000  }
0x694: {  	[sflag:s5] =	ssyncset.done $0x0  }
0x695: {  	s0 =	simm.s32 $0xA80;
	[sflag:s5] =	ssyncadd.s32 $0xFFFFD000  }
0x696: {  	[tilespmem:s10], [sflag:$0x1] =	stream.indirect.gather [hbm4b:s4+s9], $0x80, s0, s9, $0xb8;
	[tilespmem:$0x1F000] =	vst v63  }
0x697: {  	s0 =	simm.s32 $0xB00  }
0x698: {  	[tilespmem:s12], [sflag:$0x2] =	stream.indirect.gather [hbm4b:s4+s9], $0x80, s0, s9, $0xb8;
	[tilespmem:$0x1F000] =	vst v63  }
0x699: {  	s0 =	simm.s32 $0xB80  }
0x69a: {  	[tilespmem:s14], [sflag:$0x3] =	stream.indirect.gather [hbm4b:s4+s9], $0x80, s0, s9, $0xb8;
	[tilespmem:$0x1F000] =	vst v63  }
0x69b: {  	_ =	swait.ge [sflag:s15], $0x3000  }
0x69c: {  	[sflag:s15] =	ssyncset.done $0x0  }
0x69d: {  	s0 =	simm.s32 $0x1A80;
	[sflag:s15] =	ssyncadd.s32 $0xFFFFD000  }
0x69e: {  	[spmem:s2] =	stream.indirect.scatter.add.f32 [tilespmem:s10], [sflag:$0x4], $0x80, s0, s9, $0xb8;
	[tilespmem:$0x1F000] =	vst v63  }
0x69f: {  	_ =	swait.ge [sflag:s5], $0x3000  }
0x6a0: {  	[sflag:s5] =	ssyncset.done $0x0  }
0x6a1: {  	[sflag:s5] =	ssyncadd.s32 $0xFFFFD000  }
0x6a2: {  	_ =	swait.ge [sflag:s16], $0x3000  }
0x6a3: {  	[sflag:s16] =	ssyncset.done $0x0  }
0x6a4: {  	s0 =	simm.s32 $0x1B00;
	[sflag:s16] =	ssyncadd.s32 $0xFFFFD000  }
0x6a5: {  	[spmem:s2] =	stream.indirect.scatter.add.f32 [tilespmem:s12], [sflag:$0x4], $0x80, s0, s9, $0xb8;
	[tilespmem:$0x1F000] =	vst v63  }
0x6a6: {  	_ =	swait.ge [sflag:s5], $0x3000  }
0x6a7: {  	[sflag:s5] =	ssyncset.done $0x0  }
0x6a8: {  	[sflag:s5] =	ssyncadd.s32 $0xFFFFD000  }
0x6a9: {  	_ =	swait.ge [sflag:s18], $0x3000  }
0x6aa: {  	[sflag:s18] =	ssyncset.done $0x0  }
0x6ab: {  	s0 =	simm.s32 $0x1B80;
	[sflag:s18] =	ssyncadd.s32 $0xFFFFD000  }
0x6ac: {  	[spmem:s2] =	stream.indirect.scatter.add.f32 [tilespmem:s14], [sflag:$0x4], $0x80, s0, s9, $0xb8;
	[tilespmem:$0x1F000] =	vst v63  }
0x6ad: {  	_ =	swait.ge [sflag:s5], $0x3000  }
0x6ae: {  	[sflag:s5] =	ssyncset.done $0x0  }
0x6af: {  	s0 =	simm.s32 $0xC00;
	[sflag:s5] =	ssyncadd.s32 $0xFFFFD000  }
0x6b0: {  	[tilespmem:s10], [sflag:$0x1] =	stream.indirect.gather [hbm4b:s4+s9], $0x80, s0, s9, $0xb8;
	[tilespmem:$0x1F000] =	vst v63  }
0x6b1: {  	s0 =	simm.s32 $0xC80  }
0x6b2: {  	[tilespmem:s12], [sflag:$0x2] =	stream.indirect.gather [hbm4b:s4+s9], $0x80, s0, s9, $0xb8;
	[tilespmem:$0x1F000] =	vst v63  }
0x6b3: {  	s0 =	simm.s32 $0xD00  }
0x6b4: {  	[tilespmem:s14], [sflag:$0x3] =	stream.indirect.gather [hbm4b:s4+s9], $0x80, s0, s9, $0xb8;
	[tilespmem:$0x1F000] =	vst v63  }
0x6b5: {  	_ =	swait.ge [sflag:s15], $0x3000  }
0x6b6: {  	[sflag:s15] =	ssyncset.done $0x0  }
0x6b7: {  	s0 =	simm.s32 $0x1C00;
	[sflag:s15] =	ssyncadd.s32 $0xFFFFD000  }
0x6b8: {  	[spmem:s2] =	stream.indirect.scatter.add.f32 [tilespmem:s10], [sflag:$0x4], $0x80, s0, s9, $0xb8;
	[tilespmem:$0x1F000] =	vst v63  }
0x6b9: {  	_ =	swait.ge [sflag:s5], $0x3000  }
0x6ba: {  	[sflag:s5] =	ssyncset.done $0x0  }
0x6bb: {  	[sflag:s5] =	ssyncadd.s32 $0xFFFFD000  }
0x6bc: {  	_ =	swait.ge [sflag:s16], $0x3000  }
0x6bd: {  	[sflag:s16] =	ssyncset.done $0x0  }
0x6be: {  	s0 =	simm.s32 $0x1C80;
	[sflag:s16] =	ssyncadd.s32 $0xFFFFD000  }
0x6bf: {  	[spmem:s2] =	stream.indirect.scatter.add.f32 [tilespmem:s12], [sflag:$0x4], $0x80, s0, s9, $0xb8;
	[tilespmem:$0x1F000] =	vst v63  }
0x6c0: {  	_ =	swait.ge [sflag:s5], $0x3000  }
0x6c1: {  	[sflag:s5] =	ssyncset.done $0x0  }
0x6c2: {  	[sflag:s5] =	ssyncadd.s32 $0xFFFFD000  }
0x6c3: {  	_ =	swait.ge [sflag:s18], $0x3000  }
0x6c4: {  	[sflag:s18] =	ssyncset.done $0x0  }
0x6c5: {  	s0 =	simm.s32 $0x1D00;
	[sflag:s18] =	ssyncadd.s32 $0xFFFFD000  }
0x6c6: {  	[spmem:s2] =	stream.indirect.scatter.add.f32 [tilespmem:s14], [sflag:$0x4], $0x80, s0, s9, $0xb8;
	[tilespmem:$0x1F000] =	vst v63  }
0x6c7: {  	_ =	swait.ge [sflag:s5], $0x3000  }
0x6c8: {  	[sflag:s5] =	ssyncset.done $0x0  }
0x6c9: {  	s0 =	rddreg [dreg:$0xb];
	[sflag:s5] =	ssyncadd.s32 $0xFFFFD000  }
0x6ca: {  	[tilespmem:s3], [sflag:$0x4] =	stream.linear.gather [hbm4b:s0+s3], $0xD80, $0x38;
	[tilespmem:$0x1F000] =	vst v63  }
0x6cb: {  	_ =	swait.ge [sflag:s5], $0xD80  }
0x6cc: {  	[sflag:s5] =	ssyncset.done $0x0  }
0x6cd: {  	s0 =	rddreg [dreg:$0xc];
	[sflag:s5] =	ssyncadd.s32 $0xFFFFF280  }
0x6ce: {  	[tilespmem:s1], [sflag:$0x4] =	stream.linear.gather [hbm4b:s0+s3], $0xD80, $0x38;
	[tilespmem:$0x1F000] =	vst v63  }
0x6cf: {  	_ =	swait.ge [sflag:s5], $0xD80  }
0x6d0: {  	[sflag:s5] =	ssyncset.done $0x0  }
0x6d1: {  	[sflag:s5] =	ssyncadd.s32 $0xFFFFF280  }
0x6d2: {  	[tilespmem:s10], [sflag:$0x1] =	stream.indirect.gather [hbm4b:s4+s9], $0x80, s3, s9, $0xb8;
	[tilespmem:$0x1F000] =	vst v63  }
0x6d3: {  	s0 =	simm.s32 $0x80  }
0x6d4: {  	[tilespmem:s12], [sflag:$0x2] =	stream.indirect.gather [hbm4b:s4+s9], $0x80, s0, s9, $0xb8;
	[tilespmem:$0x1F000] =	vst v63  }
0x6d5: {  	s0 =	simm.s32 $0x100  }
0x6d6: {  	[tilespmem:s14], [sflag:$0x3] =	stream.indirect.gather [hbm4b:s4+s9], $0x80, s0, s9, $0xb8;
	[tilespmem:$0x1F000] =	vst v63  }
0x6d7: {  	_ =	swait.ge [sflag:s15], $0x3000  }
0x6d8: {  	[sflag:s15] =	ssyncset.done $0x0  }
0x6d9: {  	[sflag:s15] =	ssyncadd.s32 $0xFFFFD000  }
0x6da: {  	[spmem:s2] =	stream.indirect.scatter.add.f32 [tilespmem:s10], [sflag:$0x4], $0x80, s1, s9, $0xb8;
	[tilespmem:$0x1F000] =	vst v63  }
0x6db: {  	_ =	swait.ge [sflag:s5], $0x3000  }
0x6dc: {  	[sflag:s5] =	ssyncset.done $0x0  }
0x6dd: {  	[sflag:s5] =	ssyncadd.s32 $0xFFFFD000  }
0x6de: {  	_ =	swait.ge [sflag:s16], $0x3000  }
0x6df: {  	[sflag:s16] =	ssyncset.done $0x0  }
0x6e0: {  	s1 =	simm.s32 $0x1080;
	[sflag:s16] =	ssyncadd.s32 $0xFFFFD000  }
0x6e1: {  	[spmem:s2] =	stream.indirect.scatter.add.f32 [tilespmem:s12], [sflag:$0x4], $0x80, s1, s9, $0xb8;
	[tilespmem:$0x1F000] =	vst v63  }
0x6e2: {  	_ =	swait.ge [sflag:s5], $0x3000  }
0x6e3: {  	[sflag:s5] =	ssyncset.done $0x0  }
0x6e4: {  	[sflag:s5] =	ssyncadd.s32 $0xFFFFD000  }
0x6e5: {  	_ =	swait.ge [sflag:s18], $0x3000  }
0x6e6: {  	[sflag:s18] =	ssyncset.done $0x0  }
0x6e7: {  	s1 =	simm.s32 $0x1100;
	[sflag:s18] =	ssyncadd.s32 $0xFFFFD000  }
0x6e8: {  	[spmem:s2] =	stream.indirect.scatter.add.f32 [tilespmem:s14], [sflag:$0x4], $0x80, s1, s9, $0xb8;
	[tilespmem:$0x1F000] =	vst v63  }
0x6e9: {  	_ =	swait.ge [sflag:s5], $0x3000  }
0x6ea: {  	[sflag:s5] =	ssyncset.done $0x0  }
0x6eb: {  	s1 =	simm.s32 $0x180;
	[sflag:s5] =	ssyncadd.s32 $0xFFFFD000  }
0x6ec: {  	[tilespmem:s10], [sflag:$0x1] =	stream.indirect.gather [hbm4b:s4+s9], $0x80, s1, s9, $0xb8;
	[tilespmem:$0x1F000] =	vst v63  }
0x6ed: {  	s1 =	simm.s32 $0x200  }
0x6ee: {  	[tilespmem:s12], [sflag:$0x2] =	stream.indirect.gather [hbm4b:s4+s9], $0x80, s1, s9, $0xb8;
	[tilespmem:$0x1F000] =	vst v63  }
0x6ef: {  	s1 =	simm.s32 $0x280  }
0x6f0: {  	[tilespmem:s14], [sflag:$0x3] =	stream.indirect.gather [hbm4b:s4+s9], $0x80, s1, s9, $0xb8;
	[tilespmem:$0x1F000] =	vst v63  }
0x6f1: {  	_ =	swait.ge [sflag:s15], $0x3000  }
0x6f2: {  	[sflag:s15] =	ssyncset.done $0x0  }
0x6f3: {  	s1 =	simm.s32 $0x1180;
	[sflag:s15] =	ssyncadd.s32 $0xFFFFD000  }
0x6f4: {  	[spmem:s2] =	stream.indirect.scatter.add.f32 [tilespmem:s10], [sflag:$0x4], $0x80, s1, s9, $0xb8;
	[tilespmem:$0x1F000] =	vst v63  }
0x6f5: {  	_ =	swait.ge [sflag:s5], $0x3000  }
0x6f6: {  	[sflag:s5] =	ssyncset.done $0x0  }
0x6f7: {  	[sflag:s5] =	ssyncadd.s32 $0xFFFFD000  }
0x6f8: {  	_ =	swait.ge [sflag:s16], $0x3000  }
0x6f9: {  	[sflag:s16] =	ssyncset.done $0x0  }
0x6fa: {  	s1 =	simm.s32 $0x1200;
	[sflag:s16] =	ssyncadd.s32 $0xFFFFD000  }
0x6fb: {  	[spmem:s2] =	stream.indirect.scatter.add.f32 [tilespmem:s12], [sflag:$0x4], $0x80, s1, s9, $0xb8;
	[tilespmem:$0x1F000] =	vst v63  }
0x6fc: {  	_ =	swait.ge [sflag:s5], $0x3000  }
0x6fd: {  	[sflag:s5] =	ssyncset.done $0x0  }
0x6fe: {  	[sflag:s5] =	ssyncadd.s32 $0xFFFFD000  }
0x6ff: {  	_ =	swait.ge [sflag:s18], $0x3000  }
0x700: {  	[sflag:s18] =	ssyncset.done $0x0  }
0x701: {  	s1 =	simm.s32 $0x1280;
	[sflag:s18] =	ssyncadd.s32 $0xFFFFD000  }
0x702: {  	[spmem:s2] =	stream.indirect.scatter.add.f32 [tilespmem:s14], [sflag:$0x4], $0x80, s1, s9, $0xb8;
	[tilespmem:$0x1F000] =	vst v63  }
0x703: {  	_ =	swait.ge [sflag:s5], $0x3000  }
0x704: {  	[sflag:s5] =	ssyncset.done $0x0  }
0x705: {  	s1 =	simm.s32 $0x300;
	[sflag:s5] =	ssyncadd.s32 $0xFFFFD000  }
0x706: {  	[tilespmem:s10], [sflag:$0x1] =	stream.indirect.gather [hbm4b:s4+s9], $0x80, s1, s9, $0xb8;
	[tilespmem:$0x1F000] =	vst v63  }
0x707: {  	s1 =	simm.s32 $0x380  }
0x708: {  	[tilespmem:s12], [sflag:$0x2] =	stream.indirect.gather [hbm4b:s4+s9], $0x80, s1, s9, $0xb8;
	[tilespmem:$0x1F000] =	vst v63  }
0x709: {  	s1 =	simm.s32 $0x400  }
0x70a: {  	[tilespmem:s14], [sflag:$0x3] =	stream.indirect.gather [hbm4b:s4+s9], $0x80, s1, s9, $0xb8;
	[tilespmem:$0x1F000] =	vst v63  }
0x70b: {  	_ =	swait.ge [sflag:s15], $0x3000  }
0x70c: {  	[sflag:s15] =	ssyncset.done $0x0  }
0x70d: {  	s1 =	simm.s32 $0x1300;
	[sflag:s15] =	ssyncadd.s32 $0xFFFFD000  }
0x70e: {  	[spmem:s2] =	stream.indirect.scatter.add.f32 [tilespmem:s10], [sflag:$0x4], $0x80, s1, s9, $0xb8;
	[tilespmem:$0x1F000] =	vst v63  }
0x70f: {  	_ =	swait.ge [sflag:s5], $0x3000  }
0x710: {  	[sflag:s5] =	ssyncset.done $0x0  }
0x711: {  	[sflag:s5] =	ssyncadd.s32 $0xFFFFD000  }
0x712: {  	_ =	swait.ge [sflag:s16], $0x3000  }
0x713: {  	[sflag:s16] =	ssyncset.done $0x0  }
0x714: {  	s1 =	simm.s32 $0x1380;
	[sflag:s16] =	ssyncadd.s32 $0xFFFFD000  }
0x715: {  	[spmem:s2] =	stream.indirect.scatter.add.f32 [tilespmem:s12], [sflag:$0x4], $0x80, s1, s9, $0xb8;
	[tilespmem:$0x1F000] =	vst v63  }
0x716: {  	_ =	swait.ge [sflag:s5], $0x3000  }
0x717: {  	[sflag:s5] =	ssyncset.done $0x0  }
0x718: {  	[sflag:s5] =	ssyncadd.s32 $0xFFFFD000  }
0x719: {  	_ =	swait.ge [sflag:s18], $0x3000  }
0x71a: {  	[sflag:s18] =	ssyncset.done $0x0  }
0x71b: {  	s1 =	simm.s32 $0x1400;
	[sflag:s18] =	ssyncadd.s32 $0xFFFFD000  }
0x71c: {  	[spmem:s2] =	stream.indirect.scatter.add.f32 [tilespmem:s14], [sflag:$0x4], $0x80, s1, s9, $0xb8;
	[tilespmem:$0x1F000] =	vst v63  }
0x71d: {  	_ =	swait.ge [sflag:s5], $0x3000  }
0x71e: {  	[sflag:s5] =	ssyncset.done $0x0  }
0x71f: {  	s1 =	simm.s32 $0x480;
	[sflag:s5] =	ssyncadd.s32 $0xFFFFD000  }
0x720: {  	[tilespmem:s10], [sflag:$0x1] =	stream.indirect.gather [hbm4b:s4+s9], $0x80, s1, s9, $0xb8;
	[tilespmem:$0x1F000] =	vst v63  }
0x721: {  	s6 =	simm.s32 $0x500  }
0x722: {  	[tilespmem:s12], [sflag:$0x2] =	stream.indirect.gather [hbm4b:s4+s9], $0x80, s6, s9, $0xb8;
	[tilespmem:$0x1F000] =	vst v63  }
0x723: {  	s7 =	simm.s32 $0x580  }
0x724: {  	[tilespmem:s14], [sflag:$0x3] =	stream.indirect.gather [hbm4b:s4+s9], $0x80, s7, s9, $0xb8;
	[tilespmem:$0x1F000] =	vst v63  }
0x725: {  	_ =	swait.ge [sflag:s15], $0x3000  }
0x726: {  	[sflag:s15] =	ssyncset.done $0x0  }
0x727: {  	s8 =	simm.s32 $0x1480;
	[sflag:s15] =	ssyncadd.s32 $0xFFFFD000  }
0x728: {  	[spmem:s2] =	stream.indirect.scatter.add.f32 [tilespmem:s10], [sflag:$0x4], $0x80, s8, s9, $0xb8;
	[tilespmem:$0x1F000] =	vst v63  }
0x729: {  	_ =	swait.ge [sflag:s5], $0x3000  }
0x72a: {  	[sflag:s5] =	ssyncset.done $0x0  }
0x72b: {  	[sflag:s5] =	ssyncadd.s32 $0xFFFFD000  }
0x72c: {  	_ =	swait.ge [sflag:s16], $0x3000  }
0x72d: {  	[sflag:s16] =	ssyncset.done $0x0  }
0x72e: {  	s11 =	simm.s32 $0x1500;
	[sflag:s16] =	ssyncadd.s32 $0xFFFFD000  }
0x72f: {  	[spmem:s2] =	stream.indirect.scatter.add.f32 [tilespmem:s12], [sflag:$0x4], $0x80, s11, s9, $0xb8;
	[tilespmem:$0x1F000] =	vst v63  }
0x730: {  	_ =	swait.ge [sflag:s5], $0x3000  }
0x731: {  	[sflag:s5] =	ssyncset.done $0x0  }
0x732: {  	[sflag:s5] =	ssyncadd.s32 $0xFFFFD000  }
0x733: {  	_ =	swait.ge [sflag:s18], $0x3000  }
0x734: {  	[sflag:s18] =	ssyncset.done $0x0  }
0x735: {  	s13 =	simm.s32 $0x1580;
	[sflag:s18] =	ssyncadd.s32 $0xFFFFD000  }
0x736: {  	[spmem:s2] =	stream.indirect.scatter.add.f32 [tilespmem:s14], [sflag:$0x4], $0x80, s13, s9, $0xb8;
	[tilespmem:$0x1F000] =	vst v63  }
0x737: {  	_ =	swait.ge [sflag:s5], $0x3000  }
0x738: {  	[sflag:s5] =	ssyncset.done $0x0  }
0x739: {  	s17 =	simm.s32 $0x600;
	[sflag:s5] =	ssyncadd.s32 $0xFFFFD000  }
0x73a: {  	[tilespmem:s10], [sflag:$0x1] =	stream.indirect.gather [hbm4b:s4+s9], $0x80, s17, s9, $0xb8;
	[tilespmem:$0x1F000] =	vst v63  }
0x73b: {  	s19 =	simm.s32 $0x680  }
0x73c: {  	[tilespmem:s12], [sflag:$0x2] =	stream.indirect.gather [hbm4b:s4+s9], $0x80, s19, s9, $0xb8;
	[tilespmem:$0x1F000] =	vst v63  }
0x73d: {  	s20 =	simm.s32 $0x700  }
0x73e: {  	[tilespmem:s14], [sflag:$0x3] =	stream.indirect.gather [hbm4b:s4+s9], $0x80, s20, s9, $0xb8;
	[tilespmem:$0x1F000] =	vst v63  }
0x73f: {  	_ =	swait.ge [sflag:s15], $0x3000  }
0x740: {  	[sflag:s15] =	ssyncset.done $0x0  }
0x741: {  	s21 =	simm.s32 $0x1600;
	[sflag:s15] =	ssyncadd.s32 $0xFFFFD000  }
0x742: {  	[spmem:s2] =	stream.indirect.scatter.add.f32 [tilespmem:s10], [sflag:$0x4], $0x80, s21, s9, $0xb8;
	[tilespmem:$0x1F000] =	vst v63  }
0x743: {  	_ =	swait.ge [sflag:s5], $0x3000  }
0x744: {  	[sflag:s5] =	ssyncset.done $0x0  }
0x745: {  	[sflag:s5] =	ssyncadd.s32 $0xFFFFD000  }
0x746: {  	_ =	swait.ge [sflag:s16], $0x3000  }
0x747: {  	[sflag:s16] =	ssyncset.done $0x0  }
0x748: {  	s22 =	simm.s32 $0x1680;
	[sflag:s16] =	ssyncadd.s32 $0xFFFFD000  }
0x749: {  	[spmem:s2] =	stream.indirect.scatter.add.f32 [tilespmem:s12], [sflag:$0x4], $0x80, s22, s9, $0xb8;
	[tilespmem:$0x1F000] =	vst v63  }
0x74a: {  	_ =	swait.ge [sflag:s5], $0x3000  }
0x74b: {  	[sflag:s5] =	ssyncset.done $0x0  }
0x74c: {  	[sflag:s5] =	ssyncadd.s32 $0xFFFFD000  }
0x74d: {  	_ =	swait.ge [sflag:s18], $0x3000  }
0x74e: {  	[sflag:s18] =	ssyncset.done $0x0  }
0x74f: {  	s23 =	simm.s32 $0x1700;
	[sflag:s18] =	ssyncadd.s32 $0xFFFFD000  }
0x750: {  	[spmem:s2] =	stream.indirect.scatter.add.f32 [tilespmem:s14], [sflag:$0x4], $0x80, s23, s9, $0xb8;
	[tilespmem:$0x1F000] =	vst v63  }
0x751: {  	_ =	swait.ge [sflag:s5], $0x3000  }
0x752: {  	[sflag:s5] =	ssyncset.done $0x0  }
0x753: {  	s24 =	simm.s32 $0x780;
	[sflag:s5] =	ssyncadd.s32 $0xFFFFD000  }
0x754: {  	[tilespmem:s10], [sflag:$0x1] =	stream.indirect.gather [hbm4b:s4+s9], $0x80, s24, s9, $0xb8;
	[tilespmem:$0x1F000] =	vst v63  }
0x755: {  	s25 =	simm.s32 $0x800  }
0x756: {  	[tilespmem:s12], [sflag:$0x2] =	stream.indirect.gather [hbm4b:s4+s9], $0x80, s25, s9, $0xb8;
	[tilespmem:$0x1F000] =	vst v63  }
0x757: {  	s26 =	simm.s32 $0x880  }
0x758: {  	[tilespmem:s14], [sflag:$0x3] =	stream.indirect.gather [hbm4b:s4+s9], $0x80, s26, s9, $0xb8;
	[tilespmem:$0x1F000] =	vst v63  }
0x759: {  	_ =	swait.ge [sflag:s15], $0x3000  }
0x75a: {  	[sflag:s15] =	ssyncset.done $0x0  }
0x75b: {  	s28 =	simm.s32 $0x1780;
	[sflag:s15] =	ssyncadd.s32 $0xFFFFD000  }
0x75c: {  	[spmem:s2] =	stream.indirect.scatter.add.f32 [tilespmem:s10], [sflag:$0x4], $0x80, s28, s9, $0xb8;
	[tilespmem:$0x1F000] =	vst v63  }
0x75d: {  	_ =	swait.ge [sflag:s5], $0x3000  }
0x75e: {  	[sflag:s5] =	ssyncset.done $0x0  }
0x75f: {  	[sflag:s5] =	ssyncadd.s32 $0xFFFFD000  }
0x760: {  	_ =	swait.ge [sflag:s16], $0x3000  }
0x761: {  	[sflag:s16] =	ssyncset.done $0x0  }
0x762: {  	s29 =	simm.s32 $0x1800;
	[sflag:s16] =	ssyncadd.s32 $0xFFFFD000  }
0x763: {  	[spmem:s2] =	stream.indirect.scatter.add.f32 [tilespmem:s12], [sflag:$0x4], $0x80, s29, s9, $0xb8;
	[tilespmem:$0x1F000] =	vst v63  }
0x764: {  	_ =	swait.ge [sflag:s5], $0x3000  }
0x765: {  	[sflag:s5] =	ssyncset.done $0x0  }
0x766: {  	[sflag:s5] =	ssyncadd.s32 $0xFFFFD000  }
0x767: {  	_ =	swait.ge [sflag:s18], $0x3000  }
0x768: {  	[sflag:s18] =	ssyncset.done $0x0  }
0x769: {  	s30 =	simm.s32 $0x1880;
	[sflag:s18] =	ssyncadd.s32 $0xFFFFD000  }
0x76a: {  	[spmem:s2] =	stream.indirect.scatter.add.f32 [tilespmem:s14], [sflag:$0x4], $0x80, s30, s9, $0xb8;
	[tilespmem:$0x1F000] =	vst v63  }
0x76b: {  	_ =	swait.ge [sflag:s5], $0x3000  }
0x76c: {  	[sflag:s5] =	ssyncset.done $0x0  }
0x76d: {  	s28 =	simm.s32 $0x900;
	[sflag:s5] =	ssyncadd.s32 $0xFFFFD000  }
0x76e: {  	[tilespmem:s10], [sflag:$0x1] =	stream.indirect.gather [hbm4b:s4+s9], $0x80, s28, s9, $0xb8;
	[tilespmem:$0x1F000] =	vst v63  }
0x76f: {  	s29 =	simm.s32 $0x980  }
0x770: {  	[tilespmem:s12], [sflag:$0x2] =	stream.indirect.gather [hbm4b:s4+s9], $0x80, s29, s9, $0xb8;
	[tilespmem:$0x1F000] =	vst v63  }
0x771: {  	s30 =	simm.s32 $0xA00  }
0x772: {  	[tilespmem:s14], [sflag:$0x3] =	stream.indirect.gather [hbm4b:s4+s9], $0x80, s30, s9, $0xb8;
	[tilespmem:$0x1F000] =	vst v63  }
0x773: {  	_ =	swait.ge [sflag:s15], $0x3000  }
0x774: {  	[sflag:s15] =	ssyncset.done $0x0  }
0x775: {  	s1 =	simm.s32 $0x1900;
	[sflag:s15] =	ssyncadd.s32 $0xFFFFD000  }
0x776: {  	[spmem:s2] =	stream.indirect.scatter.add.f32 [tilespmem:s10], [sflag:$0x4], $0x80, s1, s9, $0xb8;
	[tilespmem:$0x1F000] =	vst v63  }
0x777: {  	_ =	swait.ge [sflag:s5], $0x3000  }
0x778: {  	[sflag:s5] =	ssyncset.done $0x0  }
0x779: {  	[sflag:s5] =	ssyncadd.s32 $0xFFFFD000  }
0x77a: {  	_ =	swait.ge [sflag:s16], $0x3000  }
0x77b: {  	[sflag:s16] =	ssyncset.done $0x0  }
0x77c: {  	s6 =	simm.s32 $0x1980;
	[sflag:s16] =	ssyncadd.s32 $0xFFFFD000  }
0x77d: {  	[spmem:s2] =	stream.indirect.scatter.add.f32 [tilespmem:s12], [sflag:$0x4], $0x80, s6, s9, $0xb8;
	[tilespmem:$0x1F000] =	vst v63  }
0x77e: {  	_ =	swait.ge [sflag:s5], $0x3000  }
0x77f: {  	[sflag:s5] =	ssyncset.done $0x0  }
0x780: {  	[sflag:s5] =	ssyncadd.s32 $0xFFFFD000  }
0x781: {  	_ =	swait.ge [sflag:s18], $0x3000  }
0x782: {  	[sflag:s18] =	ssyncset.done $0x0  }
0x783: {  	s7 =	simm.s32 $0x1A00;
	[sflag:s18] =	ssyncadd.s32 $0xFFFFD000  }
0x784: {  	[spmem:s2] =	stream.indirect.scatter.add.f32 [tilespmem:s14], [sflag:$0x4], $0x80, s7, s9, $0xb8;
	[tilespmem:$0x1F000] =	vst v63  }
0x785: {  	_ =	swait.ge [sflag:s5], $0x3000  }
0x786: {  	[sflag:s5] =	ssyncset.done $0x0  }
0x787: {  	s8 =	simm.s32 $0xA80;
	[sflag:s5] =	ssyncadd.s32 $0xFFFFD000  }
0x788: {  	[tilespmem:s10], [sflag:$0x1] =	stream.indirect.gather [hbm4b:s4+s9], $0x80, s8, s9, $0xb8;
	[tilespmem:$0x1F000] =	vst v63  }
0x789: {  	s11 =	simm.s32 $0xB00  }
0x78a: {  	[tilespmem:s12], [sflag:$0x2] =	stream.indirect.gather [hbm4b:s4+s9], $0x80, s11, s9, $0xb8;
	[tilespmem:$0x1F000] =	vst v63  }
0x78b: {  	s13 =	simm.s32 $0xB80  }
0x78c: {  	[tilespmem:s14], [sflag:$0x3] =	stream.indirect.gather [hbm4b:s4+s9], $0x80, s13, s9, $0xb8;
	[tilespmem:$0x1F000] =	vst v63  }
0x78d: {  	_ =	swait.ge [sflag:s15], $0x3000  }
0x78e: {  	[sflag:s15] =	ssyncset.done $0x0  }
0x78f: {  	s17 =	simm.s32 $0x1A80;
	[sflag:s15] =	ssyncadd.s32 $0xFFFFD000  }
0x790: {  	[spmem:s2] =	stream.indirect.scatter.add.f32 [tilespmem:s10], [sflag:$0x4], $0x80, s17, s9, $0xb8;
	[tilespmem:$0x1F000] =	vst v63  }
0x791: {  	_ =	swait.ge [sflag:s5], $0x3000  }
0x792: {  	[sflag:s5] =	ssyncset.done $0x0  }
0x793: {  	[sflag:s5] =	ssyncadd.s32 $0xFFFFD000  }
0x794: {  	_ =	swait.ge [sflag:s16], $0x3000  }
0x795: {  	[sflag:s16] =	ssyncset.done $0x0  }
0x796: {  	s19 =	simm.s32 $0x1B00;
	[sflag:s16] =	ssyncadd.s32 $0xFFFFD000  }
0x797: {  	[spmem:s2] =	stream.indirect.scatter.add.f32 [tilespmem:s12], [sflag:$0x4], $0x80, s19, s9, $0xb8;
	[tilespmem:$0x1F000] =	vst v63  }
0x798: {  	_ =	swait.ge [sflag:s5], $0x3000  }
0x799: {  	[sflag:s5] =	ssyncset.done $0x0  }
0x79a: {  	[sflag:s5] =	ssyncadd.s32 $0xFFFFD000  }
0x79b: {  	_ =	swait.ge [sflag:s18], $0x3000  }
0x79c: {  	[sflag:s18] =	ssyncset.done $0x0  }
0x79d: {  	s20 =	simm.s32 $0x1B80;
	[sflag:s18] =	ssyncadd.s32 $0xFFFFD000  }
0x79e: {  	[spmem:s2] =	stream.indirect.scatter.add.f32 [tilespmem:s14], [sflag:$0x4], $0x80, s20, s9, $0xb8;
	[tilespmem:$0x1F000] =	vst v63  }
0x79f: {  	_ =	swait.ge [sflag:s5], $0x3000  }
0x7a0: {  	[sflag:s5] =	ssyncset.done $0x0  }
0x7a1: {  	s21 =	simm.s32 $0xC00;
	[sflag:s5] =	ssyncadd.s32 $0xFFFFD000  }
0x7a2: {  	[tilespmem:s10], [sflag:$0x1] =	stream.indirect.gather [hbm4b:s4+s9], $0x80, s21, s9, $0xb8;
	[tilespmem:$0x1F000] =	vst v63  }
0x7a3: {  	s22 =	simm.s32 $0xC80  }
0x7a4: {  	[tilespmem:s12], [sflag:$0x2] =	stream.indirect.gather [hbm4b:s4+s9], $0x80, s22, s9, $0xb8;
	[tilespmem:$0x1F000] =	vst v63  }
0x7a5: {  	s23 =	simm.s32 $0xD00  }
0x7a6: {  	[tilespmem:s14], [sflag:$0x3] =	stream.indirect.gather [hbm4b:s4+s9], $0x80, s23, s9, $0xb8;
	[tilespmem:$0x1F000] =	vst v63  }
0x7a7: {  	_ =	swait.ge [sflag:s15], $0x3000  }
0x7a8: {  	[sflag:s15] =	ssyncset.done $0x0  }
0x7a9: {  	s24 =	simm.s32 $0x1C00;
	[sflag:s15] =	ssyncadd.s32 $0xFFFFD000  }
0x7aa: {  	[spmem:s2] =	stream.indirect.scatter.add.f32 [tilespmem:s10], [sflag:$0x4], $0x80, s24, s9, $0xb8;
	[tilespmem:$0x1F000] =	vst v63  }
0x7ab: {  	_ =	swait.ge [sflag:s5], $0x3000  }
0x7ac: {  	[sflag:s5] =	ssyncset.done $0x0  }
0x7ad: {  	[sflag:s5] =	ssyncadd.s32 $0xFFFFD000  }
0x7ae: {  	_ =	swait.ge [sflag:s16], $0x3000  }
0x7af: {  	[sflag:s16] =	ssyncset.done $0x0  }
0x7b0: {  	s25 =	simm.s32 $0x1C80;
	[sflag:s16] =	ssyncadd.s32 $0xFFFFD000  }
0x7b1: {  	[spmem:s2] =	stream.indirect.scatter.add.f32 [tilespmem:s12], [sflag:$0x4], $0x80, s25, s9, $0xb8;
	[tilespmem:$0x1F000] =	vst v63  }
0x7b2: {  	_ =	swait.ge [sflag:s5], $0x3000  }
0x7b3: {  	[sflag:s5] =	ssyncset.done $0x0  }
0x7b4: {  	[sflag:s5] =	ssyncadd.s32 $0xFFFFD000  }
0x7b5: {  	_ =	swait.ge [sflag:s18], $0x3000  }
0x7b6: {  	[sflag:s18] =	ssyncset.done $0x0  }
0x7b7: {  	s26 =	simm.s32 $0x1D00;
	[sflag:s18] =	ssyncadd.s32 $0xFFFFD000  }
0x7b8: {  	[spmem:s2] =	stream.indirect.scatter.add.f32 [tilespmem:s14], [sflag:$0x4], $0x80, s26, s9, $0xb8;
	[tilespmem:$0x1F000] =	vst v63  }
0x7b9: {  	_ =	swait.ge [sflag:s5], $0x3000  }
0x7ba: {  	[sflag:s5] =	ssyncset.done $0x0  }
0x7bb: {  	[sflag:s5] =	ssyncadd.s32 $0xFFFFD000  }
0x7bc: {  	p0 =	sne.s32 s31, $0x1;
	[bflag:$0x0] =	sbarrier.arrive $0xFFFF  }
.Ltmp1:
0x7bd: {  	s28 =	rddreg [dreg:$0xd];
	(pc) =	sbr.rel @p0 .LBB2_1-.Ltmp1, $4  }
0x7be: {  	s29 =	rddreg [dreg:$0xf]  }
0x7bf: {  	s30 =	rddreg [dreg:$0xe]  }
0x7c0: {  	[hbm:s28], [sflag:s30] =	dma.local [spmem:s29], $0x2800  }
0x7c1: {  	s31 =	sadd.s32 $0xFFFFFFFF, s31;
	_ =	swait.ge [sflag:s5], $0x2800  }
.LBB2_2:
0x7c2: {  	[sflag:s5] =	ssyncset.done $0x0  }
0x7c3: {  	[sflag:s5] =	ssyncadd.s32 $0xFFFFD800  }
0x7c4: {  	_ =	sfence.sel $0x180000  }
0x7c5: {  	[bflag:$0x0] =	sbarrier.arrive $0xFFFF  }
0x7c6: {  	_ =	strace $0x9000004A  }
0x7c7: {  	s0 =	stileid.u32;
	[bflag:$0x2] =	sbarrier.arrive $0xFFFF  }
0x7c8: {  	p0 =	sne.s32 s0, $0x0;
	s0 =	rddreg [dreg:$0x3]  }
0x7c9: {  	s0 =	sadd.s32 @!p0 $0x100000, s0  }
0x7ca: {  	[sflag:s0] =	ssyncadd.tile.s32 @!p0 $0x1;
	_ =	shalt  }
.Lfunc_end2:
_tile_overlayer_lowered:
.L_overlay_start_2:
0x7cb: {  	(tag) =	ssettag $0x2  }
0x7cc: {  	s0 =	rddreg [dreg:$0x0];
	s2 =	stileid.u32  }
0x7cd: {  	s1 =	rddreg [dreg:$0x1];
	p0 =	sne.s32 s2, $0x0  }
0x7ce: {  	s3 =	rddreg [dreg:$0x2];
	[bflag:$0x3] =	sbarrier.arrive $0xFFFF;
	s2 =	simm.s32 @!p0 $0x1C04  }
0x7cf: {  	[timem:s3], [sflag:s2] =	dma.local @!p0 [hbm:s0], s1  }
0x7d0: {  	s0 =	simm.s32 @!p0 $0x4  }
0x7d1: {  	_ =	swait.ge @!p0 [sflag:s0], s1  }
0x7d2: {  	s1 =	ssub.s32 @!p0 $0x0, s1;
	[sflag:s0] =	ssyncset.done @!p0 $0x0  }
0x7d3: {  	[sflag:s0] =	ssyncadd.s32 @!p0 s1  }
0x7d4: {  	[bflag:$0x3] =	sbarrier.arrive $0xFFFF  }
0x7d5: {  	_ =	shalt  }

</sc_bundles>
